<compile_context>
chip_gen: v7x
topology: tpu7x:2x2x1
jax: 0.10.2.dev20260603
libtpu: 0.0.44.dev20260713+nightly
codegen_flags: <defaults>
</compile_context>

<pallas_src>
import functools

import jax
import jax.numpy as jnp
from jax import lax
from jax.experimental import pallas as pl
from jax.experimental.pallas import tpu as pltpu
from jax.experimental.pallas import tpu_sc as plsc

N = 10000
E = 320000
F = 128
D8 = 128
NC = 2
NS = 16
NPAD = 10240
NW = NC * NS
EPW = E // NW
K = 80
CH = EPW // K
NBLK = 5
BCH = CH // NBLK
RPS = NPAD // NS
RZ = 32
UCH = 5
NEG_SLOPE = 0.01
T_GATE = 0.48
ROWS_BLK = 1000


def _row_norm(x):
    return jnp.maximum(jnp.sqrt(jnp.sum(x * x, axis=-1, keepdims=True)), 1e-15)


def _tc_front_body(x_ref, wt_ref, u_ref):
    xb = x_ref[...]
    nrm = _row_norm(xb)
    v = jnp.clip(nrm, -1.0 + 1e-5, 1.0 - 1e-5)
    at = 0.5 * jnp.log((1.0 + v) / (1.0 - v))
    h = xb / nrm * at
    u = jnp.dot(h, wt_ref[...], preferred_element_type=jnp.float32)
    u_ref[...] = jnp.where(u >= 0, u, NEG_SLOPE * u)


def _tc_front(x, wt):
    grid = (N // ROWS_BLK,)
    return pl.pallas_call(
        _tc_front_body,
        grid=grid,
        in_specs=[
            pl.BlockSpec((ROWS_BLK, F), lambda i: (i, 0)),
            pl.BlockSpec((F, F), lambda i: (0, 0)),
        ],
        out_specs=pl.BlockSpec((ROWS_BLK, F), lambda i: (i, 0)),
        out_shape=jax.ShapeDtypeStruct((N, F), jnp.float32),
    )(x, wt)


def _sel_from(r):
    a = jnp.maximum(r[:, 0:1], 0.0)
    b = jnp.maximum(r[:, 1:2], 0.0)
    m = jnp.maximum(a, b)
    ea = jnp.exp(a - m)
    eb = jnp.exp(b - m)
    rp1 = eb / (ea + eb)
    return (rp1 > T_GATE).astype(jnp.float32)


def _tc_sel_body(ra_ref, u_ref, wl_ref, sb_ref):
    sn = ra_ref[0] + ra_ref[1]
    r = jnp.dot(sn, wl_ref[...], preferred_element_type=jnp.float32)
    sb_ref[...] = _sel_from(r) * u_ref[...]


def _tc_sel(ra, u, wl):
    grid = (N // ROWS_BLK,)
    return pl.pallas_call(
        _tc_sel_body,
        grid=grid,
        in_specs=[
            pl.BlockSpec((2, ROWS_BLK, F), lambda i: (0, i, 0)),
            pl.BlockSpec((ROWS_BLK, F), lambda i: (i, 0)),
            pl.BlockSpec((F, 8), lambda i: (0, 0)),
        ],
        out_specs=pl.BlockSpec((ROWS_BLK, F), lambda i: (i, 0)),
        out_shape=jax.ShapeDtypeStruct((N, F), jnp.float32),
    )(ra, u, wl)


def _tc_gate_body(ra_ref, pb_ref, u_ref, wl_ref, wy_ref, m_ref):
    sn = ra_ref[0] + ra_ref[1]
    ss = pb_ref[0] + pb_ref[1]
    r = jnp.dot(sn, wl_ref[...], preferred_element_type=jnp.float32)
    sel = _sel_from(r)
    cc = jnp.concatenate([ss, sn], axis=-1)
    z = jnp.dot(cc, wy_ref[...], preferred_element_type=jnp.float32)[:, 0:1]
    w = jnp.where(z >= 0, 1.0 / (1.0 + jnp.exp(-z)),
                  jnp.exp(z) / (1.0 + jnp.exp(z)))
    m_ref[...] = (sel * w) * u_ref[...]


def _tc_gate(ra, pb, u, wl, wy):
    grid = (N // ROWS_BLK,)
    return pl.pallas_call(
        _tc_gate_body,
        grid=grid,
        in_specs=[
            pl.BlockSpec((2, ROWS_BLK, F), lambda i: (0, i, 0)),
            pl.BlockSpec((2, ROWS_BLK, F), lambda i: (0, i, 0)),
            pl.BlockSpec((ROWS_BLK, F), lambda i: (i, 0)),
            pl.BlockSpec((F, 8), lambda i: (0, 0)),
            pl.BlockSpec((2 * F, 8), lambda i: (0, 0)),
        ],
        out_specs=pl.BlockSpec((ROWS_BLK, F), lambda i: (i, 0)),
        out_shape=jax.ShapeDtypeStruct((N, F), jnp.float32),
    )(ra, pb, u, wl, wy)


def _tc_out_body(u_ref, ax_ref, y_ref):
    u = u_ref[...]
    out = u + jnp.maximum(ax_ref[0] + ax_ref[1], 0.0)
    nrm = _row_norm(out)
    y = jnp.tanh(nrm) * out / nrm
    ny = _row_norm(y)
    maxn = 1.0 - 4e-3
    y_ref[...] = jnp.where(ny > maxn, y / ny * maxn, y)


def _tc_out(u, ax):
    grid = (N // ROWS_BLK,)
    return pl.pallas_call(
        _tc_out_body,
        grid=grid,
        in_specs=[
            pl.BlockSpec((ROWS_BLK, F), lambda i: (i, 0)),
            pl.BlockSpec((2, ROWS_BLK, F), lambda i: (0, i, 0)),
        ],
        out_specs=pl.BlockSpec((ROWS_BLK, F), lambda i: (i, 0)),
        out_shape=jax.ShapeDtypeStruct((N, F), jnp.float32),
    )(u, ax)


def _segsum128_body(src_hbm, dst_hbm, tbl_hbm, out_hbm, sidx, didx, rows0,
                    rows1, rows2, zbuf, acc, gs0, gs1, gs2, ss0, ss1, ss2):
    c = lax.axis_index("c")
    s = lax.axis_index("s")
    wid = c * NS + s

    lanes_per_row = F // 16

    def zfill(i, carry):
        rr = i // lanes_per_row
        cc = (i % lanes_per_row) * 16
        zbuf[rr, pl.ds(cc, 16)] = jnp.zeros((16,), jnp.float32)
        return carry

    lax.fori_loop(0, RZ * lanes_per_row, zfill, 0)

    r0 = s * RPS

    def zcopy(j, carry):
        pltpu.sync_copy(zbuf, acc.at[pl.ds(r0 + j * RZ, RZ)])
        return carry

    lax.fori_loop(0, RPS // RZ, zcopy, 0)
    plsc.subcore_barrier()

    bufs = (rows0, rows1, rows2)
    gsems = (gs0, gs1, gs2)
    ssems = (ss0, ss1, ss2)
    RB = 3

    def block(tb, carry):
        pltpu.sync_copy(src_hbm.at[wid, tb], sidx)
        pltpu.sync_copy(dst_hbm.at[wid, tb], didx)

        def gfire(g0, b):
            return pltpu.async_copy(
                tbl_hbm.at[sidx.at[g0 + b]], bufs[b % RB], gsems[b % RB])

        def sfire(g0, b):
            return pltpu.async_copy(
                bufs[b % RB], acc.at[didx.at[g0 + b]],
                ssems[b % RB], add=True)

        def outer(t, carry2):
            g0 = t * UCH
            gd = [None] * UCH
            sd = [None] * UCH
            gd[0] = gfire(g0, 0)
            gd[1] = gfire(g0, 1)
            for b in range(UCH):
                if b + 2 < UCH:
                    if b + 2 - RB >= 0:
                        sd[b + 2 - RB].wait()
                    gd[b + 2] = gfire(g0, b + 2)
                gd[b].wait()
                sd[b] = sfire(g0, b)
            sd[UCH - 2].wait()
            sd[UCH - 1].wait()
            return carry2

        lax.fori_loop(0, BCH // UCH, outer, 0)
        return carry

    lax.fori_loop(0, NBLK, block, 0)
    plsc.subcore_barrier()

    def drain(j, carry):
        rr = r0 + j * RZ
        pltpu.sync_copy(acc.at[pl.ds(rr, RZ)], zbuf)
        pltpu.sync_copy(zbuf, out_hbm.at[c, pl.ds(rr, RZ)])
        return carry

    lax.fori_loop(0, RPS // RZ, drain, 0)


def _sc_mesh():
    return plsc.VectorSubcoreMesh(
        core_axis_name="c", subcore_axis_name="s", num_cores=NC,
        num_subcores=NS)


@functools.lru_cache(maxsize=None)
def _get_segsum128():
    return pl.kernel(
        _segsum128_body,
        out_type=jax.ShapeDtypeStruct((NC, NPAD, F), jnp.float32),
        mesh=_sc_mesh(),
        scratch_types=[
            pltpu.VMEM((BCH, K), jnp.int32),
            pltpu.VMEM((BCH, K), jnp.int32),
            pltpu.VMEM((K, F), jnp.float32),
            pltpu.VMEM((K, F), jnp.float32),
            pltpu.VMEM((K, F), jnp.float32),
            pltpu.VMEM((RZ, F), jnp.float32),
            pltpu.VMEM_SHARED((NPAD, F), jnp.float32),
            pltpu.SemaphoreType.DMA,
            pltpu.SemaphoreType.DMA,
            pltpu.SemaphoreType.DMA,
            pltpu.SemaphoreType.DMA,
            pltpu.SemaphoreType.DMA,
            pltpu.SemaphoreType.DMA,
        ],
    )


def kernel(x, edge_index, W_up, W_leader, W_layer):
    src2 = edge_index[0].reshape(NW, NBLK, BCH, K)
    dst2 = edge_index[1].reshape(NW, NBLK, BCH, K)
    wt = W_up.T
    wl = jnp.pad(W_leader, ((0, 6), (0, 0))).T
    wy = jnp.pad(W_layer, ((0, 7), (0, 0))).T

    seg128 = _get_segsum128()

    u = _tc_front(x, wt)
    ra = seg128(src2, dst2, u)
    sb = _tc_sel(ra, u, wl)
    pb = seg128(src2, dst2, sb)
    m = _tc_gate(ra, pb, u, wl, wy)
    ax = seg128(src2, dst2, m)
    return _tc_out(u, ax)

# --- scband reference (transcript-rebuilt; emitter-appended) ---
"""Pipeline reference for scband-new-pool2-20839181320913 (READ-ONLY COPY).

The authoritative reference and input builder live on the scoring server;
editing this copy changes nothing except your own understanding.
"""

import jax, jax.numpy as jnp
import numpy as np

N = 10000
E = 320000
FIN = 128
FOUT = 128
C = 1.0
T = 0.48


def artanh(x):
    x = jnp.clip(x, -1.0 + 1e-5, 1.0 - 1e-5)
    return 0.5 * (jnp.log1p(x) - jnp.log1p(-x))


def logmap0(x, c):
    sqrt_c = c ** 0.5
    norm = jnp.maximum(jnp.linalg.norm(x, axis=-1, keepdims=True), 1e-15)
    return x / (sqrt_c * norm) * artanh(sqrt_c * norm)


def expmap0(u, c):
    sqrt_c = c ** 0.5
    norm = jnp.maximum(jnp.linalg.norm(u, axis=-1, keepdims=True), 1e-15)
    return jnp.tanh(sqrt_c * norm) * u / (sqrt_c * norm)


def proj(x, c):
    norm = jnp.maximum(jnp.linalg.norm(x, axis=-1, keepdims=True), 1e-15)
    maxnorm = (1.0 - 4e-3) / (c ** 0.5)
    return jnp.where(norm > maxnorm, x / norm * maxnorm, x)


def propagate(h, edge_index, n):
    # PyG default flow source_to_target: message x_j = x[edge_index[0]],
    # aggregated with 'add' at dst = edge_index[1]
    src = edge_index[0]
    dst = edge_index[1]
    return jax.ops.segment_sum(h[src], dst, num_segments=n)


def setup_inputs(seed: int = 0) -> dict:
    key = jax.random.key(seed)
    k1, k2, k3, k4, k5 = jax.random.split(key, 5)
    x = jax.random.normal(k1, (N, FIN), dtype=jnp.float32)
    edge_index = jax.random.randint(k2, (2, E), 0, N, dtype=jnp.int32)
    W_up = jax.random.normal(k3, (FOUT, FIN), dtype=jnp.float32) * (1.0 / np.sqrt(FIN))
    W_leader = jax.random.normal(k4, (2, FOUT), dtype=jnp.float32) * (1.0 / np.sqrt(FOUT))
    W_layer = jax.random.normal(k5, (1, 2 * FOUT), dtype=jnp.float32) * (1.0 / np.sqrt(2 * FOUT))
    return {"x": x, "edge_index": edge_index, "W_up": W_up, "W_leader": W_leader, "W_layer": W_layer}


def reference(x, edge_index, W_up, W_leader, W_layer):
    n = x.shape[0]
    h = logmap0(x, C)
    updated = jax.nn.leaky_relu(h @ W_up.T, negative_slope=0.01)
    sum_neigh = propagate(updated, edge_index, n)
    rp = jax.nn.relu(sum_neigh @ W_leader.T)
    rp = jax.nn.softmax(rp, axis=-1)
    sel = (rp[:, 1] > T).astype(updated.dtype)[:, None]
    sum_sel = propagate(sel * updated, edge_index, n)
    concat = jnp.concatenate([sum_sel, sum_neigh], axis=-1)
    w_sel = jax.nn.sigmoid(concat @ W_layer.T)
    a_x = jax.nn.relu(propagate(w_sel * sel * updated, edge_index, n))
    out = updated + a_x
    return proj(expmap0(out, C), C)

if __name__ == "__main__":
    import jax
    _d = setup_inputs()
    print(jax.jit(kernel)(*tuple(_d.values())))

</pallas_src>

<mosaic_0001>
#map = affine_map<(d0, d1) -> (0, 0, 0, 0)>
#map1 = affine_map<(d0, d1) -> (0, 0)>
#map2 = affine_map<(d0, d1) -> (0, 0, 0)>
module attributes {stable_mosaic.version = 14 : i64} {
  func.func @_segsum128_body(%arg0: i32, %arg1: i32, %arg2: memref<32x5x25x80xi32, #tpu.memory_space<hbm>>, %arg3: memref<32x5x25x80xi32, #tpu.memory_space<hbm>>, %arg4: memref<10000x128xf32, #tpu.memory_space<hbm>>, %arg5: memref<2x10240x128xf32, #tpu.memory_space<hbm>>, %arg6: memref<25x80xi32, #tpu.memory_space<vmem>>, %arg7: memref<25x80xi32, #tpu.memory_space<vmem>>, %arg8: memref<80x128xf32, #tpu.memory_space<vmem>>, %arg9: memref<80x128xf32, #tpu.memory_space<vmem>>, %arg10: memref<80x128xf32, #tpu.memory_space<vmem>>, %arg11: memref<32x128xf32, #tpu.memory_space<vmem>>, %arg12: memref<10240x128xf32, #tpu.memory_space<vmem_shared>>, %arg13: memref<!tpu.dma_semaphore, #tpu.memory_space<semaphore_mem>>, %arg14: memref<!tpu.dma_semaphore, #tpu.memory_space<semaphore_mem>>, %arg15: memref<!tpu.dma_semaphore, #tpu.memory_space<semaphore_mem>>, %arg16: memref<!tpu.dma_semaphore, #tpu.memory_space<semaphore_mem>>, %arg17: memref<!tpu.dma_semaphore, #tpu.memory_space<semaphore_mem>>, %arg18: memref<!tpu.dma_semaphore, #tpu.memory_space<semaphore_mem>>) attributes {dimension_semantics = [#tpu.dimension_semantics<core_parallel>, #tpu.dimension_semantics<subcore_parallel>], iteration_bounds = array<i64: 2, 16>, scalar_prefetch = 0 : i64, scratch_operands = 13 : i64, tpu.core_type = #tpu.core_type<sc_vector_subcore>, window_params = [{transform_indices = #map}, {transform_indices = #map}, {transform_indices = #map1}, {transform_indices = #map2}]} {
    %mul3A = arith.constant 16 : i32
    %mul3A_0 = arith.muli %arg0, %mul3A : i32
    %add3A = arith.addi %mul3A_0, %arg1 : i32
    %scan3A = arith.constant 0 : i32
    %scan3A_1 = arith.constant 0 : i32
    %scan3A_2 = arith.constant 256 : i32
    %scan3A_3 = arith.addi %scan3A_1, %scan3A_2 : i32
    %scan3A_4 = arith.constant 1 : i32
    scf.for %scan3A_27 = %scan3A_1 to %scan3A_3 step %scan3A_4  : i32 {
      %jit3A = arith.constant 8 : i32
      %div3A = arith.divsi %scan3A_27, %jit3A : i32
      %sign3A = arith.constant 0 : i32
      %sign3A_28 = arith.cmpi sgt, %scan3A_27, %sign3A : i32
      %sign3A_29 = arith.extui %sign3A_28 : i1 to i32
      %sign3A_30 = arith.constant 0 : i32
      %sign3A_31 = arith.cmpi slt, %scan3A_27, %sign3A_30 : i32
      %sign3A_32 = arith.extui %sign3A_31 : i1 to i32
      %sign3A_33 = arith.subi %sign3A_29, %sign3A_32 : i32
      %sign3A_34 = arith.constant 0 : i32
      %sign3A_35 = arith.cmpi sgt, %jit3A, %sign3A_34 : i32
      %sign3A_36 = arith.extui %sign3A_35 : i1 to i32
      %sign3A_37 = arith.constant 0 : i32
      %sign3A_38 = arith.cmpi slt, %jit3A, %sign3A_37 : i32
      %sign3A_39 = arith.extui %sign3A_38 : i1 to i32
      %sign3A_40 = arith.subi %sign3A_36, %sign3A_39 : i32
      %ne3A = arith.cmpi ne, %sign3A_33, %sign3A_40 : i32
      %rem3A = arith.remsi %scan3A_27, %jit3A : i32
      %ne3A_41 = arith.constant 0 : i32
      %ne3A_42 = arith.cmpi ne, %rem3A, %ne3A_41 : i32
      %and3A = arith.andi %ne3A, %ne3A_42 : i1
      %sub3A = arith.constant 1 : i32
      %sub3A_43 = arith.subi %div3A, %sub3A : i32
      %select_n3A = arith.select %and3A, %sub3A_43, %div3A : i32
      %jit3A_44 = arith.constant 8 : i32
      %eq3A = arith.constant 0 : i32
      %eq3A_45 = arith.cmpi eq, %jit3A_44, %eq3A : i32
      %jit3A_46 = arith.constant 1 : i32
      %select_n3A_47 = arith.select %eq3A_45, %jit3A_46, %jit3A_44 : i32
      %rem3A_48 = arith.remsi %scan3A_27, %select_n3A_47 : i32
      %ne3A_49 = arith.constant 0 : i32
      %ne3A_50 = arith.cmpi ne, %rem3A_48, %ne3A_49 : i32
      %lt3A = arith.constant 0 : i32
      %lt3A_51 = arith.cmpi slt, %rem3A_48, %lt3A : i32
      %lt3A_52 = arith.constant 0 : i32
      %lt3A_53 = arith.cmpi slt, %select_n3A_47, %lt3A_52 : i32
      %ne3A_54 = arith.xori %lt3A_51, %lt3A_53 : i1
      %and3A_55 = arith.andi %ne3A_54, %ne3A_50 : i1
      %add3A_56 = arith.addi %rem3A_48, %select_n3A_47 : i32
      %select_n3A_57 = arith.select %and3A_55, %add3A_56, %rem3A_48 : i32
      %mul3A_58 = arith.constant 16 : i32
      %mul3A_59 = arith.muli %select_n3A_57, %mul3A_58 : i32
      %broadcast_in_dim3A = arith.constant 0.000000e+00 : f32
      %broadcast_in_dim3A_60 = vector.broadcast %broadcast_in_dim3A : f32 to vector<16xf32>
      %swap3A = arith.index_cast %select_n3A : i32 to index
      %swap3A_61 = arith.index_cast %mul3A_59 : i32 to index
      %swap3A_62 = tpu.vector_load %arg11[%swap3A, %swap3A_61] {strides = array<i32>} : memref<32x128xf32, #tpu.memory_space<vmem>>, vector<1x16xf32>,
      %swap3A_63 = vector.shape_cast %swap3A_62 : vector<1x16xf32> to vector<16xf32>
      %swap3A_64 = vector.shape_cast %broadcast_in_dim3A_60 : vector<16xf32> to vector<1x16xf32>
      tpu.vector_store %arg11[%swap3A, %swap3A_61], %swap3A_64 {strides = array<i32>} : memref<32x128xf32, #tpu.memory_space<vmem>>, vector<1x16xf32>,
    }
    %scan3A_5 = arith.constant 256 : i32
    %mul3A_6 = arith.constant 640 : i32
    %mul3A_7 = arith.muli %arg1, %mul3A_6 : i32
    %scan3A_8 = arith.constant 0 : i32
    %scan3A_9 = arith.constant 0 : i32
    %scan3A_10 = arith.constant 20 : i32
    %scan3A_11 = arith.addi %scan3A_9, %scan3A_10 : i32
    %scan3A_12 = arith.constant 1 : i32
    scf.for %scan3A_27 = %scan3A_9 to %scan3A_11 step %scan3A_12  : i32 {
      %mul3A_28 = arith.constant 32 : i32
      %mul3A_29 = arith.muli %scan3A_27, %mul3A_28 : i32
      %add3A_30 = arith.addi %mul3A_7, %mul3A_29 : i32
      "tpu.region"() ({
        %run_scoped3A = tpu.sem_alloc : memref<!tpu.dma_semaphore, #tpu.memory_space<semaphore_mem>>
        %dma_start3A = arith.constant 0 : i32
        %dma_start3A_31 = tpu.memref_slice %arg12[%add3A_30, %dma_start3A] : memref<10240x128xf32, #tpu.memory_space<vmem_shared>> -> memref<32x128xf32, #tpu.memory_space<vmem_shared>>
        %dma_start3A_32 = arith.constant 0 : i32
        %dma_start3A_33 = tpu.memref_slice %arg12[%add3A_30, %dma_start3A_32] : memref<10240x128xf32, #tpu.memory_space<vmem_shared>> -> memref<32x128xf32, #tpu.memory_space<vmem_shared>>
        tpu.enqueue_dma source(%arg11 : memref<32x128xf32, #tpu.memory_space<vmem>>) target(%dma_start3A_33 : memref<32x128xf32, #tpu.memory_space<vmem_shared>>) target_semaphore(%run_scoped3A : memref<!tpu.dma_semaphore, #tpu.memory_space<semaphore_mem>>)
        %dma_wait3A = arith.constant 0 : i32
        %dma_wait3A_34 = tpu.memref_slice %arg12[%add3A_30, %dma_wait3A] : memref<10240x128xf32, #tpu.memory_space<vmem_shared>> -> memref<32x128xf32, #tpu.memory_space<vmem_shared>>
        %dma_wait3A_35 = arith.constant 0 : i32
        %dma_wait3A_36 = tpu.memref_slice %arg12[%add3A_30, %dma_wait3A_35] : memref<10240x128xf32, #tpu.memory_space<vmem_shared>> -> memref<32x128xf32, #tpu.memory_space<vmem_shared>>
        tpu.wait_dma2 semaphore(%run_scoped3A : memref<!tpu.dma_semaphore, #tpu.memory_space<semaphore_mem>>) src(%arg11 : memref<32x128xf32, #tpu.memory_space<vmem>>) dst(%dma_wait3A_36 : memref<32x128xf32, #tpu.memory_space<vmem_shared>>)
        tpu.yield
      }) : () -> ()
    }
    %scan3A_13 = arith.constant 20 : i32
    %barrier3A = arith.constant 0 : index
    tpu.barrier barrier_id(%barrier3A)
    %scan3A_14 = arith.constant 0 : i32
    %scan3A_15 = arith.constant 0 : i32
    %scan3A_16 = arith.constant 5 : i32
    %scan3A_17 = arith.addi %scan3A_15, %scan3A_16 : i32
    %scan3A_18 = arith.constant 1 : i32
    scf.for %scan3A_27 = %scan3A_15 to %scan3A_17 step %scan3A_18  : i32 {
      "tpu.region"() ({
        %run_scoped3A = tpu.sem_alloc : memref<!tpu.dma_semaphore, #tpu.memory_space<semaphore_mem>>
        %dma_start3A = arith.constant 0 : i32
        %dma_start3A_34 = arith.constant 0 : i32
        %dma_start3A_35 = tpu.memref_slice %arg2[%add3A, %scan3A_27, %dma_start3A, %dma_start3A_34] : memref<32x5x25x80xi32, #tpu.memory_space<hbm>> -> memref<1x1x25x80xi32, #tpu.memory_space<hbm>>
        %dma_start3A_36 = tpu.memref_squeeze %dma_start3A_35 : memref<1x1x25x80xi32, #tpu.memory_space<hbm>> -> memref<25x80xi32, #tpu.memory_space<hbm>>
        %dma_start3A_37 = arith.constant 0 : i32
        %dma_start3A_38 = arith.constant 0 : i32
        %dma_start3A_39 = tpu.memref_slice %arg2[%add3A, %scan3A_27, %dma_start3A_37, %dma_start3A_38] : memref<32x5x25x80xi32, #tpu.memory_space<hbm>> -> memref<1x1x25x80xi32, #tpu.memory_space<hbm>>
        %dma_start3A_40 = tpu.memref_squeeze %dma_start3A_39 : memref<1x1x25x80xi32, #tpu.memory_space<hbm>> -> memref<25x80xi32, #tpu.memory_space<hbm>>
        tpu.enqueue_dma source(%dma_start3A_40 : memref<25x80xi32, #tpu.memory_space<hbm>>) target(%arg6 : memref<25x80xi32, #tpu.memory_space<vmem>>) target_semaphore(%run_scoped3A : memref<!tpu.dma_semaphore, #tpu.memory_space<semaphore_mem>>)
        %dma_wait3A = arith.constant 0 : i32
        %dma_wait3A_41 = arith.constant 0 : i32
        %dma_wait3A_42 = tpu.memref_slice %arg2[%add3A, %scan3A_27, %dma_wait3A, %dma_wait3A_41] : memref<32x5x25x80xi32, #tpu.memory_space<hbm>> -> memref<1x1x25x80xi32, #tpu.memory_space<hbm>>
        %dma_wait3A_43 = tpu.memref_squeeze %dma_wait3A_42 : memref<1x1x25x80xi32, #tpu.memory_space<hbm>> -> memref<25x80xi32, #tpu.memory_space<hbm>>
        %dma_wait3A_44 = arith.constant 0 : i32
        %dma_wait3A_45 = arith.constant 0 : i32
        %dma_wait3A_46 = tpu.memref_slice %arg2[%add3A, %scan3A_27, %dma_wait3A_44, %dma_wait3A_45] : memref<32x5x25x80xi32, #tpu.memory_space<hbm>> -> memref<1x1x25x80xi32, #tpu.memory_space<hbm>>
        %dma_wait3A_47 = tpu.memref_squeeze %dma_wait3A_46 : memref<1x1x25x80xi32, #tpu.memory_space<hbm>> -> memref<25x80xi32, #tpu.memory_space<hbm>>
        tpu.wait_dma2 semaphore(%run_scoped3A : memref<!tpu.dma_semaphore, #tpu.memory_space<semaphore_mem>>) src(%dma_wait3A_47 : memref<25x80xi32, #tpu.memory_space<hbm>>) dst(%arg6 : memref<25x80xi32, #tpu.memory_space<vmem>>)
        tpu.yield
      }) : () -> ()
      "tpu.region"() ({
        %run_scoped3A = tpu.sem_alloc : memref<!tpu.dma_semaphore, #tpu.memory_space<semaphore_mem>>
        %dma_start3A = arith.constant 0 : i32
        %dma_start3A_34 = arith.constant 0 : i32
        %dma_start3A_35 = tpu.memref_slice %arg3[%add3A, %scan3A_27, %dma_start3A, %dma_start3A_34] : memref<32x5x25x80xi32, #tpu.memory_space<hbm>> -> memref<1x1x25x80xi32, #tpu.memory_space<hbm>>
        %dma_start3A_36 = tpu.memref_squeeze %dma_start3A_35 : memref<1x1x25x80xi32, #tpu.memory_space<hbm>> -> memref<25x80xi32, #tpu.memory_space<hbm>>
        %dma_start3A_37 = arith.constant 0 : i32
        %dma_start3A_38 = arith.constant 0 : i32
        %dma_start3A_39 = tpu.memref_slice %arg3[%add3A, %scan3A_27, %dma_start3A_37, %dma_start3A_38] : memref<32x5x25x80xi32, #tpu.memory_space<hbm>> -> memref<1x1x25x80xi32, #tpu.memory_space<hbm>>
        %dma_start3A_40 = tpu.memref_squeeze %dma_start3A_39 : memref<1x1x25x80xi32, #tpu.memory_space<hbm>> -> memref<25x80xi32, #tpu.memory_space<hbm>>
        tpu.enqueue_dma source(%dma_start3A_40 : memref<25x80xi32, #tpu.memory_space<hbm>>) target(%arg7 : memref<25x80xi32, #tpu.memory_space<vmem>>) target_semaphore(%run_scoped3A : memref<!tpu.dma_semaphore, #tpu.memory_space<semaphore_mem>>)
        %dma_wait3A = arith.constant 0 : i32
        %dma_wait3A_41 = arith.constant 0 : i32
        %dma_wait3A_42 = tpu.memref_slice %arg3[%add3A, %scan3A_27, %dma_wait3A, %dma_wait3A_41] : memref<32x5x25x80xi32, #tpu.memory_space<hbm>> -> memref<1x1x25x80xi32, #tpu.memory_space<hbm>>
        %dma_wait3A_43 = tpu.memref_squeeze %dma_wait3A_42 : memref<1x1x25x80xi32, #tpu.memory_space<hbm>> -> memref<25x80xi32, #tpu.memory_space<hbm>>
        %dma_wait3A_44 = arith.constant 0 : i32
        %dma_wait3A_45 = arith.constant 0 : i32
        %dma_wait3A_46 = tpu.memref_slice %arg3[%add3A, %scan3A_27, %dma_wait3A_44, %dma_wait3A_45] : memref<32x5x25x80xi32, #tpu.memory_space<hbm>> -> memref<1x1x25x80xi32, #tpu.memory_space<hbm>>
        %dma_wait3A_47 = tpu.memref_squeeze %dma_wait3A_46 : memref<1x1x25x80xi32, #tpu.memory_space<hbm>> -> memref<25x80xi32, #tpu.memory_space<hbm>>
        tpu.wait_dma2 semaphore(%run_scoped3A : memref<!tpu.dma_semaphore, #tpu.memory_space<semaphore_mem>>) src(%dma_wait3A_47 : memref<25x80xi32, #tpu.memory_space<hbm>>) dst(%arg7 : memref<25x80xi32, #tpu.memory_space<vmem>>)
        tpu.yield
      }) : () -> ()
      %scan3A_28 = arith.constant 0 : i32
      %scan3A_29 = arith.constant 0 : i32
      %scan3A_30 = arith.constant 5 : i32
      %scan3A_31 = arith.addi %scan3A_29, %scan3A_30 : i32
      %scan3A_32 = arith.constant 1 : i32
      scf.for %scan3A_34 = %scan3A_29 to %scan3A_31 step %scan3A_32  : i32 {
        %mul3A_35 = arith.constant 5 : i32
        %mul3A_36 = arith.muli %scan3A_34, %mul3A_35 : i32
        %add3A_37 = arith.constant 0 : i32
        %add3A_38 = arith.addi %mul3A_36, %add3A_37 : i32
        %dma_start3A = arith.constant 0 : i32
        %dma_start3A_39 = tpu.memref_slice %arg6[%add3A_38, %dma_start3A] : memref<25x80xi32, #tpu.memory_space<vmem>> -> memref<1x80xi32, #tpu.memory_space<vmem>>
        %dma_start3A_40 = tpu.memref_squeeze %dma_start3A_39 : memref<1x80xi32, #tpu.memory_space<vmem>> -> memref<80xi32, #tpu.memory_space<vmem>>
        %dma_start3A_41 = arith.constant 0 : i32
        %dma_start3A_42 = arith.constant 0 : i32
        %dma_start3A_43 = tpu.memref_slice %arg4[%dma_start3A_41, %dma_start3A_42] : memref<10000x128xf32, #tpu.memory_space<hbm>> -> memref<10000x128xf32, #tpu.memory_space<hbm>>
        tpu.enqueue_indirect_dma source(%dma_start3A_43 : memref<10000x128xf32, #tpu.memory_space<hbm>>) target(%arg8 : memref<80x128xf32, #tpu.memory_space<vmem>>) offsets(%dma_start3A_40 : memref<80xi32, #tpu.memory_space<vmem>>) semaphore(%arg13 : memref<!tpu.dma_semaphore, #tpu.memory_space<semaphore_mem>>)
        %add3A_44 = arith.constant 1 : i32
        %add3A_45 = arith.addi %mul3A_36, %add3A_44 : i32
        %dma_start3A_46 = arith.constant 0 : i32
        %dma_start3A_47 = tpu.memref_slice %arg6[%add3A_45, %dma_start3A_46] : memref<25x80xi32, #tpu.memory_space<vmem>> -> memref<1x80xi32, #tpu.memory_space<vmem>>
        %dma_start3A_48 = tpu.memref_squeeze %dma_start3A_47 : memref<1x80xi32, #tpu.memory_space<vmem>> -> memref<80xi32, #tpu.memory_space<vmem>>
        %dma_start3A_49 = arith.constant 0 : i32
        %dma_start3A_50 = arith.constant 0 : i32
        %dma_start3A_51 = tpu.memref_slice %arg4[%dma_start3A_49, %dma_start3A_50] : memref<10000x128xf32, #tpu.memory_space<hbm>> -> memref<10000x128xf32, #tpu.memory_space<hbm>>
        tpu.enqueue_indirect_dma source(%dma_start3A_51 : memref<10000x128xf32, #tpu.memory_space<hbm>>) target(%arg9 : memref<80x128xf32, #tpu.memory_space<vmem>>) offsets(%dma_start3A_48 : memref<80xi32, #tpu.memory_space<vmem>>) semaphore(%arg14 : memref<!tpu.dma_semaphore, #tpu.memory_space<semaphore_mem>>)
        %add3A_52 = arith.constant 2 : i32
        %add3A_53 = arith.addi %mul3A_36, %add3A_52 : i32
        %dma_start3A_54 = arith.constant 0 : i32
        %dma_start3A_55 = tpu.memref_slice %arg6[%add3A_53, %dma_start3A_54] : memref<25x80xi32, #tpu.memory_space<vmem>> -> memref<1x80xi32, #tpu.memory_space<vmem>>
        %dma_start3A_56 = tpu.memref_squeeze %dma_start3A_55 : memref<1x80xi32, #tpu.memory_space<vmem>> -> memref<80xi32, #tpu.memory_space<vmem>>
        %dma_start3A_57 = arith.constant 0 : i32
        %dma_start3A_58 = arith.constant 0 : i32
        %dma_start3A_59 = tpu.memref_slice %arg4[%dma_start3A_57, %dma_start3A_58] : memref<10000x128xf32, #tpu.memory_space<hbm>> -> memref<10000x128xf32, #tpu.memory_space<hbm>>
        tpu.enqueue_indirect_dma source(%dma_start3A_59 : memref<10000x128xf32, #tpu.memory_space<hbm>>) target(%arg10 : memref<80x128xf32, #tpu.memory_space<vmem>>) offsets(%dma_start3A_56 : memref<80xi32, #tpu.memory_space<vmem>>) semaphore(%arg15 : memref<!tpu.dma_semaphore, #tpu.memory_space<semaphore_mem>>)
        %dma_wait3A = arith.constant 0 : i32
        %dma_wait3A_60 = tpu.memref_slice %arg6[%add3A_38, %dma_wait3A] : memref<25x80xi32, #tpu.memory_space<vmem>> -> memref<1x80xi32, #tpu.memory_space<vmem>>
        %dma_wait3A_61 = tpu.memref_squeeze %dma_wait3A_60 : memref<1x80xi32, #tpu.memory_space<vmem>> -> memref<80xi32, #tpu.memory_space<vmem>>
        %dma_wait3A_62 = arith.constant 0 : i32
        %dma_wait3A_63 = arith.constant 0 : i32
        %dma_wait3A_64 = tpu.memref_slice %arg4[%dma_wait3A_62, %dma_wait3A_63] : memref<10000x128xf32, #tpu.memory_space<hbm>> -> memref<10000x128xf32, #tpu.memory_space<hbm>>
        tpu.wait_indirect_dma semaphore(%arg13 : memref<!tpu.dma_semaphore, #tpu.memory_space<semaphore_mem>>) src(%dma_wait3A_64 : memref<10000x128xf32, #tpu.memory_space<hbm>>) dst(%arg8 : memref<80x128xf32, #tpu.memory_space<vmem>>)
        %add3A_65 = arith.constant 0 : i32
        %add3A_66 = arith.addi %mul3A_36, %add3A_65 : i32
        %dma_start3A_67 = arith.constant 0 : i32
        %dma_start3A_68 = tpu.memref_slice %arg7[%add3A_66, %dma_start3A_67] : memref<25x80xi32, #tpu.memory_space<vmem>> -> memref<1x80xi32, #tpu.memory_space<vmem>>
        %dma_start3A_69 = tpu.memref_squeeze %dma_start3A_68 : memref<1x80xi32, #tpu.memory_space<vmem>> -> memref<80xi32, #tpu.memory_space<vmem>>
        %dma_start3A_70 = arith.constant 0 : i32
        %dma_start3A_71 = arith.constant 0 : i32
        %dma_start3A_72 = tpu.memref_slice %arg12[%dma_start3A_70, %dma_start3A_71] : memref<10240x128xf32, #tpu.memory_space<vmem_shared>> -> memref<10240x128xf32, #tpu.memory_space<vmem_shared>>
        tpu.enqueue_indirect_dma source(%arg8 : memref<80x128xf32, #tpu.memory_space<vmem>>) target(%dma_start3A_72 : memref<10240x128xf32, #tpu.memory_space<vmem_shared>>) offsets(%dma_start3A_69 : memref<80xi32, #tpu.memory_space<vmem>>) semaphore(%arg16 : memref<!tpu.dma_semaphore, #tpu.memory_space<semaphore_mem>>) {add = true}
        %dma_wait3A_73 = arith.constant 0 : i32
        %dma_wait3A_74 = tpu.memref_slice %arg7[%add3A_66, %dma_wait3A_73] : memref<25x80xi32, #tpu.memory_space<vmem>> -> memref<1x80xi32, #tpu.memory_space<vmem>>
        %dma_wait3A_75 = tpu.memref_squeeze %dma_wait3A_74 : memref<1x80xi32, #tpu.memory_space<vmem>> -> memref<80xi32, #tpu.memory_space<vmem>>
        %dma_wait3A_76 = arith.constant 0 : i32
        %dma_wait3A_77 = arith.constant 0 : i32
        %dma_wait3A_78 = tpu.memref_slice %arg12[%dma_wait3A_76, %dma_wait3A_77] : memref<10240x128xf32, #tpu.memory_space<vmem_shared>> -> memref<10240x128xf32, #tpu.memory_space<vmem_shared>>
        tpu.wait_indirect_dma semaphore(%arg16 : memref<!tpu.dma_semaphore, #tpu.memory_space<semaphore_mem>>) src(%arg8 : memref<80x128xf32, #tpu.memory_space<vmem>>) dst(%dma_wait3A_78 : memref<10240x128xf32, #tpu.memory_space<vmem_shared>>)
        %add3A_79 = arith.constant 3 : i32
        %add3A_80 = arith.addi %mul3A_36, %add3A_79 : i32
        %dma_start3A_81 = arith.constant 0 : i32
        %dma_start3A_82 = tpu.memref_slice %arg6[%add3A_80, %dma_start3A_81] : memref<25x80xi32, #tpu.memory_space<vmem>> -> memref<1x80xi32, #tpu.memory_space<vmem>>
        %dma_start3A_83 = tpu.memref_squeeze %dma_start3A_82 : memref<1x80xi32, #tpu.memory_space<vmem>> -> memref<80xi32, #tpu.memory_space<vmem>>
        %dma_start3A_84 = arith.constant 0 : i32
        %dma_start3A_85 = arith.constant 0 : i32
        %dma_start3A_86 = tpu.memref_slice %arg4[%dma_start3A_84, %dma_start3A_85] : memref<10000x128xf32, #tpu.memory_space<hbm>> -> memref<10000x128xf32, #tpu.memory_space<hbm>>
        tpu.enqueue_indirect_dma source(%dma_start3A_86 : memref<10000x128xf32, #tpu.memory_space<hbm>>) target(%arg8 : memref<80x128xf32, #tpu.memory_space<vmem>>) offsets(%dma_start3A_83 : memref<80xi32, #tpu.memory_space<vmem>>) semaphore(%arg13 : memref<!tpu.dma_semaphore, #tpu.memory_space<semaphore_mem>>)
        %dma_wait3A_87 = arith.constant 0 : i32
        %dma_wait3A_88 = tpu.memref_slice %arg6[%add3A_45, %dma_wait3A_87] : memref<25x80xi32, #tpu.memory_space<vmem>> -> memref<1x80xi32, #tpu.memory_space<vmem>>
        %dma_wait3A_89 = tpu.memref_squeeze %dma_wait3A_88 : memref<1x80xi32, #tpu.memory_space<vmem>> -> memref<80xi32, #tpu.memory_space<vmem>>
        %dma_wait3A_90 = arith.constant 0 : i32
        %dma_wait3A_91 = arith.constant 0 : i32
        %dma_wait3A_92 = tpu.memref_slice %arg4[%dma_wait3A_90, %dma_wait3A_91] : memref<10000x128xf32, #tpu.memory_space<hbm>> -> memref<10000x128xf32, #tpu.memory_space<hbm>>
        tpu.wait_indirect_dma semaphore(%arg14 : memref<!tpu.dma_semaphore, #tpu.memory_space<semaphore_mem>>) src(%dma_wait3A_92 : memref<10000x128xf32, #tpu.memory_space<hbm>>) dst(%arg9 : memref<80x128xf32, #tpu.memory_space<vmem>>)
        %add3A_93 = arith.constant 1 : i32
        %add3A_94 = arith.addi %mul3A_36, %add3A_93 : i32
        %dma_start3A_95 = arith.constant 0 : i32
        %dma_start3A_96 = tpu.memref_slice %arg7[%add3A_94, %dma_start3A_95] : memref<25x80xi32, #tpu.memory_space<vmem>> -> memref<1x80xi32, #tpu.memory_space<vmem>>
        %dma_start3A_97 = tpu.memref_squeeze %dma_start3A_96 : memref<1x80xi32, #tpu.memory_space<vmem>> -> memref<80xi32, #tpu.memory_space<vmem>>
        %dma_start3A_98 = arith.constant 0 : i32
        %dma_start3A_99 = arith.constant 0 : i32
        %dma_start3A_100 = tpu.memref_slice %arg12[%dma_start3A_98, %dma_start3A_99] : memref<10240x128xf32, #tpu.memory_space<vmem_shared>> -> memref<10240x128xf32, #tpu.memory_space<vmem_shared>>
        tpu.enqueue_indirect_dma source(%arg9 : memref<80x128xf32, #tpu.memory_space<vmem>>) target(%dma_start3A_100 : memref<10240x128xf32, #tpu.memory_space<vmem_shared>>) offsets(%dma_start3A_97 : memref<80xi32, #tpu.memory_space<vmem>>) semaphore(%arg17 : memref<!tpu.dma_semaphore, #tpu.memory_space<semaphore_mem>>) {add = true}
        %dma_wait3A_101 = arith.constant 0 : i32
        %dma_wait3A_102 = tpu.memref_slice %arg7[%add3A_94, %dma_wait3A_101] : memref<25x80xi32, #tpu.memory_space<vmem>> -> memref<1x80xi32, #tpu.memory_space<vmem>>
        %dma_wait3A_103 = tpu.memref_squeeze %dma_wait3A_102 : memref<1x80xi32, #tpu.memory_space<vmem>> -> memref<80xi32, #tpu.memory_space<vmem>>
        %dma_wait3A_104 = arith.constant 0 : i32
        %dma_wait3A_105 = arith.constant 0 : i32
        %dma_wait3A_106 = tpu.memref_slice %arg12[%dma_wait3A_104, %dma_wait3A_105] : memref<10240x128xf32, #tpu.memory_space<vmem_shared>> -> memref<10240x128xf32, #tpu.memory_space<vmem_shared>>
        tpu.wait_indirect_dma semaphore(%arg17 : memref<!tpu.dma_semaphore, #tpu.memory_space<semaphore_mem>>) src(%arg9 : memref<80x128xf32, #tpu.memory_space<vmem>>) dst(%dma_wait3A_106 : memref<10240x128xf32, #tpu.memory_space<vmem_shared>>)
        %add3A_107 = arith.constant 4 : i32
        %add3A_108 = arith.addi %mul3A_36, %add3A_107 : i32
        %dma_start3A_109 = arith.constant 0 : i32
        %dma_start3A_110 = tpu.memref_slice %arg6[%add3A_108, %dma_start3A_109] : memref<25x80xi32, #tpu.memory_space<vmem>> -> memref<1x80xi32, #tpu.memory_space<vmem>>
        %dma_start3A_111 = tpu.memref_squeeze %dma_start3A_110 : memref<1x80xi32, #tpu.memory_space<vmem>> -> memref<80xi32, #tpu.memory_space<vmem>>
        %dma_start3A_112 = arith.constant 0 : i32
        %dma_start3A_113 = arith.constant 0 : i32
        %dma_start3A_114 = tpu.memref_slice %arg4[%dma_start3A_112, %dma_start3A_113] : memref<10000x128xf32, #tpu.memory_space<hbm>> -> memref<10000x128xf32, #tpu.memory_space<hbm>>
        tpu.enqueue_indirect_dma source(%dma_start3A_114 : memref<10000x128xf32, #tpu.memory_space<hbm>>) target(%arg9 : memref<80x128xf32, #tpu.memory_space<vmem>>) offsets(%dma_start3A_111 : memref<80xi32, #tpu.memory_space<vmem>>) semaphore(%arg14 : memref<!tpu.dma_semaphore, #tpu.memory_space<semaphore_mem>>)
        %dma_wait3A_115 = arith.constant 0 : i32
        %dma_wait3A_116 = tpu.memref_slice %arg6[%add3A_53, %dma_wait3A_115] : memref<25x80xi32, #tpu.memory_space<vmem>> -> memref<1x80xi32, #tpu.memory_space<vmem>>
        %dma_wait3A_117 = tpu.memref_squeeze %dma_wait3A_116 : memref<1x80xi32, #tpu.memory_space<vmem>> -> memref<80xi32, #tpu.memory_space<vmem>>
        %dma_wait3A_118 = arith.constant 0 : i32
        %dma_wait3A_119 = arith.constant 0 : i32
        %dma_wait3A_120 = tpu.memref_slice %arg4[%dma_wait3A_118, %dma_wait3A_119] : memref<10000x128xf32, #tpu.memory_space<hbm>> -> memref<10000x128xf32, #tpu.memory_space<hbm>>
        tpu.wait_indirect_dma semaphore(%arg15 : memref<!tpu.dma_semaphore, #tpu.memory_space<semaphore_mem>>) src(%dma_wait3A_120 : memref<10000x128xf32, #tpu.memory_space<hbm>>) dst(%arg10 : memref<80x128xf32, #tpu.memory_space<vmem>>)
        %add3A_121 = arith.constant 2 : i32
        %add3A_122 = arith.addi %mul3A_36, %add3A_121 : i32
        %dma_start3A_123 = arith.constant 0 : i32
        %dma_start3A_124 = tpu.memref_slice %arg7[%add3A_122, %dma_start3A_123] : memref<25x80xi32, #tpu.memory_space<vmem>> -> memref<1x80xi32, #tpu.memory_space<vmem>>
        %dma_start3A_125 = tpu.memref_squeeze %dma_start3A_124 : memref<1x80xi32, #tpu.memory_space<vmem>> -> memref<80xi32, #tpu.memory_space<vmem>>
        %dma_start3A_126 = arith.constant 0 : i32
        %dma_start3A_127 = arith.constant 0 : i32
        %dma_start3A_128 = tpu.memref_slice %arg12[%dma_start3A_126, %dma_start3A_127] : memref<10240x128xf32, #tpu.memory_space<vmem_shared>> -> memref<10240x128xf32, #tpu.memory_space<vmem_shared>>
        tpu.enqueue_indirect_dma source(%arg10 : memref<80x128xf32, #tpu.memory_space<vmem>>) target(%dma_start3A_128 : memref<10240x128xf32, #tpu.memory_space<vmem_shared>>) offsets(%dma_start3A_125 : memref<80xi32, #tpu.memory_space<vmem>>) semaphore(%arg18 : memref<!tpu.dma_semaphore, #tpu.memory_space<semaphore_mem>>) {add = true}
        %dma_wait3A_129 = arith.constant 0 : i32
        %dma_wait3A_130 = tpu.memref_slice %arg6[%add3A_80, %dma_wait3A_129] : memref<25x80xi32, #tpu.memory_space<vmem>> -> memref<1x80xi32, #tpu.memory_space<vmem>>
        %dma_wait3A_131 = tpu.memref_squeeze %dma_wait3A_130 : memref<1x80xi32, #tpu.memory_space<vmem>> -> memref<80xi32, #tpu.memory_space<vmem>>
        %dma_wait3A_132 = arith.constant 0 : i32
        %dma_wait3A_133 = arith.constant 0 : i32
        %dma_wait3A_134 = tpu.memref_slice %arg4[%dma_wait3A_132, %dma_wait3A_133] : memref<10000x128xf32, #tpu.memory_space<hbm>> -> memref<10000x128xf32, #tpu.memory_space<hbm>>
        tpu.wait_indirect_dma semaphore(%arg13 : memref<!tpu.dma_semaphore, #tpu.memory_space<semaphore_mem>>) src(%dma_wait3A_134 : memref<10000x128xf32, #tpu.memory_space<hbm>>) dst(%arg8 : memref<80x128xf32, #tpu.memory_space<vmem>>)
        %add3A_135 = arith.constant 3 : i32
        %add3A_136 = arith.addi %mul3A_36, %add3A_135 : i32
        %dma_start3A_137 = arith.constant 0 : i32
        %dma_start3A_138 = tpu.memref_slice %arg7[%add3A_136, %dma_start3A_137] : memref<25x80xi32, #tpu.memory_space<vmem>> -> memref<1x80xi32, #tpu.memory_space<vmem>>
        %dma_start3A_139 = tpu.memref_squeeze %dma_start3A_138 : memref<1x80xi32, #tpu.memory_space<vmem>> -> memref<80xi32, #tpu.memory_space<vmem>>
        %dma_start3A_140 = arith.constant 0 : i32
        %dma_start3A_141 = arith.constant 0 : i32
        %dma_start3A_142 = tpu.memref_slice %arg12[%dma_start3A_140, %dma_start3A_141] : memref<10240x128xf32, #tpu.memory_space<vmem_shared>> -> memref<10240x128xf32, #tpu.memory_space<vmem_shared>>
        tpu.enqueue_indirect_dma source(%arg8 : memref<80x128xf32, #tpu.memory_space<vmem>>) target(%dma_start3A_142 : memref<10240x128xf32, #tpu.memory_space<vmem_shared>>) offsets(%dma_start3A_139 : memref<80xi32, #tpu.memory_space<vmem>>) semaphore(%arg16 : memref<!tpu.dma_semaphore, #tpu.memory_space<semaphore_mem>>) {add = true}
        %dma_wait3A_143 = arith.constant 0 : i32
        %dma_wait3A_144 = tpu.memref_slice %arg6[%add3A_108, %dma_wait3A_143] : memref<25x80xi32, #tpu.memory_space<vmem>> -> memref<1x80xi32, #tpu.memory_space<vmem>>
        %dma_wait3A_145 = tpu.memref_squeeze %dma_wait3A_144 : memref<1x80xi32, #tpu.memory_space<vmem>> -> memref<80xi32, #tpu.memory_space<vmem>>
        %dma_wait3A_146 = arith.constant 0 : i32
        %dma_wait3A_147 = arith.constant 0 : i32
        %dma_wait3A_148 = tpu.memref_slice %arg4[%dma_wait3A_146, %dma_wait3A_147] : memref<10000x128xf32, #tpu.memory_space<hbm>> -> memref<10000x128xf32, #tpu.memory_space<hbm>>
        tpu.wait_indirect_dma semaphore(%arg14 : memref<!tpu.dma_semaphore, #tpu.memory_space<semaphore_mem>>) src(%dma_wait3A_148 : memref<10000x128xf32, #tpu.memory_space<hbm>>) dst(%arg9 : memref<80x128xf32, #tpu.memory_space<vmem>>)
        %add3A_149 = arith.constant 4 : i32
        %add3A_150 = arith.addi %mul3A_36, %add3A_149 : i32
        %dma_start3A_151 = arith.constant 0 : i32
        %dma_start3A_152 = tpu.memref_slice %arg7[%add3A_150, %dma_start3A_151] : memref<25x80xi32, #tpu.memory_space<vmem>> -> memref<1x80xi32, #tpu.memory_space<vmem>>
        %dma_start3A_153 = tpu.memref_squeeze %dma_start3A_152 : memref<1x80xi32, #tpu.memory_space<vmem>> -> memref<80xi32, #tpu.memory_space<vmem>>
        %dma_start3A_154 = arith.constant 0 : i32
        %dma_start3A_155 = arith.constant 0 : i32
        %dma_start3A_156 = tpu.memref_slice %arg12[%dma_start3A_154, %dma_start3A_155] : memref<10240x128xf32, #tpu.memory_space<vmem_shared>> -> memref<10240x128xf32, #tpu.memory_space<vmem_shared>>
        tpu.enqueue_indirect_dma source(%arg9 : memref<80x128xf32, #tpu.memory_space<vmem>>) target(%dma_start3A_156 : memref<10240x128xf32, #tpu.memory_space<vmem_shared>>) offsets(%dma_start3A_153 : memref<80xi32, #tpu.memory_space<vmem>>) semaphore(%arg17 : memref<!tpu.dma_semaphore, #tpu.memory_space<semaphore_mem>>) {add = true}
        %dma_wait3A_157 = arith.constant 0 : i32
        %dma_wait3A_158 = tpu.memref_slice %arg7[%add3A_136, %dma_wait3A_157] : memref<25x80xi32, #tpu.memory_space<vmem>> -> memref<1x80xi32, #tpu.memory_space<vmem>>
        %dma_wait3A_159 = tpu.memref_squeeze %dma_wait3A_158 : memref<1x80xi32, #tpu.memory_space<vmem>> -> memref<80xi32, #tpu.memory_space<vmem>>
        %dma_wait3A_160 = arith.constant 0 : i32
        %dma_wait3A_161 = arith.constant 0 : i32
        %dma_wait3A_162 = tpu.memref_slice %arg12[%dma_wait3A_160, %dma_wait3A_161] : memref<10240x128xf32, #tpu.memory_space<vmem_shared>> -> memref<10240x128xf32, #tpu.memory_space<vmem_shared>>
        tpu.wait_indirect_dma semaphore(%arg16 : memref<!tpu.dma_semaphore, #tpu.memory_space<semaphore_mem>>) src(%arg8 : memref<80x128xf32, #tpu.memory_space<vmem>>) dst(%dma_wait3A_162 : memref<10240x128xf32, #tpu.memory_space<vmem_shared>>)
        %dma_wait3A_163 = arith.constant 0 : i32
        %dma_wait3A_164 = tpu.memref_slice %arg7[%add3A_150, %dma_wait3A_163] : memref<25x80xi32, #tpu.memory_space<vmem>> -> memref<1x80xi32, #tpu.memory_space<vmem>>
        %dma_wait3A_165 = tpu.memref_squeeze %dma_wait3A_164 : memref<1x80xi32, #tpu.memory_space<vmem>> -> memref<80xi32, #tpu.memory_space<vmem>>
        %dma_wait3A_166 = arith.constant 0 : i32
        %dma_wait3A_167 = arith.constant 0 : i32
        %dma_wait3A_168 = tpu.memref_slice %arg12[%dma_wait3A_166, %dma_wait3A_167] : memref<10240x128xf32, #tpu.memory_space<vmem_shared>> -> memref<10240x128xf32, #tpu.memory_space<vmem_shared>>
        tpu.wait_indirect_dma semaphore(%arg17 : memref<!tpu.dma_semaphore, #tpu.memory_space<semaphore_mem>>) src(%arg9 : memref<80x128xf32, #tpu.memory_space<vmem>>) dst(%dma_wait3A_168 : memref<10240x128xf32, #tpu.memory_space<vmem_shared>>)
      }
      %scan3A_33 = arith.constant 5 : i32
    }
    %scan3A_19 = arith.constant 5 : i32
    %barrier3A_20 = arith.constant 0 : index
    tpu.barrier barrier_id(%barrier3A_20)
    %scan3A_21 = arith.constant 0 : i32
    %scan3A_22 = arith.constant 0 : i32
    %scan3A_23 = arith.constant 20 : i32
    %scan3A_24 = arith.addi %scan3A_22, %scan3A_23 : i32
    %scan3A_25 = arith.constant 1 : i32
    scf.for %scan3A_27 = %scan3A_22 to %scan3A_24 step %scan3A_25  : i32 {
      %mul3A_28 = arith.constant 32 : i32
      %mul3A_29 = arith.muli %scan3A_27, %mul3A_28 : i32
      %add3A_30 = arith.addi %mul3A_7, %mul3A_29 : i32
      "tpu.region"() ({
        %run_scoped3A = tpu.sem_alloc : memref<!tpu.dma_semaphore, #tpu.memory_space<semaphore_mem>>
        %dma_start3A = arith.constant 0 : i32
        %dma_start3A_31 = tpu.memref_slice %arg12[%add3A_30, %dma_start3A] : memref<10240x128xf32, #tpu.memory_space<vmem_shared>> -> memref<32x128xf32, #tpu.memory_space<vmem_shared>>
        %dma_start3A_32 = arith.constant 0 : i32
        %dma_start3A_33 = tpu.memref_slice %arg12[%add3A_30, %dma_start3A_32] : memref<10240x128xf32, #tpu.memory_space<vmem_shared>> -> memref<32x128xf32, #tpu.memory_space<vmem_shared>>
        tpu.enqueue_dma source(%dma_start3A_33 : memref<32x128xf32, #tpu.memory_space<vmem_shared>>) target(%arg11 : memref<32x128xf32, #tpu.memory_space<vmem>>) target_semaphore(%run_scoped3A : memref<!tpu.dma_semaphore, #tpu.memory_space<semaphore_mem>>)
        %dma_wait3A = arith.constant 0 : i32
        %dma_wait3A_34 = tpu.memref_slice %arg12[%add3A_30, %dma_wait3A] : memref<10240x128xf32, #tpu.memory_space<vmem_shared>> -> memref<32x128xf32, #tpu.memory_space<vmem_shared>>
        %dma_wait3A_35 = arith.constant 0 : i32
        %dma_wait3A_36 = tpu.memref_slice %arg12[%add3A_30, %dma_wait3A_35] : memref<10240x128xf32, #tpu.memory_space<vmem_shared>> -> memref<32x128xf32, #tpu.memory_space<vmem_shared>>
        tpu.wait_dma2 semaphore(%run_scoped3A : memref<!tpu.dma_semaphore, #tpu.memory_space<semaphore_mem>>) src(%dma_wait3A_36 : memref<32x128xf32, #tpu.memory_space<vmem_shared>>) dst(%arg11 : memref<32x128xf32, #tpu.memory_space<vmem>>)
        tpu.yield
      }) : () -> ()
      "tpu.region"() ({
        %run_scoped3A = tpu.sem_alloc : memref<!tpu.dma_semaphore, #tpu.memory_space<semaphore_mem>>
        %dma_start3A = arith.constant 0 : i32
        %dma_start3A_31 = tpu.memref_slice %arg5[%arg0, %add3A_30, %dma_start3A] : memref<2x10240x128xf32, #tpu.memory_space<hbm>> -> memref<1x32x128xf32, #tpu.memory_space<hbm>>
        %dma_start3A_32 = tpu.memref_squeeze %dma_start3A_31 : memref<1x32x128xf32, #tpu.memory_space<hbm>> -> memref<32x128xf32, #tpu.memory_space<hbm>>
        %dma_start3A_33 = arith.constant 0 : i32
        %dma_start3A_34 = tpu.memref_slice %arg5[%arg0, %add3A_30, %dma_start3A_33] : memref<2x10240x128xf32, #tpu.memory_space<hbm>> -> memref<1x32x128xf32, #tpu.memory_space<hbm>>
        %dma_start3A_35 = tpu.memref_squeeze %dma_start3A_34 : memref<1x32x128xf32, #tpu.memory_space<hbm>> -> memref<32x128xf32, #tpu.memory_space<hbm>>
        tpu.enqueue_dma source(%arg11 : memref<32x128xf32, #tpu.memory_space<vmem>>) target(%dma_start3A_35 : memref<32x128xf32, #tpu.memory_space<hbm>>) target_semaphore(%run_scoped3A : memref<!tpu.dma_semaphore, #tpu.memory_space<semaphore_mem>>)
        %dma_wait3A = arith.constant 0 : i32
        %dma_wait3A_36 = tpu.memref_slice %arg5[%arg0, %add3A_30, %dma_wait3A] : memref<2x10240x128xf32, #tpu.memory_space<hbm>> -> memref<1x32x128xf32, #tpu.memory_space<hbm>>
        %dma_wait3A_37 = tpu.memref_squeeze %dma_wait3A_36 : memref<1x32x128xf32, #tpu.memory_space<hbm>> -> memref<32x128xf32, #tpu.memory_space<hbm>>
        %dma_wait3A_38 = arith.constant 0 : i32
        %dma_wait3A_39 = tpu.memref_slice %arg5[%arg0, %add3A_30, %dma_wait3A_38] : memref<2x10240x128xf32, #tpu.memory_space<hbm>> -> memref<1x32x128xf32, #tpu.memory_space<hbm>>
        %dma_wait3A_40 = tpu.memref_squeeze %dma_wait3A_39 : memref<1x32x128xf32, #tpu.memory_space<hbm>> -> memref<32x128xf32, #tpu.memory_space<hbm>>
        tpu.wait_dma2 semaphore(%run_scoped3A : memref<!tpu.dma_semaphore, #tpu.memory_space<semaphore_mem>>) src(%arg11 : memref<32x128xf32, #tpu.memory_space<vmem>>) dst(%dma_wait3A_40 : memref<32x128xf32, #tpu.memory_space<hbm>>)
        tpu.yield
      }) : () -> ()
    }
    %scan3A_26 = arith.constant 20 : i32
    return
  }
}

#map = affine_map<(d0, d1) -> (0, 0, 0, 0)>
#map1 = affine_map<(d0, d1) -> (0, 0)>
#map2 = affine_map<(d0, d1) -> (0, 0, 0)>
module attributes {stable_mosaic.version = 14 : i64} {
  func.func @_segsum128_body(%arg0: i32, %arg1: i32, %arg2: memref<32x5x25x80xi32, #tpu.memory_space<hbm>>, %arg3: memref<32x5x25x80xi32, #tpu.memory_space<hbm>>, %arg4: memref<10000x128xf32, #tpu.memory_space<hbm>>, %arg5: memref<2x10240x128xf32, #tpu.memory_space<hbm>>, %arg6: memref<25x80xi32, #tpu.memory_space<vmem>>, %arg7: memref<25x80xi32, #tpu.memory_space<vmem>>, %arg8: memref<80x128xf32, #tpu.memory_space<vmem>>, %arg9: memref<80x128xf32, #tpu.memory_space<vmem>>, %arg10: memref<80x128xf32, #tpu.memory_space<vmem>>, %arg11: memref<32x128xf32, #tpu.memory_space<vmem>>, %arg12: memref<10240x128xf32, #tpu.memory_space<vmem_shared>>, %arg13: memref<!tpu.dma_semaphore, #tpu.memory_space<semaphore_mem>>, %arg14: memref<!tpu.dma_semaphore, #tpu.memory_space<semaphore_mem>>, %arg15: memref<!tpu.dma_semaphore, #tpu.memory_space<semaphore_mem>>, %arg16: memref<!tpu.dma_semaphore, #tpu.memory_space<semaphore_mem>>, %arg17: memref<!tpu.dma_semaphore, #tpu.memory_space<semaphore_mem>>, %arg18: memref<!tpu.dma_semaphore, #tpu.memory_space<semaphore_mem>>) attributes {dimension_semantics = [#tpu.dimension_semantics<core_parallel>, #tpu.dimension_semantics<subcore_parallel>], iteration_bounds = array<i64: 2, 16>, scalar_prefetch = 0 : i64, scratch_operands = 13 : i64, tpu.core_type = #tpu.core_type<sc_vector_subcore>, window_params = [{transform_indices = #map}, {transform_indices = #map}, {transform_indices = #map1}, {transform_indices = #map2}]} {
    %mul3A = arith.constant 16 : i32
    %mul3A_0 = arith.muli %arg0, %mul3A : i32
    %add3A = arith.addi %mul3A_0, %arg1 : i32
    %scan3A = arith.constant 0 : i32
    %scan3A_1 = arith.constant 0 : i32
    %scan3A_2 = arith.constant 256 : i32
    %scan3A_3 = arith.addi %scan3A_1, %scan3A_2 : i32
    %scan3A_4 = arith.constant 1 : i32
    scf.for %scan3A_27 = %scan3A_1 to %scan3A_3 step %scan3A_4  : i32 {
      %jit3A = arith.constant 8 : i32
      %div3A = arith.divsi %scan3A_27, %jit3A : i32
      %sign3A = arith.constant 0 : i32
      %sign3A_28 = arith.cmpi sgt, %scan3A_27, %sign3A : i32
      %sign3A_29 = arith.extui %sign3A_28 : i1 to i32
      %sign3A_30 = arith.constant 0 : i32
      %sign3A_31 = arith.cmpi slt, %scan3A_27, %sign3A_30 : i32
      %sign3A_32 = arith.extui %sign3A_31 : i1 to i32
      %sign3A_33 = arith.subi %sign3A_29, %sign3A_32 : i32
      %sign3A_34 = arith.constant 0 : i32
      %sign3A_35 = arith.cmpi sgt, %jit3A, %sign3A_34 : i32
      %sign3A_36 = arith.extui %sign3A_35 : i1 to i32
      %sign3A_37 = arith.constant 0 : i32
      %sign3A_38 = arith.cmpi slt, %jit3A, %sign3A_37 : i32
      %sign3A_39 = arith.extui %sign3A_38 : i1 to i32
      %sign3A_40 = arith.subi %sign3A_36, %sign3A_39 : i32
      %ne3A = arith.cmpi ne, %sign3A_33, %sign3A_40 : i32
      %rem3A = arith.remsi %scan3A_27, %jit3A : i32
      %ne3A_41 = arith.constant 0 : i32
      %ne3A_42 = arith.cmpi ne, %rem3A, %ne3A_41 : i32
      %and3A = arith.andi %ne3A, %ne3A_42 : i1
      %sub3A = arith.constant 1 : i32
      %sub3A_43 = arith.subi %div3A, %sub3A : i32
      %select_n3A = arith.select %and3A, %sub3A_43, %div3A : i32
      %jit3A_44 = arith.constant 8 : i32
      %eq3A = arith.constant 0 : i32
      %eq3A_45 = arith.cmpi eq, %jit3A_44, %eq3A : i32
      %jit3A_46 = arith.constant 1 : i32
      %select_n3A_47 = arith.select %eq3A_45, %jit3A_46, %jit3A_44 : i32
      %rem3A_48 = arith.remsi %scan3A_27, %select_n3A_47 : i32
      %ne3A_49 = arith.constant 0 : i32
      %ne3A_50 = arith.cmpi ne, %rem3A_48, %ne3A_49 : i32
      %lt3A = arith.constant 0 : i32
      %lt3A_51 = arith.cmpi slt, %rem3A_48, %lt3A : i32
      %lt3A_52 = arith.constant 0 : i32
      %lt3A_53 = arith.cmpi slt, %select_n3A_47, %lt3A_52 : i32
      %ne3A_54 = arith.xori %lt3A_51, %lt3A_53 : i1
      %and3A_55 = arith.andi %ne3A_54, %ne3A_50 : i1
      %add3A_56 = arith.addi %rem3A_48, %select_n3A_47 : i32
      %select_n3A_57 = arith.select %and3A_55, %add3A_56, %rem3A_48 : i32
      %mul3A_58 = arith.constant 16 : i32
      %mul3A_59 = arith.muli %select_n3A_57, %mul3A_58 : i32
      %broadcast_in_dim3A = arith.constant 0.000000e+00 : f32
      %broadcast_in_dim3A_60 = vector.broadcast %broadcast_in_dim3A : f32 to vector<16xf32>
      %swap3A = arith.index_cast %select_n3A : i32 to index
      %swap3A_61 = arith.index_cast %mul3A_59 : i32 to index
      %swap3A_62 = tpu.vector_load %arg11[%swap3A, %swap3A_61] {strides = array<i32>} : memref<32x128xf32, #tpu.memory_space<vmem>>, vector<1x16xf32>,
      %swap3A_63 = vector.shape_cast %swap3A_62 : vector<1x16xf32> to vector<16xf32>
      %swap3A_64 = vector.shape_cast %broadcast_in_dim3A_60 : vector<16xf32> to vector<1x16xf32>
      tpu.vector_store %arg11[%swap3A, %swap3A_61], %swap3A_64 {strides = array<i32>} : memref<32x128xf32, #tpu.memory_space<vmem>>, vector<1x16xf32>,
    }
    %scan3A_5 = arith.constant 256 : i32
    %mul3A_6 = arith.constant 640 : i32
    %mul3A_7 = arith.muli %arg1, %mul3A_6 : i32
    %scan3A_8 = arith.constant 0 : i32
    %scan3A_9 = arith.constant 0 : i32
    %scan3A_10 = arith.constant 20 : i32
    %scan3A_11 = arith.addi %scan3A_9, %scan3A_10 : i32
    %scan3A_12 = arith.constant 1 : i32
    scf.for %scan3A_27 = %scan3A_9 to %scan3A_11 step %scan3A_12  : i32 {
      %mul3A_28 = arith.constant 32 : i32
      %mul3A_29 = arith.muli %scan3A_27, %mul3A_28 : i32
      %add3A_30 = arith.addi %mul3A_7, %mul3A_29 : i32
      "tpu.region"() ({
        %run_scoped3A = tpu.sem_alloc : memref<!tpu.dma_semaphore, #tpu.memory_space<semaphore_mem>>
        %dma_start3A = arith.constant 0 : i32
        %dma_start3A_31 = tpu.memref_slice %arg12[%add3A_30, %dma_start3A] : memref<10240x128xf32, #tpu.memory_space<vmem_shared>> -> memref<32x128xf32, #tpu.memory_space<vmem_shared>>
        %dma_start3A_32 = arith.constant 0 : i32
        %dma_start3A_33 = tpu.memref_slice %arg12[%add3A_30, %dma_start3A_32] : memref<10240x128xf32, #tpu.memory_space<vmem_shared>> -> memref<32x128xf32, #tpu.memory_space<vmem_shared>>
        tpu.enqueue_dma source(%arg11 : memref<32x128xf32, #tpu.memory_space<vmem>>) target(%dma_start3A_33 : memref<32x128xf32, #tpu.memory_space<vmem_shared>>) target_semaphore(%run_scoped3A : memref<!tpu.dma_semaphore, #tpu.memory_space<semaphore_mem>>)
        %dma_wait3A = arith.constant 0 : i32
        %dma_wait3A_34 = tpu.memref_slice %arg12[%add3A_30, %dma_wait3A] : memref<10240x128xf32, #tpu.memory_space<vmem_shared>> -> memref<32x128xf32, #tpu.memory_space<vmem_shared>>
        %dma_wait3A_35 = arith.constant 0 : i32
        %dma_wait3A_36 = tpu.memref_slice %arg12[%add3A_30, %dma_wait3A_35] : memref<10240x128xf32, #tpu.memory_space<vmem_shared>> -> memref<32x128xf32, #tpu.memory_space<vmem_shared>>
        tpu.wait_dma2 semaphore(%run_scoped3A : memref<!tpu.dma_semaphore, #tpu.memory_space<semaphore_mem>>) src(%arg11 : memref<32x128xf32, #tpu.memory_space<vmem>>) dst(%dma_wait3A_36 : memref<32x128xf32, #tpu.memory_space<vmem_shared>>)
        tpu.yield
      }) : () -> ()
    }
    %scan3A_13 = arith.constant 20 : i32
    %barrier3A = arith.constant 0 : index
    tpu.barrier barrier_id(%barrier3A)
    %scan3A_14 = arith.constant 0 : i32
    %scan3A_15 = arith.constant 0 : i32
    %scan3A_16 = arith.constant 5 : i32
    %scan3A_17 = arith.addi %scan3A_15, %scan3A_16 : i32
    %scan3A_18 = arith.constant 1 : i32
    scf.for %scan3A_27 = %scan3A_15 to %scan3A_17 step %scan3A_18  : i32 {
      "tpu.region"() ({
        %run_scoped3A = tpu.sem_alloc : memref<!tpu.dma_semaphore, #tpu.memory_space<semaphore_mem>>
        %dma_start3A = arith.constant 0 : i32
        %dma_start3A_34 = arith.constant 0 : i32
        %dma_start3A_35 = tpu.memref_slice %arg2[%add3A, %scan3A_27, %dma_start3A, %dma_start3A_34] : memref<32x5x25x80xi32, #tpu.memory_space<hbm>> -> memref<1x1x25x80xi32, #tpu.memory_space<hbm>>
        %dma_start3A_36 = tpu.memref_squeeze %dma_start3A_35 : memref<1x1x25x80xi32, #tpu.memory_space<hbm>> -> memref<25x80xi32, #tpu.memory_space<hbm>>
        %dma_start3A_37 = arith.constant 0 : i32
        %dma_start3A_38 = arith.constant 0 : i32
        %dma_start3A_39 = tpu.memref_slice %arg2[%add3A, %scan3A_27, %dma_start3A_37, %dma_start3A_38] : memref<32x5x25x80xi32, #tpu.memory_space<hbm>> -> memref<1x1x25x80xi32, #tpu.memory_space<hbm>>
        %dma_start3A_40 = tpu.memref_squeeze %dma_start3A_39 : memref<1x1x25x80xi32, #tpu.memory_space<hbm>> -> memref<25x80xi32, #tpu.memory_space<hbm>>
        tpu.enqueue_dma source(%dma_start3A_40 : memref<25x80xi32, #tpu.memory_space<hbm>>) target(%arg6 : memref<25x80xi32, #tpu.memory_space<vmem>>) target_semaphore(%run_scoped3A : memref<!tpu.dma_semaphore, #tpu.memory_space<semaphore_mem>>)
        %dma_wait3A = arith.constant 0 : i32
        %dma_wait3A_41 = arith.constant 0 : i32
        %dma_wait3A_42 = tpu.memref_slice %arg2[%add3A, %scan3A_27, %dma_wait3A, %dma_wait3A_41] : memref<32x5x25x80xi32, #tpu.memory_space<hbm>> -> memref<1x1x25x80xi32, #tpu.memory_space<hbm>>
        %dma_wait3A_43 = tpu.memref_squeeze %dma_wait3A_42 : memref<1x1x25x80xi32, #tpu.memory_space<hbm>> -> memref<25x80xi32, #tpu.memory_space<hbm>>
        %dma_wait3A_44 = arith.constant 0 : i32
        %dma_wait3A_45 = arith.constant 0 : i32
        %dma_wait3A_46 = tpu.memref_slice %arg2[%add3A, %scan3A_27, %dma_wait3A_44, %dma_wait3A_45] : memref<32x5x25x80xi32, #tpu.memory_space<hbm>> -> memref<1x1x25x80xi32, #tpu.memory_space<hbm>>
        %dma_wait3A_47 = tpu.memref_squeeze %dma_wait3A_46 : memref<1x1x25x80xi32, #tpu.memory_space<hbm>> -> memref<25x80xi32, #tpu.memory_space<hbm>>
        tpu.wait_dma2 semaphore(%run_scoped3A : memref<!tpu.dma_semaphore, #tpu.memory_space<semaphore_mem>>) src(%dma_wait3A_47 : memref<25x80xi32, #tpu.memory_space<hbm>>) dst(%arg6 : memref<25x80xi32, #tpu.memory_space<vmem>>)
        tpu.yield
      }) : () -> ()
      "tpu.region"() ({
        %run_scoped3A = tpu.sem_alloc : memref<!tpu.dma_semaphore, #tpu.memory_space<semaphore_mem>>
        %dma_start3A = arith.constant 0 : i32
        %dma_start3A_34 = arith.constant 0 : i32
        %dma_start3A_35 = tpu.memref_slice %arg3[%add3A, %scan3A_27, %dma_start3A, %dma_start3A_34] : memref<32x5x25x80xi32, #tpu.memory_space<hbm>> -> memref<1x1x25x80xi32, #tpu.memory_space<hbm>>
        %dma_start3A_36 = tpu.memref_squeeze %dma_start3A_35 : memref<1x1x25x80xi32, #tpu.memory_space<hbm>> -> memref<25x80xi32, #tpu.memory_space<hbm>>
        %dma_start3A_37 = arith.constant 0 : i32
        %dma_start3A_38 = arith.constant 0 : i32
        %dma_start3A_39 = tpu.memref_slice %arg3[%add3A, %scan3A_27, %dma_start3A_37, %dma_start3A_38] : memref<32x5x25x80xi32, #tpu.memory_space<hbm>> -> memref<1x1x25x80xi32, #tpu.memory_space<hbm>>
        %dma_start3A_40 = tpu.memref_squeeze %dma_start3A_39 : memref<1x1x25x80xi32, #tpu.memory_space<hbm>> -> memref<25x80xi32, #tpu.memory_space<hbm>>
        tpu.enqueue_dma source(%dma_start3A_40 : memref<25x80xi32, #tpu.memory_space<hbm>>) target(%arg7 : memref<25x80xi32, #tpu.memory_space<vmem>>) target_semaphore(%run_scoped3A : memref<!tpu.dma_semaphore, #tpu.memory_space<semaphore_mem>>)
        %dma_wait3A = arith.constant 0 : i32
        %dma_wait3A_41 = arith.constant 0 : i32
        %dma_wait3A_42 = tpu.memref_slice %arg3[%add3A, %scan3A_27, %dma_wait3A, %dma_wait3A_41] : memref<32x5x25x80xi32, #tpu.memory_space<hbm>> -> memref<1x1x25x80xi32, #tpu.memory_space<hbm>>
        %dma_wait3A_43 = tpu.memref_squeeze %dma_wait3A_42 : memref<1x1x25x80xi32, #tpu.memory_space<hbm>> -> memref<25x80xi32, #tpu.memory_space<hbm>>
        %dma_wait3A_44 = arith.constant 0 : i32
        %dma_wait3A_45 = arith.constant 0 : i32
        %dma_wait3A_46 = tpu.memref_slice %arg3[%add3A, %scan3A_27, %dma_wait3A_44, %dma_wait3A_45] : memref<32x5x25x80xi32, #tpu.memory_space<hbm>> -> memref<1x1x25x80xi32, #tpu.memory_space<hbm>>
        %dma_wait3A_47 = tpu.memref_squeeze %dma_wait3A_46 : memref<1x1x25x80xi32, #tpu.memory_space<hbm>> -> memref<25x80xi32, #tpu.memory_space<hbm>>
        tpu.wait_dma2 semaphore(%run_scoped3A : memref<!tpu.dma_semaphore, #tpu.memory_space<semaphore_mem>>) src(%dma_wait3A_47 : memref<25x80xi32, #tpu.memory_space<hbm>>) dst(%arg7 : memref<25x80xi32, #tpu.memory_space<vmem>>)
        tpu.yield
      }) : () -> ()
      %scan3A_28 = arith.constant 0 : i32
      %scan3A_29 = arith.constant 0 : i32
      %scan3A_30 = arith.constant 5 : i32
      %scan3A_31 = arith.addi %scan3A_29, %scan3A_30 : i32
      %scan3A_32 = arith.constant 1 : i32
      scf.for %scan3A_34 = %scan3A_29 to %scan3A_31 step %scan3A_32  : i32 {
        %mul3A_35 = arith.constant 5 : i32
        %mul3A_36 = arith.muli %scan3A_34, %mul3A_35 : i32
        %add3A_37 = arith.constant 0 : i32
        %add3A_38 = arith.addi %mul3A_36, %add3A_37 : i32
        %dma_start3A = arith.constant 0 : i32
        %dma_start3A_39 = tpu.memref_slice %arg6[%add3A_38, %dma_start3A] : memref<25x80xi32, #tpu.memory_space<vmem>> -> memref<1x80xi32, #tpu.memory_space<vmem>>
        %dma_start3A_40 = tpu.memref_squeeze %dma_start3A_39 : memref<1x80xi32, #tpu.memory_space<vmem>> -> memref<80xi32, #tpu.memory_space<vmem>>
        %dma_start3A_41 = arith.constant 0 : i32
        %dma_start3A_42 = arith.constant 0 : i32
        %dma_start3A_43 = tpu.memref_slice %arg4[%dma_start3A_41, %dma_start3A_42] : memref<10000x128xf32, #tpu.memory_space<hbm>> -> memref<10000x128xf32, #tpu.memory_space<hbm>>
        tpu.enqueue_indirect_dma source(%dma_start3A_43 : memref<10000x128xf32, #tpu.memory_space<hbm>>) target(%arg8 : memref<80x128xf32, #tpu.memory_space<vmem>>) offsets(%dma_start3A_40 : memref<80xi32, #tpu.memory_space<vmem>>) semaphore(%arg13 : memref<!tpu.dma_semaphore, #tpu.memory_space<semaphore_mem>>)
        %add3A_44 = arith.constant 1 : i32
        %add3A_45 = arith.addi %mul3A_36, %add3A_44 : i32
        %dma_start3A_46 = arith.constant 0 : i32
        %dma_start3A_47 = tpu.memref_slice %arg6[%add3A_45, %dma_start3A_46] : memref<25x80xi32, #tpu.memory_space<vmem>> -> memref<1x80xi32, #tpu.memory_space<vmem>>
        %dma_start3A_48 = tpu.memref_squeeze %dma_start3A_47 : memref<1x80xi32, #tpu.memory_space<vmem>> -> memref<80xi32, #tpu.memory_space<vmem>>
        %dma_start3A_49 = arith.constant 0 : i32
        %dma_start3A_50 = arith.constant 0 : i32
        %dma_start3A_51 = tpu.memref_slice %arg4[%dma_start3A_49, %dma_start3A_50] : memref<10000x128xf32, #tpu.memory_space<hbm>> -> memref<10000x128xf32, #tpu.memory_space<hbm>>
        tpu.enqueue_indirect_dma source(%dma_start3A_51 : memref<10000x128xf32, #tpu.memory_space<hbm>>) target(%arg9 : memref<80x128xf32, #tpu.memory_space<vmem>>) offsets(%dma_start3A_48 : memref<80xi32, #tpu.memory_space<vmem>>) semaphore(%arg14 : memref<!tpu.dma_semaphore, #tpu.memory_space<semaphore_mem>>)
        %add3A_52 = arith.constant 2 : i32
        %add3A_53 = arith.addi %mul3A_36, %add3A_52 : i32
        %dma_start3A_54 = arith.constant 0 : i32
        %dma_start3A_55 = tpu.memref_slice %arg6[%add3A_53, %dma_start3A_54] : memref<25x80xi32, #tpu.memory_space<vmem>> -> memref<1x80xi32, #tpu.memory_space<vmem>>
        %dma_start3A_56 = tpu.memref_squeeze %dma_start3A_55 : memref<1x80xi32, #tpu.memory_space<vmem>> -> memref<80xi32, #tpu.memory_space<vmem>>
        %dma_start3A_57 = arith.constant 0 : i32
        %dma_start3A_58 = arith.constant 0 : i32
        %dma_start3A_59 = tpu.memref_slice %arg4[%dma_start3A_57, %dma_start3A_58] : memref<10000x128xf32, #tpu.memory_space<hbm>> -> memref<10000x128xf32, #tpu.memory_space<hbm>>
        tpu.enqueue_indirect_dma source(%dma_start3A_59 : memref<10000x128xf32, #tpu.memory_space<hbm>>) target(%arg10 : memref<80x128xf32, #tpu.memory_space<vmem>>) offsets(%dma_start3A_56 : memref<80xi32, #tpu.memory_space<vmem>>) semaphore(%arg15 : memref<!tpu.dma_semaphore, #tpu.memory_space<semaphore_mem>>)
        %dma_wait3A = arith.constant 0 : i32
        %dma_wait3A_60 = tpu.memref_slice %arg6[%add3A_38, %dma_wait3A] : memref<25x80xi32, #tpu.memory_space<vmem>> -> memref<1x80xi32, #tpu.memory_space<vmem>>
        %dma_wait3A_61 = tpu.memref_squeeze %dma_wait3A_60 : memref<1x80xi32, #tpu.memory_space<vmem>> -> memref<80xi32, #tpu.memory_space<vmem>>
        %dma_wait3A_62 = arith.constant 0 : i32
        %dma_wait3A_63 = arith.constant 0 : i32
        %dma_wait3A_64 = tpu.memref_slice %arg4[%dma_wait3A_62, %dma_wait3A_63] : memref<10000x128xf32, #tpu.memory_space<hbm>> -> memref<10000x128xf32, #tpu.memory_space<hbm>>
        tpu.wait_indirect_dma semaphore(%arg13 : memref<!tpu.dma_semaphore, #tpu.memory_space<semaphore_mem>>) src(%dma_wait3A_64 : memref<10000x128xf32, #tpu.memory_space<hbm>>) dst(%arg8 : memref<80x128xf32, #tpu.memory_space<vmem>>)
        %add3A_65 = arith.constant 0 : i32
        %add3A_66 = arith.addi %mul3A_36, %add3A_65 : i32
        %dma_start3A_67 = arith.constant 0 : i32
        %dma_start3A_68 = tpu.memref_slice %arg7[%add3A_66, %dma_start3A_67] : memref<25x80xi32, #tpu.memory_space<vmem>> -> memref<1x80xi32, #tpu.memory_space<vmem>>
        %dma_start3A_69 = tpu.memref_squeeze %dma_start3A_68 : memref<1x80xi32, #tpu.memory_space<vmem>> -> memref<80xi32, #tpu.memory_space<vmem>>
        %dma_start3A_70 = arith.constant 0 : i32
        %dma_start3A_71 = arith.constant 0 : i32
        %dma_start3A_72 = tpu.memref_slice %arg12[%dma_start3A_70, %dma_start3A_71] : memref<10240x128xf32, #tpu.memory_space<vmem_shared>> -> memref<10240x128xf32, #tpu.memory_space<vmem_shared>>
        tpu.enqueue_indirect_dma source(%arg8 : memref<80x128xf32, #tpu.memory_space<vmem>>) target(%dma_start3A_72 : memref<10240x128xf32, #tpu.memory_space<vmem_shared>>) offsets(%dma_start3A_69 : memref<80xi32, #tpu.memory_space<vmem>>) semaphore(%arg16 : memref<!tpu.dma_semaphore, #tpu.memory_space<semaphore_mem>>) {add = true}
        %dma_wait3A_73 = arith.constant 0 : i32
        %dma_wait3A_74 = tpu.memref_slice %arg7[%add3A_66, %dma_wait3A_73] : memref<25x80xi32, #tpu.memory_space<vmem>> -> memref<1x80xi32, #tpu.memory_space<vmem>>
        %dma_wait3A_75 = tpu.memref_squeeze %dma_wait3A_74 : memref<1x80xi32, #tpu.memory_space<vmem>> -> memref<80xi32, #tpu.memory_space<vmem>>
        %dma_wait3A_76 = arith.constant 0 : i32
        %dma_wait3A_77 = arith.constant 0 : i32
        %dma_wait3A_78 = tpu.memref_slice %arg12[%dma_wait3A_76, %dma_wait3A_77] : memref<10240x128xf32, #tpu.memory_space<vmem_shared>> -> memref<10240x128xf32, #tpu.memory_space<vmem_shared>>
        tpu.wait_indirect_dma semaphore(%arg16 : memref<!tpu.dma_semaphore, #tpu.memory_space<semaphore_mem>>) src(%arg8 : memref<80x128xf32, #tpu.memory_space<vmem>>) dst(%dma_wait3A_78 : memref<10240x128xf32, #tpu.memory_space<vmem_shared>>)
        %add3A_79 = arith.constant 3 : i32
        %add3A_80 = arith.addi %mul3A_36, %add3A_79 : i32
        %dma_start3A_81 = arith.constant 0 : i32
        %dma_start3A_82 = tpu.memref_slice %arg6[%add3A_80, %dma_start3A_81] : memref<25x80xi32, #tpu.memory_space<vmem>> -> memref<1x80xi32, #tpu.memory_space<vmem>>
        %dma_start3A_83 = tpu.memref_squeeze %dma_start3A_82 : memref<1x80xi32, #tpu.memory_space<vmem>> -> memref<80xi32, #tpu.memory_space<vmem>>
        %dma_start3A_84 = arith.constant 0 : i32
        %dma_start3A_85 = arith.constant 0 : i32
        %dma_start3A_86 = tpu.memref_slice %arg4[%dma_start3A_84, %dma_start3A_85] : memref<10000x128xf32, #tpu.memory_space<hbm>> -> memref<10000x128xf32, #tpu.memory_space<hbm>>
        tpu.enqueue_indirect_dma source(%dma_start3A_86 : memref<10000x128xf32, #tpu.memory_space<hbm>>) target(%arg8 : memref<80x128xf32, #tpu.memory_space<vmem>>) offsets(%dma_start3A_83 : memref<80xi32, #tpu.memory_space<vmem>>) semaphore(%arg13 : memref<!tpu.dma_semaphore, #tpu.memory_space<semaphore_mem>>)
        %dma_wait3A_87 = arith.constant 0 : i32
        %dma_wait3A_88 = tpu.memref_slice %arg6[%add3A_45, %dma_wait3A_87] : memref<25x80xi32, #tpu.memory_space<vmem>> -> memref<1x80xi32, #tpu.memory_space<vmem>>
        %dma_wait3A_89 = tpu.memref_squeeze %dma_wait3A_88 : memref<1x80xi32, #tpu.memory_space<vmem>> -> memref<80xi32, #tpu.memory_space<vmem>>
        %dma_wait3A_90 = arith.constant 0 : i32
        %dma_wait3A_91 = arith.constant 0 : i32
        %dma_wait3A_92 = tpu.memref_slice %arg4[%dma_wait3A_90, %dma_wait3A_91] : memref<10000x128xf32, #tpu.memory_space<hbm>> -> memref<10000x128xf32, #tpu.memory_space<hbm>>
        tpu.wait_indirect_dma semaphore(%arg14 : memref<!tpu.dma_semaphore, #tpu.memory_space<semaphore_mem>>) src(%dma_wait3A_92 : memref<10000x128xf32, #tpu.memory_space<hbm>>) dst(%arg9 : memref<80x128xf32, #tpu.memory_space<vmem>>)
        %add3A_93 = arith.constant 1 : i32
        %add3A_94 = arith.addi %mul3A_36, %add3A_93 : i32
        %dma_start3A_95 = arith.constant 0 : i32
        %dma_start3A_96 = tpu.memref_slice %arg7[%add3A_94, %dma_start3A_95] : memref<25x80xi32, #tpu.memory_space<vmem>> -> memref<1x80xi32, #tpu.memory_space<vmem>>
        %dma_start3A_97 = tpu.memref_squeeze %dma_start3A_96 : memref<1x80xi32, #tpu.memory_space<vmem>> -> memref<80xi32, #tpu.memory_space<vmem>>
        %dma_start3A_98 = arith.constant 0 : i32
        %dma_start3A_99 = arith.constant 0 : i32
        %dma_start3A_100 = tpu.memref_slice %arg12[%dma_start3A_98, %dma_start3A_99] : memref<10240x128xf32, #tpu.memory_space<vmem_shared>> -> memref<10240x128xf32, #tpu.memory_space<vmem_shared>>
        tpu.enqueue_indirect_dma source(%arg9 : memref<80x128xf32, #tpu.memory_space<vmem>>) target(%dma_start3A_100 : memref<10240x128xf32, #tpu.memory_space<vmem_shared>>) offsets(%dma_start3A_97 : memref<80xi32, #tpu.memory_space<vmem>>) semaphore(%arg17 : memref<!tpu.dma_semaphore, #tpu.memory_space<semaphore_mem>>) {add = true}
        %dma_wait3A_101 = arith.constant 0 : i32
        %dma_wait3A_102 = tpu.memref_slice %arg7[%add3A_94, %dma_wait3A_101] : memref<25x80xi32, #tpu.memory_space<vmem>> -> memref<1x80xi32, #tpu.memory_space<vmem>>
        %dma_wait3A_103 = tpu.memref_squeeze %dma_wait3A_102 : memref<1x80xi32, #tpu.memory_space<vmem>> -> memref<80xi32, #tpu.memory_space<vmem>>
        %dma_wait3A_104 = arith.constant 0 : i32
        %dma_wait3A_105 = arith.constant 0 : i32
        %dma_wait3A_106 = tpu.memref_slice %arg12[%dma_wait3A_104, %dma_wait3A_105] : memref<10240x128xf32, #tpu.memory_space<vmem_shared>> -> memref<10240x128xf32, #tpu.memory_space<vmem_shared>>
        tpu.wait_indirect_dma semaphore(%arg17 : memref<!tpu.dma_semaphore, #tpu.memory_space<semaphore_mem>>) src(%arg9 : memref<80x128xf32, #tpu.memory_space<vmem>>) dst(%dma_wait3A_106 : memref<10240x128xf32, #tpu.memory_space<vmem_shared>>)
        %add3A_107 = arith.constant 4 : i32
        %add3A_108 = arith.addi %mul3A_36, %add3A_107 : i32
        %dma_start3A_109 = arith.constant 0 : i32
        %dma_start3A_110 = tpu.memref_slice %arg6[%add3A_108, %dma_start3A_109] : memref<25x80xi32, #tpu.memory_space<vmem>> -> memref<1x80xi32, #tpu.memory_space<vmem>>
        %dma_start3A_111 = tpu.memref_squeeze %dma_start3A_110 : memref<1x80xi32, #tpu.memory_space<vmem>> -> memref<80xi32, #tpu.memory_space<vmem>>
        %dma_start3A_112 = arith.constant 0 : i32
        %dma_start3A_113 = arith.constant 0 : i32
        %dma_start3A_114 = tpu.memref_slice %arg4[%dma_start3A_112, %dma_start3A_113] : memref<10000x128xf32, #tpu.memory_space<hbm>> -> memref<10000x128xf32, #tpu.memory_space<hbm>>
        tpu.enqueue_indirect_dma source(%dma_start3A_114 : memref<10000x128xf32, #tpu.memory_space<hbm>>) target(%arg9 : memref<80x128xf32, #tpu.memory_space<vmem>>) offsets(%dma_start3A_111 : memref<80xi32, #tpu.memory_space<vmem>>) semaphore(%arg14 : memref<!tpu.dma_semaphore, #tpu.memory_space<semaphore_mem>>)
        %dma_wait3A_115 = arith.constant 0 : i32
        %dma_wait3A_116 = tpu.memref_slice %arg6[%add3A_53, %dma_wait3A_115] : memref<25x80xi32, #tpu.memory_space<vmem>> -> memref<1x80xi32, #tpu.memory_space<vmem>>
        %dma_wait3A_117 = tpu.memref_squeeze %dma_wait3A_116 : memref<1x80xi32, #tpu.memory_space<vmem>> -> memref<80xi32, #tpu.memory_space<vmem>>
        %dma_wait3A_118 = arith.constant 0 : i32
        %dma_wait3A_119 = arith.constant 0 : i32
        %dma_wait3A_120 = tpu.memref_slice %arg4[%dma_wait3A_118, %dma_wait3A_119] : memref<10000x128xf32, #tpu.memory_space<hbm>> -> memref<10000x128xf32, #tpu.memory_space<hbm>>
        tpu.wait_indirect_dma semaphore(%arg15 : memref<!tpu.dma_semaphore, #tpu.memory_space<semaphore_mem>>) src(%dma_wait3A_120 : memref<10000x128xf32, #tpu.memory_space<hbm>>) dst(%arg10 : memref<80x128xf32, #tpu.memory_space<vmem>>)
        %add3A_121 = arith.constant 2 : i32
        %add3A_122 = arith.addi %mul3A_36, %add3A_121 : i32
        %dma_start3A_123 = arith.constant 0 : i32
        %dma_start3A_124 = tpu.memref_slice %arg7[%add3A_122, %dma_start3A_123] : memref<25x80xi32, #tpu.memory_space<vmem>> -> memref<1x80xi32, #tpu.memory_space<vmem>>
        %dma_start3A_125 = tpu.memref_squeeze %dma_start3A_124 : memref<1x80xi32, #tpu.memory_space<vmem>> -> memref<80xi32, #tpu.memory_space<vmem>>
        %dma_start3A_126 = arith.constant 0 : i32
        %dma_start3A_127 = arith.constant 0 : i32
        %dma_start3A_128 = tpu.memref_slice %arg12[%dma_start3A_126, %dma_start3A_127] : memref<10240x128xf32, #tpu.memory_space<vmem_shared>> -> memref<10240x128xf32, #tpu.memory_space<vmem_shared>>
        tpu.enqueue_indirect_dma source(%arg10 : memref<80x128xf32, #tpu.memory_space<vmem>>) target(%dma_start3A_128 : memref<10240x128xf32, #tpu.memory_space<vmem_shared>>) offsets(%dma_start3A_125 : memref<80xi32, #tpu.memory_space<vmem>>) semaphore(%arg18 : memref<!tpu.dma_semaphore, #tpu.memory_space<semaphore_mem>>) {add = true}
        %dma_wait3A_129 = arith.constant 0 : i32
        %dma_wait3A_130 = tpu.memref_slice %arg6[%add3A_80, %dma_wait3A_129] : memref<25x80xi32, #tpu.memory_space<vmem>> -> memref<1x80xi32, #tpu.memory_space<vmem>>
        %dma_wait3A_131 = tpu.memref_squeeze %dma_wait3A_130 : memref<1x80xi32, #tpu.memory_space<vmem>> -> memref<80xi32, #tpu.memory_space<vmem>>
        %dma_wait3A_132 = arith.constant 0 : i32
        %dma_wait3A_133 = arith.constant 0 : i32
        %dma_wait3A_134 = tpu.memref_slice %arg4[%dma_wait3A_132, %dma_wait3A_133] : memref<10000x128xf32, #tpu.memory_space<hbm>> -> memref<10000x128xf32, #tpu.memory_space<hbm>>
        tpu.wait_indirect_dma semaphore(%arg13 : memref<!tpu.dma_semaphore, #tpu.memory_space<semaphore_mem>>) src(%dma_wait3A_134 : memref<10000x128xf32, #tpu.memory_space<hbm>>) dst(%arg8 : memref<80x128xf32, #tpu.memory_space<vmem>>)
        %add3A_135 = arith.constant 3 : i32
        %add3A_136 = arith.addi %mul3A_36, %add3A_135 : i32
        %dma_start3A_137 = arith.constant 0 : i32
        %dma_start3A_138 = tpu.memref_slice %arg7[%add3A_136, %dma_start3A_137] : memref<25x80xi32, #tpu.memory_space<vmem>> -> memref<1x80xi32, #tpu.memory_space<vmem>>
        %dma_start3A_139 = tpu.memref_squeeze %dma_start3A_138 : memref<1x80xi32, #tpu.memory_space<vmem>> -> memref<80xi32, #tpu.memory_space<vmem>>
        %dma_start3A_140 = arith.constant 0 : i32
        %dma_start3A_141 = arith.constant 0 : i32
        %dma_start3A_142 = tpu.memref_slice %arg12[%dma_start3A_140, %dma_start3A_141] : memref<10240x128xf32, #tpu.memory_space<vmem_shared>> -> memref<10240x128xf32, #tpu.memory_space<vmem_shared>>
        tpu.enqueue_indirect_dma source(%arg8 : memref<80x128xf32, #tpu.memory_space<vmem>>) target(%dma_start3A_142 : memref<10240x128xf32, #tpu.memory_space<vmem_shared>>) offsets(%dma_start3A_139 : memref<80xi32, #tpu.memory_space<vmem>>) semaphore(%arg16 : memref<!tpu.dma_semaphore, #tpu.memory_space<semaphore_mem>>) {add = true}
        %dma_wait3A_143 = arith.constant 0 : i32
        %dma_wait3A_144 = tpu.memref_slice %arg6[%add3A_108, %dma_wait3A_143] : memref<25x80xi32, #tpu.memory_space<vmem>> -> memref<1x80xi32, #tpu.memory_space<vmem>>
        %dma_wait3A_145 = tpu.memref_squeeze %dma_wait3A_144 : memref<1x80xi32, #tpu.memory_space<vmem>> -> memref<80xi32, #tpu.memory_space<vmem>>
        %dma_wait3A_146 = arith.constant 0 : i32
        %dma_wait3A_147 = arith.constant 0 : i32
        %dma_wait3A_148 = tpu.memref_slice %arg4[%dma_wait3A_146, %dma_wait3A_147] : memref<10000x128xf32, #tpu.memory_space<hbm>> -> memref<10000x128xf32, #tpu.memory_space<hbm>>
        tpu.wait_indirect_dma semaphore(%arg14 : memref<!tpu.dma_semaphore, #tpu.memory_space<semaphore_mem>>) src(%dma_wait3A_148 : memref<10000x128xf32, #tpu.memory_space<hbm>>) dst(%arg9 : memref<80x128xf32, #tpu.memory_space<vmem>>)
        %add3A_149 = arith.constant 4 : i32
        %add3A_150 = arith.addi %mul3A_36, %add3A_149 : i32
        %dma_start3A_151 = arith.constant 0 : i32
        %dma_start3A_152 = tpu.memref_slice %arg7[%add3A_150, %dma_start3A_151] : memref<25x80xi32, #tpu.memory_space<vmem>> -> memref<1x80xi32, #tpu.memory_space<vmem>>
        %dma_start3A_153 = tpu.memref_squeeze %dma_start3A_152 : memref<1x80xi32, #tpu.memory_space<vmem>> -> memref<80xi32, #tpu.memory_space<vmem>>
        %dma_start3A_154 = arith.constant 0 : i32
        %dma_start3A_155 = arith.constant 0 : i32
        %dma_start3A_156 = tpu.memref_slice %arg12[%dma_start3A_154, %dma_start3A_155] : memref<10240x128xf32, #tpu.memory_space<vmem_shared>> -> memref<10240x128xf32, #tpu.memory_space<vmem_shared>>
        tpu.enqueue_indirect_dma source(%arg9 : memref<80x128xf32, #tpu.memory_space<vmem>>) target(%dma_start3A_156 : memref<10240x128xf32, #tpu.memory_space<vmem_shared>>) offsets(%dma_start3A_153 : memref<80xi32, #tpu.memory_space<vmem>>) semaphore(%arg17 : memref<!tpu.dma_semaphore, #tpu.memory_space<semaphore_mem>>) {add = true}
        %dma_wait3A_157 = arith.constant 0 : i32
        %dma_wait3A_158 = tpu.memref_slice %arg7[%add3A_136, %dma_wait3A_157] : memref<25x80xi32, #tpu.memory_space<vmem>> -> memref<1x80xi32, #tpu.memory_space<vmem>>
        %dma_wait3A_159 = tpu.memref_squeeze %dma_wait3A_158 : memref<1x80xi32, #tpu.memory_space<vmem>> -> memref<80xi32, #tpu.memory_space<vmem>>
        %dma_wait3A_160 = arith.constant 0 : i32
        %dma_wait3A_161 = arith.constant 0 : i32
        %dma_wait3A_162 = tpu.memref_slice %arg12[%dma_wait3A_160, %dma_wait3A_161] : memref<10240x128xf32, #tpu.memory_space<vmem_shared>> -> memref<10240x128xf32, #tpu.memory_space<vmem_shared>>
        tpu.wait_indirect_dma semaphore(%arg16 : memref<!tpu.dma_semaphore, #tpu.memory_space<semaphore_mem>>) src(%arg8 : memref<80x128xf32, #tpu.memory_space<vmem>>) dst(%dma_wait3A_162 : memref<10240x128xf32, #tpu.memory_space<vmem_shared>>)
        %dma_wait3A_163 = arith.constant 0 : i32
        %dma_wait3A_164 = tpu.memref_slice %arg7[%add3A_150, %dma_wait3A_163] : memref<25x80xi32, #tpu.memory_space<vmem>> -> memref<1x80xi32, #tpu.memory_space<vmem>>
        %dma_wait3A_165 = tpu.memref_squeeze %dma_wait3A_164 : memref<1x80xi32, #tpu.memory_space<vmem>> -> memref<80xi32, #tpu.memory_space<vmem>>
        %dma_wait3A_166 = arith.constant 0 : i32
        %dma_wait3A_167 = arith.constant 0 : i32
        %dma_wait3A_168 = tpu.memref_slice %arg12[%dma_wait3A_166, %dma_wait3A_167] : memref<10240x128xf32, #tpu.memory_space<vmem_shared>> -> memref<10240x128xf32, #tpu.memory_space<vmem_shared>>
        tpu.wait_indirect_dma semaphore(%arg17 : memref<!tpu.dma_semaphore, #tpu.memory_space<semaphore_mem>>) src(%arg9 : memref<80x128xf32, #tpu.memory_space<vmem>>) dst(%dma_wait3A_168 : memref<10240x128xf32, #tpu.memory_space<vmem_shared>>)
      }
      %scan3A_33 = arith.constant 5 : i32
    }
    %scan3A_19 = arith.constant 5 : i32
    %barrier3A_20 = arith.constant 0 : index
    tpu.barrier barrier_id(%barrier3A_20)
    %scan3A_21 = arith.constant 0 : i32
    %scan3A_22 = arith.constant 0 : i32
    %scan3A_23 = arith.constant 20 : i32
    %scan3A_24 = arith.addi %scan3A_22, %scan3A_23 : i32
    %scan3A_25 = arith.constant 1 : i32
    scf.for %scan3A_27 = %scan3A_22 to %scan3A_24 step %scan3A_25  : i32 {
      %mul3A_28 = arith.constant 32 : i32
      %mul3A_29 = arith.muli %scan3A_27, %mul3A_28 : i32
      %add3A_30 = arith.addi %mul3A_7, %mul3A_29 : i32
      "tpu.region"() ({
        %run_scoped3A = tpu.sem_alloc : memref<!tpu.dma_semaphore, #tpu.memory_space<semaphore_mem>>
        %dma_start3A = arith.constant 0 : i32
        %dma_start3A_31 = tpu.memref_slice %arg12[%add3A_30, %dma_start3A] : memref<10240x128xf32, #tpu.memory_space<vmem_shared>> -> memref<32x128xf32, #tpu.memory_space<vmem_shared>>
        %dma_start3A_32 = arith.constant 0 : i32
        %dma_start3A_33 = tpu.memref_slice %arg12[%add3A_30, %dma_start3A_32] : memref<10240x128xf32, #tpu.memory_space<vmem_shared>> -> memref<32x128xf32, #tpu.memory_space<vmem_shared>>
        tpu.enqueue_dma source(%dma_start3A_33 : memref<32x128xf32, #tpu.memory_space<vmem_shared>>) target(%arg11 : memref<32x128xf32, #tpu.memory_space<vmem>>) target_semaphore(%run_scoped3A : memref<!tpu.dma_semaphore, #tpu.memory_space<semaphore_mem>>)
        %dma_wait3A = arith.constant 0 : i32
        %dma_wait3A_34 = tpu.memref_slice %arg12[%add3A_30, %dma_wait3A] : memref<10240x128xf32, #tpu.memory_space<vmem_shared>> -> memref<32x128xf32, #tpu.memory_space<vmem_shared>>
        %dma_wait3A_35 = arith.constant 0 : i32
        %dma_wait3A_36 = tpu.memref_slice %arg12[%add3A_30, %dma_wait3A_35] : memref<10240x128xf32, #tpu.memory_space<vmem_shared>> -> memref<32x128xf32, #tpu.memory_space<vmem_shared>>
        tpu.wait_dma2 semaphore(%run_scoped3A : memref<!tpu.dma_semaphore, #tpu.memory_space<semaphore_mem>>) src(%dma_wait3A_36 : memref<32x128xf32, #tpu.memory_space<vmem_shared>>) dst(%arg11 : memref<32x128xf32, #tpu.memory_space<vmem>>)
        tpu.yield
      }) : () -> ()
      "tpu.region"() ({
        %run_scoped3A = tpu.sem_alloc : memref<!tpu.dma_semaphore, #tpu.memory_space<semaphore_mem>>
        %dma_start3A = arith.constant 0 : i32
        %dma_start3A_31 = tpu.memref_slice %arg5[%arg0, %add3A_30, %dma_start3A] : memref<2x10240x128xf32, #tpu.memory_space<hbm>> -> memref<1x32x128xf32, #tpu.memory_space<hbm>>
        %dma_start3A_32 = tpu.memref_squeeze %dma_start3A_31 : memref<1x32x128xf32, #tpu.memory_space<hbm>> -> memref<32x128xf32, #tpu.memory_space<hbm>>
        %dma_start3A_33 = arith.constant 0 : i32
        %dma_start3A_34 = tpu.memref_slice %arg5[%arg0, %add3A_30, %dma_start3A_33] : memref<2x10240x128xf32, #tpu.memory_space<hbm>> -> memref<1x32x128xf32, #tpu.memory_space<hbm>>
        %dma_start3A_35 = tpu.memref_squeeze %dma_start3A_34 : memref<1x32x128xf32, #tpu.memory_space<hbm>> -> memref<32x128xf32, #tpu.memory_space<hbm>>
        tpu.enqueue_dma source(%arg11 : memref<32x128xf32, #tpu.memory_space<vmem>>) target(%dma_start3A_35 : memref<32x128xf32, #tpu.memory_space<hbm>>) target_semaphore(%run_scoped3A : memref<!tpu.dma_semaphore, #tpu.memory_space<semaphore_mem>>)
        %dma_wait3A = arith.constant 0 : i32
        %dma_wait3A_36 = tpu.memref_slice %arg5[%arg0, %add3A_30, %dma_wait3A] : memref<2x10240x128xf32, #tpu.memory_space<hbm>> -> memref<1x32x128xf32, #tpu.memory_space<hbm>>
        %dma_wait3A_37 = tpu.memref_squeeze %dma_wait3A_36 : memref<1x32x128xf32, #tpu.memory_space<hbm>> -> memref<32x128xf32, #tpu.memory_space<hbm>>
        %dma_wait3A_38 = arith.constant 0 : i32
        %dma_wait3A_39 = tpu.memref_slice %arg5[%arg0, %add3A_30, %dma_wait3A_38] : memref<2x10240x128xf32, #tpu.memory_space<hbm>> -> memref<1x32x128xf32, #tpu.memory_space<hbm>>
        %dma_wait3A_40 = tpu.memref_squeeze %dma_wait3A_39 : memref<1x32x128xf32, #tpu.memory_space<hbm>> -> memref<32x128xf32, #tpu.memory_space<hbm>>
        tpu.wait_dma2 semaphore(%run_scoped3A : memref<!tpu.dma_semaphore, #tpu.memory_space<semaphore_mem>>) src(%arg11 : memref<32x128xf32, #tpu.memory_space<vmem>>) dst(%dma_wait3A_40 : memref<32x128xf32, #tpu.memory_space<hbm>>)
        tpu.yield
      }) : () -> ()
    }
    %scan3A_26 = arith.constant 20 : i32
    return
  }
}

#map = affine_map<(d0, d1) -> (0, 0, 0, 0)>
#map1 = affine_map<(d0, d1) -> (0, 0)>
#map2 = affine_map<(d0, d1) -> (0, 0, 0)>
module attributes {stable_mosaic.version = 14 : i64} {
  func.func @_segsum128_body(%arg0: i32, %arg1: i32, %arg2: memref<32x5x25x80xi32, #tpu.memory_space<hbm>>, %arg3: memref<32x5x25x80xi32, #tpu.memory_space<hbm>>, %arg4: memref<10000x128xf32, #tpu.memory_space<hbm>>, %arg5: memref<2x10240x128xf32, #tpu.memory_space<hbm>>, %arg6: memref<25x80xi32, #tpu.memory_space<vmem>>, %arg7: memref<25x80xi32, #tpu.memory_space<vmem>>, %arg8: memref<80x128xf32, #tpu.memory_space<vmem>>, %arg9: memref<80x128xf32, #tpu.memory_space<vmem>>, %arg10: memref<80x128xf32, #tpu.memory_space<vmem>>, %arg11: memref<32x128xf32, #tpu.memory_space<vmem>>, %arg12: memref<10240x128xf32, #tpu.memory_space<vmem_shared>>, %arg13: memref<!tpu.dma_semaphore, #tpu.memory_space<semaphore_mem>>, %arg14: memref<!tpu.dma_semaphore, #tpu.memory_space<semaphore_mem>>, %arg15: memref<!tpu.dma_semaphore, #tpu.memory_space<semaphore_mem>>, %arg16: memref<!tpu.dma_semaphore, #tpu.memory_space<semaphore_mem>>, %arg17: memref<!tpu.dma_semaphore, #tpu.memory_space<semaphore_mem>>, %arg18: memref<!tpu.dma_semaphore, #tpu.memory_space<semaphore_mem>>) attributes {dimension_semantics = [#tpu.dimension_semantics<core_parallel>, #tpu.dimension_semantics<subcore_parallel>], iteration_bounds = array<i64: 2, 16>, scalar_prefetch = 0 : i64, scratch_operands = 13 : i64, tpu.core_type = #tpu.core_type<sc_vector_subcore>, window_params = [{transform_indices = #map}, {transform_indices = #map}, {transform_indices = #map1}, {transform_indices = #map2}]} {
    %mul3A = arith.constant 16 : i32
    %mul3A_0 = arith.muli %arg0, %mul3A : i32
    %add3A = arith.addi %mul3A_0, %arg1 : i32
    %scan3A = arith.constant 0 : i32
    %scan3A_1 = arith.constant 0 : i32
    %scan3A_2 = arith.constant 256 : i32
    %scan3A_3 = arith.addi %scan3A_1, %scan3A_2 : i32
    %scan3A_4 = arith.constant 1 : i32
    scf.for %scan3A_27 = %scan3A_1 to %scan3A_3 step %scan3A_4  : i32 {
      %jit3A = arith.constant 8 : i32
      %div3A = arith.divsi %scan3A_27, %jit3A : i32
      %sign3A = arith.constant 0 : i32
      %sign3A_28 = arith.cmpi sgt, %scan3A_27, %sign3A : i32
      %sign3A_29 = arith.extui %sign3A_28 : i1 to i32
      %sign3A_30 = arith.constant 0 : i32
      %sign3A_31 = arith.cmpi slt, %scan3A_27, %sign3A_30 : i32
      %sign3A_32 = arith.extui %sign3A_31 : i1 to i32
      %sign3A_33 = arith.subi %sign3A_29, %sign3A_32 : i32
      %sign3A_34 = arith.constant 0 : i32
      %sign3A_35 = arith.cmpi sgt, %jit3A, %sign3A_34 : i32
      %sign3A_36 = arith.extui %sign3A_35 : i1 to i32
      %sign3A_37 = arith.constant 0 : i32
      %sign3A_38 = arith.cmpi slt, %jit3A, %sign3A_37 : i32
      %sign3A_39 = arith.extui %sign3A_38 : i1 to i32
      %sign3A_40 = arith.subi %sign3A_36, %sign3A_39 : i32
      %ne3A = arith.cmpi ne, %sign3A_33, %sign3A_40 : i32
      %rem3A = arith.remsi %scan3A_27, %jit3A : i32
      %ne3A_41 = arith.constant 0 : i32
      %ne3A_42 = arith.cmpi ne, %rem3A, %ne3A_41 : i32
      %and3A = arith.andi %ne3A, %ne3A_42 : i1
      %sub3A = arith.constant 1 : i32
      %sub3A_43 = arith.subi %div3A, %sub3A : i32
      %select_n3A = arith.select %and3A, %sub3A_43, %div3A : i32
      %jit3A_44 = arith.constant 8 : i32
      %eq3A = arith.constant 0 : i32
      %eq3A_45 = arith.cmpi eq, %jit3A_44, %eq3A : i32
      %jit3A_46 = arith.constant 1 : i32
      %select_n3A_47 = arith.select %eq3A_45, %jit3A_46, %jit3A_44 : i32
      %rem3A_48 = arith.remsi %scan3A_27, %select_n3A_47 : i32
      %ne3A_49 = arith.constant 0 : i32
      %ne3A_50 = arith.cmpi ne, %rem3A_48, %ne3A_49 : i32
      %lt3A = arith.constant 0 : i32
      %lt3A_51 = arith.cmpi slt, %rem3A_48, %lt3A : i32
      %lt3A_52 = arith.constant 0 : i32
      %lt3A_53 = arith.cmpi slt, %select_n3A_47, %lt3A_52 : i32
      %ne3A_54 = arith.xori %lt3A_51, %lt3A_53 : i1
      %and3A_55 = arith.andi %ne3A_54, %ne3A_50 : i1
      %add3A_56 = arith.addi %rem3A_48, %select_n3A_47 : i32
      %select_n3A_57 = arith.select %and3A_55, %add3A_56, %rem3A_48 : i32
      %mul3A_58 = arith.constant 16 : i32
      %mul3A_59 = arith.muli %select_n3A_57, %mul3A_58 : i32
      %broadcast_in_dim3A = arith.constant 0.000000e+00 : f32
      %broadcast_in_dim3A_60 = vector.broadcast %broadcast_in_dim3A : f32 to vector<16xf32>
      %swap3A = arith.index_cast %select_n3A : i32 to index
      %swap3A_61 = arith.index_cast %mul3A_59 : i32 to index
      %swap3A_62 = tpu.vector_load %arg11[%swap3A, %swap3A_61] {strides = array<i32>} : memref<32x128xf32, #tpu.memory_space<vmem>>, vector<1x16xf32>,
      %swap3A_63 = vector.shape_cast %swap3A_62 : vector<1x16xf32> to vector<16xf32>
      %swap3A_64 = vector.shape_cast %broadcast_in_dim3A_60 : vector<16xf32> to vector<1x16xf32>
      tpu.vector_store %arg11[%swap3A, %swap3A_61], %swap3A_64 {strides = array<i32>} : memref<32x128xf32, #tpu.memory_space<vmem>>, vector<1x16xf32>,
    }
    %scan3A_5 = arith.constant 256 : i32
    %mul3A_6 = arith.constant 640 : i32
    %mul3A_7 = arith.muli %arg1, %mul3A_6 : i32
    %scan3A_8 = arith.constant 0 : i32
    %scan3A_9 = arith.constant 0 : i32
    %scan3A_10 = arith.constant 20 : i32
    %scan3A_11 = arith.addi %scan3A_9, %scan3A_10 : i32
    %scan3A_12 = arith.constant 1 : i32
    scf.for %scan3A_27 = %scan3A_9 to %scan3A_11 step %scan3A_12  : i32 {
      %mul3A_28 = arith.constant 32 : i32
      %mul3A_29 = arith.muli %scan3A_27, %mul3A_28 : i32
      %add3A_30 = arith.addi %mul3A_7, %mul3A_29 : i32
      "tpu.region"() ({
        %run_scoped3A = tpu.sem_alloc : memref<!tpu.dma_semaphore, #tpu.memory_space<semaphore_mem>>
        %dma_start3A = arith.constant 0 : i32
        %dma_start3A_31 = tpu.memref_slice %arg12[%add3A_30, %dma_start3A] : memref<10240x128xf32, #tpu.memory_space<vmem_shared>> -> memref<32x128xf32, #tpu.memory_space<vmem_shared>>
        %dma_start3A_32 = arith.constant 0 : i32
        %dma_start3A_33 = tpu.memref_slice %arg12[%add3A_30, %dma_start3A_32] : memref<10240x128xf32, #tpu.memory_space<vmem_shared>> -> memref<32x128xf32, #tpu.memory_space<vmem_shared>>
        tpu.enqueue_dma source(%arg11 : memref<32x128xf32, #tpu.memory_space<vmem>>) target(%dma_start3A_33 : memref<32x128xf32, #tpu.memory_space<vmem_shared>>) target_semaphore(%run_scoped3A : memref<!tpu.dma_semaphore, #tpu.memory_space<semaphore_mem>>)
        %dma_wait3A = arith.constant 0 : i32
        %dma_wait3A_34 = tpu.memref_slice %arg12[%add3A_30, %dma_wait3A] : memref<10240x128xf32, #tpu.memory_space<vmem_shared>> -> memref<32x128xf32, #tpu.memory_space<vmem_shared>>
        %dma_wait3A_35 = arith.constant 0 : i32
        %dma_wait3A_36 = tpu.memref_slice %arg12[%add3A_30, %dma_wait3A_35] : memref<10240x128xf32, #tpu.memory_space<vmem_shared>> -> memref<32x128xf32, #tpu.memory_space<vmem_shared>>
        tpu.wait_dma2 semaphore(%run_scoped3A : memref<!tpu.dma_semaphore, #tpu.memory_space<semaphore_mem>>) src(%arg11 : memref<32x128xf32, #tpu.memory_space<vmem>>) dst(%dma_wait3A_36 : memref<32x128xf32, #tpu.memory_space<vmem_shared>>)
        tpu.yield
      }) : () -> ()
    }
    %scan3A_13 = arith.constant 20 : i32
    %barrier3A = arith.constant 0 : index
    tpu.barrier barrier_id(%barrier3A)
    %scan3A_14 = arith.constant 0 : i32
    %scan3A_15 = arith.constant 0 : i32
    %scan3A_16 = arith.constant 5 : i32
    %scan3A_17 = arith.addi %scan3A_15, %scan3A_16 : i32
    %scan3A_18 = arith.constant 1 : i32
    scf.for %scan3A_27 = %scan3A_15 to %scan3A_17 step %scan3A_18  : i32 {
      "tpu.region"() ({
        %run_scoped3A = tpu.sem_alloc : memref<!tpu.dma_semaphore, #tpu.memory_space<semaphore_mem>>
        %dma_start3A = arith.constant 0 : i32
        %dma_start3A_34 = arith.constant 0 : i32
        %dma_start3A_35 = tpu.memref_slice %arg2[%add3A, %scan3A_27, %dma_start3A, %dma_start3A_34] : memref<32x5x25x80xi32, #tpu.memory_space<hbm>> -> memref<1x1x25x80xi32, #tpu.memory_space<hbm>>
        %dma_start3A_36 = tpu.memref_squeeze %dma_start3A_35 : memref<1x1x25x80xi32, #tpu.memory_space<hbm>> -> memref<25x80xi32, #tpu.memory_space<hbm>>
        %dma_start3A_37 = arith.constant 0 : i32
        %dma_start3A_38 = arith.constant 0 : i32
        %dma_start3A_39 = tpu.memref_slice %arg2[%add3A, %scan3A_27, %dma_start3A_37, %dma_start3A_38] : memref<32x5x25x80xi32, #tpu.memory_space<hbm>> -> memref<1x1x25x80xi32, #tpu.memory_space<hbm>>
        %dma_start3A_40 = tpu.memref_squeeze %dma_start3A_39 : memref<1x1x25x80xi32, #tpu.memory_space<hbm>> -> memref<25x80xi32, #tpu.memory_space<hbm>>
        tpu.enqueue_dma source(%dma_start3A_40 : memref<25x80xi32, #tpu.memory_space<hbm>>) target(%arg6 : memref<25x80xi32, #tpu.memory_space<vmem>>) target_semaphore(%run_scoped3A : memref<!tpu.dma_semaphore, #tpu.memory_space<semaphore_mem>>)
        %dma_wait3A = arith.constant 0 : i32
        %dma_wait3A_41 = arith.constant 0 : i32
        %dma_wait3A_42 = tpu.memref_slice %arg2[%add3A, %scan3A_27, %dma_wait3A, %dma_wait3A_41] : memref<32x5x25x80xi32, #tpu.memory_space<hbm>> -> memref<1x1x25x80xi32, #tpu.memory_space<hbm>>
        %dma_wait3A_43 = tpu.memref_squeeze %dma_wait3A_42 : memref<1x1x25x80xi32, #tpu.memory_space<hbm>> -> memref<25x80xi32, #tpu.memory_space<hbm>>
        %dma_wait3A_44 = arith.constant 0 : i32
        %dma_wait3A_45 = arith.constant 0 : i32
        %dma_wait3A_46 = tpu.memref_slice %arg2[%add3A, %scan3A_27, %dma_wait3A_44, %dma_wait3A_45] : memref<32x5x25x80xi32, #tpu.memory_space<hbm>> -> memref<1x1x25x80xi32, #tpu.memory_space<hbm>>
        %dma_wait3A_47 = tpu.memref_squeeze %dma_wait3A_46 : memref<1x1x25x80xi32, #tpu.memory_space<hbm>> -> memref<25x80xi32, #tpu.memory_space<hbm>>
        tpu.wait_dma2 semaphore(%run_scoped3A : memref<!tpu.dma_semaphore, #tpu.memory_space<semaphore_mem>>) src(%dma_wait3A_47 : memref<25x80xi32, #tpu.memory_space<hbm>>) dst(%arg6 : memref<25x80xi32, #tpu.memory_space<vmem>>)
        tpu.yield
      }) : () -> ()
      "tpu.region"() ({
        %run_scoped3A = tpu.sem_alloc : memref<!tpu.dma_semaphore, #tpu.memory_space<semaphore_mem>>
        %dma_start3A = arith.constant 0 : i32
        %dma_start3A_34 = arith.constant 0 : i32
        %dma_start3A_35 = tpu.memref_slice %arg3[%add3A, %scan3A_27, %dma_start3A, %dma_start3A_34] : memref<32x5x25x80xi32, #tpu.memory_space<hbm>> -> memref<1x1x25x80xi32, #tpu.memory_space<hbm>>
        %dma_start3A_36 = tpu.memref_squeeze %dma_start3A_35 : memref<1x1x25x80xi32, #tpu.memory_space<hbm>> -> memref<25x80xi32, #tpu.memory_space<hbm>>
        %dma_start3A_37 = arith.constant 0 : i32
        %dma_start3A_38 = arith.constant 0 : i32
        %dma_start3A_39 = tpu.memref_slice %arg3[%add3A, %scan3A_27, %dma_start3A_37, %dma_start3A_38] : memref<32x5x25x80xi32, #tpu.memory_space<hbm>> -> memref<1x1x25x80xi32, #tpu.memory_space<hbm>>
        %dma_start3A_40 = tpu.memref_squeeze %dma_start3A_39 : memref<1x1x25x80xi32, #tpu.memory_space<hbm>> -> memref<25x80xi32, #tpu.memory_space<hbm>>
        tpu.enqueue_dma source(%dma_start3A_40 : memref<25x80xi32, #tpu.memory_space<hbm>>) target(%arg7 : memref<25x80xi32, #tpu.memory_space<vmem>>) target_semaphore(%run_scoped3A : memref<!tpu.dma_semaphore, #tpu.memory_space<semaphore_mem>>)
        %dma_wait3A = arith.constant 0 : i32
        %dma_wait3A_41 = arith.constant 0 : i32
        %dma_wait3A_42 = tpu.memref_slice %arg3[%add3A, %scan3A_27, %dma_wait3A, %dma_wait3A_41] : memref<32x5x25x80xi32, #tpu.memory_space<hbm>> -> memref<1x1x25x80xi32, #tpu.memory_space<hbm>>
        %dma_wait3A_43 = tpu.memref_squeeze %dma_wait3A_42 : memref<1x1x25x80xi32, #tpu.memory_space<hbm>> -> memref<25x80xi32, #tpu.memory_space<hbm>>
        %dma_wait3A_44 = arith.constant 0 : i32
        %dma_wait3A_45 = arith.constant 0 : i32
        %dma_wait3A_46 = tpu.memref_slice %arg3[%add3A, %scan3A_27, %dma_wait3A_44, %dma_wait3A_45] : memref<32x5x25x80xi32, #tpu.memory_space<hbm>> -> memref<1x1x25x80xi32, #tpu.memory_space<hbm>>
        %dma_wait3A_47 = tpu.memref_squeeze %dma_wait3A_46 : memref<1x1x25x80xi32, #tpu.memory_space<hbm>> -> memref<25x80xi32, #tpu.memory_space<hbm>>
        tpu.wait_dma2 semaphore(%run_scoped3A : memref<!tpu.dma_semaphore, #tpu.memory_space<semaphore_mem>>) src(%dma_wait3A_47 : memref<25x80xi32, #tpu.memory_space<hbm>>) dst(%arg7 : memref<25x80xi32, #tpu.memory_space<vmem>>)
        tpu.yield
      }) : () -> ()
      %scan3A_28 = arith.constant 0 : i32
      %scan3A_29 = arith.constant 0 : i32
      %scan3A_30 = arith.constant 5 : i32
      %scan3A_31 = arith.addi %scan3A_29, %scan3A_30 : i32
      %scan3A_32 = arith.constant 1 : i32
      scf.for %scan3A_34 = %scan3A_29 to %scan3A_31 step %scan3A_32  : i32 {
        %mul3A_35 = arith.constant 5 : i32
        %mul3A_36 = arith.muli %scan3A_34, %mul3A_35 : i32
        %add3A_37 = arith.constant 0 : i32
        %add3A_38 = arith.addi %mul3A_36, %add3A_37 : i32
        %dma_start3A = arith.constant 0 : i32
        %dma_start3A_39 = tpu.memref_slice %arg6[%add3A_38, %dma_start3A] : memref<25x80xi32, #tpu.memory_space<vmem>> -> memref<1x80xi32, #tpu.memory_space<vmem>>
        %dma_start3A_40 = tpu.memref_squeeze %dma_start3A_39 : memref<1x80xi32, #tpu.memory_space<vmem>> -> memref<80xi32, #tpu.memory_space<vmem>>
        %dma_start3A_41 = arith.constant 0 : i32
        %dma_start3A_42 = arith.constant 0 : i32
        %dma_start3A_43 = tpu.memref_slice %arg4[%dma_start3A_41, %dma_start3A_42] : memref<10000x128xf32, #tpu.memory_space<hbm>> -> memref<10000x128xf32, #tpu.memory_space<hbm>>
        tpu.enqueue_indirect_dma source(%dma_start3A_43 : memref<10000x128xf32, #tpu.memory_space<hbm>>) target(%arg8 : memref<80x128xf32, #tpu.memory_space<vmem>>) offsets(%dma_start3A_40 : memref<80xi32, #tpu.memory_space<vmem>>) semaphore(%arg13 : memref<!tpu.dma_semaphore, #tpu.memory_space<semaphore_mem>>)
        %add3A_44 = arith.constant 1 : i32
        %add3A_45 = arith.addi %mul3A_36, %add3A_44 : i32
        %dma_start3A_46 = arith.constant 0 : i32
        %dma_start3A_47 = tpu.memref_slice %arg6[%add3A_45, %dma_start3A_46] : memref<25x80xi32, #tpu.memory_space<vmem>> -> memref<1x80xi32, #tpu.memory_space<vmem>>
        %dma_start3A_48 = tpu.memref_squeeze %dma_start3A_47 : memref<1x80xi32, #tpu.memory_space<vmem>> -> memref<80xi32, #tpu.memory_space<vmem>>
        %dma_start3A_49 = arith.constant 0 : i32
        %dma_start3A_50 = arith.constant 0 : i32
        %dma_start3A_51 = tpu.memref_slice %arg4[%dma_start3A_49, %dma_start3A_50] : memref<10000x128xf32, #tpu.memory_space<hbm>> -> memref<10000x128xf32, #tpu.memory_space<hbm>>
        tpu.enqueue_indirect_dma source(%dma_start3A_51 : memref<10000x128xf32, #tpu.memory_space<hbm>>) target(%arg9 : memref<80x128xf32, #tpu.memory_space<vmem>>) offsets(%dma_start3A_48 : memref<80xi32, #tpu.memory_space<vmem>>) semaphore(%arg14 : memref<!tpu.dma_semaphore, #tpu.memory_space<semaphore_mem>>)
        %add3A_52 = arith.constant 2 : i32
        %add3A_53 = arith.addi %mul3A_36, %add3A_52 : i32
        %dma_start3A_54 = arith.constant 0 : i32
        %dma_start3A_55 = tpu.memref_slice %arg6[%add3A_53, %dma_start3A_54] : memref<25x80xi32, #tpu.memory_space<vmem>> -> memref<1x80xi32, #tpu.memory_space<vmem>>
        %dma_start3A_56 = tpu.memref_squeeze %dma_start3A_55 : memref<1x80xi32, #tpu.memory_space<vmem>> -> memref<80xi32, #tpu.memory_space<vmem>>
        %dma_start3A_57 = arith.constant 0 : i32
        %dma_start3A_58 = arith.constant 0 : i32
        %dma_start3A_59 = tpu.memref_slice %arg4[%dma_start3A_57, %dma_start3A_58] : memref<10000x128xf32, #tpu.memory_space<hbm>> -> memref<10000x128xf32, #tpu.memory_space<hbm>>
        tpu.enqueue_indirect_dma source(%dma_start3A_59 : memref<10000x128xf32, #tpu.memory_space<hbm>>) target(%arg10 : memref<80x128xf32, #tpu.memory_space<vmem>>) offsets(%dma_start3A_56 : memref<80xi32, #tpu.memory_space<vmem>>) semaphore(%arg15 : memref<!tpu.dma_semaphore, #tpu.memory_space<semaphore_mem>>)
        %dma_wait3A = arith.constant 0 : i32
        %dma_wait3A_60 = tpu.memref_slice %arg6[%add3A_38, %dma_wait3A] : memref<25x80xi32, #tpu.memory_space<vmem>> -> memref<1x80xi32, #tpu.memory_space<vmem>>
        %dma_wait3A_61 = tpu.memref_squeeze %dma_wait3A_60 : memref<1x80xi32, #tpu.memory_space<vmem>> -> memref<80xi32, #tpu.memory_space<vmem>>
        %dma_wait3A_62 = arith.constant 0 : i32
        %dma_wait3A_63 = arith.constant 0 : i32
        %dma_wait3A_64 = tpu.memref_slice %arg4[%dma_wait3A_62, %dma_wait3A_63] : memref<10000x128xf32, #tpu.memory_space<hbm>> -> memref<10000x128xf32, #tpu.memory_space<hbm>>
        tpu.wait_indirect_dma semaphore(%arg13 : memref<!tpu.dma_semaphore, #tpu.memory_space<semaphore_mem>>) src(%dma_wait3A_64 : memref<10000x128xf32, #tpu.memory_space<hbm>>) dst(%arg8 : memref<80x128xf32, #tpu.memory_space<vmem>>)
        %add3A_65 = arith.constant 0 : i32
        %add3A_66 = arith.addi %mul3A_36, %add3A_65 : i32
        %dma_start3A_67 = arith.constant 0 : i32
        %dma_start3A_68 = tpu.memref_slice %arg7[%add3A_66, %dma_start3A_67] : memref<25x80xi32, #tpu.memory_space<vmem>> -> memref<1x80xi32, #tpu.memory_space<vmem>>
        %dma_start3A_69 = tpu.memref_squeeze %dma_start3A_68 : memref<1x80xi32, #tpu.memory_space<vmem>> -> memref<80xi32, #tpu.memory_space<vmem>>
        %dma_start3A_70 = arith.constant 0 : i32
        %dma_start3A_71 = arith.constant 0 : i32
        %dma_start3A_72 = tpu.memref_slice %arg12[%dma_start3A_70, %dma_start3A_71] : memref<10240x128xf32, #tpu.memory_space<vmem_shared>> -> memref<10240x128xf32, #tpu.memory_space<vmem_shared>>
        tpu.enqueue_indirect_dma source(%arg8 : memref<80x128xf32, #tpu.memory_space<vmem>>) target(%dma_start3A_72 : memref<10240x128xf32, #tpu.memory_space<vmem_shared>>) offsets(%dma_start3A_69 : memref<80xi32, #tpu.memory_space<vmem>>) semaphore(%arg16 : memref<!tpu.dma_semaphore, #tpu.memory_space<semaphore_mem>>) {add = true}
        %dma_wait3A_73 = arith.constant 0 : i32
        %dma_wait3A_74 = tpu.memref_slice %arg7[%add3A_66, %dma_wait3A_73] : memref<25x80xi32, #tpu.memory_space<vmem>> -> memref<1x80xi32, #tpu.memory_space<vmem>>
        %dma_wait3A_75 = tpu.memref_squeeze %dma_wait3A_74 : memref<1x80xi32, #tpu.memory_space<vmem>> -> memref<80xi32, #tpu.memory_space<vmem>>
        %dma_wait3A_76 = arith.constant 0 : i32
        %dma_wait3A_77 = arith.constant 0 : i32
        %dma_wait3A_78 = tpu.memref_slice %arg12[%dma_wait3A_76, %dma_wait3A_77] : memref<10240x128xf32, #tpu.memory_space<vmem_shared>> -> memref<10240x128xf32, #tpu.memory_space<vmem_shared>>
        tpu.wait_indirect_dma semaphore(%arg16 : memref<!tpu.dma_semaphore, #tpu.memory_space<semaphore_mem>>) src(%arg8 : memref<80x128xf32, #tpu.memory_space<vmem>>) dst(%dma_wait3A_78 : memref<10240x128xf32, #tpu.memory_space<vmem_shared>>)
        %add3A_79 = arith.constant 3 : i32
        %add3A_80 = arith.addi %mul3A_36, %add3A_79 : i32
        %dma_start3A_81 = arith.constant 0 : i32
        %dma_start3A_82 = tpu.memref_slice %arg6[%add3A_80, %dma_start3A_81] : memref<25x80xi32, #tpu.memory_space<vmem>> -> memref<1x80xi32, #tpu.memory_space<vmem>>
        %dma_start3A_83 = tpu.memref_squeeze %dma_start3A_82 : memref<1x80xi32, #tpu.memory_space<vmem>> -> memref<80xi32, #tpu.memory_space<vmem>>
        %dma_start3A_84 = arith.constant 0 : i32
        %dma_start3A_85 = arith.constant 0 : i32
        %dma_start3A_86 = tpu.memref_slice %arg4[%dma_start3A_84, %dma_start3A_85] : memref<10000x128xf32, #tpu.memory_space<hbm>> -> memref<10000x128xf32, #tpu.memory_space<hbm>>
        tpu.enqueue_indirect_dma source(%dma_start3A_86 : memref<10000x128xf32, #tpu.memory_space<hbm>>) target(%arg8 : memref<80x128xf32, #tpu.memory_space<vmem>>) offsets(%dma_start3A_83 : memref<80xi32, #tpu.memory_space<vmem>>) semaphore(%arg13 : memref<!tpu.dma_semaphore, #tpu.memory_space<semaphore_mem>>)
        %dma_wait3A_87 = arith.constant 0 : i32
        %dma_wait3A_88 = tpu.memref_slice %arg6[%add3A_45, %dma_wait3A_87] : memref<25x80xi32, #tpu.memory_space<vmem>> -> memref<1x80xi32, #tpu.memory_space<vmem>>
        %dma_wait3A_89 = tpu.memref_squeeze %dma_wait3A_88 : memref<1x80xi32, #tpu.memory_space<vmem>> -> memref<80xi32, #tpu.memory_space<vmem>>
        %dma_wait3A_90 = arith.constant 0 : i32
        %dma_wait3A_91 = arith.constant 0 : i32
        %dma_wait3A_92 = tpu.memref_slice %arg4[%dma_wait3A_90, %dma_wait3A_91] : memref<10000x128xf32, #tpu.memory_space<hbm>> -> memref<10000x128xf32, #tpu.memory_space<hbm>>
        tpu.wait_indirect_dma semaphore(%arg14 : memref<!tpu.dma_semaphore, #tpu.memory_space<semaphore_mem>>) src(%dma_wait3A_92 : memref<10000x128xf32, #tpu.memory_space<hbm>>) dst(%arg9 : memref<80x128xf32, #tpu.memory_space<vmem>>)
        %add3A_93 = arith.constant 1 : i32
        %add3A_94 = arith.addi %mul3A_36, %add3A_93 : i32
        %dma_start3A_95 = arith.constant 0 : i32
        %dma_start3A_96 = tpu.memref_slice %arg7[%add3A_94, %dma_start3A_95] : memref<25x80xi32, #tpu.memory_space<vmem>> -> memref<1x80xi32, #tpu.memory_space<vmem>>
        %dma_start3A_97 = tpu.memref_squeeze %dma_start3A_96 : memref<1x80xi32, #tpu.memory_space<vmem>> -> memref<80xi32, #tpu.memory_space<vmem>>
        %dma_start3A_98 = arith.constant 0 : i32
        %dma_start3A_99 = arith.constant 0 : i32
        %dma_start3A_100 = tpu.memref_slice %arg12[%dma_start3A_98, %dma_start3A_99] : memref<10240x128xf32, #tpu.memory_space<vmem_shared>> -> memref<10240x128xf32, #tpu.memory_space<vmem_shared>>
        tpu.enqueue_indirect_dma source(%arg9 : memref<80x128xf32, #tpu.memory_space<vmem>>) target(%dma_start3A_100 : memref<10240x128xf32, #tpu.memory_space<vmem_shared>>) offsets(%dma_start3A_97 : memref<80xi32, #tpu.memory_space<vmem>>) semaphore(%arg17 : memref<!tpu.dma_semaphore, #tpu.memory_space<semaphore_mem>>) {add = true}
        %dma_wait3A_101 = arith.constant 0 : i32
        %dma_wait3A_102 = tpu.memref_slice %arg7[%add3A_94, %dma_wait3A_101] : memref<25x80xi32, #tpu.memory_space<vmem>> -> memref<1x80xi32, #tpu.memory_space<vmem>>
        %dma_wait3A_103 = tpu.memref_squeeze %dma_wait3A_102 : memref<1x80xi32, #tpu.memory_space<vmem>> -> memref<80xi32, #tpu.memory_space<vmem>>
        %dma_wait3A_104 = arith.constant 0 : i32
        %dma_wait3A_105 = arith.constant 0 : i32
        %dma_wait3A_106 = tpu.memref_slice %arg12[%dma_wait3A_104, %dma_wait3A_105] : memref<10240x128xf32, #tpu.memory_space<vmem_shared>> -> memref<10240x128xf32, #tpu.memory_space<vmem_shared>>
        tpu.wait_indirect_dma semaphore(%arg17 : memref<!tpu.dma_semaphore, #tpu.memory_space<semaphore_mem>>) src(%arg9 : memref<80x128xf32, #tpu.memory_space<vmem>>) dst(%dma_wait3A_106 : memref<10240x128xf32, #tpu.memory_space<vmem_shared>>)
        %add3A_107 = arith.constant 4 : i32
        %add3A_108 = arith.addi %mul3A_36, %add3A_107 : i32
        %dma_start3A_109 = arith.constant 0 : i32
        %dma_start3A_110 = tpu.memref_slice %arg6[%add3A_108, %dma_start3A_109] : memref<25x80xi32, #tpu.memory_space<vmem>> -> memref<1x80xi32, #tpu.memory_space<vmem>>
        %dma_start3A_111 = tpu.memref_squeeze %dma_start3A_110 : memref<1x80xi32, #tpu.memory_space<vmem>> -> memref<80xi32, #tpu.memory_space<vmem>>
        %dma_start3A_112 = arith.constant 0 : i32
        %dma_start3A_113 = arith.constant 0 : i32
        %dma_start3A_114 = tpu.memref_slice %arg4[%dma_start3A_112, %dma_start3A_113] : memref<10000x128xf32, #tpu.memory_space<hbm>> -> memref<10000x128xf32, #tpu.memory_space<hbm>>
        tpu.enqueue_indirect_dma source(%dma_start3A_114 : memref<10000x128xf32, #tpu.memory_space<hbm>>) target(%arg9 : memref<80x128xf32, #tpu.memory_space<vmem>>) offsets(%dma_start3A_111 : memref<80xi32, #tpu.memory_space<vmem>>) semaphore(%arg14 : memref<!tpu.dma_semaphore, #tpu.memory_space<semaphore_mem>>)
        %dma_wait3A_115 = arith.constant 0 : i32
        %dma_wait3A_116 = tpu.memref_slice %arg6[%add3A_53, %dma_wait3A_115] : memref<25x80xi32, #tpu.memory_space<vmem>> -> memref<1x80xi32, #tpu.memory_space<vmem>>
        %dma_wait3A_117 = tpu.memref_squeeze %dma_wait3A_116 : memref<1x80xi32, #tpu.memory_space<vmem>> -> memref<80xi32, #tpu.memory_space<vmem>>
        %dma_wait3A_118 = arith.constant 0 : i32
        %dma_wait3A_119 = arith.constant 0 : i32
        %dma_wait3A_120 = tpu.memref_slice %arg4[%dma_wait3A_118, %dma_wait3A_119] : memref<10000x128xf32, #tpu.memory_space<hbm>> -> memref<10000x128xf32, #tpu.memory_space<hbm>>
        tpu.wait_indirect_dma semaphore(%arg15 : memref<!tpu.dma_semaphore, #tpu.memory_space<semaphore_mem>>) src(%dma_wait3A_120 : memref<10000x128xf32, #tpu.memory_space<hbm>>) dst(%arg10 : memref<80x128xf32, #tpu.memory_space<vmem>>)
        %add3A_121 = arith.constant 2 : i32
        %add3A_122 = arith.addi %mul3A_36, %add3A_121 : i32
        %dma_start3A_123 = arith.constant 0 : i32
        %dma_start3A_124 = tpu.memref_slice %arg7[%add3A_122, %dma_start3A_123] : memref<25x80xi32, #tpu.memory_space<vmem>> -> memref<1x80xi32, #tpu.memory_space<vmem>>
        %dma_start3A_125 = tpu.memref_squeeze %dma_start3A_124 : memref<1x80xi32, #tpu.memory_space<vmem>> -> memref<80xi32, #tpu.memory_space<vmem>>
        %dma_start3A_126 = arith.constant 0 : i32
        %dma_start3A_127 = arith.constant 0 : i32
        %dma_start3A_128 = tpu.memref_slice %arg12[%dma_start3A_126, %dma_start3A_127] : memref<10240x128xf32, #tpu.memory_space<vmem_shared>> -> memref<10240x128xf32, #tpu.memory_space<vmem_shared>>
        tpu.enqueue_indirect_dma source(%arg10 : memref<80x128xf32, #tpu.memory_space<vmem>>) target(%dma_start3A_128 : memref<10240x128xf32, #tpu.memory_space<vmem_shared>>) offsets(%dma_start3A_125 : memref<80xi32, #tpu.memory_space<vmem>>) semaphore(%arg18 : memref<!tpu.dma_semaphore, #tpu.memory_space<semaphore_mem>>) {add = true}
        %dma_wait3A_129 = arith.constant 0 : i32
        %dma_wait3A_130 = tpu.memref_slice %arg6[%add3A_80, %dma_wait3A_129] : memref<25x80xi32, #tpu.memory_space<vmem>> -> memref<1x80xi32, #tpu.memory_space<vmem>>
        %dma_wait3A_131 = tpu.memref_squeeze %dma_wait3A_130 : memref<1x80xi32, #tpu.memory_space<vmem>> -> memref<80xi32, #tpu.memory_space<vmem>>
        %dma_wait3A_132 = arith.constant 0 : i32
        %dma_wait3A_133 = arith.constant 0 : i32
        %dma_wait3A_134 = tpu.memref_slice %arg4[%dma_wait3A_132, %dma_wait3A_133] : memref<10000x128xf32, #tpu.memory_space<hbm>> -> memref<10000x128xf32, #tpu.memory_space<hbm>>
        tpu.wait_indirect_dma semaphore(%arg13 : memref<!tpu.dma_semaphore, #tpu.memory_space<semaphore_mem>>) src(%dma_wait3A_134 : memref<10000x128xf32, #tpu.memory_space<hbm>>) dst(%arg8 : memref<80x128xf32, #tpu.memory_space<vmem>>)
        %add3A_135 = arith.constant 3 : i32
        %add3A_136 = arith.addi %mul3A_36, %add3A_135 : i32
        %dma_start3A_137 = arith.constant 0 : i32
        %dma_start3A_138 = tpu.memref_slice %arg7[%add3A_136, %dma_start3A_137] : memref<25x80xi32, #tpu.memory_space<vmem>> -> memref<1x80xi32, #tpu.memory_space<vmem>>
        %dma_start3A_139 = tpu.memref_squeeze %dma_start3A_138 : memref<1x80xi32, #tpu.memory_space<vmem>> -> memref<80xi32, #tpu.memory_space<vmem>>
        %dma_start3A_140 = arith.constant 0 : i32
        %dma_start3A_141 = arith.constant 0 : i32
        %dma_start3A_142 = tpu.memref_slice %arg12[%dma_start3A_140, %dma_start3A_141] : memref<10240x128xf32, #tpu.memory_space<vmem_shared>> -> memref<10240x128xf32, #tpu.memory_space<vmem_shared>>
        tpu.enqueue_indirect_dma source(%arg8 : memref<80x128xf32, #tpu.memory_space<vmem>>) target(%dma_start3A_142 : memref<10240x128xf32, #tpu.memory_space<vmem_shared>>) offsets(%dma_start3A_139 : memref<80xi32, #tpu.memory_space<vmem>>) semaphore(%arg16 : memref<!tpu.dma_semaphore, #tpu.memory_space<semaphore_mem>>) {add = true}
        %dma_wait3A_143 = arith.constant 0 : i32
        %dma_wait3A_144 = tpu.memref_slice %arg6[%add3A_108, %dma_wait3A_143] : memref<25x80xi32, #tpu.memory_space<vmem>> -> memref<1x80xi32, #tpu.memory_space<vmem>>
        %dma_wait3A_145 = tpu.memref_squeeze %dma_wait3A_144 : memref<1x80xi32, #tpu.memory_space<vmem>> -> memref<80xi32, #tpu.memory_space<vmem>>
        %dma_wait3A_146 = arith.constant 0 : i32
        %dma_wait3A_147 = arith.constant 0 : i32
        %dma_wait3A_148 = tpu.memref_slice %arg4[%dma_wait3A_146, %dma_wait3A_147] : memref<10000x128xf32, #tpu.memory_space<hbm>> -> memref<10000x128xf32, #tpu.memory_space<hbm>>
        tpu.wait_indirect_dma semaphore(%arg14 : memref<!tpu.dma_semaphore, #tpu.memory_space<semaphore_mem>>) src(%dma_wait3A_148 : memref<10000x128xf32, #tpu.memory_space<hbm>>) dst(%arg9 : memref<80x128xf32, #tpu.memory_space<vmem>>)
        %add3A_149 = arith.constant 4 : i32
        %add3A_150 = arith.addi %mul3A_36, %add3A_149 : i32
        %dma_start3A_151 = arith.constant 0 : i32
        %dma_start3A_152 = tpu.memref_slice %arg7[%add3A_150, %dma_start3A_151] : memref<25x80xi32, #tpu.memory_space<vmem>> -> memref<1x80xi32, #tpu.memory_space<vmem>>
        %dma_start3A_153 = tpu.memref_squeeze %dma_start3A_152 : memref<1x80xi32, #tpu.memory_space<vmem>> -> memref<80xi32, #tpu.memory_space<vmem>>
        %dma_start3A_154 = arith.constant 0 : i32
        %dma_start3A_155 = arith.constant 0 : i32
        %dma_start3A_156 = tpu.memref_slice %arg12[%dma_start3A_154, %dma_start3A_155] : memref<10240x128xf32, #tpu.memory_space<vmem_shared>> -> memref<10240x128xf32, #tpu.memory_space<vmem_shared>>
        tpu.enqueue_indirect_dma source(%arg9 : memref<80x128xf32, #tpu.memory_space<vmem>>) target(%dma_start3A_156 : memref<10240x128xf32, #tpu.memory_space<vmem_shared>>) offsets(%dma_start3A_153 : memref<80xi32, #tpu.memory_space<vmem>>) semaphore(%arg17 : memref<!tpu.dma_semaphore, #tpu.memory_space<semaphore_mem>>) {add = true}
        %dma_wait3A_157 = arith.constant 0 : i32
        %dma_wait3A_158 = tpu.memref_slice %arg7[%add3A_136, %dma_wait3A_157] : memref<25x80xi32, #tpu.memory_space<vmem>> -> memref<1x80xi32, #tpu.memory_space<vmem>>
        %dma_wait3A_159 = tpu.memref_squeeze %dma_wait3A_158 : memref<1x80xi32, #tpu.memory_space<vmem>> -> memref<80xi32, #tpu.memory_space<vmem>>
        %dma_wait3A_160 = arith.constant 0 : i32
        %dma_wait3A_161 = arith.constant 0 : i32
        %dma_wait3A_162 = tpu.memref_slice %arg12[%dma_wait3A_160, %dma_wait3A_161] : memref<10240x128xf32, #tpu.memory_space<vmem_shared>> -> memref<10240x128xf32, #tpu.memory_space<vmem_shared>>
        tpu.wait_indirect_dma semaphore(%arg16 : memref<!tpu.dma_semaphore, #tpu.memory_space<semaphore_mem>>) src(%arg8 : memref<80x128xf32, #tpu.memory_space<vmem>>) dst(%dma_wait3A_162 : memref<10240x128xf32, #tpu.memory_space<vmem_shared>>)
        %dma_wait3A_163 = arith.constant 0 : i32
        %dma_wait3A_164 = tpu.memref_slice %arg7[%add3A_150, %dma_wait3A_163] : memref<25x80xi32, #tpu.memory_space<vmem>> -> memref<1x80xi32, #tpu.memory_space<vmem>>
        %dma_wait3A_165 = tpu.memref_squeeze %dma_wait3A_164 : memref<1x80xi32, #tpu.memory_space<vmem>> -> memref<80xi32, #tpu.memory_space<vmem>>
        %dma_wait3A_166 = arith.constant 0 : i32
        %dma_wait3A_167 = arith.constant 0 : i32
        %dma_wait3A_168 = tpu.memref_slice %arg12[%dma_wait3A_166, %dma_wait3A_167] : memref<10240x128xf32, #tpu.memory_space<vmem_shared>> -> memref<10240x128xf32, #tpu.memory_space<vmem_shared>>
        tpu.wait_indirect_dma semaphore(%arg17 : memref<!tpu.dma_semaphore, #tpu.memory_space<semaphore_mem>>) src(%arg9 : memref<80x128xf32, #tpu.memory_space<vmem>>) dst(%dma_wait3A_168 : memref<10240x128xf32, #tpu.memory_space<vmem_shared>>)
      }
      %scan3A_33 = arith.constant 5 : i32
    }
    %scan3A_19 = arith.constant 5 : i32
    %barrier3A_20 = arith.constant 0 : index
    tpu.barrier barrier_id(%barrier3A_20)
    %scan3A_21 = arith.constant 0 : i32
    %scan3A_22 = arith.constant 0 : i32
    %scan3A_23 = arith.constant 20 : i32
    %scan3A_24 = arith.addi %scan3A_22, %scan3A_23 : i32
    %scan3A_25 = arith.constant 1 : i32
    scf.for %scan3A_27 = %scan3A_22 to %scan3A_24 step %scan3A_25  : i32 {
      %mul3A_28 = arith.constant 32 : i32
      %mul3A_29 = arith.muli %scan3A_27, %mul3A_28 : i32
      %add3A_30 = arith.addi %mul3A_7, %mul3A_29 : i32
      "tpu.region"() ({
        %run_scoped3A = tpu.sem_alloc : memref<!tpu.dma_semaphore, #tpu.memory_space<semaphore_mem>>
        %dma_start3A = arith.constant 0 : i32
        %dma_start3A_31 = tpu.memref_slice %arg12[%add3A_30, %dma_start3A] : memref<10240x128xf32, #tpu.memory_space<vmem_shared>> -> memref<32x128xf32, #tpu.memory_space<vmem_shared>>
        %dma_start3A_32 = arith.constant 0 : i32
        %dma_start3A_33 = tpu.memref_slice %arg12[%add3A_30, %dma_start3A_32] : memref<10240x128xf32, #tpu.memory_space<vmem_shared>> -> memref<32x128xf32, #tpu.memory_space<vmem_shared>>
        tpu.enqueue_dma source(%dma_start3A_33 : memref<32x128xf32, #tpu.memory_space<vmem_shared>>) target(%arg11 : memref<32x128xf32, #tpu.memory_space<vmem>>) target_semaphore(%run_scoped3A : memref<!tpu.dma_semaphore, #tpu.memory_space<semaphore_mem>>)
        %dma_wait3A = arith.constant 0 : i32
        %dma_wait3A_34 = tpu.memref_slice %arg12[%add3A_30, %dma_wait3A] : memref<10240x128xf32, #tpu.memory_space<vmem_shared>> -> memref<32x128xf32, #tpu.memory_space<vmem_shared>>
        %dma_wait3A_35 = arith.constant 0 : i32
        %dma_wait3A_36 = tpu.memref_slice %arg12[%add3A_30, %dma_wait3A_35] : memref<10240x128xf32, #tpu.memory_space<vmem_shared>> -> memref<32x128xf32, #tpu.memory_space<vmem_shared>>
        tpu.wait_dma2 semaphore(%run_scoped3A : memref<!tpu.dma_semaphore, #tpu.memory_space<semaphore_mem>>) src(%dma_wait3A_36 : memref<32x128xf32, #tpu.memory_space<vmem_shared>>) dst(%arg11 : memref<32x128xf32, #tpu.memory_space<vmem>>)
        tpu.yield
      }) : () -> ()
      "tpu.region"() ({
        %run_scoped3A = tpu.sem_alloc : memref<!tpu.dma_semaphore, #tpu.memory_space<semaphore_mem>>
        %dma_start3A = arith.constant 0 : i32
        %dma_start3A_31 = tpu.memref_slice %arg5[%arg0, %add3A_30, %dma_start3A] : memref<2x10240x128xf32, #tpu.memory_space<hbm>> -> memref<1x32x128xf32, #tpu.memory_space<hbm>>
        %dma_start3A_32 = tpu.memref_squeeze %dma_start3A_31 : memref<1x32x128xf32, #tpu.memory_space<hbm>> -> memref<32x128xf32, #tpu.memory_space<hbm>>
        %dma_start3A_33 = arith.constant 0 : i32
        %dma_start3A_34 = tpu.memref_slice %arg5[%arg0, %add3A_30, %dma_start3A_33] : memref<2x10240x128xf32, #tpu.memory_space<hbm>> -> memref<1x32x128xf32, #tpu.memory_space<hbm>>
        %dma_start3A_35 = tpu.memref_squeeze %dma_start3A_34 : memref<1x32x128xf32, #tpu.memory_space<hbm>> -> memref<32x128xf32, #tpu.memory_space<hbm>>
        tpu.enqueue_dma source(%arg11 : memref<32x128xf32, #tpu.memory_space<vmem>>) target(%dma_start3A_35 : memref<32x128xf32, #tpu.memory_space<hbm>>) target_semaphore(%run_scoped3A : memref<!tpu.dma_semaphore, #tpu.memory_space<semaphore_mem>>)
        %dma_wait3A = arith.constant 0 : i32
        %dma_wait3A_36 = tpu.memref_slice %arg5[%arg0, %add3A_30, %dma_wait3A] : memref<2x10240x128xf32, #tpu.memory_space<hbm>> -> memref<1x32x128xf32, #tpu.memory_space<hbm>>
        %dma_wait3A_37 = tpu.memref_squeeze %dma_wait3A_36 : memref<1x32x128xf32, #tpu.memory_space<hbm>> -> memref<32x128xf32, #tpu.memory_space<hbm>>
        %dma_wait3A_38 = arith.constant 0 : i32
        %dma_wait3A_39 = tpu.memref_slice %arg5[%arg0, %add3A_30, %dma_wait3A_38] : memref<2x10240x128xf32, #tpu.memory_space<hbm>> -> memref<1x32x128xf32, #tpu.memory_space<hbm>>
        %dma_wait3A_40 = tpu.memref_squeeze %dma_wait3A_39 : memref<1x32x128xf32, #tpu.memory_space<hbm>> -> memref<32x128xf32, #tpu.memory_space<hbm>>
        tpu.wait_dma2 semaphore(%run_scoped3A : memref<!tpu.dma_semaphore, #tpu.memory_space<semaphore_mem>>) src(%arg11 : memref<32x128xf32, #tpu.memory_space<vmem>>) dst(%dma_wait3A_40 : memref<32x128xf32, #tpu.memory_space<hbm>>)
        tpu.yield
      }) : () -> ()
    }
    %scan3A_26 = arith.constant 20 : i32
    return
  }
}

module attributes {stable_mosaic.version = 14 : i64} {
  func.func @_tc_front_body(%arg0: i32, %arg1: memref<1000x128xf32, #tpu.memory_space<vmem>>, %arg2: memref<128x128xf32, #tpu.memory_space<vmem>>, %arg3: memref<1000x128xf32, #tpu.memory_space<vmem>>) attributes {dimension_semantics = [#tpu.dimension_semantics<arbitrary>], iteration_bounds = array<i64: 10>, scalar_prefetch = 0 : i64, scratch_operands = 0 : i64, tpu.core_type = #tpu.core_type<tc>, window_params = [{transform_indices = @transform_0, window_bounds = array<i64: 1000, 128>}, {pipeline_mode = #tpu.pipeline_mode<synchronous>, transform_indices = @transform_1, window_bounds = array<i64: 128, 128>}, {transform_indices = @transform_2, window_bounds = array<i64: 1000, 128>}]} {
    %get3A = arith.constant 0 : index
    %get3A_0 = arith.constant 0 : index
    %get3A_1 = vector.load %arg1[%get3A, %get3A_0] : memref<1000x128xf32, #tpu.memory_space<vmem>>, vector<1000x128xf32>
    %mul3A = arith.mulf %get3A_1, %get3A_1 : vector<1000x128xf32>
    %reduce_sum3A = arith.constant dense<0.000000e+00> : vector<1000xf32>
    %reduce_sum3A_2 = vector.multi_reduction <add>, %mul3A, %reduce_sum3A [1] : vector<1000x128xf32> to vector<1000xf32>
    %broadcast_in_dim3A = vector.shape_cast %reduce_sum3A_2 : vector<1000xf32> to vector<1000x1xf32>
    %sqrt3A = math.sqrt %broadcast_in_dim3A : vector<1000x1xf32>
    %max3A = arith.constant 1.000000e-15 : f32
    %max3A_3 = vector.broadcast %max3A : f32 to vector<1000x1xf32>
    %max3A_4 = arith.maximumf %sqrt3A, %max3A_3 : vector<1000x1xf32>
    %jit3A = arith.constant -0.999989986 : f32
    %jit3A_5 = arith.constant 0.999989986 : f32
    %max3A_6 = vector.broadcast %jit3A : f32 to vector<1000x1xf32>
    %max3A_7 = arith.maximumf %max3A_6, %max3A_4 : vector<1000x1xf32>
    %min3A = vector.broadcast %jit3A_5 : f32 to vector<1000x1xf32>
    %min3A_8 = arith.minimumf %min3A, %max3A_7 : vector<1000x1xf32>
    %add3A = arith.constant 1.000000e+00 : f32
    %add3A_9 = vector.broadcast %add3A : f32 to vector<1000x1xf32>
    %add3A_10 = arith.addf %add3A_9, %min3A_8 : vector<1000x1xf32>
    %sub3A = arith.constant 1.000000e+00 : f32
    %sub3A_11 = vector.broadcast %sub3A : f32 to vector<1000x1xf32>
    %sub3A_12 = arith.subf %sub3A_11, %min3A_8 : vector<1000x1xf32>
    %div3A = arith.divf %add3A_10, %sub3A_12 : vector<1000x1xf32>
    %log3A = math.log %div3A : vector<1000x1xf32>
    %mul3A_13 = arith.constant 5.000000e-01 : f32
    %mul3A_14 = vector.broadcast %mul3A_13 : f32 to vector<1000x1xf32>
    %mul3A_15 = arith.mulf %mul3A_14, %log3A : vector<1000x1xf32>
    %div3A_16 = vector.broadcast %max3A_4 : vector<1000x1xf32> to vector<1000x128xf32>
    %div3A_17 = arith.divf %get3A_1, %div3A_16 : vector<1000x128xf32>
    %mul3A_18 = vector.broadcast %mul3A_15 : vector<1000x1xf32> to vector<1000x128xf32>
    %mul3A_19 = arith.mulf %div3A_17, %mul3A_18 : vector<1000x128xf32>
    %get3A_20 = arith.constant 0 : index
    %get3A_21 = arith.constant 0 : index
    %get3A_22 = vector.load %arg2[%get3A_20, %get3A_21] : memref<128x128xf32, #tpu.memory_space<vmem>>, vector<128x128xf32>
    %dot_general3A = arith.constant dense<0.000000e+00> : vector<1000x128xf32>
    %dot_general3A_23 = tpu.matmul %mul3A_19, %get3A_22, %dot_general3A {dimension_numbers = #tpu.dot_dimension_numbers<[1], [0], [0], [1], [0, 0, 1, 1], [], []>, transpose_lhs_hint = false} : vector<1000x128xf32>, vector<128x128xf32>, vector<1000x128xf32> -> vector<1000x128xf32>
    %ge3A = arith.constant 0.000000e+00 : f32
    %ge3A_24 = vector.broadcast %ge3A : f32 to vector<1000x128xf32>
    %ge3A_25 = arith.cmpf oge, %dot_general3A_23, %ge3A_24 : vector<1000x128xf32>
    %mul3A_26 = arith.constant 0.00999999977 : f32
    %mul3A_27 = vector.broadcast %mul3A_26 : f32 to vector<1000x128xf32>
    %mul3A_28 = arith.mulf %mul3A_27, %dot_general3A_23 : vector<1000x128xf32>
    %select_n3A = arith.select %ge3A_25, %dot_general3A_23, %mul3A_28 : vector<1000x128xi1>, vector<1000x128xf32>
    %swap3A = arith.constant 0 : index
    %swap3A_29 = arith.constant 0 : index
    %swap3A_30 = vector.load %arg3[%swap3A, %swap3A_29] : memref<1000x128xf32, #tpu.memory_space<vmem>>, vector<1000x128xf32>
    tpu.vector_store %arg3[%swap3A, %swap3A_29], %select_n3A {strides = array<i32>} : memref<1000x128xf32, #tpu.memory_space<vmem>>, vector<1000x128xf32>,
    return
  }
  func.func @transform_0(%arg0: i32) -> (i32, i32) {
    %c0_i32 = arith.constant 0 : i32
    %c0_i32_0 = arith.constant 0 : i32
    return %arg0, %c0_i32 : i32, i32
  }
  func.func @transform_1(%arg0: i32) -> (i32, i32) {
    %c0_i32 = arith.constant 0 : i32
    %c0_i32_0 = arith.constant 0 : i32
    %c0_i32_1 = arith.constant 0 : i32
    return %c0_i32, %c0_i32_0 : i32, i32
  }
  func.func @transform_2(%arg0: i32) -> (i32, i32) {
    %c0_i32 = arith.constant 0 : i32
    %c0_i32_0 = arith.constant 0 : i32
    return %arg0, %c0_i32 : i32, i32
  }
}

module attributes {stable_mosaic.version = 14 : i64} {
  func.func @_tc_sel_body(%arg0: i32, %arg1: memref<2x1000x128xf32, #tpu.memory_space<vmem>>, %arg2: memref<1000x128xf32, #tpu.memory_space<vmem>>, %arg3: memref<128x8xf32, #tpu.memory_space<vmem>>, %arg4: memref<1000x128xf32, #tpu.memory_space<vmem>>) attributes {dimension_semantics = [#tpu.dimension_semantics<arbitrary>], iteration_bounds = array<i64: 10>, scalar_prefetch = 0 : i64, scratch_operands = 0 : i64, tpu.core_type = #tpu.core_type<tc>, window_params = [{transform_indices = @transform_0, window_bounds = array<i64: 2, 1000, 128>}, {transform_indices = @transform_1, window_bounds = array<i64: 1000, 128>}, {pipeline_mode = #tpu.pipeline_mode<synchronous>, transform_indices = @transform_2, window_bounds = array<i64: 128, 8>}, {transform_indices = @transform_3, window_bounds = array<i64: 1000, 128>}]} {
    %get3A = arith.constant 0 : index
    %get3A_0 = arith.constant 0 : index
    %get3A_1 = arith.constant 0 : index
    %get3A_2 = vector.load %arg1[%get3A, %get3A_0, %get3A_1] : memref<2x1000x128xf32, #tpu.memory_space<vmem>>, vector<1x1000x128xf32>
    %get3A_3 = vector.shape_cast %get3A_2 : vector<1x1000x128xf32> to vector<1000x128xf32>
    %get3A_4 = arith.constant 1 : index
    %get3A_5 = arith.constant 0 : index
    %get3A_6 = arith.constant 0 : index
    %get3A_7 = vector.load %arg1[%get3A_4, %get3A_5, %get3A_6] : memref<2x1000x128xf32, #tpu.memory_space<vmem>>, vector<1x1000x128xf32>
    %get3A_8 = vector.shape_cast %get3A_7 : vector<1x1000x128xf32> to vector<1000x128xf32>
    %add3A = arith.addf %get3A_3, %get3A_8 : vector<1000x128xf32>
    %get3A_9 = arith.constant 0 : index
    %get3A_10 = arith.constant 0 : index
    %get3A_11 = vector.load %arg3[%get3A_9, %get3A_10] : memref<128x8xf32, #tpu.memory_space<vmem>>, vector<128x8xf32>
    %dot_general3A = arith.constant dense<0.000000e+00> : vector<1000x8xf32>
    %dot_general3A_12 = tpu.matmul %add3A, %get3A_11, %dot_general3A {dimension_numbers = #tpu.dot_dimension_numbers<[1], [0], [0], [1], [0, 0, 1, 1], [], []>, transpose_lhs_hint = false} : vector<1000x128xf32>, vector<128x8xf32>, vector<1000x8xf32> -> vector<1000x8xf32>
    %slice3A = vector.extract_strided_slice %dot_general3A_12 {offsets = [0, 0], sizes = [1000, 1], strides = [1, 1]} : vector<1000x8xf32> to vector<1000x1xf32>
    %max3A = arith.constant 0.000000e+00 : f32
    %max3A_13 = vector.broadcast %max3A : f32 to vector<1000x1xf32>
    %max3A_14 = arith.maximumf %slice3A, %max3A_13 : vector<1000x1xf32>
    %slice3A_15 = vector.extract_strided_slice %dot_general3A_12 {offsets = [0, 1], sizes = [1000, 1], strides = [1, 1]} : vector<1000x8xf32> to vector<1000x1xf32>
    %max3A_16 = arith.constant 0.000000e+00 : f32
    %max3A_17 = vector.broadcast %max3A_16 : f32 to vector<1000x1xf32>
    %max3A_18 = arith.maximumf %slice3A_15, %max3A_17 : vector<1000x1xf32>
    %max3A_19 = arith.maximumf %max3A_14, %max3A_18 : vector<1000x1xf32>
    %sub3A = arith.subf %max3A_14, %max3A_19 : vector<1000x1xf32>
    %exp3A = math.exp %sub3A : vector<1000x1xf32>
    %sub3A_20 = arith.subf %max3A_18, %max3A_19 : vector<1000x1xf32>
    %exp3A_21 = math.exp %sub3A_20 : vector<1000x1xf32>
    %add3A_22 = arith.addf %exp3A, %exp3A_21 : vector<1000x1xf32>
    %div3A = arith.divf %exp3A_21, %add3A_22 : vector<1000x1xf32>
    %gt3A = arith.constant 4.800000e-01 : f32
    %gt3A_23 = vector.broadcast %gt3A : f32 to vector<1000x1xf32>
    %gt3A_24 = arith.cmpf ogt, %div3A, %gt3A_23 : vector<1000x1xf32>
    %convert_element_type3A = arith.extui %gt3A_24 : vector<1000x1xi1> to vector<1000x1xi32>
    %convert_element_type3A_25 = arith.sitofp %convert_element_type3A : vector<1000x1xi32> to vector<1000x1xf32>
    %get3A_26 = arith.constant 0 : index
    %get3A_27 = arith.constant 0 : index
    %get3A_28 = vector.load %arg2[%get3A_26, %get3A_27] : memref<1000x128xf32, #tpu.memory_space<vmem>>, vector<1000x128xf32>
    %mul3A = vector.broadcast %convert_element_type3A_25 : vector<1000x1xf32> to vector<1000x128xf32>
    %mul3A_29 = arith.mulf %mul3A, %get3A_28 : vector<1000x128xf32>
    %swap3A = arith.constant 0 : index
    %swap3A_30 = arith.constant 0 : index
    %swap3A_31 = vector.load %arg4[%swap3A, %swap3A_30] : memref<1000x128xf32, #tpu.memory_space<vmem>>, vector<1000x128xf32>
    tpu.vector_store %arg4[%swap3A, %swap3A_30], %mul3A_29 {strides = array<i32>} : memref<1000x128xf32, #tpu.memory_space<vmem>>, vector<1000x128xf32>,
    return
  }
  func.func @transform_0(%arg0: i32) -> (i32, i32, i32) {
    %c0_i32 = arith.constant 0 : i32
    %c0_i32_0 = arith.constant 0 : i32
    %c0_i32_1 = arith.constant 0 : i32
    return %c0_i32, %arg0, %c0_i32_0 : i32, i32, i32
  }
  func.func @transform_1(%arg0: i32) -> (i32, i32) {
    %c0_i32 = arith.constant 0 : i32
    %c0_i32_0 = arith.constant 0 : i32
    return %arg0, %c0_i32 : i32, i32
  }
  func.func @transform_2(%arg0: i32) -> (i32, i32) {
    %c0_i32 = arith.constant 0 : i32
    %c0_i32_0 = arith.constant 0 : i32
    %c0_i32_1 = arith.constant 0 : i32
    return %c0_i32, %c0_i32_0 : i32, i32
  }
  func.func @transform_3(%arg0: i32) -> (i32, i32) {
    %c0_i32 = arith.constant 0 : i32
    %c0_i32_0 = arith.constant 0 : i32
    return %arg0, %c0_i32 : i32, i32
  }
}

module attributes {stable_mosaic.version = 14 : i64} {
  func.func @_tc_gate_body(%arg0: i32, %arg1: memref<2x1000x128xf32, #tpu.memory_space<vmem>>, %arg2: memref<2x1000x128xf32, #tpu.memory_space<vmem>>, %arg3: memref<1000x128xf32, #tpu.memory_space<vmem>>, %arg4: memref<128x8xf32, #tpu.memory_space<vmem>>, %arg5: memref<256x8xf32, #tpu.memory_space<vmem>>, %arg6: memref<1000x128xf32, #tpu.memory_space<vmem>>) attributes {dimension_semantics = [#tpu.dimension_semantics<arbitrary>], iteration_bounds = array<i64: 10>, scalar_prefetch = 0 : i64, scratch_operands = 0 : i64, tpu.core_type = #tpu.core_type<tc>, window_params = [{transform_indices = @transform_0, window_bounds = array<i64: 2, 1000, 128>}, {transform_indices = @transform_1, window_bounds = array<i64: 2, 1000, 128>}, {transform_indices = @transform_2, window_bounds = array<i64: 1000, 128>}, {pipeline_mode = #tpu.pipeline_mode<synchronous>, transform_indices = @transform_3, window_bounds = array<i64: 128, 8>}, {pipeline_mode = #tpu.pipeline_mode<synchronous>, transform_indices = @transform_4, window_bounds = array<i64: 256, 8>}, {transform_indices = @transform_5, window_bounds = array<i64: 1000, 128>}]} {
    %get3A = arith.constant 0 : index
    %get3A_0 = arith.constant 0 : index
    %get3A_1 = arith.constant 0 : index
    %get3A_2 = vector.load %arg1[%get3A, %get3A_0, %get3A_1] : memref<2x1000x128xf32, #tpu.memory_space<vmem>>, vector<1x1000x128xf32>
    %get3A_3 = vector.shape_cast %get3A_2 : vector<1x1000x128xf32> to vector<1000x128xf32>
    %get3A_4 = arith.constant 1 : index
    %get3A_5 = arith.constant 0 : index
    %get3A_6 = arith.constant 0 : index
    %get3A_7 = vector.load %arg1[%get3A_4, %get3A_5, %get3A_6] : memref<2x1000x128xf32, #tpu.memory_space<vmem>>, vector<1x1000x128xf32>
    %get3A_8 = vector.shape_cast %get3A_7 : vector<1x1000x128xf32> to vector<1000x128xf32>
    %add3A = arith.addf %get3A_3, %get3A_8 : vector<1000x128xf32>
    %get3A_9 = arith.constant 0 : index
    %get3A_10 = arith.constant 0 : index
    %get3A_11 = arith.constant 0 : index
    %get3A_12 = vector.load %arg2[%get3A_9, %get3A_10, %get3A_11] : memref<2x1000x128xf32, #tpu.memory_space<vmem>>, vector<1x1000x128xf32>
    %get3A_13 = vector.shape_cast %get3A_12 : vector<1x1000x128xf32> to vector<1000x128xf32>
    %get3A_14 = arith.constant 1 : index
    %get3A_15 = arith.constant 0 : index
    %get3A_16 = arith.constant 0 : index
    %get3A_17 = vector.load %arg2[%get3A_14, %get3A_15, %get3A_16] : memref<2x1000x128xf32, #tpu.memory_space<vmem>>, vector<1x1000x128xf32>
    %get3A_18 = vector.shape_cast %get3A_17 : vector<1x1000x128xf32> to vector<1000x128xf32>
    %add3A_19 = arith.addf %get3A_13, %get3A_18 : vector<1000x128xf32>
    %get3A_20 = arith.constant 0 : index
    %get3A_21 = arith.constant 0 : index
    %get3A_22 = vector.load %arg4[%get3A_20, %get3A_21] : memref<128x8xf32, #tpu.memory_space<vmem>>, vector<128x8xf32>
    %dot_general3A = arith.constant dense<0.000000e+00> : vector<1000x8xf32>
    %dot_general3A_23 = tpu.matmul %add3A, %get3A_22, %dot_general3A {dimension_numbers = #tpu.dot_dimension_numbers<[1], [0], [0], [1], [0, 0, 1, 1], [], []>, transpose_lhs_hint = false} : vector<1000x128xf32>, vector<128x8xf32>, vector<1000x8xf32> -> vector<1000x8xf32>
    %slice3A = vector.extract_strided_slice %dot_general3A_23 {offsets = [0, 0], sizes = [1000, 1], strides = [1, 1]} : vector<1000x8xf32> to vector<1000x1xf32>
    %max3A = arith.constant 0.000000e+00 : f32
    %max3A_24 = vector.broadcast %max3A : f32 to vector<1000x1xf32>
    %max3A_25 = arith.maximumf %slice3A, %max3A_24 : vector<1000x1xf32>
    %slice3A_26 = vector.extract_strided_slice %dot_general3A_23 {offsets = [0, 1], sizes = [1000, 1], strides = [1, 1]} : vector<1000x8xf32> to vector<1000x1xf32>
    %max3A_27 = arith.constant 0.000000e+00 : f32
    %max3A_28 = vector.broadcast %max3A_27 : f32 to vector<1000x1xf32>
    %max3A_29 = arith.maximumf %slice3A_26, %max3A_28 : vector<1000x1xf32>
    %max3A_30 = arith.maximumf %max3A_25, %max3A_29 : vector<1000x1xf32>
    %sub3A = arith.subf %max3A_25, %max3A_30 : vector<1000x1xf32>
    %exp3A = math.exp %sub3A : vector<1000x1xf32>
    %sub3A_31 = arith.subf %max3A_29, %max3A_30 : vector<1000x1xf32>
    %exp3A_32 = math.exp %sub3A_31 : vector<1000x1xf32>
    %add3A_33 = arith.addf %exp3A, %exp3A_32 : vector<1000x1xf32>
    %div3A = arith.divf %exp3A_32, %add3A_33 : vector<1000x1xf32>
    %gt3A = arith.constant 4.800000e-01 : f32
    %gt3A_34 = vector.broadcast %gt3A : f32 to vector<1000x1xf32>
    %gt3A_35 = arith.cmpf ogt, %div3A, %gt3A_34 : vector<1000x1xf32>
    %convert_element_type3A = arith.extui %gt3A_35 : vector<1000x1xi1> to vector<1000x1xi32>
    %convert_element_type3A_36 = arith.sitofp %convert_element_type3A : vector<1000x1xi32> to vector<1000x1xf32>
    %concatenate3A = tpu.concatenate %add3A_19, %add3A in 1 : vector<1000x128xf32>, vector<1000x128xf32> -> vector<1000x256xf32>
    %get3A_37 = arith.constant 0 : index
    %get3A_38 = arith.constant 0 : index
    %get3A_39 = vector.load %arg5[%get3A_37, %get3A_38] : memref<256x8xf32, #tpu.memory_space<vmem>>, vector<256x8xf32>
    %dot_general3A_40 = arith.constant dense<0.000000e+00> : vector<1000x8xf32>
    %dot_general3A_41 = tpu.matmul %concatenate3A, %get3A_39, %dot_general3A_40 {dimension_numbers = #tpu.dot_dimension_numbers<[1], [0], [0], [1], [0, 0, 1, 1], [], []>, transpose_lhs_hint = false} : vector<1000x256xf32>, vector<256x8xf32>, vector<1000x8xf32> -> vector<1000x8xf32>
    %slice3A_42 = vector.extract_strided_slice %dot_general3A_41 {offsets = [0, 0], sizes = [1000, 1], strides = [1, 1]} : vector<1000x8xf32> to vector<1000x1xf32>
    %ge3A = arith.constant 0.000000e+00 : f32
    %ge3A_43 = vector.broadcast %ge3A : f32 to vector<1000x1xf32>
    %ge3A_44 = arith.cmpf oge, %slice3A_42, %ge3A_43 : vector<1000x1xf32>
    %neg3A = arith.constant 0.000000e+00 : f32
    %neg3A_45 = vector.broadcast %neg3A : f32 to vector<1000x1xf32>
    %neg3A_46 = arith.subf %neg3A_45, %slice3A_42 : vector<1000x1xf32>
    %exp3A_47 = math.exp %neg3A_46 : vector<1000x1xf32>
    %add3A_48 = arith.constant 1.000000e+00 : f32
    %add3A_49 = vector.broadcast %add3A_48 : f32 to vector<1000x1xf32>
    %add3A_50 = arith.addf %add3A_49, %exp3A_47 : vector<1000x1xf32>
    %div3A_51 = arith.constant 1.000000e+00 : f32
    %div3A_52 = vector.broadcast %div3A_51 : f32 to vector<1000x1xf32>
    %div3A_53 = arith.divf %div3A_52, %add3A_50 : vector<1000x1xf32>
    %exp3A_54 = math.exp %slice3A_42 : vector<1000x1xf32>
    %exp3A_55 = math.exp %slice3A_42 : vector<1000x1xf32>
    %add3A_56 = arith.constant 1.000000e+00 : f32
    %add3A_57 = vector.broadcast %add3A_56 : f32 to vector<1000x1xf32>
    %add3A_58 = arith.addf %add3A_57, %exp3A_55 : vector<1000x1xf32>
    %div3A_59 = arith.divf %exp3A_54, %add3A_58 : vector<1000x1xf32>
    %select_n3A = arith.select %ge3A_44, %div3A_53, %div3A_59 : vector<1000x1xi1>, vector<1000x1xf32>
    %mul3A = arith.mulf %convert_element_type3A_36, %select_n3A : vector<1000x1xf32>
    %get3A_60 = arith.constant 0 : index
    %get3A_61 = arith.constant 0 : index
    %get3A_62 = vector.load %arg3[%get3A_60, %get3A_61] : memref<1000x128xf32, #tpu.memory_space<vmem>>, vector<1000x128xf32>
    %mul3A_63 = vector.broadcast %mul3A : vector<1000x1xf32> to vector<1000x128xf32>
    %mul3A_64 = arith.mulf %mul3A_63, %get3A_62 : vector<1000x128xf32>
    %swap3A = arith.constant 0 : index
    %swap3A_65 = arith.constant 0 : index
    %swap3A_66 = vector.load %arg6[%swap3A, %swap3A_65] : memref<1000x128xf32, #tpu.memory_space<vmem>>, vector<1000x128xf32>
    tpu.vector_store %arg6[%swap3A, %swap3A_65], %mul3A_64 {strides = array<i32>} : memref<1000x128xf32, #tpu.memory_space<vmem>>, vector<1000x128xf32>,
    return
  }
  func.func @transform_0(%arg0: i32) -> (i32, i32, i32) {
    %c0_i32 = arith.constant 0 : i32
    %c0_i32_0 = arith.constant 0 : i32
    %c0_i32_1 = arith.constant 0 : i32
    return %c0_i32, %arg0, %c0_i32_0 : i32, i32, i32
  }
  func.func @transform_1(%arg0: i32) -> (i32, i32, i32) {
    %c0_i32 = arith.constant 0 : i32
    %c0_i32_0 = arith.constant 0 : i32
    %c0_i32_1 = arith.constant 0 : i32
    return %c0_i32, %arg0, %c0_i32_0 : i32, i32, i32
  }
  func.func @transform_2(%arg0: i32) -> (i32, i32) {
    %c0_i32 = arith.constant 0 : i32
    %c0_i32_0 = arith.constant 0 : i32
    return %arg0, %c0_i32 : i32, i32
  }
  func.func @transform_3(%arg0: i32) -> (i32, i32) {
    %c0_i32 = arith.constant 0 : i32
    %c0_i32_0 = arith.constant 0 : i32
    %c0_i32_1 = arith.constant 0 : i32
    return %c0_i32, %c0_i32_0 : i32, i32
  }
  func.func @transform_4(%arg0: i32) -> (i32, i32) {
    %c0_i32 = arith.constant 0 : i32
    %c0_i32_0 = arith.constant 0 : i32
    %c0_i32_1 = arith.constant 0 : i32
    return %c0_i32, %c0_i32_0 : i32, i32
  }
  func.func @transform_5(%arg0: i32) -> (i32, i32) {
    %c0_i32 = arith.constant 0 : i32
    %c0_i32_0 = arith.constant 0 : i32
    return %arg0, %c0_i32 : i32, i32
  }
}

module attributes {stable_mosaic.version = 14 : i64} {
  func.func @_tc_out_body(%arg0: i32, %arg1: memref<1000x128xf32, #tpu.memory_space<vmem>>, %arg2: memref<2x1000x128xf32, #tpu.memory_space<vmem>>, %arg3: memref<1000x128xf32, #tpu.memory_space<vmem>>) attributes {dimension_semantics = [#tpu.dimension_semantics<arbitrary>], iteration_bounds = array<i64: 10>, scalar_prefetch = 0 : i64, scratch_operands = 0 : i64, tpu.core_type = #tpu.core_type<tc>, window_params = [{transform_indices = @transform_0, window_bounds = array<i64: 1000, 128>}, {transform_indices = @transform_1, window_bounds = array<i64: 2, 1000, 128>}, {transform_indices = @transform_2, window_bounds = array<i64: 1000, 128>}]} {
    %get3A = arith.constant 0 : index
    %get3A_0 = arith.constant 0 : index
    %get3A_1 = vector.load %arg1[%get3A, %get3A_0] : memref<1000x128xf32, #tpu.memory_space<vmem>>, vector<1000x128xf32>
    %get3A_2 = arith.constant 0 : index
    %get3A_3 = arith.constant 0 : index
    %get3A_4 = arith.constant 0 : index
    %get3A_5 = vector.load %arg2[%get3A_2, %get3A_3, %get3A_4] : memref<2x1000x128xf32, #tpu.memory_space<vmem>>, vector<1x1000x128xf32>
    %get3A_6 = vector.shape_cast %get3A_5 : vector<1x1000x128xf32> to vector<1000x128xf32>
    %get3A_7 = arith.constant 1 : index
    %get3A_8 = arith.constant 0 : index
    %get3A_9 = arith.constant 0 : index
    %get3A_10 = vector.load %arg2[%get3A_7, %get3A_8, %get3A_9] : memref<2x1000x128xf32, #tpu.memory_space<vmem>>, vector<1x1000x128xf32>
    %get3A_11 = vector.shape_cast %get3A_10 : vector<1x1000x128xf32> to vector<1000x128xf32>
    %add3A = arith.addf %get3A_6, %get3A_11 : vector<1000x128xf32>
    %max3A = arith.constant 0.000000e+00 : f32
    %max3A_12 = vector.broadcast %max3A : f32 to vector<1000x128xf32>
    %max3A_13 = arith.maximumf %add3A, %max3A_12 : vector<1000x128xf32>
    %add3A_14 = arith.addf %get3A_1, %max3A_13 : vector<1000x128xf32>
    %mul3A = arith.mulf %add3A_14, %add3A_14 : vector<1000x128xf32>
    %reduce_sum3A = arith.constant dense<0.000000e+00> : vector<1000xf32>
    %reduce_sum3A_15 = vector.multi_reduction <add>, %mul3A, %reduce_sum3A [1] : vector<1000x128xf32> to vector<1000xf32>
    %broadcast_in_dim3A = vector.shape_cast %reduce_sum3A_15 : vector<1000xf32> to vector<1000x1xf32>
    %sqrt3A = math.sqrt %broadcast_in_dim3A : vector<1000x1xf32>
    %max3A_16 = arith.constant 1.000000e-15 : f32
    %max3A_17 = vector.broadcast %max3A_16 : f32 to vector<1000x1xf32>
    %max3A_18 = arith.maximumf %sqrt3A, %max3A_17 : vector<1000x1xf32>
    %tanh3A = math.tanh %max3A_18 : vector<1000x1xf32>
    %mul3A_19 = vector.broadcast %tanh3A : vector<1000x1xf32> to vector<1000x128xf32>
    %mul3A_20 = arith.mulf %mul3A_19, %add3A_14 : vector<1000x128xf32>
    %div3A = vector.broadcast %max3A_18 : vector<1000x1xf32> to vector<1000x128xf32>
    %div3A_21 = arith.divf %mul3A_20, %div3A : vector<1000x128xf32>
    %mul3A_22 = arith.mulf %div3A_21, %div3A_21 : vector<1000x128xf32>
    %reduce_sum3A_23 = arith.constant dense<0.000000e+00> : vector<1000xf32>
    %reduce_sum3A_24 = vector.multi_reduction <add>, %mul3A_22, %reduce_sum3A_23 [1] : vector<1000x128xf32> to vector<1000xf32>
    %broadcast_in_dim3A_25 = vector.shape_cast %reduce_sum3A_24 : vector<1000xf32> to vector<1000x1xf32>
    %sqrt3A_26 = math.sqrt %broadcast_in_dim3A_25 : vector<1000x1xf32>
    %max3A_27 = arith.constant 1.000000e-15 : f32
    %max3A_28 = vector.broadcast %max3A_27 : f32 to vector<1000x1xf32>
    %max3A_29 = arith.maximumf %sqrt3A_26, %max3A_28 : vector<1000x1xf32>
    %gt3A = arith.constant 0.995999991 : f32
    %gt3A_30 = vector.broadcast %gt3A : f32 to vector<1000x1xf32>
    %gt3A_31 = arith.cmpf ogt, %max3A_29, %gt3A_30 : vector<1000x1xf32>
    %div3A_32 = vector.broadcast %max3A_29 : vector<1000x1xf32> to vector<1000x128xf32>
    %div3A_33 = arith.divf %div3A_21, %div3A_32 : vector<1000x128xf32>
    %mul3A_34 = arith.constant 0.995999991 : f32
    %mul3A_35 = vector.broadcast %mul3A_34 : f32 to vector<1000x128xf32>
    %mul3A_36 = arith.mulf %div3A_33, %mul3A_35 : vector<1000x128xf32>
    %broadcast_in_dim3A_37 = vector.shape_cast %gt3A_31 : vector<1000x1xi1> to vector<1000x1xi1>
    %broadcast_in_dim3A_38 = vector.broadcast %broadcast_in_dim3A_37 : vector<1000x1xi1> to vector<1000x128xi1>
    %select_n3A = arith.select %broadcast_in_dim3A_38, %mul3A_36, %div3A_21 : vector<1000x128xi1>, vector<1000x128xf32>
    %swap3A = arith.constant 0 : index
    %swap3A_39 = arith.constant 0 : index
    %swap3A_40 = vector.load %arg3[%swap3A, %swap3A_39] : memref<1000x128xf32, #tpu.memory_space<vmem>>, vector<1000x128xf32>
    tpu.vector_store %arg3[%swap3A, %swap3A_39], %select_n3A {strides = array<i32>} : memref<1000x128xf32, #tpu.memory_space<vmem>>, vector<1000x128xf32>,
    return
  }
  func.func @transform_0(%arg0: i32) -> (i32, i32) {
    %c0_i32 = arith.constant 0 : i32
    %c0_i32_0 = arith.constant 0 : i32
    return %arg0, %c0_i32 : i32, i32
  }
  func.func @transform_1(%arg0: i32) -> (i32, i32, i32) {
    %c0_i32 = arith.constant 0 : i32
    %c0_i32_0 = arith.constant 0 : i32
    %c0_i32_1 = arith.constant 0 : i32
    return %c0_i32, %arg0, %c0_i32_0 : i32, i32, i32
  }
  func.func @transform_2(%arg0: i32) -> (i32, i32) {
    %c0_i32 = arith.constant 0 : i32
    %c0_i32_0 = arith.constant 0 : i32
    return %arg0, %c0_i32 : i32, i32
  }
}

</mosaic_0001>

<sc_bundles>
// kernel: kernel.12.cloned.1.call-start
scs
__scs_entry_jumppad:
0x0: {  	(pc) =	sbr.rel $0x88, $3  }
0x1: {  	(tag) =	ssettag $0x0;
	lr =	simm.s32 $0x1  }
0x2: {  	[smem:$0x3F9C] =	sst lr;
	_ =	strace $0xD0000000  }
0x3: {  	_ = 	snop  }
0x4: {  	_ = 	snop  }
0x5: {  	_ = 	snop  }
0x6: {  	_ = 	snop  }
0x7: {  	_ = 	snop  }
__scs_overlays_trampoline_lowered:
0x8: {  	[smem:$0x3FAB] =	sst s0  }
0x9: {  	[smem:$0x3FAC] =	sst s1  }
0xa: {  	[smem:$0x3FAD] =	sst s2  }
0xb: {  	[smem:$0x3FAE] =	sst s3  }
0xc: {  	[smem:$0x3FAF] =	sst s4  }
0xd: {  	[smem:$0x3FB0] =	sst s5  }
0xe: {  	[smem:$0x3FB1] =	sst s6  }
0xf: {  	[smem:$0x3FB2] =	sst s7  }
0x10: {  	[smem:$0x3FB3] =	sst s8  }
0x11: {  	[smem:$0x3FB4] =	sst s9;
	s0 =	simm.s32 @!p0 $0x0  }
0x12: {  	s1 =	sld [smem:$0x3F9A];
	s0 =	simm.s32 @p0 $0x1  }
0x13: {  	[smem:$0x3FB5] =	sst s0;
	s0 =	simm.s32 @!p1 $0x0  }
0x14: {  	s2 =	sld [smem:$0x3F99];
	s0 =	simm.s32 @p1 $0x1  }
0x15: {  	[smem:$0x3FB6] =	sst s0;
	s0 =	simm.s32 @!p2 $0x0  }
0x16: {  	s3 =	sld [smem:$0x3FDB];
	s0 =	simm.s32 @p2 $0x1  }
0x17: {  	s4 =	simm.s32 $0x1BF5;
	[smem:$0x3FB8] =	sst s0  }
0x18: {  	s0 =	sld [smem:$0x3F9B];
	_ =	swait.ge [sflag:s4], $0x0  }
0x19: {  	s7 =	sld [smem:$0x3F9C]  }
0x1a: {  	s8 =	sadd.s32 $0xFFFFE003, lr  }
0x1b: {  	s9 =	sadd.s32 $0xFFFFFEF7, lr;
	s5 =	simm.s32 $0xFFFFFFFF;
	p2 =	slt.u32 s8, $0xFFFFF086  }
0x1c: {  	p1 =	slt.u32 s9, $0xF7A;
	s5 =	simm.s32 @!p2 $0x0  }
0x1d: {  	s5 =	simm.s32 @p1 $0x1;
	p0 =	seq.s32 s7, s2  }
0x1e: {  	s7 =	smul.u32 @!p0 $0xF7A, s2;
	p2 =	seq.s32 @!p0 s5, $0x0  }
0x1f: {  	s9 =	smul.u32 $0xF7A, s1;
	s8 =	simm.s32 @!p0 $0x1BF5;
	p2 =	por !p2, p0  }
0x20: {  	[sflag:s8] =	ssyncset.s32 @!p0 $0xFFFFF086;
	s6 =	sadd.s32 @!p0 s3, s7;
	s7 =	simm.s32 @!p0 $0x108  }
0x21: {  	s3 =	sadd.s32 s3, s9;
	s6 =	sadd.s32 @!p0 $0x88, s6;
	s7 =	simm.s32 @p2 $0x1082  }
0x22: {  	[simem:s7], [sflag:s8] =	dma.local @!p0 [hbm:s6], $0xF7A  }
0x23: {  	s9 =	sor.u32 $0xD0000000, s2;
	s6 =	simm.s32 $0x108;
	_ =	swait.ge @!p0 [sflag:s8], $0x0  }
0x24: {  	s3 =	sadd.s32 $0x88, s3;
	s6 =	simm.s32 @!p1 $0x1082;
	[sflag:s4] =	ssyncset.s32 $0xFFFFF086  }
0x25: {  	[simem:s6], [sflag:s4] =	dma.local [hbm:s3], $0xF7A  }
0x26: {  	[smem:$0x3F9C] =	sst s1;
	(tag) =	ssettag s2;
	_ =	strace s9  }
0x27: {  	s1 =	sld [smem:$0x3FAC]  }
0x28: {  	s2 =	sld [smem:$0x3FAD]  }
0x29: {  	s4 =	sld [smem:$0x3FAF]  }
0x2a: {  	p0 =	seq.s32 s5, $0x0;
	s5 =	sld [smem:$0x3FB0]  }
0x2b: {  	s6 =	sld [smem:$0x3FB1]  }
0x2c: {  	s7 =	sld [smem:$0x3FB2]  }
0x2d: {  	s3 =	simm.s32 $0x108;
	s8 =	sld [smem:$0x3FB3]  }
0x2e: {  	s3 =	simm.s32 @!p0 $0x1082;
	s9 =	sld [smem:$0x3FB4]  }
0x2f: {  	lr =	sadd.s32 s0, s3;
	s0 =	sld [smem:$0x3FAB]  }
0x30: {  	s3 =	sld [smem:$0x3FAE]  }
0x31: {  	[smem:$0x3FB7] =	sst s10  }
0x32: {  	s10 =	sld [smem:$0x3FB5];
	_ =	sdelay $0x3  }
0x33: {  	p0 =	seq.s32 s10, $0x1;
	s10 =	sld [smem:$0x3FB7];
	_ =	sdelay $0x3  }
0x34: {  	[smem:$0x3FB7] =	sst s10  }
0x35: {  	s10 =	sld [smem:$0x3FB6];
	_ =	sdelay $0x3  }
0x36: {  	p1 =	seq.s32 s10, $0x1;
	s10 =	sld [smem:$0x3FB7];
	_ =	sdelay $0x3  }
0x37: {  	[smem:$0x3FB7] =	sst s10  }
0x38: {  	s10 =	sld [smem:$0x3FB8]  }
0x39: {  	_ = 	snop;
	(pc) =	sbr.ind lr, $3  }
0x3a: {  	_ = 	snop  }
0x3b: {  	_ = 	snop  }
0x3c: {  	p2 =	seq.s32 s10, $0x1;
	s10 =	sld [smem:$0x3FB7]  }
0x3d: {  	_ =	shalt  }
0x3e: {  	_ =	shalt  }
0x3f: {  	_ =	shalt  }
0x40: {  	_ =	shalt  }
0x41: {  	_ =	shalt  }
0x42: {  	_ =	shalt  }
0x43: {  	_ =	shalt  }
0x44: {  	_ =	shalt  }
0x45: {  	_ =	shalt  }
0x46: {  	_ =	shalt  }
0x47: {  	_ =	shalt  }
0x48: {  	_ =	shalt  }
0x49: {  	_ =	shalt  }
0x4a: {  	_ =	shalt  }
0x4b: {  	_ =	shalt  }
0x4c: {  	_ =	shalt  }
0x4d: {  	_ =	shalt  }
0x4e: {  	_ =	shalt  }
0x4f: {  	_ =	shalt  }
0x50: {  	_ =	shalt  }
0x51: {  	_ =	shalt  }
0x52: {  	_ =	shalt  }
0x53: {  	_ =	shalt  }
0x54: {  	_ =	shalt  }
0x55: {  	_ =	shalt  }
0x56: {  	_ =	shalt  }
0x57: {  	_ =	shalt  }
0x58: {  	_ =	shalt  }
0x59: {  	_ =	shalt  }
0x5a: {  	_ =	shalt  }
0x5b: {  	_ =	shalt  }
0x5c: {  	_ =	shalt  }
0x5d: {  	_ =	shalt  }
0x5e: {  	_ =	shalt  }
0x5f: {  	_ =	shalt  }
0x60: {  	_ =	shalt  }
0x61: {  	_ =	shalt  }
0x62: {  	_ =	shalt  }
0x63: {  	_ =	shalt  }
0x64: {  	_ =	shalt  }
0x65: {  	_ =	shalt  }
0x66: {  	_ =	shalt  }
0x67: {  	_ =	shalt  }
0x68: {  	_ =	shalt  }
0x69: {  	_ =	shalt  }
0x6a: {  	_ =	shalt  }
0x6b: {  	_ =	shalt  }
0x6c: {  	_ =	shalt  }
0x6d: {  	_ =	shalt  }
0x6e: {  	_ =	shalt  }
0x6f: {  	_ =	shalt  }
0x70: {  	_ =	shalt  }
0x71: {  	_ =	shalt  }
0x72: {  	_ =	shalt  }
0x73: {  	_ =	shalt  }
0x74: {  	_ =	shalt  }
0x75: {  	_ =	shalt  }
0x76: {  	_ =	shalt  }
0x77: {  	_ =	shalt  }
0x78: {  	_ =	shalt  }
0x79: {  	_ =	shalt  }
0x7a: {  	_ =	shalt  }
0x7b: {  	_ =	shalt  }
0x7c: {  	_ =	shalt  }
0x7d: {  	_ =	shalt  }
0x7e: {  	_ =	shalt  }
0x7f: {  	_ =	shalt  }
0x80: {  	_ =	shalt  }
0x81: {  	_ =	shalt  }
0x82: {  	_ =	shalt  }
0x83: {  	_ =	shalt  }
0x84: {  	_ =	shalt  }
0x85: {  	_ =	shalt  }
0x86: {  	_ =	shalt  }
0x87: {  	_ =	shalt  }
.Lfunc_end0:
.L_simem_size_0:
called_computation.1_lowered:
.L_overlay_start_0:
0x88: {  	s2 =	sld [smem:$0x3FD9]  }
0x89: {  	s3 =	sld [smem:$0x3FFE];
	_ =	sdelay $0x1  }
0x8a: {  	s1 =	srdreg.scid  }
0x8b: {  	s0 =	sand.u32 $0x1, s1  }
0x8c: {  	s17 =	sshll.u32 s0, $0xA;
	s2 =	sadd.s32 s3, s2  }
0x8d: {  	s2 =	sadd.s32 s2, s17  }
0x8e: {  	[smem:$0x3FC3] =	sst s2  }
0x8f: {  	_ = 	snop  }
0x90: {  	s2 =	sld [smem:$0x3FD0];
	(tm) =	ssettm $0x1  }
0x91: {  	s18 =	sld [smem:$0x3FFB];
	_ =	sdelay $0x3  }
0x92: {  	_ =	strace s18  }
0x93: {  	s3 =	sld [smem:$0x3FFC];
	_ =	sdelay $0x3  }
0x94: {  	_ =	strace s3  }
0x95: {  	s3 =	sld [smem:$0x3FFD];
	_ =	sdelay $0x3  }
0x96: {  	_ =	strace s3  }
0x97: {  	_ =	strace $0x8FFFFFFF  }
0x98: {  	s19 =	sld [smem:$0x3FDB];
	_ =	sdelay $0x1  }
0x99: {  	s4 =	simm.s32 $_scs_section_size  }
0x9a: {  	s5 =	simm.s32 $_size__tile_overlayer_lowered;
	s6 =	simm.s32 $_tile_overlayer_lowered  }
0x9b: {  	s22 =	simm.s32 $0x1BFF;
	s21 =	sshll.u32 s6, $0x1;
	s3 =	sadd.s32 s4, s19  }
0x9c: {  	s7 =	simm.s32 $0x0;
	s20 =	sshll.u32 s5, $0x1;
	s5 =	sadd.s32 s21, s3  }
0x9d: {  	[timem:s7], [sflag:s22] =	dma.local [hbm:s5], s20  }
0x9e: {  	_ =	swait.ge [sflag:s22], s20  }
0x9f: {  	s4 =	ssub.s32 $0x0, s20;
	[sflag:s22] =	ssyncset.done $0x0  }
0xa0: {  	[sflag:s22] =	ssyncadd.s32 s4;
	_ =	sdelay $0x1  }
0xa1: {  	s23 =	simm.s32 $0x1B8B  }
0xa2: {  	_ =	swait.ge [sflag:s23], $0x1  }
0xa3: {  	[sflag:s23] =	ssyncset.done $0x0  }
0xa4: {  	s25 =	simm.s32 $0x1B8E;
	s24 =	sld [smem:$0x3FFE];
	[sflag:s23] =	ssyncadd.s32 $0xFFFFFFFF  }
0xa5: {  	s26 =	simm.s32 $execute0_lowered;
	[smem:$0x3FD2] =	sst s25  }
0xa6: {  	s5 =	sshll.u32 s26, $0x1;
	_ =	strace $0x80000049;
	[dreg:$0x1] =	wrdreg $0xFFFFFFFF  }
0xa7: {  	s28 =	simm.s32 $_size_execute0_lowered;
	s3 =	sadd.s32 s3, s5;
	[dreg:$0x0] =	wrdreg $0x0  }
0xa8: {  	s5 =	sshll.u32 s28, $0x1;
	[dreg:$0x2] =	wrdreg s3  }
0xa9: {  	[dreg:$0x3] =	wrdreg s5  }
0xaa: {  	[dreg:$0x4] =	wrdreg $0xC0  }
0xab: {  	_ =	task [dreg:s7], $0x5FFFF  }
0xac: {  	[dreg:$0x1] =	wrdreg $0xFFFFFFFF  }
0xad: {  	[dreg:$0x0] =	wrdreg $0x60  }
0xae: {  	[dreg:$0x2] =	wrdreg s24  }
0xaf: {  	[dreg:$0x3] =	wrdreg s2  }
0xb0: {  	[dreg:$0x4] =	wrdreg $0xA8000  }
0xb1: {  	[dreg:$0x5] =	wrdreg $0x9  }
0xb2: {  	_ =	task.clear_ibuf [dreg:s7], $0x6FFFF;
	_ =	strace $0x90000049  }
0xb3: {  	s29 =	simm.s32 $0x9;
	_ =	strace $0x8000004B  }
0xb4: {  	_ =	swait.ge [sflag:s29], $0x1  }
0xb5: {  	[sflag:s29] =	ssyncadd.s32 $0xFFFFFFFF  }
0xb6: {  	_ =	strace $0x9000004B  }
0xb7: {  	_ =	sfence  }
0xb8: {  	s30 =	sld [smem:$0x0];
	_ =	sdelay $0x2  }
0xb9: {  	s31 =	sshll.u32 s1, $0xD;
	s1 =	sshrl.u32 s1, $0x2  }
0xba: {  	s3 =	sand.u32 $0x4000, s31;
	s1 =	sadd.s32 s1, s30  }
0xbb: {  	s0 =	sor.u32 s3, s0;
	s1 =	sshll.u32 s1, $0x11  }
0xbc: {  	s0 =	sor.u32 s1, s0  }
0xbd: {  	s0 =	sadd.s32 $0x8F2B, s0  }
0xbe: {  	[sflag:s0] =	ssyncadd.remote.s32 $0x1  }
0xbf: {  	_ =	sfence.sel $0xFFFF  }
0xc0: {  	[dreg:$0x0] =	wrdreg $0xFFFFFFFF;
	(pc) =	sbr.abs _section_cstart, $3  }
0xc1: {  	[dreg:$0x1] =	wrdreg $0xFFFFFFFF  }
0xc2: {  	_ =	task.clear_ibuf [dreg:s7], $0x2FFFF;
	_ =	strace $0x9FFFFFFF  }
0xc3: {  	(tm) =	ssettm $0x7FFFFFFF  }
tec
execute0_lowered:
.L_overlay_start_1:
0x0: {  	(tag) =	ssettag $0x1  }
0x1: {  	s0 =	srdreg.scid;
	s8 =	stileid.u32  }
0x2: {  	s1 =	sand.u32 $0x1, s0;
	s4 =	smul.u32 $0x5000, s8  }
0x3: {  	s5 =	rddreg [dreg:$0x0];
	s0 =	smul.u32 $0x50000, s1  }
0x4: {  	s2 =	rddreg [dreg:$0x1]  }
0x5: {  	s3 =	rddreg [dreg:$0x2];
	s0 =	sadd.s32 s4, s0;
	s4 =	simm.s32 $0x0  }
0x6: {  	s10 =	simm.s32 $0x80;
	[smem:$0x7FF] =	sst s4  }
0x7: {  	s11 =	simm.s32 $0x100;
	_ =	strace $0x8000004A;
	[dreg:$0x6] =	wrdreg s10  }
0x8: {  	s12 =	simm.s32 $0x180;
	[dreg:$0x7] =	wrdreg s11  }
0x9: {  	s13 =	simm.s32 $0x1080;
	[dreg:$0x8] =	wrdreg s12  }
0xa: {  	s14 =	simm.s32 $0x200;
	[dreg:$0x9] =	wrdreg s13  }
0xb: {  	s16 =	simm.s32 $0x1100;
	[dreg:$0xa] =	wrdreg s14  }
0xc: {  	s17 =	simm.s32 $0x1180;
	[dreg:$0xb] =	wrdreg s16  }
0xd: {  	s18 =	simm.s32 $0x1200;
	[dreg:$0xc] =	wrdreg s17  }
0xe: {  	s19 =	simm.s32 $0x280;
	[dreg:$0xd] =	wrdreg s18  }
0xf: {  	s20 =	simm.s32 $0x300;
	s21 =	simm.s32 $0x380;
	[dreg:$0xe] =	wrdreg s19  }
0x10: {  	s22 =	simm.s32 $0x1280;
	s24 =	simm.s32 $0x400;
	[dreg:$0xf] =	wrdreg s20  }
0x11: {  	s26 =	simm.s32 $0x1300;
	s7 =	smul.u32 $0x14000, s8;
	[dreg:$0x10] =	wrdreg s21  }
0x12: {  	s15 =	smul.u32 $0x140000, s1;
	s1 =	ssub.s32 $0x2, s1;
	[dreg:$0x11] =	wrdreg s22  }
0x13: {  	s25 =	smul.u32 $0x50000, s8;
	s23 =	sshrl.u32 s1, $0x1;
	[dreg:$0x12] =	wrdreg s24  }
0x14: {  	s8 =	simm.s32 $0x1380;
	s1 =	ssub.s32 s1, s23;
	[dreg:$0x13] =	wrdreg s26  }
0x15: {  	s1 =	smax.u32 s1, $0x1;
	[dreg:$0x15] =	wrdreg s8  }
0x16: {  	s9 =	simm.s32 $0x1400;
	[smem:$0x7E0] =	sst s1  }
0x17: {  	[dreg:$0x16] =	wrdreg s9;
	s10 =	simm.s32 $0x1480  }
0x18: {  	s12 =	simm.s32 $0x500;
	[dreg:$0x17] =	wrdreg s10  }
0x19: {  	s14 =	simm.s32 $0x580;
	[dreg:$0x18] =	wrdreg s12  }
0x1a: {  	s16 =	simm.s32 $0x600;
	[dreg:$0x19] =	wrdreg s14  }
0x1b: {  	s18 =	simm.s32 $0x1500;
	[dreg:$0x1a] =	wrdreg s16  }
0x1c: {  	s20 =	simm.s32 $0x680;
	[dreg:$0x1b] =	wrdreg s18  }
0x1d: {  	s22 =	simm.s32 $0x1580;
	[dreg:$0x1c] =	wrdreg s20  }
0x1e: {  	s24 =	simm.s32 $0x700;
	[dreg:$0x1d] =	wrdreg s22  }
0x1f: {  	s0 =	sshrl.u32 s0, $0x3;
	s26 =	simm.s32 $0x1600;
	[dreg:$0x1e] =	wrdreg s24  }
0x20: {  	s0 =	sadd.s32 s0, s5;
	s8 =	simm.s32 $0x1680;
	[dreg:$0x1f] =	wrdreg s26  }
0x21: {  	s6 =	sadd.s32 $0x15E00, s0;
	[smem:$0x7EB] =	sst s8  }
0x22: {  	s0 =	sadd.s32 $0x1E00, s0;
	[dreg:$0x4] =	wrdreg s6  }
0x23: {  	s10 =	simm.s32 $0x1700;
	[dreg:$0x5] =	wrdreg s0  }
0x24: {  	s12 =	simm.s32 $0x780;
	[smem:$0x7ED] =	sst s10  }
0x25: {  	s14 =	simm.s32 $0x800;
	[smem:$0x7EF] =	sst s12  }
0x26: {  	s16 =	simm.s32 $0x880;
	[smem:$0x7F1] =	sst s14  }
0x27: {  	s18 =	simm.s32 $0x1780;
	[smem:$0x7F3] =	sst s16  }
0x28: {  	s20 =	simm.s32 $0x900;
	s22 =	simm.s32 $0x1800;
	[smem:$0x7F5] =	sst s18  }
0x29: {  	s24 =	simm.s32 $0x980;
	s6 =	sadd.s32 s7, s15;
	[smem:$0x7F7] =	sst s20  }
0x2a: {  	s7 =	sshrl.u32 s25, $0x2;
	[smem:$0x7F9] =	sst s22;
	s6 =	sshrl.u32 s6, $0x3  }
0x2b: {  	[smem:$0x7FA] =	sst s24;
	s0 =	sadd.s32 s6, s5;
	s6 =	simm.s32 $0x480  }
0x2c: {  	[dreg:$0x14] =	wrdreg s6;
	s6 =	sadd.s32 s7, s3  }
0x2d: {  	s11 =	sadd.s32 $0x1000, s6;
	[smem:$0x7FC] =	sst s6  }
0x2e: {  	s13 =	sadd.s32 $0x2000, s6;
	[smem:$0x7E1] =	sst s11  }
0x2f: {  	s28 =	simm.s32 $0x9800;
	s15 =	sadd.s32 $0x3000, s6;
	[smem:$0x7E2] =	sst s13  }
0x30: {  	s29 =	simm.s32 $0x7;
	s17 =	sadd.s32 $0x4000, s6;
	[smem:$0x7E3] =	sst s15  }
0x31: {  	s30 =	simm.s32 $0x1000;
	s19 =	sadd.s32 $0x5000, s6;
	[smem:$0x7E4] =	sst s17  }
0x32: {  	s31 =	simm.s32 $0x50;
	s21 =	sadd.s32 $0x6000, s6;
	[smem:$0x7E5] =	sst s19  }
0x33: {  	s1 =	simm.s32 $0x2000;
	s23 =	sadd.s32 $0x7000, s6;
	[smem:$0x7E6] =	sst s21  }
0x34: {  	s8 =	simm.s32 $0x4;
	s25 =	sadd.s32 $0x8000, s6;
	[smem:$0x7E7] =	sst s23  }
0x35: {  	s10 =	simm.s32 $0x5;
	s7 =	sadd.s32 $0x9000, s6;
	[smem:$0x7E8] =	sst s25  }
0x36: {  	s12 =	simm.s32 $0x0;
	s9 =	sadd.s32 $0xA000, s6;
	[smem:$0x7E9] =	sst s7  }
0x37: {  	s14 =	simm.s32 $0x1900;
	s26 =	sadd.s32 $0x13000, s6;
	[smem:$0x7EA] =	sst s9  }
0x38: {  	s16 =	simm.s32 $0xA00;
	s11 =	sadd.s32 $0xB000, s6;
	[smem:$0x7FD] =	sst s26  }
0x39: {  	s18 =	simm.s32 $0xB00;
	s13 =	sadd.s32 $0xC000, s6;
	[smem:$0x7EC] =	sst s11  }
0x3a: {  	s20 =	simm.s32 $0xB80;
	s15 =	sadd.s32 $0xD000, s6;
	[smem:$0x7EE] =	sst s13  }
0x3b: {  	s22 =	simm.s32 $0xC00;
	s17 =	sadd.s32 $0xE000, s6;
	[smem:$0x7F0] =	sst s15  }
0x3c: {  	s24 =	simm.s32 $0x1B80;
	s19 =	sadd.s32 $0xF000, s6;
	[smem:$0x7F2] =	sst s17  }
0x3d: {  	s21 =	sadd.s32 $0x10000, s6;
	s23 =	sadd.s32 $0x11000, s6;
	[smem:$0x7F4] =	sst s19  }
0x3e: {  	s25 =	sadd.s32 $0x12000, s6;
	s6 =	simm.s32 $0x7000;
	[smem:$0x7F6] =	sst s21  }
0x3f: {  	s7 =	simm.s32 $0x1;
	s9 =	simm.s32 $0x2;
	[smem:$0x7F8] =	sst s23  }
0x40: {  	[smem:$0x7FB] =	sst s25;
	s25 =	sadd.s32 $0x29E00, s0;
	s0 =	simm.s32 $0x4800  }
0x41: {  	s11 =	simm.s32 $0x3;
	s15 =	simm.s32 $0x1980;
	s17 =	simm.s32 $0xA80  }
0x42: {  	v0 =	vimm.f32 $0.0e+00;
	s19 =	simm.s32 $0x1A00;
	s21 =	simm.s32 $0x1A80;
	s23 =	simm.s32 $0x1B00  }
.LBB2_1:
0x43: {  	s5 =	sand.u32 $0x3E00, s4  }
0x44: {  	[smem:$0x7DF] =	sst s12;
	s13 =	sand.u32 $0x70, s4;
	s26 =	sshrl.u32 s5, $0x2  }
0x45: {  	s5 =	simm.s32 $0x40;
	s12 =	sor.u32 s13, s26;
	s26 =	simm.s32 $0x0  }
.LBB2_2:
0x46: {  	p0 =	sne.s32 s5, $0x3FC0  }
0x47: {  	[tilespmem:s12+$0x9800] =	vst v0;
	s26 =	sadd.s32 $0x10, s26;
	s12 =	smov.u32 s5;
	s5 =	sadd.s32 $0x40, s5  }
.Ltmp0:
0x48: {  	(pc) =	sbr.rel @p0 .LBB2_2-.Ltmp0, $4  }
0x49: {  	_ = 	snop  }
0x4a: {  	s12 =	sand.u32 $0x3E00, s12  }
0x4b: {  	s13 =	sand.u32 $0x70, s26;
	s12 =	sshrl.u32 s12, $0x2  }
0x4c: {  	s12 =	sor.u32 s13, s12  }
0x4d: {  	s5 =	sld [smem:$0x7FC];
	_ =	sdelay $0x1  }
0x4e: {  	[tilespmem:s12+$0x9800] =	vst v0  }
0x4f: {  	[spmem:s5] =	stream.linear.scatter [tilespmem:s28], [sflag:$0x7], $0x1000, $0x38;
	[tilespmem:$0x1E800] =	vst v63  }
0x50: {  	_ =	swait.ge [sflag:s29], $0x1000  }
0x51: {  	s13 =	sld [smem:$0x7E1]  }
0x52: {  	[sflag:s29] =	ssyncset.done $0x0  }
0x53: {  	[sflag:s29] =	ssyncadd.s32 $0xFFFFF000  }
0x54: {  	[spmem:s13] =	stream.linear.scatter [tilespmem:s28], [sflag:$0x7], $0x1000, $0x38;
	[tilespmem:$0x1E800] =	vst v63  }
0x55: {  	_ =	swait.ge [sflag:s29], $0x1000  }
0x56: {  	s26 =	sld [smem:$0x7E2]  }
0x57: {  	[sflag:s29] =	ssyncset.done $0x0  }
0x58: {  	[sflag:s29] =	ssyncadd.s32 $0xFFFFF000  }
0x59: {  	[spmem:s26] =	stream.linear.scatter [tilespmem:s28], [sflag:$0x7], $0x1000, $0x38;
	[tilespmem:$0x1E800] =	vst v63  }
0x5a: {  	_ =	swait.ge [sflag:s29], $0x1000  }
0x5b: {  	s12 =	sld [smem:$0x7E3]  }
0x5c: {  	[sflag:s29] =	ssyncset.done $0x0  }
0x5d: {  	[sflag:s29] =	ssyncadd.s32 $0xFFFFF000  }
0x5e: {  	[spmem:s12] =	stream.linear.scatter [tilespmem:s28], [sflag:$0x7], $0x1000, $0x38;
	[tilespmem:$0x1E800] =	vst v63  }
0x5f: {  	_ =	swait.ge [sflag:s29], $0x1000  }
0x60: {  	s13 =	sld [smem:$0x7E4]  }
0x61: {  	[sflag:s29] =	ssyncset.done $0x0  }
0x62: {  	[sflag:s29] =	ssyncadd.s32 $0xFFFFF000  }
0x63: {  	[spmem:s13] =	stream.linear.scatter [tilespmem:s28], [sflag:$0x7], $0x1000, $0x38;
	[tilespmem:$0x1E800] =	vst v63  }
0x64: {  	_ =	swait.ge [sflag:s29], $0x1000  }
0x65: {  	s26 =	sld [smem:$0x7E5]  }
0x66: {  	[sflag:s29] =	ssyncset.done $0x0  }
0x67: {  	[sflag:s29] =	ssyncadd.s32 $0xFFFFF000  }
0x68: {  	[spmem:s26] =	stream.linear.scatter [tilespmem:s28], [sflag:$0x7], $0x1000, $0x38;
	[tilespmem:$0x1E800] =	vst v63  }
0x69: {  	_ =	swait.ge [sflag:s29], $0x1000  }
0x6a: {  	s12 =	sld [smem:$0x7E6]  }
0x6b: {  	[sflag:s29] =	ssyncset.done $0x0  }
0x6c: {  	[sflag:s29] =	ssyncadd.s32 $0xFFFFF000  }
0x6d: {  	[spmem:s12] =	stream.linear.scatter [tilespmem:s28], [sflag:$0x7], $0x1000, $0x38;
	[tilespmem:$0x1E800] =	vst v63  }
0x6e: {  	_ =	swait.ge [sflag:s29], $0x1000  }
0x6f: {  	s13 =	sld [smem:$0x7E7]  }
0x70: {  	[sflag:s29] =	ssyncset.done $0x0  }
0x71: {  	[sflag:s29] =	ssyncadd.s32 $0xFFFFF000  }
0x72: {  	[spmem:s13] =	stream.linear.scatter [tilespmem:s28], [sflag:$0x7], $0x1000, $0x38;
	[tilespmem:$0x1E800] =	vst v63  }
0x73: {  	_ =	swait.ge [sflag:s29], $0x1000  }
0x74: {  	s26 =	sld [smem:$0x7E8]  }
0x75: {  	[sflag:s29] =	ssyncset.done $0x0  }
0x76: {  	[sflag:s29] =	ssyncadd.s32 $0xFFFFF000  }
0x77: {  	[spmem:s26] =	stream.linear.scatter [tilespmem:s28], [sflag:$0x7], $0x1000, $0x38;
	[tilespmem:$0x1E800] =	vst v63  }
0x78: {  	_ =	swait.ge [sflag:s29], $0x1000  }
0x79: {  	s12 =	sld [smem:$0x7E9]  }
0x7a: {  	[sflag:s29] =	ssyncset.done $0x0  }
0x7b: {  	[sflag:s29] =	ssyncadd.s32 $0xFFFFF000  }
0x7c: {  	[spmem:s12] =	stream.linear.scatter [tilespmem:s28], [sflag:$0x7], $0x1000, $0x38;
	[tilespmem:$0x1E800] =	vst v63  }
0x7d: {  	_ =	swait.ge [sflag:s29], $0x1000  }
0x7e: {  	s13 =	sld [smem:$0x7EA]  }
0x7f: {  	[sflag:s29] =	ssyncset.done $0x0  }
0x80: {  	[sflag:s29] =	ssyncadd.s32 $0xFFFFF000  }
0x81: {  	[spmem:s13] =	stream.linear.scatter [tilespmem:s28], [sflag:$0x7], $0x1000, $0x38;
	[tilespmem:$0x1E800] =	vst v63  }
0x82: {  	_ =	swait.ge [sflag:s29], $0x1000  }
0x83: {  	s26 =	sld [smem:$0x7EC]  }
0x84: {  	[sflag:s29] =	ssyncset.done $0x0  }
0x85: {  	[sflag:s29] =	ssyncadd.s32 $0xFFFFF000  }
0x86: {  	[spmem:s26] =	stream.linear.scatter [tilespmem:s28], [sflag:$0x7], $0x1000, $0x38;
	[tilespmem:$0x1E800] =	vst v63  }
0x87: {  	_ =	swait.ge [sflag:s29], $0x1000  }
0x88: {  	s12 =	sld [smem:$0x7EE]  }
0x89: {  	[sflag:s29] =	ssyncset.done $0x0  }
0x8a: {  	[sflag:s29] =	ssyncadd.s32 $0xFFFFF000  }
0x8b: {  	[spmem:s12] =	stream.linear.scatter [tilespmem:s28], [sflag:$0x7], $0x1000, $0x38;
	[tilespmem:$0x1E800] =	vst v63  }
0x8c: {  	_ =	swait.ge [sflag:s29], $0x1000  }
0x8d: {  	s13 =	sld [smem:$0x7F0]  }
0x8e: {  	[sflag:s29] =	ssyncset.done $0x0  }
0x8f: {  	[sflag:s29] =	ssyncadd.s32 $0xFFFFF000  }
0x90: {  	[spmem:s13] =	stream.linear.scatter [tilespmem:s28], [sflag:$0x7], $0x1000, $0x38;
	[tilespmem:$0x1E800] =	vst v63  }
0x91: {  	_ =	swait.ge [sflag:s29], $0x1000  }
0x92: {  	s26 =	sld [smem:$0x7F2]  }
0x93: {  	[sflag:s29] =	ssyncset.done $0x0  }
0x94: {  	[sflag:s29] =	ssyncadd.s32 $0xFFFFF000  }
0x95: {  	[spmem:s26] =	stream.linear.scatter [tilespmem:s28], [sflag:$0x7], $0x1000, $0x38;
	[tilespmem:$0x1E800] =	vst v63  }
0x96: {  	_ =	swait.ge [sflag:s29], $0x1000  }
0x97: {  	s12 =	sld [smem:$0x7F4]  }
0x98: {  	[sflag:s29] =	ssyncset.done $0x0  }
0x99: {  	[sflag:s29] =	ssyncadd.s32 $0xFFFFF000  }
0x9a: {  	[spmem:s12] =	stream.linear.scatter [tilespmem:s28], [sflag:$0x7], $0x1000, $0x38;
	[tilespmem:$0x1E800] =	vst v63  }
0x9b: {  	_ =	swait.ge [sflag:s29], $0x1000  }
0x9c: {  	s13 =	sld [smem:$0x7F6]  }
0x9d: {  	[sflag:s29] =	ssyncset.done $0x0  }
0x9e: {  	[sflag:s29] =	ssyncadd.s32 $0xFFFFF000  }
0x9f: {  	[spmem:s13] =	stream.linear.scatter [tilespmem:s28], [sflag:$0x7], $0x1000, $0x38;
	[tilespmem:$0x1E800] =	vst v63  }
0xa0: {  	_ =	swait.ge [sflag:s29], $0x1000  }
0xa1: {  	s26 =	sld [smem:$0x7F8]  }
0xa2: {  	[sflag:s29] =	ssyncset.done $0x0  }
0xa3: {  	[sflag:s29] =	ssyncadd.s32 $0xFFFFF000  }
0xa4: {  	[spmem:s26] =	stream.linear.scatter [tilespmem:s28], [sflag:$0x7], $0x1000, $0x38;
	[tilespmem:$0x1E800] =	vst v63  }
0xa5: {  	_ =	swait.ge [sflag:s29], $0x1000  }
0xa6: {  	s12 =	sld [smem:$0x7FB]  }
0xa7: {  	[sflag:s29] =	ssyncset.done $0x0  }
0xa8: {  	[sflag:s29] =	ssyncadd.s32 $0xFFFFF000  }
0xa9: {  	[spmem:s12] =	stream.linear.scatter [tilespmem:s28], [sflag:$0x7], $0x1000, $0x38;
	[tilespmem:$0x1E800] =	vst v63  }
0xaa: {  	_ =	swait.ge [sflag:s29], $0x1000  }
0xab: {  	s13 =	sld [smem:$0x7FD]  }
0xac: {  	[sflag:s29] =	ssyncset.done $0x0  }
0xad: {  	[sflag:s29] =	ssyncadd.s32 $0xFFFFF000  }
0xae: {  	[spmem:s13] =	stream.linear.scatter [tilespmem:s28], [sflag:$0x7], $0x1000, $0x38;
	[tilespmem:$0x1E800] =	vst v63  }
0xaf: {  	_ =	swait.ge [sflag:s29], $0x1000  }
0xb0: {  	[sflag:s29] =	ssyncset.done $0x0  }
0xb1: {  	[sflag:s29] =	ssyncadd.s32 $0xFFFFF000  }
0xb2: {  	[bflag:$0x0] =	sbarrier.arrive $0xFFFF  }
0xb3: {  	s26 =	rddreg [dreg:$0x5]  }
0xb4: {  	s5 =	sadd.s32 $0x0, s26  }
0xb5: {  	[tilespmem:s4], [sflag:$0x7] =	stream.linear.gather [hbm4b:s5+s4], $0xC80, $0x38;
	[tilespmem:$0x1E800] =	vst v63  }
0xb6: {  	_ =	swait.ge [sflag:s29], $0xC80  }
0xb7: {  	s12 =	rddreg [dreg:$0x4];
	[sflag:s29] =	ssyncset.done $0x0  }
0xb8: {  	[sflag:s29] =	ssyncadd.s32 $0xFFFFF380;
	s5 =	sadd.s32 $0x0, s12  }
0xb9: {  	[tilespmem:s30], [sflag:$0x7] =	stream.linear.gather [hbm4b:s5+s4], $0xC80, $0x38;
	[tilespmem:$0x1E800] =	vst v63  }
0xba: {  	_ =	swait.ge [sflag:s29], $0xC80  }
0xbb: {  	[sflag:s29] =	ssyncset.done $0x0  }
0xbc: {  	[sflag:s29] =	ssyncadd.s32 $0xFFFFF380  }
0xbd: {  	[tilespmem:s1], [sflag:$0x1] =	stream.indirect.gather [hbm4b:s2+s31], $0x80, s4, s31, $0xb8;
	[tilespmem:$0x1E800] =	vst v63  }
0xbe: {  	s13 =	rddreg [dreg:$0x6]  }
0xbf: {  	[tilespmem:s0], [sflag:$0x2] =	stream.indirect.gather [hbm4b:s2+s31], $0x80, s13, s31, $0xb8;
	[tilespmem:$0x1E800] =	vst v63  }
0xc0: {  	s26 =	rddreg [dreg:$0x7]  }
0xc1: {  	[tilespmem:s6], [sflag:$0x3] =	stream.indirect.gather [hbm4b:s2+s31], $0x80, s26, s31, $0xb8;
	[tilespmem:$0x1E800] =	vst v63  }
0xc2: {  	_ =	swait.ge [sflag:s7], $0x2800  }
0xc3: {  	[sflag:s7] =	ssyncset.done $0x0  }
0xc4: {  	[sflag:s7] =	ssyncadd.s32 $0xFFFFD800  }
0xc5: {  	[spmem:s3] =	stream.indirect.scatter.add.f32 [tilespmem:s1], [sflag:$0x4], $0x80, s30, s31, $0xb8;
	[tilespmem:$0x1E800] =	vst v63  }
0xc6: {  	_ =	swait.ge [sflag:s8], $0x2800  }
0xc7: {  	[sflag:s8] =	ssyncset.done $0x0  }
0xc8: {  	s12 =	rddreg [dreg:$0x8];
	[sflag:s8] =	ssyncadd.s32 $0xFFFFD800  }
0xc9: {  	[tilespmem:s1], [sflag:$0x1] =	stream.indirect.gather [hbm4b:s2+s31], $0x80, s12, s31, $0xb8;
	[tilespmem:$0x1E800] =	vst v63  }
0xca: {  	_ =	swait.ge [sflag:s9], $0x2800  }
0xcb: {  	[sflag:s9] =	ssyncset.done $0x0  }
0xcc: {  	s13 =	rddreg [dreg:$0x9];
	[sflag:s9] =	ssyncadd.s32 $0xFFFFD800  }
0xcd: {  	[spmem:s3] =	stream.indirect.scatter.add.f32 [tilespmem:s0], [sflag:$0x5], $0x80, s13, s31, $0xb8;
	[tilespmem:$0x1E800] =	vst v63  }
0xce: {  	_ =	swait.ge [sflag:s10], $0x2800  }
0xcf: {  	[sflag:s10] =	ssyncset.done $0x0  }
0xd0: {  	s26 =	rddreg [dreg:$0xa];
	[sflag:s10] =	ssyncadd.s32 $0xFFFFD800  }
0xd1: {  	[tilespmem:s0], [sflag:$0x2] =	stream.indirect.gather [hbm4b:s2+s31], $0x80, s26, s31, $0xb8;
	[tilespmem:$0x1E800] =	vst v63  }
0xd2: {  	_ =	swait.ge [sflag:s11], $0x2800  }
0xd3: {  	[sflag:s11] =	ssyncset.done $0x0  }
0xd4: {  	s12 =	rddreg [dreg:$0xb];
	[sflag:s11] =	ssyncadd.s32 $0xFFFFD800  }
0xd5: {  	[spmem:s3] =	stream.indirect.scatter.add.f32 [tilespmem:s6], [sflag:$0x6], $0x80, s12, s31, $0xb8;
	[tilespmem:$0x1E800] =	vst v63  }
0xd6: {  	_ =	swait.ge [sflag:s7], $0x2800  }
0xd7: {  	[sflag:s7] =	ssyncset.done $0x0  }
0xd8: {  	s13 =	rddreg [dreg:$0xc];
	[sflag:s7] =	ssyncadd.s32 $0xFFFFD800  }
0xd9: {  	[spmem:s3] =	stream.indirect.scatter.add.f32 [tilespmem:s1], [sflag:$0x4], $0x80, s13, s31, $0xb8;
	[tilespmem:$0x1E800] =	vst v63  }
0xda: {  	_ =	swait.ge [sflag:s9], $0x2800  }
0xdb: {  	[sflag:s9] =	ssyncset.done $0x0  }
0xdc: {  	s26 =	rddreg [dreg:$0xd];
	[sflag:s9] =	ssyncadd.s32 $0xFFFFD800  }
0xdd: {  	[spmem:s3] =	stream.indirect.scatter.add.f32 [tilespmem:s0], [sflag:$0x5], $0x80, s26, s31, $0xb8;
	[tilespmem:$0x1E800] =	vst v63  }
0xde: {  	_ =	swait.ge [sflag:s8], $0x2800  }
0xdf: {  	[sflag:s8] =	ssyncset.done $0x0  }
0xe0: {  	[sflag:s8] =	ssyncadd.s32 $0xFFFFD800  }
0xe1: {  	_ =	swait.ge [sflag:s10], $0x2800  }
0xe2: {  	[sflag:s10] =	ssyncset.done $0x0  }
0xe3: {  	s12 =	rddreg [dreg:$0xe];
	[sflag:s10] =	ssyncadd.s32 $0xFFFFD800  }
0xe4: {  	[tilespmem:s1], [sflag:$0x1] =	stream.indirect.gather [hbm4b:s2+s31], $0x80, s12, s31, $0xb8;
	[tilespmem:$0x1E800] =	vst v63  }
0xe5: {  	s13 =	rddreg [dreg:$0xf]  }
0xe6: {  	[tilespmem:s0], [sflag:$0x2] =	stream.indirect.gather [hbm4b:s2+s31], $0x80, s13, s31, $0xb8;
	[tilespmem:$0x1E800] =	vst v63  }
0xe7: {  	s26 =	rddreg [dreg:$0x10]  }
0xe8: {  	[tilespmem:s6], [sflag:$0x3] =	stream.indirect.gather [hbm4b:s2+s31], $0x80, s26, s31, $0xb8;
	[tilespmem:$0x1E800] =	vst v63  }
0xe9: {  	_ =	swait.ge [sflag:s7], $0x2800  }
0xea: {  	[sflag:s7] =	ssyncset.done $0x0  }
0xeb: {  	s12 =	rddreg [dreg:$0x11];
	[sflag:s7] =	ssyncadd.s32 $0xFFFFD800  }
0xec: {  	[spmem:s3] =	stream.indirect.scatter.add.f32 [tilespmem:s1], [sflag:$0x4], $0x80, s12, s31, $0xb8;
	[tilespmem:$0x1E800] =	vst v63  }
0xed: {  	_ =	swait.ge [sflag:s8], $0x2800  }
0xee: {  	[sflag:s8] =	ssyncset.done $0x0  }
0xef: {  	s13 =	rddreg [dreg:$0x12];
	[sflag:s8] =	ssyncadd.s32 $0xFFFFD800  }
0xf0: {  	[tilespmem:s1], [sflag:$0x1] =	stream.indirect.gather [hbm4b:s2+s31], $0x80, s13, s31, $0xb8;
	[tilespmem:$0x1E800] =	vst v63  }
0xf1: {  	_ =	swait.ge [sflag:s9], $0x2800  }
0xf2: {  	[sflag:s9] =	ssyncset.done $0x0  }
0xf3: {  	s26 =	rddreg [dreg:$0x13];
	[sflag:s9] =	ssyncadd.s32 $0xFFFFD800  }
0xf4: {  	[spmem:s3] =	stream.indirect.scatter.add.f32 [tilespmem:s0], [sflag:$0x5], $0x80, s26, s31, $0xb8;
	[tilespmem:$0x1E800] =	vst v63  }
0xf5: {  	_ =	swait.ge [sflag:s10], $0x2800  }
0xf6: {  	[sflag:s10] =	ssyncset.done $0x0  }
0xf7: {  	s12 =	rddreg [dreg:$0x14];
	[sflag:s10] =	ssyncadd.s32 $0xFFFFD800  }
0xf8: {  	[tilespmem:s0], [sflag:$0x2] =	stream.indirect.gather [hbm4b:s2+s31], $0x80, s12, s31, $0xb8;
	[tilespmem:$0x1E800] =	vst v63  }
0xf9: {  	_ =	swait.ge [sflag:s11], $0x2800  }
0xfa: {  	[sflag:s11] =	ssyncset.done $0x0  }
0xfb: {  	s13 =	rddreg [dreg:$0x15];
	[sflag:s11] =	ssyncadd.s32 $0xFFFFD800  }
0xfc: {  	[spmem:s3] =	stream.indirect.scatter.add.f32 [tilespmem:s6], [sflag:$0x6], $0x80, s13, s31, $0xb8;
	[tilespmem:$0x1E800] =	vst v63  }
0xfd: {  	_ =	swait.ge [sflag:s7], $0x2800  }
0xfe: {  	[sflag:s7] =	ssyncset.done $0x0  }
0xff: {  	s26 =	rddreg [dreg:$0x16];
	[sflag:s7] =	ssyncadd.s32 $0xFFFFD800  }
0x100: {  	[spmem:s3] =	stream.indirect.scatter.add.f32 [tilespmem:s1], [sflag:$0x4], $0x80, s26, s31, $0xb8;
	[tilespmem:$0x1E800] =	vst v63  }
0x101: {  	_ =	swait.ge [sflag:s9], $0x2800  }
0x102: {  	[sflag:s9] =	ssyncset.done $0x0  }
0x103: {  	s12 =	rddreg [dreg:$0x17];
	[sflag:s9] =	ssyncadd.s32 $0xFFFFD800  }
0x104: {  	[spmem:s3] =	stream.indirect.scatter.add.f32 [tilespmem:s0], [sflag:$0x5], $0x80, s12, s31, $0xb8;
	[tilespmem:$0x1E800] =	vst v63  }
0x105: {  	_ =	swait.ge [sflag:s8], $0x2800  }
0x106: {  	[sflag:s8] =	ssyncset.done $0x0  }
0x107: {  	[sflag:s8] =	ssyncadd.s32 $0xFFFFD800  }
0x108: {  	_ =	swait.ge [sflag:s10], $0x2800  }
0x109: {  	[sflag:s10] =	ssyncset.done $0x0  }
0x10a: {  	s13 =	rddreg [dreg:$0x18];
	[sflag:s10] =	ssyncadd.s32 $0xFFFFD800  }
0x10b: {  	[tilespmem:s1], [sflag:$0x1] =	stream.indirect.gather [hbm4b:s2+s31], $0x80, s13, s31, $0xb8;
	[tilespmem:$0x1E800] =	vst v63  }
0x10c: {  	s26 =	rddreg [dreg:$0x19]  }
0x10d: {  	[tilespmem:s0], [sflag:$0x2] =	stream.indirect.gather [hbm4b:s2+s31], $0x80, s26, s31, $0xb8;
	[tilespmem:$0x1E800] =	vst v63  }
0x10e: {  	s13 =	rddreg [dreg:$0x1a]  }
0x10f: {  	[tilespmem:s6], [sflag:$0x3] =	stream.indirect.gather [hbm4b:s2+s31], $0x80, s13, s31, $0xb8;
	[tilespmem:$0x1E800] =	vst v63  }
0x110: {  	_ =	swait.ge [sflag:s7], $0x2800  }
0x111: {  	[sflag:s7] =	ssyncset.done $0x0  }
0x112: {  	s26 =	rddreg [dreg:$0x1b];
	[sflag:s7] =	ssyncadd.s32 $0xFFFFD800  }
0x113: {  	[spmem:s3] =	stream.indirect.scatter.add.f32 [tilespmem:s1], [sflag:$0x4], $0x80, s26, s31, $0xb8;
	[tilespmem:$0x1E800] =	vst v63  }
0x114: {  	_ =	swait.ge [sflag:s8], $0x2800  }
0x115: {  	[sflag:s8] =	ssyncset.done $0x0  }
0x116: {  	s12 =	rddreg [dreg:$0x1c];
	[sflag:s8] =	ssyncadd.s32 $0xFFFFD800  }
0x117: {  	[tilespmem:s1], [sflag:$0x1] =	stream.indirect.gather [hbm4b:s2+s31], $0x80, s12, s31, $0xb8;
	[tilespmem:$0x1E800] =	vst v63  }
0x118: {  	_ =	swait.ge [sflag:s9], $0x2800  }
0x119: {  	[sflag:s9] =	ssyncset.done $0x0  }
0x11a: {  	s13 =	rddreg [dreg:$0x1d];
	[sflag:s9] =	ssyncadd.s32 $0xFFFFD800  }
0x11b: {  	[spmem:s3] =	stream.indirect.scatter.add.f32 [tilespmem:s0], [sflag:$0x5], $0x80, s13, s31, $0xb8;
	[tilespmem:$0x1E800] =	vst v63  }
0x11c: {  	_ =	swait.ge [sflag:s10], $0x2800  }
0x11d: {  	[sflag:s10] =	ssyncset.done $0x0  }
0x11e: {  	s26 =	rddreg [dreg:$0x1e];
	[sflag:s10] =	ssyncadd.s32 $0xFFFFD800  }
0x11f: {  	[tilespmem:s0], [sflag:$0x2] =	stream.indirect.gather [hbm4b:s2+s31], $0x80, s26, s31, $0xb8;
	[tilespmem:$0x1E800] =	vst v63  }
0x120: {  	_ =	swait.ge [sflag:s11], $0x2800  }
0x121: {  	[sflag:s11] =	ssyncset.done $0x0  }
0x122: {  	s12 =	rddreg [dreg:$0x1f];
	[sflag:s11] =	ssyncadd.s32 $0xFFFFD800  }
0x123: {  	[spmem:s3] =	stream.indirect.scatter.add.f32 [tilespmem:s6], [sflag:$0x6], $0x80, s12, s31, $0xb8;
	[tilespmem:$0x1E800] =	vst v63  }
0x124: {  	_ =	swait.ge [sflag:s7], $0x2800  }
0x125: {  	s13 =	sld [smem:$0x7EB]  }
0x126: {  	[sflag:s7] =	ssyncset.done $0x0  }
0x127: {  	[sflag:s7] =	ssyncadd.s32 $0xFFFFD800  }
0x128: {  	[spmem:s3] =	stream.indirect.scatter.add.f32 [tilespmem:s1], [sflag:$0x4], $0x80, s13, s31, $0xb8;
	[tilespmem:$0x1E800] =	vst v63  }
0x129: {  	_ =	swait.ge [sflag:s9], $0x2800  }
0x12a: {  	s26 =	sld [smem:$0x7ED]  }
0x12b: {  	[sflag:s9] =	ssyncset.done $0x0  }
0x12c: {  	[sflag:s9] =	ssyncadd.s32 $0xFFFFD800  }
0x12d: {  	[spmem:s3] =	stream.indirect.scatter.add.f32 [tilespmem:s0], [sflag:$0x5], $0x80, s26, s31, $0xb8;
	[tilespmem:$0x1E800] =	vst v63  }
0x12e: {  	_ =	swait.ge [sflag:s8], $0x2800  }
0x12f: {  	[sflag:s8] =	ssyncset.done $0x0  }
0x130: {  	[sflag:s8] =	ssyncadd.s32 $0xFFFFD800  }
0x131: {  	_ =	swait.ge [sflag:s10], $0x2800  }
0x132: {  	s12 =	sld [smem:$0x7EF]  }
0x133: {  	[sflag:s10] =	ssyncset.done $0x0  }
0x134: {  	s13 =	sld [smem:$0x7F1];
	[sflag:s10] =	ssyncadd.s32 $0xFFFFD800  }
0x135: {  	[tilespmem:s1], [sflag:$0x1] =	stream.indirect.gather [hbm4b:s2+s31], $0x80, s12, s31, $0xb8;
	[tilespmem:$0x1E800] =	vst v63  }
0x136: {  	s26 =	sld [smem:$0x7F3]  }
0x137: {  	[tilespmem:s0], [sflag:$0x2] =	stream.indirect.gather [hbm4b:s2+s31], $0x80, s13, s31, $0xb8;
	[tilespmem:$0x1E800] =	vst v63  }
0x138: {  	_ = 	snop  }
0x139: {  	[tilespmem:s6], [sflag:$0x3] =	stream.indirect.gather [hbm4b:s2+s31], $0x80, s26, s31, $0xb8;
	[tilespmem:$0x1E800] =	vst v63  }
0x13a: {  	_ =	swait.ge [sflag:s7], $0x2800  }
0x13b: {  	s12 =	sld [smem:$0x7F5]  }
0x13c: {  	[sflag:s7] =	ssyncset.done $0x0  }
0x13d: {  	[sflag:s7] =	ssyncadd.s32 $0xFFFFD800  }
0x13e: {  	[spmem:s3] =	stream.indirect.scatter.add.f32 [tilespmem:s1], [sflag:$0x4], $0x80, s12, s31, $0xb8;
	[tilespmem:$0x1E800] =	vst v63  }
0x13f: {  	_ =	swait.ge [sflag:s8], $0x2800  }
0x140: {  	s13 =	sld [smem:$0x7F7]  }
0x141: {  	[sflag:s8] =	ssyncset.done $0x0  }
0x142: {  	[sflag:s8] =	ssyncadd.s32 $0xFFFFD800  }
0x143: {  	[tilespmem:s1], [sflag:$0x1] =	stream.indirect.gather [hbm4b:s2+s31], $0x80, s13, s31, $0xb8;
	[tilespmem:$0x1E800] =	vst v63  }
0x144: {  	_ =	swait.ge [sflag:s9], $0x2800  }
0x145: {  	s26 =	sld [smem:$0x7F9]  }
0x146: {  	[sflag:s9] =	ssyncset.done $0x0  }
0x147: {  	[sflag:s9] =	ssyncadd.s32 $0xFFFFD800  }
0x148: {  	[spmem:s3] =	stream.indirect.scatter.add.f32 [tilespmem:s0], [sflag:$0x5], $0x80, s26, s31, $0xb8;
	[tilespmem:$0x1E800] =	vst v63  }
0x149: {  	_ =	swait.ge [sflag:s10], $0x2800  }
0x14a: {  	s12 =	sld [smem:$0x7FA]  }
0x14b: {  	[sflag:s10] =	ssyncset.done $0x0  }
0x14c: {  	[sflag:s10] =	ssyncadd.s32 $0xFFFFD800  }
0x14d: {  	[tilespmem:s0], [sflag:$0x2] =	stream.indirect.gather [hbm4b:s2+s31], $0x80, s12, s31, $0xb8;
	[tilespmem:$0x1E800] =	vst v63  }
0x14e: {  	_ =	swait.ge [sflag:s11], $0x2800  }
0x14f: {  	[sflag:s11] =	ssyncset.done $0x0  }
0x150: {  	s13 =	simm.s32 $0x1880;
	[sflag:s11] =	ssyncadd.s32 $0xFFFFD800  }
0x151: {  	[spmem:s3] =	stream.indirect.scatter.add.f32 [tilespmem:s6], [sflag:$0x6], $0x80, s13, s31, $0xb8;
	[tilespmem:$0x1E800] =	vst v63  }
0x152: {  	_ =	swait.ge [sflag:s7], $0x2800  }
0x153: {  	[sflag:s7] =	ssyncset.done $0x0  }
0x154: {  	[sflag:s7] =	ssyncadd.s32 $0xFFFFD800  }
0x155: {  	[spmem:s3] =	stream.indirect.scatter.add.f32 [tilespmem:s1], [sflag:$0x4], $0x80, s14, s31, $0xb8;
	[tilespmem:$0x1E800] =	vst v63  }
0x156: {  	_ =	swait.ge [sflag:s9], $0x2800  }
0x157: {  	[sflag:s9] =	ssyncset.done $0x0  }
0x158: {  	[sflag:s9] =	ssyncadd.s32 $0xFFFFD800  }
0x159: {  	[spmem:s3] =	stream.indirect.scatter.add.f32 [tilespmem:s0], [sflag:$0x5], $0x80, s15, s31, $0xb8;
	[tilespmem:$0x1E800] =	vst v63  }
0x15a: {  	_ =	swait.ge [sflag:s8], $0x2800  }
0x15b: {  	[sflag:s8] =	ssyncset.done $0x0  }
0x15c: {  	[sflag:s8] =	ssyncadd.s32 $0xFFFFD800  }
0x15d: {  	_ =	swait.ge [sflag:s10], $0x2800  }
0x15e: {  	[sflag:s10] =	ssyncset.done $0x0  }
0x15f: {  	[sflag:s10] =	ssyncadd.s32 $0xFFFFD800  }
0x160: {  	[tilespmem:s1], [sflag:$0x1] =	stream.indirect.gather [hbm4b:s2+s31], $0x80, s16, s31, $0xb8;
	[tilespmem:$0x1E800] =	vst v63  }
0x161: {  	_ = 	snop  }
0x162: {  	[tilespmem:s0], [sflag:$0x2] =	stream.indirect.gather [hbm4b:s2+s31], $0x80, s17, s31, $0xb8;
	[tilespmem:$0x1E800] =	vst v63  }
0x163: {  	_ = 	snop  }
0x164: {  	[tilespmem:s6], [sflag:$0x3] =	stream.indirect.gather [hbm4b:s2+s31], $0x80, s18, s31, $0xb8;
	[tilespmem:$0x1E800] =	vst v63  }
0x165: {  	_ =	swait.ge [sflag:s7], $0x2800  }
0x166: {  	[sflag:s7] =	ssyncset.done $0x0  }
0x167: {  	[sflag:s7] =	ssyncadd.s32 $0xFFFFD800  }
0x168: {  	[spmem:s3] =	stream.indirect.scatter.add.f32 [tilespmem:s1], [sflag:$0x4], $0x80, s19, s31, $0xb8;
	[tilespmem:$0x1E800] =	vst v63  }
0x169: {  	_ =	swait.ge [sflag:s8], $0x2800  }
0x16a: {  	[sflag:s8] =	ssyncset.done $0x0  }
0x16b: {  	[sflag:s8] =	ssyncadd.s32 $0xFFFFD800  }
0x16c: {  	[tilespmem:s1], [sflag:$0x1] =	stream.indirect.gather [hbm4b:s2+s31], $0x80, s20, s31, $0xb8;
	[tilespmem:$0x1E800] =	vst v63  }
0x16d: {  	_ =	swait.ge [sflag:s9], $0x2800  }
0x16e: {  	[sflag:s9] =	ssyncset.done $0x0  }
0x16f: {  	[sflag:s9] =	ssyncadd.s32 $0xFFFFD800  }
0x170: {  	[spmem:s3] =	stream.indirect.scatter.add.f32 [tilespmem:s0], [sflag:$0x5], $0x80, s21, s31, $0xb8;
	[tilespmem:$0x1E800] =	vst v63  }
0x171: {  	_ =	swait.ge [sflag:s10], $0x2800  }
0x172: {  	[sflag:s10] =	ssyncset.done $0x0  }
0x173: {  	[sflag:s10] =	ssyncadd.s32 $0xFFFFD800  }
0x174: {  	[tilespmem:s0], [sflag:$0x2] =	stream.indirect.gather [hbm4b:s2+s31], $0x80, s22, s31, $0xb8;
	[tilespmem:$0x1E800] =	vst v63  }
0x175: {  	_ =	swait.ge [sflag:s11], $0x2800  }
0x176: {  	[sflag:s11] =	ssyncset.done $0x0  }
0x177: {  	[sflag:s11] =	ssyncadd.s32 $0xFFFFD800  }
0x178: {  	[spmem:s3] =	stream.indirect.scatter.add.f32 [tilespmem:s6], [sflag:$0x6], $0x80, s23, s31, $0xb8;
	[tilespmem:$0x1E800] =	vst v63  }
0x179: {  	_ =	swait.ge [sflag:s7], $0x2800  }
0x17a: {  	[sflag:s7] =	ssyncset.done $0x0  }
0x17b: {  	[sflag:s7] =	ssyncadd.s32 $0xFFFFD800  }
0x17c: {  	[spmem:s3] =	stream.indirect.scatter.add.f32 [tilespmem:s1], [sflag:$0x4], $0x80, s24, s31, $0xb8;
	[tilespmem:$0x1E800] =	vst v63  }
0x17d: {  	_ =	swait.ge [sflag:s9], $0x2800  }
0x17e: {  	[sflag:s9] =	ssyncset.done $0x0  }
0x17f: {  	s26 =	simm.s32 $0x1C00;
	[sflag:s9] =	ssyncadd.s32 $0xFFFFD800  }
0x180: {  	[spmem:s3] =	stream.indirect.scatter.add.f32 [tilespmem:s0], [sflag:$0x5], $0x80, s26, s31, $0xb8;
	[tilespmem:$0x1E800] =	vst v63  }
0x181: {  	_ =	swait.ge [sflag:s8], $0x2800  }
0x182: {  	[sflag:s8] =	ssyncset.done $0x0  }
0x183: {  	[sflag:s8] =	ssyncadd.s32 $0xFFFFD800  }
0x184: {  	s5 =	simm.s32 $0x200;
	_ =	swait.ge [sflag:s10], $0x2800  }
0x185: {  	s26 =	simm.s32 $0x400;
	s12 =	rddreg [dreg:$0x5];
	[sflag:s10] =	ssyncset.done $0x0  }
.LBB2_4:
0x186: {  	[sflag:s10] =	ssyncadd.s32 $0xFFFFD800;
	s12 =	sadd.s32 s5, s12  }
0x187: {  	[tilespmem:s4], [sflag:$0x7] =	stream.linear.gather [hbm4b:s12+s4], $0xC80, $0x38;
	[tilespmem:$0x1E800] =	vst v63  }
0x188: {  	_ =	swait.ge [sflag:s29], $0xC80  }
0x189: {  	s12 =	rddreg [dreg:$0x4];
	[sflag:s29] =	ssyncset.done $0x0  }
0x18a: {  	[sflag:s29] =	ssyncadd.s32 $0xFFFFF380;
	s12 =	sadd.s32 s5, s12  }
0x18b: {  	[tilespmem:s30], [sflag:$0x7] =	stream.linear.gather [hbm4b:s12+s4], $0xC80, $0x38;
	[tilespmem:$0x1E800] =	vst v63  }
0x18c: {  	_ =	swait.ge [sflag:s29], $0xC80  }
0x18d: {  	[sflag:s29] =	ssyncset.done $0x0  }
0x18e: {  	[sflag:s29] =	ssyncadd.s32 $0xFFFFF380  }
0x18f: {  	[tilespmem:s1], [sflag:$0x1] =	stream.indirect.gather [hbm4b:s2+s31], $0x80, s4, s31, $0xb8;
	[tilespmem:$0x1E800] =	vst v63  }
0x190: {  	s13 =	smov.u32 s26;
	s12 =	rddreg [dreg:$0x6]  }
0x191: {  	[tilespmem:s0], [sflag:$0x2] =	stream.indirect.gather [hbm4b:s2+s31], $0x80, s12, s31, $0xb8;
	[tilespmem:$0x1E800] =	vst v63  }
0x192: {  	s5 =	smov.u32 s13;
	s13 =	rddreg [dreg:$0x7]  }
0x193: {  	[tilespmem:s6], [sflag:$0x3] =	stream.indirect.gather [hbm4b:s2+s31], $0x80, s13, s31, $0xb8;
	[tilespmem:$0x1E800] =	vst v63  }
0x194: {  	_ =	swait.ge [sflag:s7], $0x2800  }
0x195: {  	[sflag:s7] =	ssyncset.done $0x0  }
0x196: {  	[sflag:s7] =	ssyncadd.s32 $0xFFFFD800  }
0x197: {  	[spmem:s3] =	stream.indirect.scatter.add.f32 [tilespmem:s1], [sflag:$0x4], $0x80, s30, s31, $0xb8;
	[tilespmem:$0x1E800] =	vst v63  }
0x198: {  	_ =	swait.ge [sflag:s8], $0x2800  }
0x199: {  	[sflag:s8] =	ssyncset.done $0x0  }
0x19a: {  	s13 =	rddreg [dreg:$0x8];
	[sflag:s8] =	ssyncadd.s32 $0xFFFFD800  }
0x19b: {  	[tilespmem:s1], [sflag:$0x1] =	stream.indirect.gather [hbm4b:s2+s31], $0x80, s13, s31, $0xb8;
	[tilespmem:$0x1E800] =	vst v63  }
0x19c: {  	_ =	swait.ge [sflag:s9], $0x2800  }
0x19d: {  	[sflag:s9] =	ssyncset.done $0x0  }
0x19e: {  	s13 =	rddreg [dreg:$0x9];
	[sflag:s9] =	ssyncadd.s32 $0xFFFFD800  }
0x19f: {  	[spmem:s3] =	stream.indirect.scatter.add.f32 [tilespmem:s0], [sflag:$0x5], $0x80, s13, s31, $0xb8;
	[tilespmem:$0x1E800] =	vst v63  }
0x1a0: {  	_ =	swait.ge [sflag:s10], $0x2800  }
0x1a1: {  	[sflag:s10] =	ssyncset.done $0x0  }
0x1a2: {  	s13 =	rddreg [dreg:$0xa];
	[sflag:s10] =	ssyncadd.s32 $0xFFFFD800  }
0x1a3: {  	[tilespmem:s0], [sflag:$0x2] =	stream.indirect.gather [hbm4b:s2+s31], $0x80, s13, s31, $0xb8;
	[tilespmem:$0x1E800] =	vst v63  }
0x1a4: {  	_ =	swait.ge [sflag:s11], $0x2800  }
0x1a5: {  	[sflag:s11] =	ssyncset.done $0x0  }
0x1a6: {  	s13 =	rddreg [dreg:$0xb];
	[sflag:s11] =	ssyncadd.s32 $0xFFFFD800  }
0x1a7: {  	[spmem:s3] =	stream.indirect.scatter.add.f32 [tilespmem:s6], [sflag:$0x6], $0x80, s13, s31, $0xb8;
	[tilespmem:$0x1E800] =	vst v63  }
0x1a8: {  	_ =	swait.ge [sflag:s7], $0x2800  }
0x1a9: {  	[sflag:s7] =	ssyncset.done $0x0  }
0x1aa: {  	s13 =	rddreg [dreg:$0xc];
	[sflag:s7] =	ssyncadd.s32 $0xFFFFD800  }
0x1ab: {  	[spmem:s3] =	stream.indirect.scatter.add.f32 [tilespmem:s1], [sflag:$0x4], $0x80, s13, s31, $0xb8;
	[tilespmem:$0x1E800] =	vst v63  }
0x1ac: {  	_ =	swait.ge [sflag:s9], $0x2800  }
0x1ad: {  	[sflag:s9] =	ssyncset.done $0x0  }
0x1ae: {  	s13 =	rddreg [dreg:$0xd];
	[sflag:s9] =	ssyncadd.s32 $0xFFFFD800  }
0x1af: {  	[spmem:s3] =	stream.indirect.scatter.add.f32 [tilespmem:s0], [sflag:$0x5], $0x80, s13, s31, $0xb8;
	[tilespmem:$0x1E800] =	vst v63  }
0x1b0: {  	_ =	swait.ge [sflag:s8], $0x2800  }
0x1b1: {  	[sflag:s8] =	ssyncset.done $0x0  }
0x1b2: {  	[sflag:s8] =	ssyncadd.s32 $0xFFFFD800  }
0x1b3: {  	_ =	swait.ge [sflag:s10], $0x2800  }
0x1b4: {  	[sflag:s10] =	ssyncset.done $0x0  }
0x1b5: {  	s12 =	rddreg [dreg:$0xe];
	[sflag:s10] =	ssyncadd.s32 $0xFFFFD800  }
0x1b6: {  	[tilespmem:s1], [sflag:$0x1] =	stream.indirect.gather [hbm4b:s2+s31], $0x80, s12, s31, $0xb8;
	[tilespmem:$0x1E800] =	vst v63  }
0x1b7: {  	s13 =	rddreg [dreg:$0xf]  }
0x1b8: {  	[tilespmem:s0], [sflag:$0x2] =	stream.indirect.gather [hbm4b:s2+s31], $0x80, s13, s31, $0xb8;
	[tilespmem:$0x1E800] =	vst v63  }
0x1b9: {  	s12 =	rddreg [dreg:$0x10]  }
0x1ba: {  	[tilespmem:s6], [sflag:$0x3] =	stream.indirect.gather [hbm4b:s2+s31], $0x80, s12, s31, $0xb8;
	[tilespmem:$0x1E800] =	vst v63  }
0x1bb: {  	_ =	swait.ge [sflag:s7], $0x2800  }
0x1bc: {  	[sflag:s7] =	ssyncset.done $0x0  }
0x1bd: {  	s13 =	rddreg [dreg:$0x11];
	[sflag:s7] =	ssyncadd.s32 $0xFFFFD800  }
0x1be: {  	[spmem:s3] =	stream.indirect.scatter.add.f32 [tilespmem:s1], [sflag:$0x4], $0x80, s13, s31, $0xb8;
	[tilespmem:$0x1E800] =	vst v63  }
0x1bf: {  	_ =	swait.ge [sflag:s8], $0x2800  }
0x1c0: {  	[sflag:s8] =	ssyncset.done $0x0  }
0x1c1: {  	s13 =	rddreg [dreg:$0x12];
	[sflag:s8] =	ssyncadd.s32 $0xFFFFD800  }
0x1c2: {  	[tilespmem:s1], [sflag:$0x1] =	stream.indirect.gather [hbm4b:s2+s31], $0x80, s13, s31, $0xb8;
	[tilespmem:$0x1E800] =	vst v63  }
0x1c3: {  	_ =	swait.ge [sflag:s9], $0x2800  }
0x1c4: {  	[sflag:s9] =	ssyncset.done $0x0  }
0x1c5: {  	s13 =	rddreg [dreg:$0x13];
	[sflag:s9] =	ssyncadd.s32 $0xFFFFD800  }
0x1c6: {  	[spmem:s3] =	stream.indirect.scatter.add.f32 [tilespmem:s0], [sflag:$0x5], $0x80, s13, s31, $0xb8;
	[tilespmem:$0x1E800] =	vst v63  }
0x1c7: {  	_ =	swait.ge [sflag:s10], $0x2800  }
0x1c8: {  	[sflag:s10] =	ssyncset.done $0x0  }
0x1c9: {  	s13 =	rddreg [dreg:$0x14];
	[sflag:s10] =	ssyncadd.s32 $0xFFFFD800  }
0x1ca: {  	[tilespmem:s0], [sflag:$0x2] =	stream.indirect.gather [hbm4b:s2+s31], $0x80, s13, s31, $0xb8;
	[tilespmem:$0x1E800] =	vst v63  }
0x1cb: {  	_ =	swait.ge [sflag:s11], $0x2800  }
0x1cc: {  	[sflag:s11] =	ssyncset.done $0x0  }
0x1cd: {  	s13 =	rddreg [dreg:$0x15];
	[sflag:s11] =	ssyncadd.s32 $0xFFFFD800  }
0x1ce: {  	[spmem:s3] =	stream.indirect.scatter.add.f32 [tilespmem:s6], [sflag:$0x6], $0x80, s13, s31, $0xb8;
	[tilespmem:$0x1E800] =	vst v63  }
0x1cf: {  	_ =	swait.ge [sflag:s7], $0x2800  }
0x1d0: {  	[sflag:s7] =	ssyncset.done $0x0  }
0x1d1: {  	s13 =	rddreg [dreg:$0x16];
	[sflag:s7] =	ssyncadd.s32 $0xFFFFD800  }
0x1d2: {  	[spmem:s3] =	stream.indirect.scatter.add.f32 [tilespmem:s1], [sflag:$0x4], $0x80, s13, s31, $0xb8;
	[tilespmem:$0x1E800] =	vst v63  }
0x1d3: {  	_ =	swait.ge [sflag:s9], $0x2800  }
0x1d4: {  	[sflag:s9] =	ssyncset.done $0x0  }
0x1d5: {  	s13 =	rddreg [dreg:$0x17];
	[sflag:s9] =	ssyncadd.s32 $0xFFFFD800  }
0x1d6: {  	[spmem:s3] =	stream.indirect.scatter.add.f32 [tilespmem:s0], [sflag:$0x5], $0x80, s13, s31, $0xb8;
	[tilespmem:$0x1E800] =	vst v63  }
0x1d7: {  	_ =	swait.ge [sflag:s8], $0x2800  }
0x1d8: {  	[sflag:s8] =	ssyncset.done $0x0  }
0x1d9: {  	[sflag:s8] =	ssyncadd.s32 $0xFFFFD800  }
0x1da: {  	_ =	swait.ge [sflag:s10], $0x2800  }
0x1db: {  	[sflag:s10] =	ssyncset.done $0x0  }
0x1dc: {  	s12 =	rddreg [dreg:$0x18];
	[sflag:s10] =	ssyncadd.s32 $0xFFFFD800  }
0x1dd: {  	[tilespmem:s1], [sflag:$0x1] =	stream.indirect.gather [hbm4b:s2+s31], $0x80, s12, s31, $0xb8;
	[tilespmem:$0x1E800] =	vst v63  }
0x1de: {  	s13 =	rddreg [dreg:$0x19]  }
0x1df: {  	[tilespmem:s0], [sflag:$0x2] =	stream.indirect.gather [hbm4b:s2+s31], $0x80, s13, s31, $0xb8;
	[tilespmem:$0x1E800] =	vst v63  }
0x1e0: {  	s12 =	rddreg [dreg:$0x1a]  }
0x1e1: {  	[tilespmem:s6], [sflag:$0x3] =	stream.indirect.gather [hbm4b:s2+s31], $0x80, s12, s31, $0xb8;
	[tilespmem:$0x1E800] =	vst v63  }
0x1e2: {  	_ =	swait.ge [sflag:s7], $0x2800  }
0x1e3: {  	[sflag:s7] =	ssyncset.done $0x0  }
0x1e4: {  	s13 =	rddreg [dreg:$0x1b];
	[sflag:s7] =	ssyncadd.s32 $0xFFFFD800  }
0x1e5: {  	[spmem:s3] =	stream.indirect.scatter.add.f32 [tilespmem:s1], [sflag:$0x4], $0x80, s13, s31, $0xb8;
	[tilespmem:$0x1E800] =	vst v63  }
0x1e6: {  	_ =	swait.ge [sflag:s8], $0x2800  }
0x1e7: {  	[sflag:s8] =	ssyncset.done $0x0  }
0x1e8: {  	s13 =	rddreg [dreg:$0x1c];
	[sflag:s8] =	ssyncadd.s32 $0xFFFFD800  }
0x1e9: {  	[tilespmem:s1], [sflag:$0x1] =	stream.indirect.gather [hbm4b:s2+s31], $0x80, s13, s31, $0xb8;
	[tilespmem:$0x1E800] =	vst v63  }
0x1ea: {  	_ =	swait.ge [sflag:s9], $0x2800  }
0x1eb: {  	[sflag:s9] =	ssyncset.done $0x0  }
0x1ec: {  	s13 =	rddreg [dreg:$0x1d];
	[sflag:s9] =	ssyncadd.s32 $0xFFFFD800  }
0x1ed: {  	[spmem:s3] =	stream.indirect.scatter.add.f32 [tilespmem:s0], [sflag:$0x5], $0x80, s13, s31, $0xb8;
	[tilespmem:$0x1E800] =	vst v63  }
0x1ee: {  	_ =	swait.ge [sflag:s10], $0x2800  }
0x1ef: {  	[sflag:s10] =	ssyncset.done $0x0  }
0x1f0: {  	s13 =	rddreg [dreg:$0x1e];
	[sflag:s10] =	ssyncadd.s32 $0xFFFFD800  }
0x1f1: {  	[tilespmem:s0], [sflag:$0x2] =	stream.indirect.gather [hbm4b:s2+s31], $0x80, s13, s31, $0xb8;
	[tilespmem:$0x1E800] =	vst v63  }
0x1f2: {  	_ =	swait.ge [sflag:s11], $0x2800  }
0x1f3: {  	[sflag:s11] =	ssyncset.done $0x0  }
0x1f4: {  	s13 =	rddreg [dreg:$0x1f];
	[sflag:s11] =	ssyncadd.s32 $0xFFFFD800  }
0x1f5: {  	[spmem:s3] =	stream.indirect.scatter.add.f32 [tilespmem:s6], [sflag:$0x6], $0x80, s13, s31, $0xb8;
	[tilespmem:$0x1E800] =	vst v63  }
0x1f6: {  	_ =	swait.ge [sflag:s7], $0x2800  }
0x1f7: {  	s13 =	sld [smem:$0x7EB]  }
0x1f8: {  	[sflag:s7] =	ssyncset.done $0x0  }
0x1f9: {  	[sflag:s7] =	ssyncadd.s32 $0xFFFFD800  }
0x1fa: {  	[spmem:s3] =	stream.indirect.scatter.add.f32 [tilespmem:s1], [sflag:$0x4], $0x80, s13, s31, $0xb8;
	[tilespmem:$0x1E800] =	vst v63  }
0x1fb: {  	_ =	swait.ge [sflag:s9], $0x2800  }
0x1fc: {  	s13 =	sld [smem:$0x7ED]  }
0x1fd: {  	[sflag:s9] =	ssyncset.done $0x0  }
0x1fe: {  	[sflag:s9] =	ssyncadd.s32 $0xFFFFD800  }
0x1ff: {  	[spmem:s3] =	stream.indirect.scatter.add.f32 [tilespmem:s0], [sflag:$0x5], $0x80, s13, s31, $0xb8;
	[tilespmem:$0x1E800] =	vst v63  }
0x200: {  	_ =	swait.ge [sflag:s8], $0x2800  }
0x201: {  	[sflag:s8] =	ssyncset.done $0x0  }
0x202: {  	[sflag:s8] =	ssyncadd.s32 $0xFFFFD800  }
0x203: {  	_ =	swait.ge [sflag:s10], $0x2800  }
0x204: {  	s12 =	sld [smem:$0x7EF]  }
0x205: {  	[sflag:s10] =	ssyncset.done $0x0  }
0x206: {  	s13 =	sld [smem:$0x7F1];
	[sflag:s10] =	ssyncadd.s32 $0xFFFFD800  }
0x207: {  	[tilespmem:s1], [sflag:$0x1] =	stream.indirect.gather [hbm4b:s2+s31], $0x80, s12, s31, $0xb8;
	[tilespmem:$0x1E800] =	vst v63  }
0x208: {  	s12 =	sld [smem:$0x7F3]  }
0x209: {  	[tilespmem:s0], [sflag:$0x2] =	stream.indirect.gather [hbm4b:s2+s31], $0x80, s13, s31, $0xb8;
	[tilespmem:$0x1E800] =	vst v63  }
0x20a: {  	_ = 	snop  }
0x20b: {  	[tilespmem:s6], [sflag:$0x3] =	stream.indirect.gather [hbm4b:s2+s31], $0x80, s12, s31, $0xb8;
	[tilespmem:$0x1E800] =	vst v63  }
0x20c: {  	_ =	swait.ge [sflag:s7], $0x2800  }
0x20d: {  	s12 =	sld [smem:$0x7F5]  }
0x20e: {  	[sflag:s7] =	ssyncset.done $0x0  }
0x20f: {  	[sflag:s7] =	ssyncadd.s32 $0xFFFFD800  }
0x210: {  	[spmem:s3] =	stream.indirect.scatter.add.f32 [tilespmem:s1], [sflag:$0x4], $0x80, s12, s31, $0xb8;
	[tilespmem:$0x1E800] =	vst v63  }
0x211: {  	_ =	swait.ge [sflag:s8], $0x2800  }
0x212: {  	s12 =	sld [smem:$0x7F7]  }
0x213: {  	[sflag:s8] =	ssyncset.done $0x0  }
0x214: {  	[sflag:s8] =	ssyncadd.s32 $0xFFFFD800  }
0x215: {  	[tilespmem:s1], [sflag:$0x1] =	stream.indirect.gather [hbm4b:s2+s31], $0x80, s12, s31, $0xb8;
	[tilespmem:$0x1E800] =	vst v63  }
0x216: {  	_ =	swait.ge [sflag:s9], $0x2800  }
0x217: {  	s12 =	sld [smem:$0x7F9]  }
0x218: {  	[sflag:s9] =	ssyncset.done $0x0  }
0x219: {  	[sflag:s9] =	ssyncadd.s32 $0xFFFFD800  }
0x21a: {  	[spmem:s3] =	stream.indirect.scatter.add.f32 [tilespmem:s0], [sflag:$0x5], $0x80, s12, s31, $0xb8;
	[tilespmem:$0x1E800] =	vst v63  }
0x21b: {  	_ =	swait.ge [sflag:s10], $0x2800  }
0x21c: {  	s12 =	sld [smem:$0x7FA]  }
0x21d: {  	[sflag:s10] =	ssyncset.done $0x0  }
0x21e: {  	[sflag:s10] =	ssyncadd.s32 $0xFFFFD800  }
0x21f: {  	[tilespmem:s0], [sflag:$0x2] =	stream.indirect.gather [hbm4b:s2+s31], $0x80, s12, s31, $0xb8;
	[tilespmem:$0x1E800] =	vst v63  }
0x220: {  	_ =	swait.ge [sflag:s11], $0x2800  }
0x221: {  	[sflag:s11] =	ssyncset.done $0x0  }
0x222: {  	s13 =	simm.s32 $0x1880;
	[sflag:s11] =	ssyncadd.s32 $0xFFFFD800  }
0x223: {  	[spmem:s3] =	stream.indirect.scatter.add.f32 [tilespmem:s6], [sflag:$0x6], $0x80, s13, s31, $0xb8;
	[tilespmem:$0x1E800] =	vst v63  }
0x224: {  	_ =	swait.ge [sflag:s7], $0x2800  }
0x225: {  	[sflag:s7] =	ssyncset.done $0x0  }
0x226: {  	[sflag:s7] =	ssyncadd.s32 $0xFFFFD800  }
0x227: {  	[spmem:s3] =	stream.indirect.scatter.add.f32 [tilespmem:s1], [sflag:$0x4], $0x80, s14, s31, $0xb8;
	[tilespmem:$0x1E800] =	vst v63  }
0x228: {  	_ =	swait.ge [sflag:s9], $0x2800  }
0x229: {  	[sflag:s9] =	ssyncset.done $0x0  }
0x22a: {  	[sflag:s9] =	ssyncadd.s32 $0xFFFFD800  }
0x22b: {  	[spmem:s3] =	stream.indirect.scatter.add.f32 [tilespmem:s0], [sflag:$0x5], $0x80, s15, s31, $0xb8;
	[tilespmem:$0x1E800] =	vst v63  }
0x22c: {  	_ =	swait.ge [sflag:s8], $0x2800  }
0x22d: {  	[sflag:s8] =	ssyncset.done $0x0  }
0x22e: {  	[sflag:s8] =	ssyncadd.s32 $0xFFFFD800  }
0x22f: {  	_ =	swait.ge [sflag:s10], $0x2800  }
0x230: {  	[sflag:s10] =	ssyncset.done $0x0  }
0x231: {  	[sflag:s10] =	ssyncadd.s32 $0xFFFFD800  }
0x232: {  	[tilespmem:s1], [sflag:$0x1] =	stream.indirect.gather [hbm4b:s2+s31], $0x80, s16, s31, $0xb8;
	[tilespmem:$0x1E800] =	vst v63  }
0x233: {  	_ = 	snop  }
0x234: {  	[tilespmem:s0], [sflag:$0x2] =	stream.indirect.gather [hbm4b:s2+s31], $0x80, s17, s31, $0xb8;
	[tilespmem:$0x1E800] =	vst v63  }
0x235: {  	_ = 	snop  }
0x236: {  	[tilespmem:s6], [sflag:$0x3] =	stream.indirect.gather [hbm4b:s2+s31], $0x80, s18, s31, $0xb8;
	[tilespmem:$0x1E800] =	vst v63  }
0x237: {  	_ =	swait.ge [sflag:s7], $0x2800  }
0x238: {  	[sflag:s7] =	ssyncset.done $0x0  }
0x239: {  	[sflag:s7] =	ssyncadd.s32 $0xFFFFD800  }
0x23a: {  	[spmem:s3] =	stream.indirect.scatter.add.f32 [tilespmem:s1], [sflag:$0x4], $0x80, s19, s31, $0xb8;
	[tilespmem:$0x1E800] =	vst v63  }
0x23b: {  	_ =	swait.ge [sflag:s8], $0x2800  }
0x23c: {  	[sflag:s8] =	ssyncset.done $0x0  }
0x23d: {  	[sflag:s8] =	ssyncadd.s32 $0xFFFFD800  }
0x23e: {  	[tilespmem:s1], [sflag:$0x1] =	stream.indirect.gather [hbm4b:s2+s31], $0x80, s20, s31, $0xb8;
	[tilespmem:$0x1E800] =	vst v63  }
0x23f: {  	_ =	swait.ge [sflag:s9], $0x2800  }
0x240: {  	[sflag:s9] =	ssyncset.done $0x0  }
0x241: {  	[sflag:s9] =	ssyncadd.s32 $0xFFFFD800  }
0x242: {  	[spmem:s3] =	stream.indirect.scatter.add.f32 [tilespmem:s0], [sflag:$0x5], $0x80, s21, s31, $0xb8;
	[tilespmem:$0x1E800] =	vst v63  }
0x243: {  	_ =	swait.ge [sflag:s10], $0x2800  }
0x244: {  	[sflag:s10] =	ssyncset.done $0x0  }
0x245: {  	[sflag:s10] =	ssyncadd.s32 $0xFFFFD800  }
0x246: {  	[tilespmem:s0], [sflag:$0x2] =	stream.indirect.gather [hbm4b:s2+s31], $0x80, s22, s31, $0xb8;
	[tilespmem:$0x1E800] =	vst v63  }
0x247: {  	_ =	swait.ge [sflag:s11], $0x2800  }
0x248: {  	[sflag:s11] =	ssyncset.done $0x0  }
0x249: {  	[sflag:s11] =	ssyncadd.s32 $0xFFFFD800  }
0x24a: {  	[spmem:s3] =	stream.indirect.scatter.add.f32 [tilespmem:s6], [sflag:$0x6], $0x80, s23, s31, $0xb8;
	[tilespmem:$0x1E800] =	vst v63  }
0x24b: {  	_ =	swait.ge [sflag:s7], $0x2800  }
0x24c: {  	[sflag:s7] =	ssyncset.done $0x0  }
0x24d: {  	[sflag:s7] =	ssyncadd.s32 $0xFFFFD800  }
0x24e: {  	[spmem:s3] =	stream.indirect.scatter.add.f32 [tilespmem:s1], [sflag:$0x4], $0x80, s24, s31, $0xb8;
	[tilespmem:$0x1E800] =	vst v63  }
0x24f: {  	_ =	swait.ge [sflag:s9], $0x2800  }
0x250: {  	[sflag:s9] =	ssyncset.done $0x0  }
0x251: {  	p0 =	sne.s32 s26, $0x800;
	s12 =	simm.s32 $0x1C00;
	[sflag:s9] =	ssyncadd.s32 $0xFFFFD800  }
0x252: {  	[spmem:s3] =	stream.indirect.scatter.add.f32 [tilespmem:s0], [sflag:$0x5], $0x80, s12, s31, $0xb8;
	[tilespmem:$0x1E800] =	vst v63  }
.Ltmp1:
0x253: {  	_ =	swait.ge [sflag:s8], $0x2800;
	(pc) =	sbr.rel @p0 .LBB2_4-.Ltmp1, $4  }
0x254: {  	[sflag:s8] =	ssyncset.done $0x0  }
0x255: {  	[sflag:s8] =	ssyncadd.s32 $0xFFFFD800  }
0x256: {  	_ =	swait.ge [sflag:s10], $0x2800  }
0x257: {  	s26 =	sadd.s32 $0x200, s26;
	s12 =	rddreg [dreg:$0x5];
	[sflag:s10] =	ssyncset.done $0x0  }
0x258: {  	[sflag:s10] =	ssyncadd.s32 $0xFFFFD800;
	s12 =	sadd.s32 s5, s12  }
0x259: {  	[tilespmem:s4], [sflag:$0x7] =	stream.linear.gather [hbm4b:s12+s4], $0xC80, $0x38;
	[tilespmem:$0x1E800] =	vst v63  }
0x25a: {  	_ =	swait.ge [sflag:s29], $0xC80  }
0x25b: {  	s26 =	rddreg [dreg:$0x4];
	[sflag:s29] =	ssyncset.done $0x0  }
0x25c: {  	[sflag:s29] =	ssyncadd.s32 $0xFFFFF380;
	s26 =	sadd.s32 s5, s26  }
0x25d: {  	[tilespmem:s30], [sflag:$0x7] =	stream.linear.gather [hbm4b:s26+s4], $0xC80, $0x38;
	[tilespmem:$0x1E800] =	vst v63  }
0x25e: {  	_ =	swait.ge [sflag:s29], $0xC80  }
0x25f: {  	[sflag:s29] =	ssyncset.done $0x0  }
0x260: {  	[sflag:s29] =	ssyncadd.s32 $0xFFFFF380  }
0x261: {  	[tilespmem:s1], [sflag:$0x1] =	stream.indirect.gather [hbm4b:s2+s31], $0x80, s4, s31, $0xb8;
	[tilespmem:$0x1E800] =	vst v63  }
0x262: {  	s12 =	rddreg [dreg:$0x6]  }
0x263: {  	[tilespmem:s0], [sflag:$0x2] =	stream.indirect.gather [hbm4b:s2+s31], $0x80, s12, s31, $0xb8;
	[tilespmem:$0x1E800] =	vst v63  }
0x264: {  	s26 =	rddreg [dreg:$0x7]  }
0x265: {  	[tilespmem:s6], [sflag:$0x3] =	stream.indirect.gather [hbm4b:s2+s31], $0x80, s26, s31, $0xb8;
	[tilespmem:$0x1E800] =	vst v63  }
0x266: {  	_ =	swait.ge [sflag:s7], $0x2800  }
0x267: {  	[sflag:s7] =	ssyncset.done $0x0  }
0x268: {  	[sflag:s7] =	ssyncadd.s32 $0xFFFFD800  }
0x269: {  	[spmem:s3] =	stream.indirect.scatter.add.f32 [tilespmem:s1], [sflag:$0x4], $0x80, s30, s31, $0xb8;
	[tilespmem:$0x1E800] =	vst v63  }
0x26a: {  	_ =	swait.ge [sflag:s8], $0x2800  }
0x26b: {  	[sflag:s8] =	ssyncset.done $0x0  }
0x26c: {  	s26 =	rddreg [dreg:$0x8];
	[sflag:s8] =	ssyncadd.s32 $0xFFFFD800  }
0x26d: {  	[tilespmem:s1], [sflag:$0x1] =	stream.indirect.gather [hbm4b:s2+s31], $0x80, s26, s31, $0xb8;
	[tilespmem:$0x1E800] =	vst v63  }
0x26e: {  	_ =	swait.ge [sflag:s9], $0x2800  }
0x26f: {  	[sflag:s9] =	ssyncset.done $0x0  }
0x270: {  	s12 =	rddreg [dreg:$0x9];
	[sflag:s9] =	ssyncadd.s32 $0xFFFFD800  }
0x271: {  	[spmem:s3] =	stream.indirect.scatter.add.f32 [tilespmem:s0], [sflag:$0x5], $0x80, s12, s31, $0xb8;
	[tilespmem:$0x1E800] =	vst v63  }
0x272: {  	_ =	swait.ge [sflag:s10], $0x2800  }
0x273: {  	[sflag:s10] =	ssyncset.done $0x0  }
0x274: {  	s26 =	rddreg [dreg:$0xa];
	[sflag:s10] =	ssyncadd.s32 $0xFFFFD800  }
0x275: {  	[tilespmem:s0], [sflag:$0x2] =	stream.indirect.gather [hbm4b:s2+s31], $0x80, s26, s31, $0xb8;
	[tilespmem:$0x1E800] =	vst v63  }
0x276: {  	_ =	swait.ge [sflag:s11], $0x2800  }
0x277: {  	[sflag:s11] =	ssyncset.done $0x0  }
0x278: {  	s12 =	rddreg [dreg:$0xb];
	[sflag:s11] =	ssyncadd.s32 $0xFFFFD800  }
0x279: {  	[spmem:s3] =	stream.indirect.scatter.add.f32 [tilespmem:s6], [sflag:$0x6], $0x80, s12, s31, $0xb8;
	[tilespmem:$0x1E800] =	vst v63  }
0x27a: {  	_ =	swait.ge [sflag:s7], $0x2800  }
0x27b: {  	[sflag:s7] =	ssyncset.done $0x0  }
0x27c: {  	s26 =	rddreg [dreg:$0xc];
	[sflag:s7] =	ssyncadd.s32 $0xFFFFD800  }
0x27d: {  	[spmem:s3] =	stream.indirect.scatter.add.f32 [tilespmem:s1], [sflag:$0x4], $0x80, s26, s31, $0xb8;
	[tilespmem:$0x1E800] =	vst v63  }
0x27e: {  	_ =	swait.ge [sflag:s9], $0x2800  }
0x27f: {  	[sflag:s9] =	ssyncset.done $0x0  }
0x280: {  	s12 =	rddreg [dreg:$0xd];
	[sflag:s9] =	ssyncadd.s32 $0xFFFFD800  }
0x281: {  	[spmem:s3] =	stream.indirect.scatter.add.f32 [tilespmem:s0], [sflag:$0x5], $0x80, s12, s31, $0xb8;
	[tilespmem:$0x1E800] =	vst v63  }
0x282: {  	_ =	swait.ge [sflag:s8], $0x2800  }
0x283: {  	[sflag:s8] =	ssyncset.done $0x0  }
0x284: {  	[sflag:s8] =	ssyncadd.s32 $0xFFFFD800  }
0x285: {  	_ =	swait.ge [sflag:s10], $0x2800  }
0x286: {  	[sflag:s10] =	ssyncset.done $0x0  }
0x287: {  	s26 =	rddreg [dreg:$0xe];
	[sflag:s10] =	ssyncadd.s32 $0xFFFFD800  }
0x288: {  	[tilespmem:s1], [sflag:$0x1] =	stream.indirect.gather [hbm4b:s2+s31], $0x80, s26, s31, $0xb8;
	[tilespmem:$0x1E800] =	vst v63  }
0x289: {  	s12 =	rddreg [dreg:$0xf]  }
0x28a: {  	[tilespmem:s0], [sflag:$0x2] =	stream.indirect.gather [hbm4b:s2+s31], $0x80, s12, s31, $0xb8;
	[tilespmem:$0x1E800] =	vst v63  }
0x28b: {  	s26 =	rddreg [dreg:$0x10]  }
0x28c: {  	[tilespmem:s6], [sflag:$0x3] =	stream.indirect.gather [hbm4b:s2+s31], $0x80, s26, s31, $0xb8;
	[tilespmem:$0x1E800] =	vst v63  }
0x28d: {  	_ =	swait.ge [sflag:s7], $0x2800  }
0x28e: {  	[sflag:s7] =	ssyncset.done $0x0  }
0x28f: {  	s12 =	rddreg [dreg:$0x11];
	[sflag:s7] =	ssyncadd.s32 $0xFFFFD800  }
0x290: {  	[spmem:s3] =	stream.indirect.scatter.add.f32 [tilespmem:s1], [sflag:$0x4], $0x80, s12, s31, $0xb8;
	[tilespmem:$0x1E800] =	vst v63  }
0x291: {  	_ =	swait.ge [sflag:s8], $0x2800  }
0x292: {  	[sflag:s8] =	ssyncset.done $0x0  }
0x293: {  	s26 =	rddreg [dreg:$0x12];
	[sflag:s8] =	ssyncadd.s32 $0xFFFFD800  }
0x294: {  	[tilespmem:s1], [sflag:$0x1] =	stream.indirect.gather [hbm4b:s2+s31], $0x80, s26, s31, $0xb8;
	[tilespmem:$0x1E800] =	vst v63  }
0x295: {  	_ =	swait.ge [sflag:s9], $0x2800  }
0x296: {  	[sflag:s9] =	ssyncset.done $0x0  }
0x297: {  	s12 =	rddreg [dreg:$0x13];
	[sflag:s9] =	ssyncadd.s32 $0xFFFFD800  }
0x298: {  	[spmem:s3] =	stream.indirect.scatter.add.f32 [tilespmem:s0], [sflag:$0x5], $0x80, s12, s31, $0xb8;
	[tilespmem:$0x1E800] =	vst v63  }
0x299: {  	_ =	swait.ge [sflag:s10], $0x2800  }
0x29a: {  	[sflag:s10] =	ssyncset.done $0x0  }
0x29b: {  	s26 =	rddreg [dreg:$0x14];
	[sflag:s10] =	ssyncadd.s32 $0xFFFFD800  }
0x29c: {  	[tilespmem:s0], [sflag:$0x2] =	stream.indirect.gather [hbm4b:s2+s31], $0x80, s26, s31, $0xb8;
	[tilespmem:$0x1E800] =	vst v63  }
0x29d: {  	_ =	swait.ge [sflag:s11], $0x2800  }
0x29e: {  	[sflag:s11] =	ssyncset.done $0x0  }
0x29f: {  	s12 =	rddreg [dreg:$0x15];
	[sflag:s11] =	ssyncadd.s32 $0xFFFFD800  }
0x2a0: {  	[spmem:s3] =	stream.indirect.scatter.add.f32 [tilespmem:s6], [sflag:$0x6], $0x80, s12, s31, $0xb8;
	[tilespmem:$0x1E800] =	vst v63  }
0x2a1: {  	_ =	swait.ge [sflag:s7], $0x2800  }
0x2a2: {  	[sflag:s7] =	ssyncset.done $0x0  }
0x2a3: {  	s26 =	rddreg [dreg:$0x16];
	[sflag:s7] =	ssyncadd.s32 $0xFFFFD800  }
0x2a4: {  	[spmem:s3] =	stream.indirect.scatter.add.f32 [tilespmem:s1], [sflag:$0x4], $0x80, s26, s31, $0xb8;
	[tilespmem:$0x1E800] =	vst v63  }
0x2a5: {  	_ =	swait.ge [sflag:s9], $0x2800  }
0x2a6: {  	[sflag:s9] =	ssyncset.done $0x0  }
0x2a7: {  	s12 =	rddreg [dreg:$0x17];
	[sflag:s9] =	ssyncadd.s32 $0xFFFFD800  }
0x2a8: {  	[spmem:s3] =	stream.indirect.scatter.add.f32 [tilespmem:s0], [sflag:$0x5], $0x80, s12, s31, $0xb8;
	[tilespmem:$0x1E800] =	vst v63  }
0x2a9: {  	_ =	swait.ge [sflag:s8], $0x2800  }
0x2aa: {  	[sflag:s8] =	ssyncset.done $0x0  }
0x2ab: {  	[sflag:s8] =	ssyncadd.s32 $0xFFFFD800  }
0x2ac: {  	_ =	swait.ge [sflag:s10], $0x2800  }
0x2ad: {  	[sflag:s10] =	ssyncset.done $0x0  }
0x2ae: {  	s26 =	rddreg [dreg:$0x18];
	[sflag:s10] =	ssyncadd.s32 $0xFFFFD800  }
0x2af: {  	[tilespmem:s1], [sflag:$0x1] =	stream.indirect.gather [hbm4b:s2+s31], $0x80, s26, s31, $0xb8;
	[tilespmem:$0x1E800] =	vst v63  }
0x2b0: {  	s12 =	rddreg [dreg:$0x19]  }
0x2b1: {  	[tilespmem:s0], [sflag:$0x2] =	stream.indirect.gather [hbm4b:s2+s31], $0x80, s12, s31, $0xb8;
	[tilespmem:$0x1E800] =	vst v63  }
0x2b2: {  	s26 =	rddreg [dreg:$0x1a]  }
0x2b3: {  	[tilespmem:s6], [sflag:$0x3] =	stream.indirect.gather [hbm4b:s2+s31], $0x80, s26, s31, $0xb8;
	[tilespmem:$0x1E800] =	vst v63  }
0x2b4: {  	_ =	swait.ge [sflag:s7], $0x2800  }
0x2b5: {  	[sflag:s7] =	ssyncset.done $0x0  }
0x2b6: {  	s12 =	rddreg [dreg:$0x1b];
	[sflag:s7] =	ssyncadd.s32 $0xFFFFD800  }
0x2b7: {  	[spmem:s3] =	stream.indirect.scatter.add.f32 [tilespmem:s1], [sflag:$0x4], $0x80, s12, s31, $0xb8;
	[tilespmem:$0x1E800] =	vst v63  }
0x2b8: {  	_ =	swait.ge [sflag:s8], $0x2800  }
0x2b9: {  	[sflag:s8] =	ssyncset.done $0x0  }
0x2ba: {  	s26 =	rddreg [dreg:$0x1c];
	[sflag:s8] =	ssyncadd.s32 $0xFFFFD800  }
0x2bb: {  	[tilespmem:s1], [sflag:$0x1] =	stream.indirect.gather [hbm4b:s2+s31], $0x80, s26, s31, $0xb8;
	[tilespmem:$0x1E800] =	vst v63  }
0x2bc: {  	_ =	swait.ge [sflag:s9], $0x2800  }
0x2bd: {  	[sflag:s9] =	ssyncset.done $0x0  }
0x2be: {  	s12 =	rddreg [dreg:$0x1d];
	[sflag:s9] =	ssyncadd.s32 $0xFFFFD800  }
0x2bf: {  	[spmem:s3] =	stream.indirect.scatter.add.f32 [tilespmem:s0], [sflag:$0x5], $0x80, s12, s31, $0xb8;
	[tilespmem:$0x1E800] =	vst v63  }
0x2c0: {  	_ =	swait.ge [sflag:s10], $0x2800  }
0x2c1: {  	[sflag:s10] =	ssyncset.done $0x0  }
0x2c2: {  	s26 =	rddreg [dreg:$0x1e];
	[sflag:s10] =	ssyncadd.s32 $0xFFFFD800  }
0x2c3: {  	[tilespmem:s0], [sflag:$0x2] =	stream.indirect.gather [hbm4b:s2+s31], $0x80, s26, s31, $0xb8;
	[tilespmem:$0x1E800] =	vst v63  }
0x2c4: {  	_ =	swait.ge [sflag:s11], $0x2800  }
0x2c5: {  	[sflag:s11] =	ssyncset.done $0x0  }
0x2c6: {  	s12 =	rddreg [dreg:$0x1f];
	[sflag:s11] =	ssyncadd.s32 $0xFFFFD800  }
0x2c7: {  	[spmem:s3] =	stream.indirect.scatter.add.f32 [tilespmem:s6], [sflag:$0x6], $0x80, s12, s31, $0xb8;
	[tilespmem:$0x1E800] =	vst v63  }
0x2c8: {  	_ =	swait.ge [sflag:s7], $0x2800  }
0x2c9: {  	s26 =	sld [smem:$0x7EB]  }
0x2ca: {  	[sflag:s7] =	ssyncset.done $0x0  }
0x2cb: {  	[sflag:s7] =	ssyncadd.s32 $0xFFFFD800  }
0x2cc: {  	[spmem:s3] =	stream.indirect.scatter.add.f32 [tilespmem:s1], [sflag:$0x4], $0x80, s26, s31, $0xb8;
	[tilespmem:$0x1E800] =	vst v63  }
0x2cd: {  	_ =	swait.ge [sflag:s9], $0x2800  }
0x2ce: {  	s12 =	sld [smem:$0x7ED]  }
0x2cf: {  	[sflag:s9] =	ssyncset.done $0x0  }
0x2d0: {  	[sflag:s9] =	ssyncadd.s32 $0xFFFFD800  }
0x2d1: {  	[spmem:s3] =	stream.indirect.scatter.add.f32 [tilespmem:s0], [sflag:$0x5], $0x80, s12, s31, $0xb8;
	[tilespmem:$0x1E800] =	vst v63  }
0x2d2: {  	_ =	swait.ge [sflag:s8], $0x2800  }
0x2d3: {  	[sflag:s8] =	ssyncset.done $0x0  }
0x2d4: {  	[sflag:s8] =	ssyncadd.s32 $0xFFFFD800  }
0x2d5: {  	_ =	swait.ge [sflag:s10], $0x2800  }
0x2d6: {  	s26 =	sld [smem:$0x7EF]  }
0x2d7: {  	[sflag:s10] =	ssyncset.done $0x0  }
0x2d8: {  	s12 =	sld [smem:$0x7F1];
	[sflag:s10] =	ssyncadd.s32 $0xFFFFD800  }
0x2d9: {  	[tilespmem:s1], [sflag:$0x1] =	stream.indirect.gather [hbm4b:s2+s31], $0x80, s26, s31, $0xb8;
	[tilespmem:$0x1E800] =	vst v63  }
0x2da: {  	s26 =	sld [smem:$0x7F3]  }
0x2db: {  	[tilespmem:s0], [sflag:$0x2] =	stream.indirect.gather [hbm4b:s2+s31], $0x80, s12, s31, $0xb8;
	[tilespmem:$0x1E800] =	vst v63  }
0x2dc: {  	_ = 	snop  }
0x2dd: {  	[tilespmem:s6], [sflag:$0x3] =	stream.indirect.gather [hbm4b:s2+s31], $0x80, s26, s31, $0xb8;
	[tilespmem:$0x1E800] =	vst v63  }
0x2de: {  	_ =	swait.ge [sflag:s7], $0x2800  }
0x2df: {  	s12 =	sld [smem:$0x7F5]  }
0x2e0: {  	[sflag:s7] =	ssyncset.done $0x0  }
0x2e1: {  	[sflag:s7] =	ssyncadd.s32 $0xFFFFD800  }
0x2e2: {  	[spmem:s3] =	stream.indirect.scatter.add.f32 [tilespmem:s1], [sflag:$0x4], $0x80, s12, s31, $0xb8;
	[tilespmem:$0x1E800] =	vst v63  }
0x2e3: {  	_ =	swait.ge [sflag:s8], $0x2800  }
0x2e4: {  	s26 =	sld [smem:$0x7F7]  }
0x2e5: {  	[sflag:s8] =	ssyncset.done $0x0  }
0x2e6: {  	[sflag:s8] =	ssyncadd.s32 $0xFFFFD800  }
0x2e7: {  	[tilespmem:s1], [sflag:$0x1] =	stream.indirect.gather [hbm4b:s2+s31], $0x80, s26, s31, $0xb8;
	[tilespmem:$0x1E800] =	vst v63  }
0x2e8: {  	_ =	swait.ge [sflag:s9], $0x2800  }
0x2e9: {  	s12 =	sld [smem:$0x7F9]  }
0x2ea: {  	[sflag:s9] =	ssyncset.done $0x0  }
0x2eb: {  	[sflag:s9] =	ssyncadd.s32 $0xFFFFD800  }
0x2ec: {  	[spmem:s3] =	stream.indirect.scatter.add.f32 [tilespmem:s0], [sflag:$0x5], $0x80, s12, s31, $0xb8;
	[tilespmem:$0x1E800] =	vst v63  }
0x2ed: {  	_ =	swait.ge [sflag:s10], $0x2800  }
0x2ee: {  	s26 =	sld [smem:$0x7FA]  }
0x2ef: {  	[sflag:s10] =	ssyncset.done $0x0  }
0x2f0: {  	[sflag:s10] =	ssyncadd.s32 $0xFFFFD800  }
0x2f1: {  	[tilespmem:s0], [sflag:$0x2] =	stream.indirect.gather [hbm4b:s2+s31], $0x80, s26, s31, $0xb8;
	[tilespmem:$0x1E800] =	vst v63  }
0x2f2: {  	_ =	swait.ge [sflag:s11], $0x2800  }
0x2f3: {  	[sflag:s11] =	ssyncset.done $0x0  }
0x2f4: {  	[sflag:s11] =	ssyncadd.s32 $0xFFFFD800  }
0x2f5: {  	[spmem:s3] =	stream.indirect.scatter.add.f32 [tilespmem:s6], [sflag:$0x6], $0x80, s13, s31, $0xb8;
	[tilespmem:$0x1E800] =	vst v63  }
0x2f6: {  	_ =	swait.ge [sflag:s7], $0x2800  }
0x2f7: {  	[sflag:s7] =	ssyncset.done $0x0  }
0x2f8: {  	[sflag:s7] =	ssyncadd.s32 $0xFFFFD800  }
0x2f9: {  	[spmem:s3] =	stream.indirect.scatter.add.f32 [tilespmem:s1], [sflag:$0x4], $0x80, s14, s31, $0xb8;
	[tilespmem:$0x1E800] =	vst v63  }
0x2fa: {  	_ =	swait.ge [sflag:s9], $0x2800  }
0x2fb: {  	[sflag:s9] =	ssyncset.done $0x0  }
0x2fc: {  	[sflag:s9] =	ssyncadd.s32 $0xFFFFD800  }
0x2fd: {  	[spmem:s3] =	stream.indirect.scatter.add.f32 [tilespmem:s0], [sflag:$0x5], $0x80, s15, s31, $0xb8;
	[tilespmem:$0x1E800] =	vst v63  }
0x2fe: {  	_ =	swait.ge [sflag:s8], $0x2800  }
0x2ff: {  	[sflag:s8] =	ssyncset.done $0x0  }
0x300: {  	[sflag:s8] =	ssyncadd.s32 $0xFFFFD800  }
0x301: {  	_ =	swait.ge [sflag:s10], $0x2800  }
0x302: {  	[sflag:s10] =	ssyncset.done $0x0  }
0x303: {  	[sflag:s10] =	ssyncadd.s32 $0xFFFFD800  }
0x304: {  	[tilespmem:s1], [sflag:$0x1] =	stream.indirect.gather [hbm4b:s2+s31], $0x80, s16, s31, $0xb8;
	[tilespmem:$0x1E800] =	vst v63  }
0x305: {  	_ = 	snop  }
0x306: {  	[tilespmem:s0], [sflag:$0x2] =	stream.indirect.gather [hbm4b:s2+s31], $0x80, s17, s31, $0xb8;
	[tilespmem:$0x1E800] =	vst v63  }
0x307: {  	_ = 	snop  }
0x308: {  	[tilespmem:s6], [sflag:$0x3] =	stream.indirect.gather [hbm4b:s2+s31], $0x80, s18, s31, $0xb8;
	[tilespmem:$0x1E800] =	vst v63  }
0x309: {  	_ =	swait.ge [sflag:s7], $0x2800  }
0x30a: {  	[sflag:s7] =	ssyncset.done $0x0  }
0x30b: {  	[sflag:s7] =	ssyncadd.s32 $0xFFFFD800  }
0x30c: {  	[spmem:s3] =	stream.indirect.scatter.add.f32 [tilespmem:s1], [sflag:$0x4], $0x80, s19, s31, $0xb8;
	[tilespmem:$0x1E800] =	vst v63  }
0x30d: {  	_ =	swait.ge [sflag:s8], $0x2800  }
0x30e: {  	[sflag:s8] =	ssyncset.done $0x0  }
0x30f: {  	[sflag:s8] =	ssyncadd.s32 $0xFFFFD800  }
0x310: {  	[tilespmem:s1], [sflag:$0x1] =	stream.indirect.gather [hbm4b:s2+s31], $0x80, s20, s31, $0xb8;
	[tilespmem:$0x1E800] =	vst v63  }
0x311: {  	_ =	swait.ge [sflag:s9], $0x2800  }
0x312: {  	[sflag:s9] =	ssyncset.done $0x0  }
0x313: {  	[sflag:s9] =	ssyncadd.s32 $0xFFFFD800  }
0x314: {  	[spmem:s3] =	stream.indirect.scatter.add.f32 [tilespmem:s0], [sflag:$0x5], $0x80, s21, s31, $0xb8;
	[tilespmem:$0x1E800] =	vst v63  }
0x315: {  	_ =	swait.ge [sflag:s10], $0x2800  }
0x316: {  	[sflag:s10] =	ssyncset.done $0x0  }
0x317: {  	[sflag:s10] =	ssyncadd.s32 $0xFFFFD800  }
0x318: {  	[tilespmem:s0], [sflag:$0x2] =	stream.indirect.gather [hbm4b:s2+s31], $0x80, s22, s31, $0xb8;
	[tilespmem:$0x1E800] =	vst v63  }
0x319: {  	_ =	swait.ge [sflag:s11], $0x2800  }
0x31a: {  	[sflag:s11] =	ssyncset.done $0x0  }
0x31b: {  	[sflag:s11] =	ssyncadd.s32 $0xFFFFD800  }
0x31c: {  	[spmem:s3] =	stream.indirect.scatter.add.f32 [tilespmem:s6], [sflag:$0x6], $0x80, s23, s31, $0xb8;
	[tilespmem:$0x1E800] =	vst v63  }
0x31d: {  	_ =	swait.ge [sflag:s7], $0x2800  }
0x31e: {  	[sflag:s7] =	ssyncset.done $0x0  }
0x31f: {  	[sflag:s7] =	ssyncadd.s32 $0xFFFFD800  }
0x320: {  	[spmem:s3] =	stream.indirect.scatter.add.f32 [tilespmem:s1], [sflag:$0x4], $0x80, s24, s31, $0xb8;
	[tilespmem:$0x1E800] =	vst v63  }
0x321: {  	_ =	swait.ge [sflag:s9], $0x2800  }
0x322: {  	[sflag:s9] =	ssyncset.done $0x0  }
0x323: {  	s12 =	simm.s32 $0x1C00;
	[sflag:s9] =	ssyncadd.s32 $0xFFFFD800  }
0x324: {  	[spmem:s3] =	stream.indirect.scatter.add.f32 [tilespmem:s0], [sflag:$0x5], $0x80, s12, s31, $0xb8;
	[tilespmem:$0x1E800] =	vst v63  }
0x325: {  	_ =	swait.ge [sflag:s8], $0x2800  }
0x326: {  	[sflag:s8] =	ssyncset.done $0x0  }
0x327: {  	[sflag:s8] =	ssyncadd.s32 $0xFFFFD800  }
0x328: {  	_ =	swait.ge [sflag:s10], $0x2800  }
0x329: {  	[sflag:s10] =	ssyncset.done $0x0  }
0x32a: {  	[sflag:s10] =	ssyncadd.s32 $0xFFFFD800  }
0x32b: {  	[bflag:$0x0] =	sbarrier.arrive $0xFFFF  }
0x32c: {  	s26 =	sld [smem:$0x7FC];
	_ =	sdelay $0x2  }
0x32d: {  	[tilespmem:s28], [sflag:$0x7] =	stream.linear.gather [spmem:s26], $0x1000, $0x38;
	[tilespmem:$0x1E800] =	vst v63  }
0x32e: {  	_ =	swait.ge [sflag:s29], $0x1000  }
0x32f: {  	[sflag:s29] =	ssyncset.done $0x0  }
0x330: {  	s13 =	sadd.s32 $0x0, s25;
	[sflag:s29] =	ssyncadd.s32 $0xFFFFF000  }
0x331: {  	[hbm4b:s13+s4] =	stream.linear.scatter [tilespmem:s28], [sflag:$0x7], $0x1000, $0x38;
	[tilespmem:$0x1E800] =	vst v63  }
0x332: {  	_ =	swait.ge [sflag:s29], $0x1000  }
0x333: {  	s5 =	simm.s32 $0x200;
	[sflag:s29] =	ssyncset.done $0x0  }
.LBB2_6:
0x334: {  	p0 =	sne.s32 s5, $0x2600;
	[sflag:s29] =	ssyncadd.s32 $0xFFFFF000;
	s26 =	sadd.s32 $0x1000, s26  }
0x335: {  	[tilespmem:s28], [sflag:$0x7] =	stream.linear.gather [spmem:s26], $0x1000, $0x38;
	[tilespmem:$0x1E800] =	vst v63  }
0x336: {  	s12 =	smov.u32 s5;
	s5 =	sadd.s32 $0x200, s5;
	_ =	swait.ge [sflag:s29], $0x1000  }
.Ltmp2:
0x337: {  	[sflag:s29] =	ssyncset.done $0x0;
	(pc) =	sbr.rel @p0 .LBB2_6-.Ltmp2, $4  }
0x338: {  	s12 =	sadd.s32 s12, s25;
	[sflag:s29] =	ssyncadd.s32 $0xFFFFF000  }
0x339: {  	[hbm4b:s12+s4] =	stream.linear.scatter [tilespmem:s28], [sflag:$0x7], $0x1000, $0x38;
	[tilespmem:$0x1E800] =	vst v63  }
0x33a: {  	_ =	swait.ge [sflag:s29], $0x1000  }
0x33b: {  	[sflag:s29] =	ssyncset.done $0x0  }
0x33c: {  	s12 =	sld [smem:$0x7DF]  }
0x33d: {  	s5 =	sld [smem:$0x7E0];
	_ =	sdelay $0x1  }
0x33e: {  	s12 =	sadd.s32 $0x1, s12  }
0x33f: {  	p0 =	sne.s32 s12, s5  }
.Ltmp3:
0x340: {  	_ = 	snop;
	(pc) =	sbr.rel @p0 .LBB2_1-.Ltmp3, $2  }
0x341: {  	_ =	sdelay $0x2  }
0x342: {  	[sflag:s29] =	ssyncadd.s32 $0xFFFFF000  }
0x343: {  	_ =	sfence.sel $0x180000  }
0x344: {  	[bflag:$0x0] =	sbarrier.arrive $0xFFFF  }
0x345: {  	_ =	strace $0x9000004A  }
0x346: {  	s0 =	stileid.u32;
	[bflag:$0x2] =	sbarrier.arrive $0xFFFF  }
0x347: {  	p0 =	sne.s32 s0, $0x0;
	s0 =	rddreg [dreg:$0x3]  }
0x348: {  	s0 =	sadd.s32 @!p0 $0x100000, s0  }
0x349: {  	[sflag:s0] =	ssyncadd.tile.s32 @!p0 $0x1;
	_ =	shalt  }
.Lfunc_end2:
_tile_overlayer_lowered:
.L_overlay_start_2:
0x34a: {  	(tag) =	ssettag $0x2  }
0x34b: {  	s0 =	rddreg [dreg:$0x0];
	s2 =	stileid.u32  }
0x34c: {  	s1 =	rddreg [dreg:$0x1];
	p0 =	sne.s32 s2, $0x0  }
0x34d: {  	s3 =	rddreg [dreg:$0x2];
	[bflag:$0x3] =	sbarrier.arrive $0xFFFF;
	s2 =	simm.s32 @!p0 $0x1C07  }
0x34e: {  	[timem:s3], [sflag:s2] =	dma.local @!p0 [hbm:s0], s1  }
0x34f: {  	s0 =	simm.s32 @!p0 $0x7  }
0x350: {  	_ =	swait.ge @!p0 [sflag:s0], s1  }
0x351: {  	s1 =	ssub.s32 @!p0 $0x0, s1;
	[sflag:s0] =	ssyncset.done @!p0 $0x0  }
0x352: {  	[sflag:s0] =	ssyncadd.s32 @!p0 s1  }
0x353: {  	[bflag:$0x3] =	sbarrier.arrive $0xFFFF  }
0x354: {  	_ =	shalt  }

// kernel: kernel.15.cloned.1.call-start
scs
__scs_entry_jumppad:
0x0: {  	(pc) =	sbr.rel $0x88, $3  }
0x1: {  	(tag) =	ssettag $0x0;
	lr =	simm.s32 $0x1  }
0x2: {  	[smem:$0x3F9C] =	sst lr;
	_ =	strace $0xD0000000  }
0x3: {  	_ = 	snop  }
0x4: {  	_ = 	snop  }
0x5: {  	_ = 	snop  }
0x6: {  	_ = 	snop  }
0x7: {  	_ = 	snop  }
__scs_overlays_trampoline_lowered:
0x8: {  	[smem:$0x3FAB] =	sst s0  }
0x9: {  	[smem:$0x3FAC] =	sst s1  }
0xa: {  	[smem:$0x3FAD] =	sst s2  }
0xb: {  	[smem:$0x3FAE] =	sst s3  }
0xc: {  	[smem:$0x3FAF] =	sst s4  }
0xd: {  	[smem:$0x3FB0] =	sst s5  }
0xe: {  	[smem:$0x3FB1] =	sst s6  }
0xf: {  	[smem:$0x3FB2] =	sst s7  }
0x10: {  	[smem:$0x3FB3] =	sst s8  }
0x11: {  	[smem:$0x3FB4] =	sst s9;
	s0 =	simm.s32 @!p0 $0x0  }
0x12: {  	s1 =	sld [smem:$0x3F9A];
	s0 =	simm.s32 @p0 $0x1  }
0x13: {  	[smem:$0x3FB5] =	sst s0;
	s0 =	simm.s32 @!p1 $0x0  }
0x14: {  	s2 =	sld [smem:$0x3F99];
	s0 =	simm.s32 @p1 $0x1  }
0x15: {  	[smem:$0x3FB6] =	sst s0;
	s0 =	simm.s32 @!p2 $0x0  }
0x16: {  	s3 =	sld [smem:$0x3FDB];
	s0 =	simm.s32 @p2 $0x1  }
0x17: {  	s4 =	simm.s32 $0x1BF5;
	[smem:$0x3FB8] =	sst s0  }
0x18: {  	s0 =	sld [smem:$0x3F9B];
	_ =	swait.ge [sflag:s4], $0x0  }
0x19: {  	s7 =	sld [smem:$0x3F9C]  }
0x1a: {  	s8 =	sadd.s32 $0xFFFFE003, lr  }
0x1b: {  	s9 =	sadd.s32 $0xFFFFFEF7, lr;
	s5 =	simm.s32 $0xFFFFFFFF;
	p2 =	slt.u32 s8, $0xFFFFF086  }
0x1c: {  	p1 =	slt.u32 s9, $0xF7A;
	s5 =	simm.s32 @!p2 $0x0  }
0x1d: {  	s5 =	simm.s32 @p1 $0x1;
	p0 =	seq.s32 s7, s2  }
0x1e: {  	s7 =	smul.u32 @!p0 $0xF7A, s2;
	p2 =	seq.s32 @!p0 s5, $0x0  }
0x1f: {  	s9 =	smul.u32 $0xF7A, s1;
	s8 =	simm.s32 @!p0 $0x1BF5;
	p2 =	por !p2, p0  }
0x20: {  	[sflag:s8] =	ssyncset.s32 @!p0 $0xFFFFF086;
	s6 =	sadd.s32 @!p0 s3, s7;
	s7 =	simm.s32 @!p0 $0x108  }
0x21: {  	s3 =	sadd.s32 s3, s9;
	s6 =	sadd.s32 @!p0 $0x88, s6;
	s7 =	simm.s32 @p2 $0x1082  }
0x22: {  	[simem:s7], [sflag:s8] =	dma.local @!p0 [hbm:s6], $0xF7A  }
0x23: {  	s9 =	sor.u32 $0xD0000000, s2;
	s6 =	simm.s32 $0x108;
	_ =	swait.ge @!p0 [sflag:s8], $0x0  }
0x24: {  	s3 =	sadd.s32 $0x88, s3;
	s6 =	simm.s32 @!p1 $0x1082;
	[sflag:s4] =	ssyncset.s32 $0xFFFFF086  }
0x25: {  	[simem:s6], [sflag:s4] =	dma.local [hbm:s3], $0xF7A  }
0x26: {  	[smem:$0x3F9C] =	sst s1;
	(tag) =	ssettag s2;
	_ =	strace s9  }
0x27: {  	s1 =	sld [smem:$0x3FAC]  }
0x28: {  	s2 =	sld [smem:$0x3FAD]  }
0x29: {  	s4 =	sld [smem:$0x3FAF]  }
0x2a: {  	p0 =	seq.s32 s5, $0x0;
	s5 =	sld [smem:$0x3FB0]  }
0x2b: {  	s6 =	sld [smem:$0x3FB1]  }
0x2c: {  	s7 =	sld [smem:$0x3FB2]  }
0x2d: {  	s3 =	simm.s32 $0x108;
	s8 =	sld [smem:$0x3FB3]  }
0x2e: {  	s3 =	simm.s32 @!p0 $0x1082;
	s9 =	sld [smem:$0x3FB4]  }
0x2f: {  	lr =	sadd.s32 s0, s3;
	s0 =	sld [smem:$0x3FAB]  }
0x30: {  	s3 =	sld [smem:$0x3FAE]  }
0x31: {  	[smem:$0x3FB7] =	sst s10  }
0x32: {  	s10 =	sld [smem:$0x3FB5];
	_ =	sdelay $0x3  }
0x33: {  	p0 =	seq.s32 s10, $0x1;
	s10 =	sld [smem:$0x3FB7];
	_ =	sdelay $0x3  }
0x34: {  	[smem:$0x3FB7] =	sst s10  }
0x35: {  	s10 =	sld [smem:$0x3FB6];
	_ =	sdelay $0x3  }
0x36: {  	p1 =	seq.s32 s10, $0x1;
	s10 =	sld [smem:$0x3FB7];
	_ =	sdelay $0x3  }
0x37: {  	[smem:$0x3FB7] =	sst s10  }
0x38: {  	s10 =	sld [smem:$0x3FB8]  }
0x39: {  	_ = 	snop;
	(pc) =	sbr.ind lr, $3  }
0x3a: {  	_ = 	snop  }
0x3b: {  	_ = 	snop  }
0x3c: {  	p2 =	seq.s32 s10, $0x1;
	s10 =	sld [smem:$0x3FB7]  }
0x3d: {  	_ =	shalt  }
0x3e: {  	_ =	shalt  }
0x3f: {  	_ =	shalt  }
0x40: {  	_ =	shalt  }
0x41: {  	_ =	shalt  }
0x42: {  	_ =	shalt  }
0x43: {  	_ =	shalt  }
0x44: {  	_ =	shalt  }
0x45: {  	_ =	shalt  }
0x46: {  	_ =	shalt  }
0x47: {  	_ =	shalt  }
0x48: {  	_ =	shalt  }
0x49: {  	_ =	shalt  }
0x4a: {  	_ =	shalt  }
0x4b: {  	_ =	shalt  }
0x4c: {  	_ =	shalt  }
0x4d: {  	_ =	shalt  }
0x4e: {  	_ =	shalt  }
0x4f: {  	_ =	shalt  }
0x50: {  	_ =	shalt  }
0x51: {  	_ =	shalt  }
0x52: {  	_ =	shalt  }
0x53: {  	_ =	shalt  }
0x54: {  	_ =	shalt  }
0x55: {  	_ =	shalt  }
0x56: {  	_ =	shalt  }
0x57: {  	_ =	shalt  }
0x58: {  	_ =	shalt  }
0x59: {  	_ =	shalt  }
0x5a: {  	_ =	shalt  }
0x5b: {  	_ =	shalt  }
0x5c: {  	_ =	shalt  }
0x5d: {  	_ =	shalt  }
0x5e: {  	_ =	shalt  }
0x5f: {  	_ =	shalt  }
0x60: {  	_ =	shalt  }
0x61: {  	_ =	shalt  }
0x62: {  	_ =	shalt  }
0x63: {  	_ =	shalt  }
0x64: {  	_ =	shalt  }
0x65: {  	_ =	shalt  }
0x66: {  	_ =	shalt  }
0x67: {  	_ =	shalt  }
0x68: {  	_ =	shalt  }
0x69: {  	_ =	shalt  }
0x6a: {  	_ =	shalt  }
0x6b: {  	_ =	shalt  }
0x6c: {  	_ =	shalt  }
0x6d: {  	_ =	shalt  }
0x6e: {  	_ =	shalt  }
0x6f: {  	_ =	shalt  }
0x70: {  	_ =	shalt  }
0x71: {  	_ =	shalt  }
0x72: {  	_ =	shalt  }
0x73: {  	_ =	shalt  }
0x74: {  	_ =	shalt  }
0x75: {  	_ =	shalt  }
0x76: {  	_ =	shalt  }
0x77: {  	_ =	shalt  }
0x78: {  	_ =	shalt  }
0x79: {  	_ =	shalt  }
0x7a: {  	_ =	shalt  }
0x7b: {  	_ =	shalt  }
0x7c: {  	_ =	shalt  }
0x7d: {  	_ =	shalt  }
0x7e: {  	_ =	shalt  }
0x7f: {  	_ =	shalt  }
0x80: {  	_ =	shalt  }
0x81: {  	_ =	shalt  }
0x82: {  	_ =	shalt  }
0x83: {  	_ =	shalt  }
0x84: {  	_ =	shalt  }
0x85: {  	_ =	shalt  }
0x86: {  	_ =	shalt  }
0x87: {  	_ =	shalt  }
.Lfunc_end0:
.L_simem_size_0:
called_computation.2_lowered:
.L_overlay_start_0:
0x88: {  	s2 =	sld [smem:$0x3FD9]  }
0x89: {  	s3 =	sld [smem:$0x3FFE];
	_ =	sdelay $0x1  }
0x8a: {  	s1 =	srdreg.scid  }
0x8b: {  	s0 =	sand.u32 $0x1, s1  }
0x8c: {  	s17 =	sshll.u32 s0, $0xA;
	s2 =	sadd.s32 s3, s2  }
0x8d: {  	s2 =	sadd.s32 s2, s17  }
0x8e: {  	[smem:$0x3FC3] =	sst s2  }
0x8f: {  	_ = 	snop  }
0x90: {  	s2 =	sld [smem:$0x3FD0];
	(tm) =	ssettm $0x1  }
0x91: {  	s18 =	sld [smem:$0x3FFB];
	_ =	sdelay $0x3  }
0x92: {  	_ =	strace s18  }
0x93: {  	s3 =	sld [smem:$0x3FFC];
	_ =	sdelay $0x3  }
0x94: {  	_ =	strace s3  }
0x95: {  	s3 =	sld [smem:$0x3FFD];
	_ =	sdelay $0x3  }
0x96: {  	_ =	strace s3  }
0x97: {  	_ =	strace $0x8FFFFFFF  }
0x98: {  	s19 =	sld [smem:$0x3FDB];
	_ =	sdelay $0x1  }
0x99: {  	s4 =	simm.s32 $_scs_section_size  }
0x9a: {  	s5 =	simm.s32 $_size__tile_overlayer_lowered;
	s6 =	simm.s32 $_tile_overlayer_lowered  }
0x9b: {  	s22 =	simm.s32 $0x1BFF;
	s21 =	sshll.u32 s6, $0x1;
	s3 =	sadd.s32 s4, s19  }
0x9c: {  	s7 =	simm.s32 $0x0;
	s20 =	sshll.u32 s5, $0x1;
	s5 =	sadd.s32 s21, s3  }
0x9d: {  	[timem:s7], [sflag:s22] =	dma.local [hbm:s5], s20  }
0x9e: {  	_ =	swait.ge [sflag:s22], s20  }
0x9f: {  	s4 =	ssub.s32 $0x0, s20;
	[sflag:s22] =	ssyncset.done $0x0  }
0xa0: {  	[sflag:s22] =	ssyncadd.s32 s4;
	_ =	sdelay $0x1  }
0xa1: {  	s23 =	simm.s32 $0x1B8B  }
0xa2: {  	_ =	swait.ge [sflag:s23], $0x1  }
0xa3: {  	[sflag:s23] =	ssyncset.done $0x0  }
0xa4: {  	s25 =	simm.s32 $0x1B8E;
	s24 =	sld [smem:$0x3FFE];
	[sflag:s23] =	ssyncadd.s32 $0xFFFFFFFF  }
0xa5: {  	s26 =	simm.s32 $execute0_lowered;
	[smem:$0x3FD2] =	sst s25  }
0xa6: {  	s5 =	sshll.u32 s26, $0x1;
	_ =	strace $0x8000004C;
	[dreg:$0x1] =	wrdreg $0xFFFFFFFF  }
0xa7: {  	s28 =	simm.s32 $_size_execute0_lowered;
	s3 =	sadd.s32 s3, s5;
	[dreg:$0x0] =	wrdreg $0x0  }
0xa8: {  	s5 =	sshll.u32 s28, $0x1;
	[dreg:$0x2] =	wrdreg s3  }
0xa9: {  	[dreg:$0x3] =	wrdreg s5  }
0xaa: {  	[dreg:$0x4] =	wrdreg $0xC0  }
0xab: {  	_ =	task [dreg:s7], $0x5FFFF  }
0xac: {  	[dreg:$0x1] =	wrdreg $0xFFFFFFFF  }
0xad: {  	[dreg:$0x0] =	wrdreg $0x60  }
0xae: {  	[dreg:$0x2] =	wrdreg s24  }
0xaf: {  	[dreg:$0x3] =	wrdreg s2  }
0xb0: {  	[dreg:$0x4] =	wrdreg $0xA8000  }
0xb1: {  	[dreg:$0x5] =	wrdreg $0x9  }
0xb2: {  	_ =	task.clear_ibuf [dreg:s7], $0x6FFFF;
	_ =	strace $0x9000004C  }
0xb3: {  	s29 =	simm.s32 $0x9;
	_ =	strace $0x8000004E  }
0xb4: {  	_ =	swait.ge [sflag:s29], $0x1  }
0xb5: {  	[sflag:s29] =	ssyncadd.s32 $0xFFFFFFFF  }
0xb6: {  	_ =	strace $0x9000004E  }
0xb7: {  	_ =	sfence  }
0xb8: {  	s30 =	sld [smem:$0x0];
	_ =	sdelay $0x2  }
0xb9: {  	s31 =	sshll.u32 s1, $0xD;
	s1 =	sshrl.u32 s1, $0x2  }
0xba: {  	s3 =	sand.u32 $0x4000, s31;
	s1 =	sadd.s32 s1, s30  }
0xbb: {  	s0 =	sor.u32 s3, s0;
	s1 =	sshll.u32 s1, $0x11  }
0xbc: {  	s0 =	sor.u32 s1, s0  }
0xbd: {  	s0 =	sadd.s32 $0x8F2B, s0  }
0xbe: {  	[sflag:s0] =	ssyncadd.remote.s32 $0x1  }
0xbf: {  	_ =	sfence.sel $0xFFFF  }
0xc0: {  	[dreg:$0x0] =	wrdreg $0xFFFFFFFF;
	(pc) =	sbr.abs _section_cstart, $3  }
0xc1: {  	[dreg:$0x1] =	wrdreg $0xFFFFFFFF  }
0xc2: {  	_ =	task.clear_ibuf [dreg:s7], $0x2FFFF;
	_ =	strace $0x9FFFFFFF  }
0xc3: {  	(tm) =	ssettm $0x7FFFFFFF  }
tec
execute0_lowered:
.L_overlay_start_1:
0x0: {  	(tag) =	ssettag $0x1  }
0x1: {  	s0 =	srdreg.scid;
	s8 =	stileid.u32  }
0x2: {  	s1 =	sand.u32 $0x1, s0;
	s4 =	smul.u32 $0x5000, s8  }
0x3: {  	s5 =	rddreg [dreg:$0x0];
	s0 =	smul.u32 $0x50000, s1  }
0x4: {  	s2 =	rddreg [dreg:$0x1]  }
0x5: {  	s3 =	rddreg [dreg:$0x2];
	s0 =	sadd.s32 s4, s0;
	s4 =	simm.s32 $0x0  }
0x6: {  	s10 =	simm.s32 $0x80;
	[smem:$0x7FF] =	sst s4  }
0x7: {  	s11 =	simm.s32 $0x100;
	_ =	strace $0x8000004D;
	[dreg:$0x6] =	wrdreg s10  }
0x8: {  	s12 =	simm.s32 $0x180;
	[dreg:$0x7] =	wrdreg s11  }
0x9: {  	s13 =	simm.s32 $0x1080;
	[dreg:$0x8] =	wrdreg s12  }
0xa: {  	s14 =	simm.s32 $0x200;
	[dreg:$0x9] =	wrdreg s13  }
0xb: {  	s16 =	simm.s32 $0x1100;
	[dreg:$0xa] =	wrdreg s14  }
0xc: {  	s17 =	simm.s32 $0x1180;
	[dreg:$0xb] =	wrdreg s16  }
0xd: {  	s18 =	simm.s32 $0x1200;
	[dreg:$0xc] =	wrdreg s17  }
0xe: {  	s19 =	simm.s32 $0x280;
	[dreg:$0xd] =	wrdreg s18  }
0xf: {  	s20 =	simm.s32 $0x300;
	s21 =	simm.s32 $0x380;
	[dreg:$0xe] =	wrdreg s19  }
0x10: {  	s22 =	simm.s32 $0x1280;
	s24 =	simm.s32 $0x400;
	[dreg:$0xf] =	wrdreg s20  }
0x11: {  	s26 =	simm.s32 $0x1300;
	s7 =	smul.u32 $0x14000, s8;
	[dreg:$0x10] =	wrdreg s21  }
0x12: {  	s15 =	smul.u32 $0x140000, s1;
	s1 =	ssub.s32 $0x2, s1;
	[dreg:$0x11] =	wrdreg s22  }
0x13: {  	s25 =	smul.u32 $0x50000, s8;
	s23 =	sshrl.u32 s1, $0x1;
	[dreg:$0x12] =	wrdreg s24  }
0x14: {  	s8 =	simm.s32 $0x1380;
	s1 =	ssub.s32 s1, s23;
	[dreg:$0x13] =	wrdreg s26  }
0x15: {  	s1 =	smax.u32 s1, $0x1;
	[dreg:$0x15] =	wrdreg s8  }
0x16: {  	s9 =	simm.s32 $0x1400;
	[smem:$0x7E0] =	sst s1  }
0x17: {  	[dreg:$0x16] =	wrdreg s9;
	s10 =	simm.s32 $0x1480  }
0x18: {  	s12 =	simm.s32 $0x500;
	[dreg:$0x17] =	wrdreg s10  }
0x19: {  	s14 =	simm.s32 $0x580;
	[dreg:$0x18] =	wrdreg s12  }
0x1a: {  	s16 =	simm.s32 $0x600;
	[dreg:$0x19] =	wrdreg s14  }
0x1b: {  	s18 =	simm.s32 $0x1500;
	[dreg:$0x1a] =	wrdreg s16  }
0x1c: {  	s20 =	simm.s32 $0x680;
	[dreg:$0x1b] =	wrdreg s18  }
0x1d: {  	s22 =	simm.s32 $0x1580;
	[dreg:$0x1c] =	wrdreg s20  }
0x1e: {  	s24 =	simm.s32 $0x700;
	[dreg:$0x1d] =	wrdreg s22  }
0x1f: {  	s0 =	sshrl.u32 s0, $0x3;
	s26 =	simm.s32 $0x1600;
	[dreg:$0x1e] =	wrdreg s24  }
0x20: {  	s0 =	sadd.s32 s0, s5;
	s8 =	simm.s32 $0x1680;
	[dreg:$0x1f] =	wrdreg s26  }
0x21: {  	s6 =	sadd.s32 $0x15E00, s0;
	[smem:$0x7EB] =	sst s8  }
0x22: {  	s0 =	sadd.s32 $0x1E00, s0;
	[dreg:$0x4] =	wrdreg s6  }
0x23: {  	s10 =	simm.s32 $0x1700;
	[dreg:$0x5] =	wrdreg s0  }
0x24: {  	s12 =	simm.s32 $0x780;
	[smem:$0x7ED] =	sst s10  }
0x25: {  	s14 =	simm.s32 $0x800;
	[smem:$0x7EF] =	sst s12  }
0x26: {  	s16 =	simm.s32 $0x880;
	[smem:$0x7F1] =	sst s14  }
0x27: {  	s18 =	simm.s32 $0x1780;
	[smem:$0x7F3] =	sst s16  }
0x28: {  	s20 =	simm.s32 $0x900;
	s22 =	simm.s32 $0x1800;
	[smem:$0x7F5] =	sst s18  }
0x29: {  	s24 =	simm.s32 $0x980;
	s6 =	sadd.s32 s7, s15;
	[smem:$0x7F7] =	sst s20  }
0x2a: {  	s7 =	sshrl.u32 s25, $0x2;
	[smem:$0x7F9] =	sst s22;
	s6 =	sshrl.u32 s6, $0x3  }
0x2b: {  	[smem:$0x7FA] =	sst s24;
	s0 =	sadd.s32 s6, s5;
	s6 =	simm.s32 $0x480  }
0x2c: {  	[dreg:$0x14] =	wrdreg s6;
	s6 =	sadd.s32 s7, s3  }
0x2d: {  	s11 =	sadd.s32 $0x1000, s6;
	[smem:$0x7FC] =	sst s6  }
0x2e: {  	s13 =	sadd.s32 $0x2000, s6;
	[smem:$0x7E1] =	sst s11  }
0x2f: {  	s28 =	simm.s32 $0x9800;
	s15 =	sadd.s32 $0x3000, s6;
	[smem:$0x7E2] =	sst s13  }
0x30: {  	s29 =	simm.s32 $0x7;
	s17 =	sadd.s32 $0x4000, s6;
	[smem:$0x7E3] =	sst s15  }
0x31: {  	s30 =	simm.s32 $0x1000;
	s19 =	sadd.s32 $0x5000, s6;
	[smem:$0x7E4] =	sst s17  }
0x32: {  	s31 =	simm.s32 $0x50;
	s21 =	sadd.s32 $0x6000, s6;
	[smem:$0x7E5] =	sst s19  }
0x33: {  	s1 =	simm.s32 $0x2000;
	s23 =	sadd.s32 $0x7000, s6;
	[smem:$0x7E6] =	sst s21  }
0x34: {  	s8 =	simm.s32 $0x4;
	s25 =	sadd.s32 $0x8000, s6;
	[smem:$0x7E7] =	sst s23  }
0x35: {  	s10 =	simm.s32 $0x5;
	s7 =	sadd.s32 $0x9000, s6;
	[smem:$0x7E8] =	sst s25  }
0x36: {  	s12 =	simm.s32 $0x0;
	s9 =	sadd.s32 $0xA000, s6;
	[smem:$0x7E9] =	sst s7  }
0x37: {  	s14 =	simm.s32 $0x1900;
	s26 =	sadd.s32 $0x13000, s6;
	[smem:$0x7EA] =	sst s9  }
0x38: {  	s16 =	simm.s32 $0xA00;
	s11 =	sadd.s32 $0xB000, s6;
	[smem:$0x7FD] =	sst s26  }
0x39: {  	s18 =	simm.s32 $0xB00;
	s13 =	sadd.s32 $0xC000, s6;
	[smem:$0x7EC] =	sst s11  }
0x3a: {  	s20 =	simm.s32 $0xB80;
	s15 =	sadd.s32 $0xD000, s6;
	[smem:$0x7EE] =	sst s13  }
0x3b: {  	s22 =	simm.s32 $0xC00;
	s17 =	sadd.s32 $0xE000, s6;
	[smem:$0x7F0] =	sst s15  }
0x3c: {  	s24 =	simm.s32 $0x1B80;
	s19 =	sadd.s32 $0xF000, s6;
	[smem:$0x7F2] =	sst s17  }
0x3d: {  	s21 =	sadd.s32 $0x10000, s6;
	s23 =	sadd.s32 $0x11000, s6;
	[smem:$0x7F4] =	sst s19  }
0x3e: {  	s25 =	sadd.s32 $0x12000, s6;
	s6 =	simm.s32 $0x7000;
	[smem:$0x7F6] =	sst s21  }
0x3f: {  	s7 =	simm.s32 $0x1;
	s9 =	simm.s32 $0x2;
	[smem:$0x7F8] =	sst s23  }
0x40: {  	[smem:$0x7FB] =	sst s25;
	s25 =	sadd.s32 $0x29E00, s0;
	s0 =	simm.s32 $0x4800  }
0x41: {  	s11 =	simm.s32 $0x3;
	s15 =	simm.s32 $0x1980;
	s17 =	simm.s32 $0xA80  }
0x42: {  	v0 =	vimm.f32 $0.0e+00;
	s19 =	simm.s32 $0x1A00;
	s21 =	simm.s32 $0x1A80;
	s23 =	simm.s32 $0x1B00  }
.LBB2_1:
0x43: {  	s5 =	sand.u32 $0x3E00, s4  }
0x44: {  	[smem:$0x7DF] =	sst s12;
	s13 =	sand.u32 $0x70, s4;
	s26 =	sshrl.u32 s5, $0x2  }
0x45: {  	s5 =	simm.s32 $0x40;
	s12 =	sor.u32 s13, s26;
	s26 =	simm.s32 $0x0  }
.LBB2_2:
0x46: {  	p0 =	sne.s32 s5, $0x3FC0  }
0x47: {  	[tilespmem:s12+$0x9800] =	vst v0;
	s26 =	sadd.s32 $0x10, s26;
	s12 =	smov.u32 s5;
	s5 =	sadd.s32 $0x40, s5  }
.Ltmp0:
0x48: {  	(pc) =	sbr.rel @p0 .LBB2_2-.Ltmp0, $4  }
0x49: {  	_ = 	snop  }
0x4a: {  	s12 =	sand.u32 $0x3E00, s12  }
0x4b: {  	s13 =	sand.u32 $0x70, s26;
	s12 =	sshrl.u32 s12, $0x2  }
0x4c: {  	s12 =	sor.u32 s13, s12  }
0x4d: {  	s5 =	sld [smem:$0x7FC];
	_ =	sdelay $0x1  }
0x4e: {  	[tilespmem:s12+$0x9800] =	vst v0  }
0x4f: {  	[spmem:s5] =	stream.linear.scatter [tilespmem:s28], [sflag:$0x7], $0x1000, $0x38;
	[tilespmem:$0x1E800] =	vst v63  }
0x50: {  	_ =	swait.ge [sflag:s29], $0x1000  }
0x51: {  	s13 =	sld [smem:$0x7E1]  }
0x52: {  	[sflag:s29] =	ssyncset.done $0x0  }
0x53: {  	[sflag:s29] =	ssyncadd.s32 $0xFFFFF000  }
0x54: {  	[spmem:s13] =	stream.linear.scatter [tilespmem:s28], [sflag:$0x7], $0x1000, $0x38;
	[tilespmem:$0x1E800] =	vst v63  }
0x55: {  	_ =	swait.ge [sflag:s29], $0x1000  }
0x56: {  	s26 =	sld [smem:$0x7E2]  }
0x57: {  	[sflag:s29] =	ssyncset.done $0x0  }
0x58: {  	[sflag:s29] =	ssyncadd.s32 $0xFFFFF000  }
0x59: {  	[spmem:s26] =	stream.linear.scatter [tilespmem:s28], [sflag:$0x7], $0x1000, $0x38;
	[tilespmem:$0x1E800] =	vst v63  }
0x5a: {  	_ =	swait.ge [sflag:s29], $0x1000  }
0x5b: {  	s12 =	sld [smem:$0x7E3]  }
0x5c: {  	[sflag:s29] =	ssyncset.done $0x0  }
0x5d: {  	[sflag:s29] =	ssyncadd.s32 $0xFFFFF000  }
0x5e: {  	[spmem:s12] =	stream.linear.scatter [tilespmem:s28], [sflag:$0x7], $0x1000, $0x38;
	[tilespmem:$0x1E800] =	vst v63  }
0x5f: {  	_ =	swait.ge [sflag:s29], $0x1000  }
0x60: {  	s13 =	sld [smem:$0x7E4]  }
0x61: {  	[sflag:s29] =	ssyncset.done $0x0  }
0x62: {  	[sflag:s29] =	ssyncadd.s32 $0xFFFFF000  }
0x63: {  	[spmem:s13] =	stream.linear.scatter [tilespmem:s28], [sflag:$0x7], $0x1000, $0x38;
	[tilespmem:$0x1E800] =	vst v63  }
0x64: {  	_ =	swait.ge [sflag:s29], $0x1000  }
0x65: {  	s26 =	sld [smem:$0x7E5]  }
0x66: {  	[sflag:s29] =	ssyncset.done $0x0  }
0x67: {  	[sflag:s29] =	ssyncadd.s32 $0xFFFFF000  }
0x68: {  	[spmem:s26] =	stream.linear.scatter [tilespmem:s28], [sflag:$0x7], $0x1000, $0x38;
	[tilespmem:$0x1E800] =	vst v63  }
0x69: {  	_ =	swait.ge [sflag:s29], $0x1000  }
0x6a: {  	s12 =	sld [smem:$0x7E6]  }
0x6b: {  	[sflag:s29] =	ssyncset.done $0x0  }
0x6c: {  	[sflag:s29] =	ssyncadd.s32 $0xFFFFF000  }
0x6d: {  	[spmem:s12] =	stream.linear.scatter [tilespmem:s28], [sflag:$0x7], $0x1000, $0x38;
	[tilespmem:$0x1E800] =	vst v63  }
0x6e: {  	_ =	swait.ge [sflag:s29], $0x1000  }
0x6f: {  	s13 =	sld [smem:$0x7E7]  }
0x70: {  	[sflag:s29] =	ssyncset.done $0x0  }
0x71: {  	[sflag:s29] =	ssyncadd.s32 $0xFFFFF000  }
0x72: {  	[spmem:s13] =	stream.linear.scatter [tilespmem:s28], [sflag:$0x7], $0x1000, $0x38;
	[tilespmem:$0x1E800] =	vst v63  }
0x73: {  	_ =	swait.ge [sflag:s29], $0x1000  }
0x74: {  	s26 =	sld [smem:$0x7E8]  }
0x75: {  	[sflag:s29] =	ssyncset.done $0x0  }
0x76: {  	[sflag:s29] =	ssyncadd.s32 $0xFFFFF000  }
0x77: {  	[spmem:s26] =	stream.linear.scatter [tilespmem:s28], [sflag:$0x7], $0x1000, $0x38;
	[tilespmem:$0x1E800] =	vst v63  }
0x78: {  	_ =	swait.ge [sflag:s29], $0x1000  }
0x79: {  	s12 =	sld [smem:$0x7E9]  }
0x7a: {  	[sflag:s29] =	ssyncset.done $0x0  }
0x7b: {  	[sflag:s29] =	ssyncadd.s32 $0xFFFFF000  }
0x7c: {  	[spmem:s12] =	stream.linear.scatter [tilespmem:s28], [sflag:$0x7], $0x1000, $0x38;
	[tilespmem:$0x1E800] =	vst v63  }
0x7d: {  	_ =	swait.ge [sflag:s29], $0x1000  }
0x7e: {  	s13 =	sld [smem:$0x7EA]  }
0x7f: {  	[sflag:s29] =	ssyncset.done $0x0  }
0x80: {  	[sflag:s29] =	ssyncadd.s32 $0xFFFFF000  }
0x81: {  	[spmem:s13] =	stream.linear.scatter [tilespmem:s28], [sflag:$0x7], $0x1000, $0x38;
	[tilespmem:$0x1E800] =	vst v63  }
0x82: {  	_ =	swait.ge [sflag:s29], $0x1000  }
0x83: {  	s26 =	sld [smem:$0x7EC]  }
0x84: {  	[sflag:s29] =	ssyncset.done $0x0  }
0x85: {  	[sflag:s29] =	ssyncadd.s32 $0xFFFFF000  }
0x86: {  	[spmem:s26] =	stream.linear.scatter [tilespmem:s28], [sflag:$0x7], $0x1000, $0x38;
	[tilespmem:$0x1E800] =	vst v63  }
0x87: {  	_ =	swait.ge [sflag:s29], $0x1000  }
0x88: {  	s12 =	sld [smem:$0x7EE]  }
0x89: {  	[sflag:s29] =	ssyncset.done $0x0  }
0x8a: {  	[sflag:s29] =	ssyncadd.s32 $0xFFFFF000  }
0x8b: {  	[spmem:s12] =	stream.linear.scatter [tilespmem:s28], [sflag:$0x7], $0x1000, $0x38;
	[tilespmem:$0x1E800] =	vst v63  }
0x8c: {  	_ =	swait.ge [sflag:s29], $0x1000  }
0x8d: {  	s13 =	sld [smem:$0x7F0]  }
0x8e: {  	[sflag:s29] =	ssyncset.done $0x0  }
0x8f: {  	[sflag:s29] =	ssyncadd.s32 $0xFFFFF000  }
0x90: {  	[spmem:s13] =	stream.linear.scatter [tilespmem:s28], [sflag:$0x7], $0x1000, $0x38;
	[tilespmem:$0x1E800] =	vst v63  }
0x91: {  	_ =	swait.ge [sflag:s29], $0x1000  }
0x92: {  	s26 =	sld [smem:$0x7F2]  }
0x93: {  	[sflag:s29] =	ssyncset.done $0x0  }
0x94: {  	[sflag:s29] =	ssyncadd.s32 $0xFFFFF000  }
0x95: {  	[spmem:s26] =	stream.linear.scatter [tilespmem:s28], [sflag:$0x7], $0x1000, $0x38;
	[tilespmem:$0x1E800] =	vst v63  }
0x96: {  	_ =	swait.ge [sflag:s29], $0x1000  }
0x97: {  	s12 =	sld [smem:$0x7F4]  }
0x98: {  	[sflag:s29] =	ssyncset.done $0x0  }
0x99: {  	[sflag:s29] =	ssyncadd.s32 $0xFFFFF000  }
0x9a: {  	[spmem:s12] =	stream.linear.scatter [tilespmem:s28], [sflag:$0x7], $0x1000, $0x38;
	[tilespmem:$0x1E800] =	vst v63  }
0x9b: {  	_ =	swait.ge [sflag:s29], $0x1000  }
0x9c: {  	s13 =	sld [smem:$0x7F6]  }
0x9d: {  	[sflag:s29] =	ssyncset.done $0x0  }
0x9e: {  	[sflag:s29] =	ssyncadd.s32 $0xFFFFF000  }
0x9f: {  	[spmem:s13] =	stream.linear.scatter [tilespmem:s28], [sflag:$0x7], $0x1000, $0x38;
	[tilespmem:$0x1E800] =	vst v63  }
0xa0: {  	_ =	swait.ge [sflag:s29], $0x1000  }
0xa1: {  	s26 =	sld [smem:$0x7F8]  }
0xa2: {  	[sflag:s29] =	ssyncset.done $0x0  }
0xa3: {  	[sflag:s29] =	ssyncadd.s32 $0xFFFFF000  }
0xa4: {  	[spmem:s26] =	stream.linear.scatter [tilespmem:s28], [sflag:$0x7], $0x1000, $0x38;
	[tilespmem:$0x1E800] =	vst v63  }
0xa5: {  	_ =	swait.ge [sflag:s29], $0x1000  }
0xa6: {  	s12 =	sld [smem:$0x7FB]  }
0xa7: {  	[sflag:s29] =	ssyncset.done $0x0  }
0xa8: {  	[sflag:s29] =	ssyncadd.s32 $0xFFFFF000  }
0xa9: {  	[spmem:s12] =	stream.linear.scatter [tilespmem:s28], [sflag:$0x7], $0x1000, $0x38;
	[tilespmem:$0x1E800] =	vst v63  }
0xaa: {  	_ =	swait.ge [sflag:s29], $0x1000  }
0xab: {  	s13 =	sld [smem:$0x7FD]  }
0xac: {  	[sflag:s29] =	ssyncset.done $0x0  }
0xad: {  	[sflag:s29] =	ssyncadd.s32 $0xFFFFF000  }
0xae: {  	[spmem:s13] =	stream.linear.scatter [tilespmem:s28], [sflag:$0x7], $0x1000, $0x38;
	[tilespmem:$0x1E800] =	vst v63  }
0xaf: {  	_ =	swait.ge [sflag:s29], $0x1000  }
0xb0: {  	[sflag:s29] =	ssyncset.done $0x0  }
0xb1: {  	[sflag:s29] =	ssyncadd.s32 $0xFFFFF000  }
0xb2: {  	[bflag:$0x0] =	sbarrier.arrive $0xFFFF  }
0xb3: {  	s26 =	rddreg [dreg:$0x5]  }
0xb4: {  	s5 =	sadd.s32 $0x0, s26  }
0xb5: {  	[tilespmem:s4], [sflag:$0x7] =	stream.linear.gather [hbm4b:s5+s4], $0xC80, $0x38;
	[tilespmem:$0x1E800] =	vst v63  }
0xb6: {  	_ =	swait.ge [sflag:s29], $0xC80  }
0xb7: {  	s12 =	rddreg [dreg:$0x4];
	[sflag:s29] =	ssyncset.done $0x0  }
0xb8: {  	[sflag:s29] =	ssyncadd.s32 $0xFFFFF380;
	s5 =	sadd.s32 $0x0, s12  }
0xb9: {  	[tilespmem:s30], [sflag:$0x7] =	stream.linear.gather [hbm4b:s5+s4], $0xC80, $0x38;
	[tilespmem:$0x1E800] =	vst v63  }
0xba: {  	_ =	swait.ge [sflag:s29], $0xC80  }
0xbb: {  	[sflag:s29] =	ssyncset.done $0x0  }
0xbc: {  	[sflag:s29] =	ssyncadd.s32 $0xFFFFF380  }
0xbd: {  	[tilespmem:s1], [sflag:$0x1] =	stream.indirect.gather [hbm4b:s2+s31], $0x80, s4, s31, $0xb8;
	[tilespmem:$0x1E800] =	vst v63  }
0xbe: {  	s13 =	rddreg [dreg:$0x6]  }
0xbf: {  	[tilespmem:s0], [sflag:$0x2] =	stream.indirect.gather [hbm4b:s2+s31], $0x80, s13, s31, $0xb8;
	[tilespmem:$0x1E800] =	vst v63  }
0xc0: {  	s26 =	rddreg [dreg:$0x7]  }
0xc1: {  	[tilespmem:s6], [sflag:$0x3] =	stream.indirect.gather [hbm4b:s2+s31], $0x80, s26, s31, $0xb8;
	[tilespmem:$0x1E800] =	vst v63  }
0xc2: {  	_ =	swait.ge [sflag:s7], $0x2800  }
0xc3: {  	[sflag:s7] =	ssyncset.done $0x0  }
0xc4: {  	[sflag:s7] =	ssyncadd.s32 $0xFFFFD800  }
0xc5: {  	[spmem:s3] =	stream.indirect.scatter.add.f32 [tilespmem:s1], [sflag:$0x4], $0x80, s30, s31, $0xb8;
	[tilespmem:$0x1E800] =	vst v63  }
0xc6: {  	_ =	swait.ge [sflag:s8], $0x2800  }
0xc7: {  	[sflag:s8] =	ssyncset.done $0x0  }
0xc8: {  	s12 =	rddreg [dreg:$0x8];
	[sflag:s8] =	ssyncadd.s32 $0xFFFFD800  }
0xc9: {  	[tilespmem:s1], [sflag:$0x1] =	stream.indirect.gather [hbm4b:s2+s31], $0x80, s12, s31, $0xb8;
	[tilespmem:$0x1E800] =	vst v63  }
0xca: {  	_ =	swait.ge [sflag:s9], $0x2800  }
0xcb: {  	[sflag:s9] =	ssyncset.done $0x0  }
0xcc: {  	s13 =	rddreg [dreg:$0x9];
	[sflag:s9] =	ssyncadd.s32 $0xFFFFD800  }
0xcd: {  	[spmem:s3] =	stream.indirect.scatter.add.f32 [tilespmem:s0], [sflag:$0x5], $0x80, s13, s31, $0xb8;
	[tilespmem:$0x1E800] =	vst v63  }
0xce: {  	_ =	swait.ge [sflag:s10], $0x2800  }
0xcf: {  	[sflag:s10] =	ssyncset.done $0x0  }
0xd0: {  	s26 =	rddreg [dreg:$0xa];
	[sflag:s10] =	ssyncadd.s32 $0xFFFFD800  }
0xd1: {  	[tilespmem:s0], [sflag:$0x2] =	stream.indirect.gather [hbm4b:s2+s31], $0x80, s26, s31, $0xb8;
	[tilespmem:$0x1E800] =	vst v63  }
0xd2: {  	_ =	swait.ge [sflag:s11], $0x2800  }
0xd3: {  	[sflag:s11] =	ssyncset.done $0x0  }
0xd4: {  	s12 =	rddreg [dreg:$0xb];
	[sflag:s11] =	ssyncadd.s32 $0xFFFFD800  }
0xd5: {  	[spmem:s3] =	stream.indirect.scatter.add.f32 [tilespmem:s6], [sflag:$0x6], $0x80, s12, s31, $0xb8;
	[tilespmem:$0x1E800] =	vst v63  }
0xd6: {  	_ =	swait.ge [sflag:s7], $0x2800  }
0xd7: {  	[sflag:s7] =	ssyncset.done $0x0  }
0xd8: {  	s13 =	rddreg [dreg:$0xc];
	[sflag:s7] =	ssyncadd.s32 $0xFFFFD800  }
0xd9: {  	[spmem:s3] =	stream.indirect.scatter.add.f32 [tilespmem:s1], [sflag:$0x4], $0x80, s13, s31, $0xb8;
	[tilespmem:$0x1E800] =	vst v63  }
0xda: {  	_ =	swait.ge [sflag:s9], $0x2800  }
0xdb: {  	[sflag:s9] =	ssyncset.done $0x0  }
0xdc: {  	s26 =	rddreg [dreg:$0xd];
	[sflag:s9] =	ssyncadd.s32 $0xFFFFD800  }
0xdd: {  	[spmem:s3] =	stream.indirect.scatter.add.f32 [tilespmem:s0], [sflag:$0x5], $0x80, s26, s31, $0xb8;
	[tilespmem:$0x1E800] =	vst v63  }
0xde: {  	_ =	swait.ge [sflag:s8], $0x2800  }
0xdf: {  	[sflag:s8] =	ssyncset.done $0x0  }
0xe0: {  	[sflag:s8] =	ssyncadd.s32 $0xFFFFD800  }
0xe1: {  	_ =	swait.ge [sflag:s10], $0x2800  }
0xe2: {  	[sflag:s10] =	ssyncset.done $0x0  }
0xe3: {  	s12 =	rddreg [dreg:$0xe];
	[sflag:s10] =	ssyncadd.s32 $0xFFFFD800  }
0xe4: {  	[tilespmem:s1], [sflag:$0x1] =	stream.indirect.gather [hbm4b:s2+s31], $0x80, s12, s31, $0xb8;
	[tilespmem:$0x1E800] =	vst v63  }
0xe5: {  	s13 =	rddreg [dreg:$0xf]  }
0xe6: {  	[tilespmem:s0], [sflag:$0x2] =	stream.indirect.gather [hbm4b:s2+s31], $0x80, s13, s31, $0xb8;
	[tilespmem:$0x1E800] =	vst v63  }
0xe7: {  	s26 =	rddreg [dreg:$0x10]  }
0xe8: {  	[tilespmem:s6], [sflag:$0x3] =	stream.indirect.gather [hbm4b:s2+s31], $0x80, s26, s31, $0xb8;
	[tilespmem:$0x1E800] =	vst v63  }
0xe9: {  	_ =	swait.ge [sflag:s7], $0x2800  }
0xea: {  	[sflag:s7] =	ssyncset.done $0x0  }
0xeb: {  	s12 =	rddreg [dreg:$0x11];
	[sflag:s7] =	ssyncadd.s32 $0xFFFFD800  }
0xec: {  	[spmem:s3] =	stream.indirect.scatter.add.f32 [tilespmem:s1], [sflag:$0x4], $0x80, s12, s31, $0xb8;
	[tilespmem:$0x1E800] =	vst v63  }
0xed: {  	_ =	swait.ge [sflag:s8], $0x2800  }
0xee: {  	[sflag:s8] =	ssyncset.done $0x0  }
0xef: {  	s13 =	rddreg [dreg:$0x12];
	[sflag:s8] =	ssyncadd.s32 $0xFFFFD800  }
0xf0: {  	[tilespmem:s1], [sflag:$0x1] =	stream.indirect.gather [hbm4b:s2+s31], $0x80, s13, s31, $0xb8;
	[tilespmem:$0x1E800] =	vst v63  }
0xf1: {  	_ =	swait.ge [sflag:s9], $0x2800  }
0xf2: {  	[sflag:s9] =	ssyncset.done $0x0  }
0xf3: {  	s26 =	rddreg [dreg:$0x13];
	[sflag:s9] =	ssyncadd.s32 $0xFFFFD800  }
0xf4: {  	[spmem:s3] =	stream.indirect.scatter.add.f32 [tilespmem:s0], [sflag:$0x5], $0x80, s26, s31, $0xb8;
	[tilespmem:$0x1E800] =	vst v63  }
0xf5: {  	_ =	swait.ge [sflag:s10], $0x2800  }
0xf6: {  	[sflag:s10] =	ssyncset.done $0x0  }
0xf7: {  	s12 =	rddreg [dreg:$0x14];
	[sflag:s10] =	ssyncadd.s32 $0xFFFFD800  }
0xf8: {  	[tilespmem:s0], [sflag:$0x2] =	stream.indirect.gather [hbm4b:s2+s31], $0x80, s12, s31, $0xb8;
	[tilespmem:$0x1E800] =	vst v63  }
0xf9: {  	_ =	swait.ge [sflag:s11], $0x2800  }
0xfa: {  	[sflag:s11] =	ssyncset.done $0x0  }
0xfb: {  	s13 =	rddreg [dreg:$0x15];
	[sflag:s11] =	ssyncadd.s32 $0xFFFFD800  }
0xfc: {  	[spmem:s3] =	stream.indirect.scatter.add.f32 [tilespmem:s6], [sflag:$0x6], $0x80, s13, s31, $0xb8;
	[tilespmem:$0x1E800] =	vst v63  }
0xfd: {  	_ =	swait.ge [sflag:s7], $0x2800  }
0xfe: {  	[sflag:s7] =	ssyncset.done $0x0  }
0xff: {  	s26 =	rddreg [dreg:$0x16];
	[sflag:s7] =	ssyncadd.s32 $0xFFFFD800  }
0x100: {  	[spmem:s3] =	stream.indirect.scatter.add.f32 [tilespmem:s1], [sflag:$0x4], $0x80, s26, s31, $0xb8;
	[tilespmem:$0x1E800] =	vst v63  }
0x101: {  	_ =	swait.ge [sflag:s9], $0x2800  }
0x102: {  	[sflag:s9] =	ssyncset.done $0x0  }
0x103: {  	s12 =	rddreg [dreg:$0x17];
	[sflag:s9] =	ssyncadd.s32 $0xFFFFD800  }
0x104: {  	[spmem:s3] =	stream.indirect.scatter.add.f32 [tilespmem:s0], [sflag:$0x5], $0x80, s12, s31, $0xb8;
	[tilespmem:$0x1E800] =	vst v63  }
0x105: {  	_ =	swait.ge [sflag:s8], $0x2800  }
0x106: {  	[sflag:s8] =	ssyncset.done $0x0  }
0x107: {  	[sflag:s8] =	ssyncadd.s32 $0xFFFFD800  }
0x108: {  	_ =	swait.ge [sflag:s10], $0x2800  }
0x109: {  	[sflag:s10] =	ssyncset.done $0x0  }
0x10a: {  	s13 =	rddreg [dreg:$0x18];
	[sflag:s10] =	ssyncadd.s32 $0xFFFFD800  }
0x10b: {  	[tilespmem:s1], [sflag:$0x1] =	stream.indirect.gather [hbm4b:s2+s31], $0x80, s13, s31, $0xb8;
	[tilespmem:$0x1E800] =	vst v63  }
0x10c: {  	s26 =	rddreg [dreg:$0x19]  }
0x10d: {  	[tilespmem:s0], [sflag:$0x2] =	stream.indirect.gather [hbm4b:s2+s31], $0x80, s26, s31, $0xb8;
	[tilespmem:$0x1E800] =	vst v63  }
0x10e: {  	s13 =	rddreg [dreg:$0x1a]  }
0x10f: {  	[tilespmem:s6], [sflag:$0x3] =	stream.indirect.gather [hbm4b:s2+s31], $0x80, s13, s31, $0xb8;
	[tilespmem:$0x1E800] =	vst v63  }
0x110: {  	_ =	swait.ge [sflag:s7], $0x2800  }
0x111: {  	[sflag:s7] =	ssyncset.done $0x0  }
0x112: {  	s26 =	rddreg [dreg:$0x1b];
	[sflag:s7] =	ssyncadd.s32 $0xFFFFD800  }
0x113: {  	[spmem:s3] =	stream.indirect.scatter.add.f32 [tilespmem:s1], [sflag:$0x4], $0x80, s26, s31, $0xb8;
	[tilespmem:$0x1E800] =	vst v63  }
0x114: {  	_ =	swait.ge [sflag:s8], $0x2800  }
0x115: {  	[sflag:s8] =	ssyncset.done $0x0  }
0x116: {  	s12 =	rddreg [dreg:$0x1c];
	[sflag:s8] =	ssyncadd.s32 $0xFFFFD800  }
0x117: {  	[tilespmem:s1], [sflag:$0x1] =	stream.indirect.gather [hbm4b:s2+s31], $0x80, s12, s31, $0xb8;
	[tilespmem:$0x1E800] =	vst v63  }
0x118: {  	_ =	swait.ge [sflag:s9], $0x2800  }
0x119: {  	[sflag:s9] =	ssyncset.done $0x0  }
0x11a: {  	s13 =	rddreg [dreg:$0x1d];
	[sflag:s9] =	ssyncadd.s32 $0xFFFFD800  }
0x11b: {  	[spmem:s3] =	stream.indirect.scatter.add.f32 [tilespmem:s0], [sflag:$0x5], $0x80, s13, s31, $0xb8;
	[tilespmem:$0x1E800] =	vst v63  }
0x11c: {  	_ =	swait.ge [sflag:s10], $0x2800  }
0x11d: {  	[sflag:s10] =	ssyncset.done $0x0  }
0x11e: {  	s26 =	rddreg [dreg:$0x1e];
	[sflag:s10] =	ssyncadd.s32 $0xFFFFD800  }
0x11f: {  	[tilespmem:s0], [sflag:$0x2] =	stream.indirect.gather [hbm4b:s2+s31], $0x80, s26, s31, $0xb8;
	[tilespmem:$0x1E800] =	vst v63  }
0x120: {  	_ =	swait.ge [sflag:s11], $0x2800  }
0x121: {  	[sflag:s11] =	ssyncset.done $0x0  }
0x122: {  	s12 =	rddreg [dreg:$0x1f];
	[sflag:s11] =	ssyncadd.s32 $0xFFFFD800  }
0x123: {  	[spmem:s3] =	stream.indirect.scatter.add.f32 [tilespmem:s6], [sflag:$0x6], $0x80, s12, s31, $0xb8;
	[tilespmem:$0x1E800] =	vst v63  }
0x124: {  	_ =	swait.ge [sflag:s7], $0x2800  }
0x125: {  	s13 =	sld [smem:$0x7EB]  }
0x126: {  	[sflag:s7] =	ssyncset.done $0x0  }
0x127: {  	[sflag:s7] =	ssyncadd.s32 $0xFFFFD800  }
0x128: {  	[spmem:s3] =	stream.indirect.scatter.add.f32 [tilespmem:s1], [sflag:$0x4], $0x80, s13, s31, $0xb8;
	[tilespmem:$0x1E800] =	vst v63  }
0x129: {  	_ =	swait.ge [sflag:s9], $0x2800  }
0x12a: {  	s26 =	sld [smem:$0x7ED]  }
0x12b: {  	[sflag:s9] =	ssyncset.done $0x0  }
0x12c: {  	[sflag:s9] =	ssyncadd.s32 $0xFFFFD800  }
0x12d: {  	[spmem:s3] =	stream.indirect.scatter.add.f32 [tilespmem:s0], [sflag:$0x5], $0x80, s26, s31, $0xb8;
	[tilespmem:$0x1E800] =	vst v63  }
0x12e: {  	_ =	swait.ge [sflag:s8], $0x2800  }
0x12f: {  	[sflag:s8] =	ssyncset.done $0x0  }
0x130: {  	[sflag:s8] =	ssyncadd.s32 $0xFFFFD800  }
0x131: {  	_ =	swait.ge [sflag:s10], $0x2800  }
0x132: {  	s12 =	sld [smem:$0x7EF]  }
0x133: {  	[sflag:s10] =	ssyncset.done $0x0  }
0x134: {  	s13 =	sld [smem:$0x7F1];
	[sflag:s10] =	ssyncadd.s32 $0xFFFFD800  }
0x135: {  	[tilespmem:s1], [sflag:$0x1] =	stream.indirect.gather [hbm4b:s2+s31], $0x80, s12, s31, $0xb8;
	[tilespmem:$0x1E800] =	vst v63  }
0x136: {  	s26 =	sld [smem:$0x7F3]  }
0x137: {  	[tilespmem:s0], [sflag:$0x2] =	stream.indirect.gather [hbm4b:s2+s31], $0x80, s13, s31, $0xb8;
	[tilespmem:$0x1E800] =	vst v63  }
0x138: {  	_ = 	snop  }
0x139: {  	[tilespmem:s6], [sflag:$0x3] =	stream.indirect.gather [hbm4b:s2+s31], $0x80, s26, s31, $0xb8;
	[tilespmem:$0x1E800] =	vst v63  }
0x13a: {  	_ =	swait.ge [sflag:s7], $0x2800  }
0x13b: {  	s12 =	sld [smem:$0x7F5]  }
0x13c: {  	[sflag:s7] =	ssyncset.done $0x0  }
0x13d: {  	[sflag:s7] =	ssyncadd.s32 $0xFFFFD800  }
0x13e: {  	[spmem:s3] =	stream.indirect.scatter.add.f32 [tilespmem:s1], [sflag:$0x4], $0x80, s12, s31, $0xb8;
	[tilespmem:$0x1E800] =	vst v63  }
0x13f: {  	_ =	swait.ge [sflag:s8], $0x2800  }
0x140: {  	s13 =	sld [smem:$0x7F7]  }
0x141: {  	[sflag:s8] =	ssyncset.done $0x0  }
0x142: {  	[sflag:s8] =	ssyncadd.s32 $0xFFFFD800  }
0x143: {  	[tilespmem:s1], [sflag:$0x1] =	stream.indirect.gather [hbm4b:s2+s31], $0x80, s13, s31, $0xb8;
	[tilespmem:$0x1E800] =	vst v63  }
0x144: {  	_ =	swait.ge [sflag:s9], $0x2800  }
0x145: {  	s26 =	sld [smem:$0x7F9]  }
0x146: {  	[sflag:s9] =	ssyncset.done $0x0  }
0x147: {  	[sflag:s9] =	ssyncadd.s32 $0xFFFFD800  }
0x148: {  	[spmem:s3] =	stream.indirect.scatter.add.f32 [tilespmem:s0], [sflag:$0x5], $0x80, s26, s31, $0xb8;
	[tilespmem:$0x1E800] =	vst v63  }
0x149: {  	_ =	swait.ge [sflag:s10], $0x2800  }
0x14a: {  	s12 =	sld [smem:$0x7FA]  }
0x14b: {  	[sflag:s10] =	ssyncset.done $0x0  }
0x14c: {  	[sflag:s10] =	ssyncadd.s32 $0xFFFFD800  }
0x14d: {  	[tilespmem:s0], [sflag:$0x2] =	stream.indirect.gather [hbm4b:s2+s31], $0x80, s12, s31, $0xb8;
	[tilespmem:$0x1E800] =	vst v63  }
0x14e: {  	_ =	swait.ge [sflag:s11], $0x2800  }
0x14f: {  	[sflag:s11] =	ssyncset.done $0x0  }
0x150: {  	s13 =	simm.s32 $0x1880;
	[sflag:s11] =	ssyncadd.s32 $0xFFFFD800  }
0x151: {  	[spmem:s3] =	stream.indirect.scatter.add.f32 [tilespmem:s6], [sflag:$0x6], $0x80, s13, s31, $0xb8;
	[tilespmem:$0x1E800] =	vst v63  }
0x152: {  	_ =	swait.ge [sflag:s7], $0x2800  }
0x153: {  	[sflag:s7] =	ssyncset.done $0x0  }
0x154: {  	[sflag:s7] =	ssyncadd.s32 $0xFFFFD800  }
0x155: {  	[spmem:s3] =	stream.indirect.scatter.add.f32 [tilespmem:s1], [sflag:$0x4], $0x80, s14, s31, $0xb8;
	[tilespmem:$0x1E800] =	vst v63  }
0x156: {  	_ =	swait.ge [sflag:s9], $0x2800  }
0x157: {  	[sflag:s9] =	ssyncset.done $0x0  }
0x158: {  	[sflag:s9] =	ssyncadd.s32 $0xFFFFD800  }
0x159: {  	[spmem:s3] =	stream.indirect.scatter.add.f32 [tilespmem:s0], [sflag:$0x5], $0x80, s15, s31, $0xb8;
	[tilespmem:$0x1E800] =	vst v63  }
0x15a: {  	_ =	swait.ge [sflag:s8], $0x2800  }
0x15b: {  	[sflag:s8] =	ssyncset.done $0x0  }
0x15c: {  	[sflag:s8] =	ssyncadd.s32 $0xFFFFD800  }
0x15d: {  	_ =	swait.ge [sflag:s10], $0x2800  }
0x15e: {  	[sflag:s10] =	ssyncset.done $0x0  }
0x15f: {  	[sflag:s10] =	ssyncadd.s32 $0xFFFFD800  }
0x160: {  	[tilespmem:s1], [sflag:$0x1] =	stream.indirect.gather [hbm4b:s2+s31], $0x80, s16, s31, $0xb8;
	[tilespmem:$0x1E800] =	vst v63  }
0x161: {  	_ = 	snop  }
0x162: {  	[tilespmem:s0], [sflag:$0x2] =	stream.indirect.gather [hbm4b:s2+s31], $0x80, s17, s31, $0xb8;
	[tilespmem:$0x1E800] =	vst v63  }
0x163: {  	_ = 	snop  }
0x164: {  	[tilespmem:s6], [sflag:$0x3] =	stream.indirect.gather [hbm4b:s2+s31], $0x80, s18, s31, $0xb8;
	[tilespmem:$0x1E800] =	vst v63  }
0x165: {  	_ =	swait.ge [sflag:s7], $0x2800  }
0x166: {  	[sflag:s7] =	ssyncset.done $0x0  }
0x167: {  	[sflag:s7] =	ssyncadd.s32 $0xFFFFD800  }
0x168: {  	[spmem:s3] =	stream.indirect.scatter.add.f32 [tilespmem:s1], [sflag:$0x4], $0x80, s19, s31, $0xb8;
	[tilespmem:$0x1E800] =	vst v63  }
0x169: {  	_ =	swait.ge [sflag:s8], $0x2800  }
0x16a: {  	[sflag:s8] =	ssyncset.done $0x0  }
0x16b: {  	[sflag:s8] =	ssyncadd.s32 $0xFFFFD800  }
0x16c: {  	[tilespmem:s1], [sflag:$0x1] =	stream.indirect.gather [hbm4b:s2+s31], $0x80, s20, s31, $0xb8;
	[tilespmem:$0x1E800] =	vst v63  }
0x16d: {  	_ =	swait.ge [sflag:s9], $0x2800  }
0x16e: {  	[sflag:s9] =	ssyncset.done $0x0  }
0x16f: {  	[sflag:s9] =	ssyncadd.s32 $0xFFFFD800  }
0x170: {  	[spmem:s3] =	stream.indirect.scatter.add.f32 [tilespmem:s0], [sflag:$0x5], $0x80, s21, s31, $0xb8;
	[tilespmem:$0x1E800] =	vst v63  }
0x171: {  	_ =	swait.ge [sflag:s10], $0x2800  }
0x172: {  	[sflag:s10] =	ssyncset.done $0x0  }
0x173: {  	[sflag:s10] =	ssyncadd.s32 $0xFFFFD800  }
0x174: {  	[tilespmem:s0], [sflag:$0x2] =	stream.indirect.gather [hbm4b:s2+s31], $0x80, s22, s31, $0xb8;
	[tilespmem:$0x1E800] =	vst v63  }
0x175: {  	_ =	swait.ge [sflag:s11], $0x2800  }
0x176: {  	[sflag:s11] =	ssyncset.done $0x0  }
0x177: {  	[sflag:s11] =	ssyncadd.s32 $0xFFFFD800  }
0x178: {  	[spmem:s3] =	stream.indirect.scatter.add.f32 [tilespmem:s6], [sflag:$0x6], $0x80, s23, s31, $0xb8;
	[tilespmem:$0x1E800] =	vst v63  }
0x179: {  	_ =	swait.ge [sflag:s7], $0x2800  }
0x17a: {  	[sflag:s7] =	ssyncset.done $0x0  }
0x17b: {  	[sflag:s7] =	ssyncadd.s32 $0xFFFFD800  }
0x17c: {  	[spmem:s3] =	stream.indirect.scatter.add.f32 [tilespmem:s1], [sflag:$0x4], $0x80, s24, s31, $0xb8;
	[tilespmem:$0x1E800] =	vst v63  }
0x17d: {  	_ =	swait.ge [sflag:s9], $0x2800  }
0x17e: {  	[sflag:s9] =	ssyncset.done $0x0  }
0x17f: {  	s26 =	simm.s32 $0x1C00;
	[sflag:s9] =	ssyncadd.s32 $0xFFFFD800  }
0x180: {  	[spmem:s3] =	stream.indirect.scatter.add.f32 [tilespmem:s0], [sflag:$0x5], $0x80, s26, s31, $0xb8;
	[tilespmem:$0x1E800] =	vst v63  }
0x181: {  	_ =	swait.ge [sflag:s8], $0x2800  }
0x182: {  	[sflag:s8] =	ssyncset.done $0x0  }
0x183: {  	[sflag:s8] =	ssyncadd.s32 $0xFFFFD800  }
0x184: {  	s5 =	simm.s32 $0x200;
	_ =	swait.ge [sflag:s10], $0x2800  }
0x185: {  	s26 =	simm.s32 $0x400;
	s12 =	rddreg [dreg:$0x5];
	[sflag:s10] =	ssyncset.done $0x0  }
.LBB2_4:
0x186: {  	[sflag:s10] =	ssyncadd.s32 $0xFFFFD800;
	s12 =	sadd.s32 s5, s12  }
0x187: {  	[tilespmem:s4], [sflag:$0x7] =	stream.linear.gather [hbm4b:s12+s4], $0xC80, $0x38;
	[tilespmem:$0x1E800] =	vst v63  }
0x188: {  	_ =	swait.ge [sflag:s29], $0xC80  }
0x189: {  	s12 =	rddreg [dreg:$0x4];
	[sflag:s29] =	ssyncset.done $0x0  }
0x18a: {  	[sflag:s29] =	ssyncadd.s32 $0xFFFFF380;
	s12 =	sadd.s32 s5, s12  }
0x18b: {  	[tilespmem:s30], [sflag:$0x7] =	stream.linear.gather [hbm4b:s12+s4], $0xC80, $0x38;
	[tilespmem:$0x1E800] =	vst v63  }
0x18c: {  	_ =	swait.ge [sflag:s29], $0xC80  }
0x18d: {  	[sflag:s29] =	ssyncset.done $0x0  }
0x18e: {  	[sflag:s29] =	ssyncadd.s32 $0xFFFFF380  }
0x18f: {  	[tilespmem:s1], [sflag:$0x1] =	stream.indirect.gather [hbm4b:s2+s31], $0x80, s4, s31, $0xb8;
	[tilespmem:$0x1E800] =	vst v63  }
0x190: {  	s13 =	smov.u32 s26;
	s12 =	rddreg [dreg:$0x6]  }
0x191: {  	[tilespmem:s0], [sflag:$0x2] =	stream.indirect.gather [hbm4b:s2+s31], $0x80, s12, s31, $0xb8;
	[tilespmem:$0x1E800] =	vst v63  }
0x192: {  	s5 =	smov.u32 s13;
	s13 =	rddreg [dreg:$0x7]  }
0x193: {  	[tilespmem:s6], [sflag:$0x3] =	stream.indirect.gather [hbm4b:s2+s31], $0x80, s13, s31, $0xb8;
	[tilespmem:$0x1E800] =	vst v63  }
0x194: {  	_ =	swait.ge [sflag:s7], $0x2800  }
0x195: {  	[sflag:s7] =	ssyncset.done $0x0  }
0x196: {  	[sflag:s7] =	ssyncadd.s32 $0xFFFFD800  }
0x197: {  	[spmem:s3] =	stream.indirect.scatter.add.f32 [tilespmem:s1], [sflag:$0x4], $0x80, s30, s31, $0xb8;
	[tilespmem:$0x1E800] =	vst v63  }
0x198: {  	_ =	swait.ge [sflag:s8], $0x2800  }
0x199: {  	[sflag:s8] =	ssyncset.done $0x0  }
0x19a: {  	s13 =	rddreg [dreg:$0x8];
	[sflag:s8] =	ssyncadd.s32 $0xFFFFD800  }
0x19b: {  	[tilespmem:s1], [sflag:$0x1] =	stream.indirect.gather [hbm4b:s2+s31], $0x80, s13, s31, $0xb8;
	[tilespmem:$0x1E800] =	vst v63  }
0x19c: {  	_ =	swait.ge [sflag:s9], $0x2800  }
0x19d: {  	[sflag:s9] =	ssyncset.done $0x0  }
0x19e: {  	s13 =	rddreg [dreg:$0x9];
	[sflag:s9] =	ssyncadd.s32 $0xFFFFD800  }
0x19f: {  	[spmem:s3] =	stream.indirect.scatter.add.f32 [tilespmem:s0], [sflag:$0x5], $0x80, s13, s31, $0xb8;
	[tilespmem:$0x1E800] =	vst v63  }
0x1a0: {  	_ =	swait.ge [sflag:s10], $0x2800  }
0x1a1: {  	[sflag:s10] =	ssyncset.done $0x0  }
0x1a2: {  	s13 =	rddreg [dreg:$0xa];
	[sflag:s10] =	ssyncadd.s32 $0xFFFFD800  }
0x1a3: {  	[tilespmem:s0], [sflag:$0x2] =	stream.indirect.gather [hbm4b:s2+s31], $0x80, s13, s31, $0xb8;
	[tilespmem:$0x1E800] =	vst v63  }
0x1a4: {  	_ =	swait.ge [sflag:s11], $0x2800  }
0x1a5: {  	[sflag:s11] =	ssyncset.done $0x0  }
0x1a6: {  	s13 =	rddreg [dreg:$0xb];
	[sflag:s11] =	ssyncadd.s32 $0xFFFFD800  }
0x1a7: {  	[spmem:s3] =	stream.indirect.scatter.add.f32 [tilespmem:s6], [sflag:$0x6], $0x80, s13, s31, $0xb8;
	[tilespmem:$0x1E800] =	vst v63  }
0x1a8: {  	_ =	swait.ge [sflag:s7], $0x2800  }
0x1a9: {  	[sflag:s7] =	ssyncset.done $0x0  }
0x1aa: {  	s13 =	rddreg [dreg:$0xc];
	[sflag:s7] =	ssyncadd.s32 $0xFFFFD800  }
0x1ab: {  	[spmem:s3] =	stream.indirect.scatter.add.f32 [tilespmem:s1], [sflag:$0x4], $0x80, s13, s31, $0xb8;
	[tilespmem:$0x1E800] =	vst v63  }
0x1ac: {  	_ =	swait.ge [sflag:s9], $0x2800  }
0x1ad: {  	[sflag:s9] =	ssyncset.done $0x0  }
0x1ae: {  	s13 =	rddreg [dreg:$0xd];
	[sflag:s9] =	ssyncadd.s32 $0xFFFFD800  }
0x1af: {  	[spmem:s3] =	stream.indirect.scatter.add.f32 [tilespmem:s0], [sflag:$0x5], $0x80, s13, s31, $0xb8;
	[tilespmem:$0x1E800] =	vst v63  }
0x1b0: {  	_ =	swait.ge [sflag:s8], $0x2800  }
0x1b1: {  	[sflag:s8] =	ssyncset.done $0x0  }
0x1b2: {  	[sflag:s8] =	ssyncadd.s32 $0xFFFFD800  }
0x1b3: {  	_ =	swait.ge [sflag:s10], $0x2800  }
0x1b4: {  	[sflag:s10] =	ssyncset.done $0x0  }
0x1b5: {  	s12 =	rddreg [dreg:$0xe];
	[sflag:s10] =	ssyncadd.s32 $0xFFFFD800  }
0x1b6: {  	[tilespmem:s1], [sflag:$0x1] =	stream.indirect.gather [hbm4b:s2+s31], $0x80, s12, s31, $0xb8;
	[tilespmem:$0x1E800] =	vst v63  }
0x1b7: {  	s13 =	rddreg [dreg:$0xf]  }
0x1b8: {  	[tilespmem:s0], [sflag:$0x2] =	stream.indirect.gather [hbm4b:s2+s31], $0x80, s13, s31, $0xb8;
	[tilespmem:$0x1E800] =	vst v63  }
0x1b9: {  	s12 =	rddreg [dreg:$0x10]  }
0x1ba: {  	[tilespmem:s6], [sflag:$0x3] =	stream.indirect.gather [hbm4b:s2+s31], $0x80, s12, s31, $0xb8;
	[tilespmem:$0x1E800] =	vst v63  }
0x1bb: {  	_ =	swait.ge [sflag:s7], $0x2800  }
0x1bc: {  	[sflag:s7] =	ssyncset.done $0x0  }
0x1bd: {  	s13 =	rddreg [dreg:$0x11];
	[sflag:s7] =	ssyncadd.s32 $0xFFFFD800  }
0x1be: {  	[spmem:s3] =	stream.indirect.scatter.add.f32 [tilespmem:s1], [sflag:$0x4], $0x80, s13, s31, $0xb8;
	[tilespmem:$0x1E800] =	vst v63  }
0x1bf: {  	_ =	swait.ge [sflag:s8], $0x2800  }
0x1c0: {  	[sflag:s8] =	ssyncset.done $0x0  }
0x1c1: {  	s13 =	rddreg [dreg:$0x12];
	[sflag:s8] =	ssyncadd.s32 $0xFFFFD800  }
0x1c2: {  	[tilespmem:s1], [sflag:$0x1] =	stream.indirect.gather [hbm4b:s2+s31], $0x80, s13, s31, $0xb8;
	[tilespmem:$0x1E800] =	vst v63  }
0x1c3: {  	_ =	swait.ge [sflag:s9], $0x2800  }
0x1c4: {  	[sflag:s9] =	ssyncset.done $0x0  }
0x1c5: {  	s13 =	rddreg [dreg:$0x13];
	[sflag:s9] =	ssyncadd.s32 $0xFFFFD800  }
0x1c6: {  	[spmem:s3] =	stream.indirect.scatter.add.f32 [tilespmem:s0], [sflag:$0x5], $0x80, s13, s31, $0xb8;
	[tilespmem:$0x1E800] =	vst v63  }
0x1c7: {  	_ =	swait.ge [sflag:s10], $0x2800  }
0x1c8: {  	[sflag:s10] =	ssyncset.done $0x0  }
0x1c9: {  	s13 =	rddreg [dreg:$0x14];
	[sflag:s10] =	ssyncadd.s32 $0xFFFFD800  }
0x1ca: {  	[tilespmem:s0], [sflag:$0x2] =	stream.indirect.gather [hbm4b:s2+s31], $0x80, s13, s31, $0xb8;
	[tilespmem:$0x1E800] =	vst v63  }
0x1cb: {  	_ =	swait.ge [sflag:s11], $0x2800  }
0x1cc: {  	[sflag:s11] =	ssyncset.done $0x0  }
0x1cd: {  	s13 =	rddreg [dreg:$0x15];
	[sflag:s11] =	ssyncadd.s32 $0xFFFFD800  }
0x1ce: {  	[spmem:s3] =	stream.indirect.scatter.add.f32 [tilespmem:s6], [sflag:$0x6], $0x80, s13, s31, $0xb8;
	[tilespmem:$0x1E800] =	vst v63  }
0x1cf: {  	_ =	swait.ge [sflag:s7], $0x2800  }
0x1d0: {  	[sflag:s7] =	ssyncset.done $0x0  }
0x1d1: {  	s13 =	rddreg [dreg:$0x16];
	[sflag:s7] =	ssyncadd.s32 $0xFFFFD800  }
0x1d2: {  	[spmem:s3] =	stream.indirect.scatter.add.f32 [tilespmem:s1], [sflag:$0x4], $0x80, s13, s31, $0xb8;
	[tilespmem:$0x1E800] =	vst v63  }
0x1d3: {  	_ =	swait.ge [sflag:s9], $0x2800  }
0x1d4: {  	[sflag:s9] =	ssyncset.done $0x0  }
0x1d5: {  	s13 =	rddreg [dreg:$0x17];
	[sflag:s9] =	ssyncadd.s32 $0xFFFFD800  }
0x1d6: {  	[spmem:s3] =	stream.indirect.scatter.add.f32 [tilespmem:s0], [sflag:$0x5], $0x80, s13, s31, $0xb8;
	[tilespmem:$0x1E800] =	vst v63  }
0x1d7: {  	_ =	swait.ge [sflag:s8], $0x2800  }
0x1d8: {  	[sflag:s8] =	ssyncset.done $0x0  }
0x1d9: {  	[sflag:s8] =	ssyncadd.s32 $0xFFFFD800  }
0x1da: {  	_ =	swait.ge [sflag:s10], $0x2800  }
0x1db: {  	[sflag:s10] =	ssyncset.done $0x0  }
0x1dc: {  	s12 =	rddreg [dreg:$0x18];
	[sflag:s10] =	ssyncadd.s32 $0xFFFFD800  }
0x1dd: {  	[tilespmem:s1], [sflag:$0x1] =	stream.indirect.gather [hbm4b:s2+s31], $0x80, s12, s31, $0xb8;
	[tilespmem:$0x1E800] =	vst v63  }
0x1de: {  	s13 =	rddreg [dreg:$0x19]  }
0x1df: {  	[tilespmem:s0], [sflag:$0x2] =	stream.indirect.gather [hbm4b:s2+s31], $0x80, s13, s31, $0xb8;
	[tilespmem:$0x1E800] =	vst v63  }
0x1e0: {  	s12 =	rddreg [dreg:$0x1a]  }
0x1e1: {  	[tilespmem:s6], [sflag:$0x3] =	stream.indirect.gather [hbm4b:s2+s31], $0x80, s12, s31, $0xb8;
	[tilespmem:$0x1E800] =	vst v63  }
0x1e2: {  	_ =	swait.ge [sflag:s7], $0x2800  }
0x1e3: {  	[sflag:s7] =	ssyncset.done $0x0  }
0x1e4: {  	s13 =	rddreg [dreg:$0x1b];
	[sflag:s7] =	ssyncadd.s32 $0xFFFFD800  }
0x1e5: {  	[spmem:s3] =	stream.indirect.scatter.add.f32 [tilespmem:s1], [sflag:$0x4], $0x80, s13, s31, $0xb8;
	[tilespmem:$0x1E800] =	vst v63  }
0x1e6: {  	_ =	swait.ge [sflag:s8], $0x2800  }
0x1e7: {  	[sflag:s8] =	ssyncset.done $0x0  }
0x1e8: {  	s13 =	rddreg [dreg:$0x1c];
	[sflag:s8] =	ssyncadd.s32 $0xFFFFD800  }
0x1e9: {  	[tilespmem:s1], [sflag:$0x1] =	stream.indirect.gather [hbm4b:s2+s31], $0x80, s13, s31, $0xb8;
	[tilespmem:$0x1E800] =	vst v63  }
0x1ea: {  	_ =	swait.ge [sflag:s9], $0x2800  }
0x1eb: {  	[sflag:s9] =	ssyncset.done $0x0  }
0x1ec: {  	s13 =	rddreg [dreg:$0x1d];
	[sflag:s9] =	ssyncadd.s32 $0xFFFFD800  }
0x1ed: {  	[spmem:s3] =	stream.indirect.scatter.add.f32 [tilespmem:s0], [sflag:$0x5], $0x80, s13, s31, $0xb8;
	[tilespmem:$0x1E800] =	vst v63  }
0x1ee: {  	_ =	swait.ge [sflag:s10], $0x2800  }
0x1ef: {  	[sflag:s10] =	ssyncset.done $0x0  }
0x1f0: {  	s13 =	rddreg [dreg:$0x1e];
	[sflag:s10] =	ssyncadd.s32 $0xFFFFD800  }
0x1f1: {  	[tilespmem:s0], [sflag:$0x2] =	stream.indirect.gather [hbm4b:s2+s31], $0x80, s13, s31, $0xb8;
	[tilespmem:$0x1E800] =	vst v63  }
0x1f2: {  	_ =	swait.ge [sflag:s11], $0x2800  }
0x1f3: {  	[sflag:s11] =	ssyncset.done $0x0  }
0x1f4: {  	s13 =	rddreg [dreg:$0x1f];
	[sflag:s11] =	ssyncadd.s32 $0xFFFFD800  }
0x1f5: {  	[spmem:s3] =	stream.indirect.scatter.add.f32 [tilespmem:s6], [sflag:$0x6], $0x80, s13, s31, $0xb8;
	[tilespmem:$0x1E800] =	vst v63  }
0x1f6: {  	_ =	swait.ge [sflag:s7], $0x2800  }
0x1f7: {  	s13 =	sld [smem:$0x7EB]  }
0x1f8: {  	[sflag:s7] =	ssyncset.done $0x0  }
0x1f9: {  	[sflag:s7] =	ssyncadd.s32 $0xFFFFD800  }
0x1fa: {  	[spmem:s3] =	stream.indirect.scatter.add.f32 [tilespmem:s1], [sflag:$0x4], $0x80, s13, s31, $0xb8;
	[tilespmem:$0x1E800] =	vst v63  }
0x1fb: {  	_ =	swait.ge [sflag:s9], $0x2800  }
0x1fc: {  	s13 =	sld [smem:$0x7ED]  }
0x1fd: {  	[sflag:s9] =	ssyncset.done $0x0  }
0x1fe: {  	[sflag:s9] =	ssyncadd.s32 $0xFFFFD800  }
0x1ff: {  	[spmem:s3] =	stream.indirect.scatter.add.f32 [tilespmem:s0], [sflag:$0x5], $0x80, s13, s31, $0xb8;
	[tilespmem:$0x1E800] =	vst v63  }
0x200: {  	_ =	swait.ge [sflag:s8], $0x2800  }
0x201: {  	[sflag:s8] =	ssyncset.done $0x0  }
0x202: {  	[sflag:s8] =	ssyncadd.s32 $0xFFFFD800  }
0x203: {  	_ =	swait.ge [sflag:s10], $0x2800  }
0x204: {  	s12 =	sld [smem:$0x7EF]  }
0x205: {  	[sflag:s10] =	ssyncset.done $0x0  }
0x206: {  	s13 =	sld [smem:$0x7F1];
	[sflag:s10] =	ssyncadd.s32 $0xFFFFD800  }
0x207: {  	[tilespmem:s1], [sflag:$0x1] =	stream.indirect.gather [hbm4b:s2+s31], $0x80, s12, s31, $0xb8;
	[tilespmem:$0x1E800] =	vst v63  }
0x208: {  	s12 =	sld [smem:$0x7F3]  }
0x209: {  	[tilespmem:s0], [sflag:$0x2] =	stream.indirect.gather [hbm4b:s2+s31], $0x80, s13, s31, $0xb8;
	[tilespmem:$0x1E800] =	vst v63  }
0x20a: {  	_ = 	snop  }
0x20b: {  	[tilespmem:s6], [sflag:$0x3] =	stream.indirect.gather [hbm4b:s2+s31], $0x80, s12, s31, $0xb8;
	[tilespmem:$0x1E800] =	vst v63  }
0x20c: {  	_ =	swait.ge [sflag:s7], $0x2800  }
0x20d: {  	s12 =	sld [smem:$0x7F5]  }
0x20e: {  	[sflag:s7] =	ssyncset.done $0x0  }
0x20f: {  	[sflag:s7] =	ssyncadd.s32 $0xFFFFD800  }
0x210: {  	[spmem:s3] =	stream.indirect.scatter.add.f32 [tilespmem:s1], [sflag:$0x4], $0x80, s12, s31, $0xb8;
	[tilespmem:$0x1E800] =	vst v63  }
0x211: {  	_ =	swait.ge [sflag:s8], $0x2800  }
0x212: {  	s12 =	sld [smem:$0x7F7]  }
0x213: {  	[sflag:s8] =	ssyncset.done $0x0  }
0x214: {  	[sflag:s8] =	ssyncadd.s32 $0xFFFFD800  }
0x215: {  	[tilespmem:s1], [sflag:$0x1] =	stream.indirect.gather [hbm4b:s2+s31], $0x80, s12, s31, $0xb8;
	[tilespmem:$0x1E800] =	vst v63  }
0x216: {  	_ =	swait.ge [sflag:s9], $0x2800  }
0x217: {  	s12 =	sld [smem:$0x7F9]  }
0x218: {  	[sflag:s9] =	ssyncset.done $0x0  }
0x219: {  	[sflag:s9] =	ssyncadd.s32 $0xFFFFD800  }
0x21a: {  	[spmem:s3] =	stream.indirect.scatter.add.f32 [tilespmem:s0], [sflag:$0x5], $0x80, s12, s31, $0xb8;
	[tilespmem:$0x1E800] =	vst v63  }
0x21b: {  	_ =	swait.ge [sflag:s10], $0x2800  }
0x21c: {  	s12 =	sld [smem:$0x7FA]  }
0x21d: {  	[sflag:s10] =	ssyncset.done $0x0  }
0x21e: {  	[sflag:s10] =	ssyncadd.s32 $0xFFFFD800  }
0x21f: {  	[tilespmem:s0], [sflag:$0x2] =	stream.indirect.gather [hbm4b:s2+s31], $0x80, s12, s31, $0xb8;
	[tilespmem:$0x1E800] =	vst v63  }
0x220: {  	_ =	swait.ge [sflag:s11], $0x2800  }
0x221: {  	[sflag:s11] =	ssyncset.done $0x0  }
0x222: {  	s13 =	simm.s32 $0x1880;
	[sflag:s11] =	ssyncadd.s32 $0xFFFFD800  }
0x223: {  	[spmem:s3] =	stream.indirect.scatter.add.f32 [tilespmem:s6], [sflag:$0x6], $0x80, s13, s31, $0xb8;
	[tilespmem:$0x1E800] =	vst v63  }
0x224: {  	_ =	swait.ge [sflag:s7], $0x2800  }
0x225: {  	[sflag:s7] =	ssyncset.done $0x0  }
0x226: {  	[sflag:s7] =	ssyncadd.s32 $0xFFFFD800  }
0x227: {  	[spmem:s3] =	stream.indirect.scatter.add.f32 [tilespmem:s1], [sflag:$0x4], $0x80, s14, s31, $0xb8;
	[tilespmem:$0x1E800] =	vst v63  }
0x228: {  	_ =	swait.ge [sflag:s9], $0x2800  }
0x229: {  	[sflag:s9] =	ssyncset.done $0x0  }
0x22a: {  	[sflag:s9] =	ssyncadd.s32 $0xFFFFD800  }
0x22b: {  	[spmem:s3] =	stream.indirect.scatter.add.f32 [tilespmem:s0], [sflag:$0x5], $0x80, s15, s31, $0xb8;
	[tilespmem:$0x1E800] =	vst v63  }
0x22c: {  	_ =	swait.ge [sflag:s8], $0x2800  }
0x22d: {  	[sflag:s8] =	ssyncset.done $0x0  }
0x22e: {  	[sflag:s8] =	ssyncadd.s32 $0xFFFFD800  }
0x22f: {  	_ =	swait.ge [sflag:s10], $0x2800  }
0x230: {  	[sflag:s10] =	ssyncset.done $0x0  }
0x231: {  	[sflag:s10] =	ssyncadd.s32 $0xFFFFD800  }
0x232: {  	[tilespmem:s1], [sflag:$0x1] =	stream.indirect.gather [hbm4b:s2+s31], $0x80, s16, s31, $0xb8;
	[tilespmem:$0x1E800] =	vst v63  }
0x233: {  	_ = 	snop  }
0x234: {  	[tilespmem:s0], [sflag:$0x2] =	stream.indirect.gather [hbm4b:s2+s31], $0x80, s17, s31, $0xb8;
	[tilespmem:$0x1E800] =	vst v63  }
0x235: {  	_ = 	snop  }
0x236: {  	[tilespmem:s6], [sflag:$0x3] =	stream.indirect.gather [hbm4b:s2+s31], $0x80, s18, s31, $0xb8;
	[tilespmem:$0x1E800] =	vst v63  }
0x237: {  	_ =	swait.ge [sflag:s7], $0x2800  }
0x238: {  	[sflag:s7] =	ssyncset.done $0x0  }
0x239: {  	[sflag:s7] =	ssyncadd.s32 $0xFFFFD800  }
0x23a: {  	[spmem:s3] =	stream.indirect.scatter.add.f32 [tilespmem:s1], [sflag:$0x4], $0x80, s19, s31, $0xb8;
	[tilespmem:$0x1E800] =	vst v63  }
0x23b: {  	_ =	swait.ge [sflag:s8], $0x2800  }
0x23c: {  	[sflag:s8] =	ssyncset.done $0x0  }
0x23d: {  	[sflag:s8] =	ssyncadd.s32 $0xFFFFD800  }
0x23e: {  	[tilespmem:s1], [sflag:$0x1] =	stream.indirect.gather [hbm4b:s2+s31], $0x80, s20, s31, $0xb8;
	[tilespmem:$0x1E800] =	vst v63  }
0x23f: {  	_ =	swait.ge [sflag:s9], $0x2800  }
0x240: {  	[sflag:s9] =	ssyncset.done $0x0  }
0x241: {  	[sflag:s9] =	ssyncadd.s32 $0xFFFFD800  }
0x242: {  	[spmem:s3] =	stream.indirect.scatter.add.f32 [tilespmem:s0], [sflag:$0x5], $0x80, s21, s31, $0xb8;
	[tilespmem:$0x1E800] =	vst v63  }
0x243: {  	_ =	swait.ge [sflag:s10], $0x2800  }
0x244: {  	[sflag:s10] =	ssyncset.done $0x0  }
0x245: {  	[sflag:s10] =	ssyncadd.s32 $0xFFFFD800  }
0x246: {  	[tilespmem:s0], [sflag:$0x2] =	stream.indirect.gather [hbm4b:s2+s31], $0x80, s22, s31, $0xb8;
	[tilespmem:$0x1E800] =	vst v63  }
0x247: {  	_ =	swait.ge [sflag:s11], $0x2800  }
0x248: {  	[sflag:s11] =	ssyncset.done $0x0  }
0x249: {  	[sflag:s11] =	ssyncadd.s32 $0xFFFFD800  }
0x24a: {  	[spmem:s3] =	stream.indirect.scatter.add.f32 [tilespmem:s6], [sflag:$0x6], $0x80, s23, s31, $0xb8;
	[tilespmem:$0x1E800] =	vst v63  }
0x24b: {  	_ =	swait.ge [sflag:s7], $0x2800  }
0x24c: {  	[sflag:s7] =	ssyncset.done $0x0  }
0x24d: {  	[sflag:s7] =	ssyncadd.s32 $0xFFFFD800  }
0x24e: {  	[spmem:s3] =	stream.indirect.scatter.add.f32 [tilespmem:s1], [sflag:$0x4], $0x80, s24, s31, $0xb8;
	[tilespmem:$0x1E800] =	vst v63  }
0x24f: {  	_ =	swait.ge [sflag:s9], $0x2800  }
0x250: {  	[sflag:s9] =	ssyncset.done $0x0  }
0x251: {  	p0 =	sne.s32 s26, $0x800;
	s12 =	simm.s32 $0x1C00;
	[sflag:s9] =	ssyncadd.s32 $0xFFFFD800  }
0x252: {  	[spmem:s3] =	stream.indirect.scatter.add.f32 [tilespmem:s0], [sflag:$0x5], $0x80, s12, s31, $0xb8;
	[tilespmem:$0x1E800] =	vst v63  }
.Ltmp1:
0x253: {  	_ =	swait.ge [sflag:s8], $0x2800;
	(pc) =	sbr.rel @p0 .LBB2_4-.Ltmp1, $4  }
0x254: {  	[sflag:s8] =	ssyncset.done $0x0  }
0x255: {  	[sflag:s8] =	ssyncadd.s32 $0xFFFFD800  }
0x256: {  	_ =	swait.ge [sflag:s10], $0x2800  }
0x257: {  	s26 =	sadd.s32 $0x200, s26;
	s12 =	rddreg [dreg:$0x5];
	[sflag:s10] =	ssyncset.done $0x0  }
0x258: {  	[sflag:s10] =	ssyncadd.s32 $0xFFFFD800;
	s12 =	sadd.s32 s5, s12  }
0x259: {  	[tilespmem:s4], [sflag:$0x7] =	stream.linear.gather [hbm4b:s12+s4], $0xC80, $0x38;
	[tilespmem:$0x1E800] =	vst v63  }
0x25a: {  	_ =	swait.ge [sflag:s29], $0xC80  }
0x25b: {  	s26 =	rddreg [dreg:$0x4];
	[sflag:s29] =	ssyncset.done $0x0  }
0x25c: {  	[sflag:s29] =	ssyncadd.s32 $0xFFFFF380;
	s26 =	sadd.s32 s5, s26  }
0x25d: {  	[tilespmem:s30], [sflag:$0x7] =	stream.linear.gather [hbm4b:s26+s4], $0xC80, $0x38;
	[tilespmem:$0x1E800] =	vst v63  }
0x25e: {  	_ =	swait.ge [sflag:s29], $0xC80  }
0x25f: {  	[sflag:s29] =	ssyncset.done $0x0  }
0x260: {  	[sflag:s29] =	ssyncadd.s32 $0xFFFFF380  }
0x261: {  	[tilespmem:s1], [sflag:$0x1] =	stream.indirect.gather [hbm4b:s2+s31], $0x80, s4, s31, $0xb8;
	[tilespmem:$0x1E800] =	vst v63  }
0x262: {  	s12 =	rddreg [dreg:$0x6]  }
0x263: {  	[tilespmem:s0], [sflag:$0x2] =	stream.indirect.gather [hbm4b:s2+s31], $0x80, s12, s31, $0xb8;
	[tilespmem:$0x1E800] =	vst v63  }
0x264: {  	s26 =	rddreg [dreg:$0x7]  }
0x265: {  	[tilespmem:s6], [sflag:$0x3] =	stream.indirect.gather [hbm4b:s2+s31], $0x80, s26, s31, $0xb8;
	[tilespmem:$0x1E800] =	vst v63  }
0x266: {  	_ =	swait.ge [sflag:s7], $0x2800  }
0x267: {  	[sflag:s7] =	ssyncset.done $0x0  }
0x268: {  	[sflag:s7] =	ssyncadd.s32 $0xFFFFD800  }
0x269: {  	[spmem:s3] =	stream.indirect.scatter.add.f32 [tilespmem:s1], [sflag:$0x4], $0x80, s30, s31, $0xb8;
	[tilespmem:$0x1E800] =	vst v63  }
0x26a: {  	_ =	swait.ge [sflag:s8], $0x2800  }
0x26b: {  	[sflag:s8] =	ssyncset.done $0x0  }
0x26c: {  	s26 =	rddreg [dreg:$0x8];
	[sflag:s8] =	ssyncadd.s32 $0xFFFFD800  }
0x26d: {  	[tilespmem:s1], [sflag:$0x1] =	stream.indirect.gather [hbm4b:s2+s31], $0x80, s26, s31, $0xb8;
	[tilespmem:$0x1E800] =	vst v63  }
0x26e: {  	_ =	swait.ge [sflag:s9], $0x2800  }
0x26f: {  	[sflag:s9] =	ssyncset.done $0x0  }
0x270: {  	s12 =	rddreg [dreg:$0x9];
	[sflag:s9] =	ssyncadd.s32 $0xFFFFD800  }
0x271: {  	[spmem:s3] =	stream.indirect.scatter.add.f32 [tilespmem:s0], [sflag:$0x5], $0x80, s12, s31, $0xb8;
	[tilespmem:$0x1E800] =	vst v63  }
0x272: {  	_ =	swait.ge [sflag:s10], $0x2800  }
0x273: {  	[sflag:s10] =	ssyncset.done $0x0  }
0x274: {  	s26 =	rddreg [dreg:$0xa];
	[sflag:s10] =	ssyncadd.s32 $0xFFFFD800  }
0x275: {  	[tilespmem:s0], [sflag:$0x2] =	stream.indirect.gather [hbm4b:s2+s31], $0x80, s26, s31, $0xb8;
	[tilespmem:$0x1E800] =	vst v63  }
0x276: {  	_ =	swait.ge [sflag:s11], $0x2800  }
0x277: {  	[sflag:s11] =	ssyncset.done $0x0  }
0x278: {  	s12 =	rddreg [dreg:$0xb];
	[sflag:s11] =	ssyncadd.s32 $0xFFFFD800  }
0x279: {  	[spmem:s3] =	stream.indirect.scatter.add.f32 [tilespmem:s6], [sflag:$0x6], $0x80, s12, s31, $0xb8;
	[tilespmem:$0x1E800] =	vst v63  }
0x27a: {  	_ =	swait.ge [sflag:s7], $0x2800  }
0x27b: {  	[sflag:s7] =	ssyncset.done $0x0  }
0x27c: {  	s26 =	rddreg [dreg:$0xc];
	[sflag:s7] =	ssyncadd.s32 $0xFFFFD800  }
0x27d: {  	[spmem:s3] =	stream.indirect.scatter.add.f32 [tilespmem:s1], [sflag:$0x4], $0x80, s26, s31, $0xb8;
	[tilespmem:$0x1E800] =	vst v63  }
0x27e: {  	_ =	swait.ge [sflag:s9], $0x2800  }
0x27f: {  	[sflag:s9] =	ssyncset.done $0x0  }
0x280: {  	s12 =	rddreg [dreg:$0xd];
	[sflag:s9] =	ssyncadd.s32 $0xFFFFD800  }
0x281: {  	[spmem:s3] =	stream.indirect.scatter.add.f32 [tilespmem:s0], [sflag:$0x5], $0x80, s12, s31, $0xb8;
	[tilespmem:$0x1E800] =	vst v63  }
0x282: {  	_ =	swait.ge [sflag:s8], $0x2800  }
0x283: {  	[sflag:s8] =	ssyncset.done $0x0  }
0x284: {  	[sflag:s8] =	ssyncadd.s32 $0xFFFFD800  }
0x285: {  	_ =	swait.ge [sflag:s10], $0x2800  }
0x286: {  	[sflag:s10] =	ssyncset.done $0x0  }
0x287: {  	s26 =	rddreg [dreg:$0xe];
	[sflag:s10] =	ssyncadd.s32 $0xFFFFD800  }
0x288: {  	[tilespmem:s1], [sflag:$0x1] =	stream.indirect.gather [hbm4b:s2+s31], $0x80, s26, s31, $0xb8;
	[tilespmem:$0x1E800] =	vst v63  }
0x289: {  	s12 =	rddreg [dreg:$0xf]  }
0x28a: {  	[tilespmem:s0], [sflag:$0x2] =	stream.indirect.gather [hbm4b:s2+s31], $0x80, s12, s31, $0xb8;
	[tilespmem:$0x1E800] =	vst v63  }
0x28b: {  	s26 =	rddreg [dreg:$0x10]  }
0x28c: {  	[tilespmem:s6], [sflag:$0x3] =	stream.indirect.gather [hbm4b:s2+s31], $0x80, s26, s31, $0xb8;
	[tilespmem:$0x1E800] =	vst v63  }
0x28d: {  	_ =	swait.ge [sflag:s7], $0x2800  }
0x28e: {  	[sflag:s7] =	ssyncset.done $0x0  }
0x28f: {  	s12 =	rddreg [dreg:$0x11];
	[sflag:s7] =	ssyncadd.s32 $0xFFFFD800  }
0x290: {  	[spmem:s3] =	stream.indirect.scatter.add.f32 [tilespmem:s1], [sflag:$0x4], $0x80, s12, s31, $0xb8;
	[tilespmem:$0x1E800] =	vst v63  }
0x291: {  	_ =	swait.ge [sflag:s8], $0x2800  }
0x292: {  	[sflag:s8] =	ssyncset.done $0x0  }
0x293: {  	s26 =	rddreg [dreg:$0x12];
	[sflag:s8] =	ssyncadd.s32 $0xFFFFD800  }
0x294: {  	[tilespmem:s1], [sflag:$0x1] =	stream.indirect.gather [hbm4b:s2+s31], $0x80, s26, s31, $0xb8;
	[tilespmem:$0x1E800] =	vst v63  }
0x295: {  	_ =	swait.ge [sflag:s9], $0x2800  }
0x296: {  	[sflag:s9] =	ssyncset.done $0x0  }
0x297: {  	s12 =	rddreg [dreg:$0x13];
	[sflag:s9] =	ssyncadd.s32 $0xFFFFD800  }
0x298: {  	[spmem:s3] =	stream.indirect.scatter.add.f32 [tilespmem:s0], [sflag:$0x5], $0x80, s12, s31, $0xb8;
	[tilespmem:$0x1E800] =	vst v63  }
0x299: {  	_ =	swait.ge [sflag:s10], $0x2800  }
0x29a: {  	[sflag:s10] =	ssyncset.done $0x0  }
0x29b: {  	s26 =	rddreg [dreg:$0x14];
	[sflag:s10] =	ssyncadd.s32 $0xFFFFD800  }
0x29c: {  	[tilespmem:s0], [sflag:$0x2] =	stream.indirect.gather [hbm4b:s2+s31], $0x80, s26, s31, $0xb8;
	[tilespmem:$0x1E800] =	vst v63  }
0x29d: {  	_ =	swait.ge [sflag:s11], $0x2800  }
0x29e: {  	[sflag:s11] =	ssyncset.done $0x0  }
0x29f: {  	s12 =	rddreg [dreg:$0x15];
	[sflag:s11] =	ssyncadd.s32 $0xFFFFD800  }
0x2a0: {  	[spmem:s3] =	stream.indirect.scatter.add.f32 [tilespmem:s6], [sflag:$0x6], $0x80, s12, s31, $0xb8;
	[tilespmem:$0x1E800] =	vst v63  }
0x2a1: {  	_ =	swait.ge [sflag:s7], $0x2800  }
0x2a2: {  	[sflag:s7] =	ssyncset.done $0x0  }
0x2a3: {  	s26 =	rddreg [dreg:$0x16];
	[sflag:s7] =	ssyncadd.s32 $0xFFFFD800  }
0x2a4: {  	[spmem:s3] =	stream.indirect.scatter.add.f32 [tilespmem:s1], [sflag:$0x4], $0x80, s26, s31, $0xb8;
	[tilespmem:$0x1E800] =	vst v63  }
0x2a5: {  	_ =	swait.ge [sflag:s9], $0x2800  }
0x2a6: {  	[sflag:s9] =	ssyncset.done $0x0  }
0x2a7: {  	s12 =	rddreg [dreg:$0x17];
	[sflag:s9] =	ssyncadd.s32 $0xFFFFD800  }
0x2a8: {  	[spmem:s3] =	stream.indirect.scatter.add.f32 [tilespmem:s0], [sflag:$0x5], $0x80, s12, s31, $0xb8;
	[tilespmem:$0x1E800] =	vst v63  }
0x2a9: {  	_ =	swait.ge [sflag:s8], $0x2800  }
0x2aa: {  	[sflag:s8] =	ssyncset.done $0x0  }
0x2ab: {  	[sflag:s8] =	ssyncadd.s32 $0xFFFFD800  }
0x2ac: {  	_ =	swait.ge [sflag:s10], $0x2800  }
0x2ad: {  	[sflag:s10] =	ssyncset.done $0x0  }
0x2ae: {  	s26 =	rddreg [dreg:$0x18];
	[sflag:s10] =	ssyncadd.s32 $0xFFFFD800  }
0x2af: {  	[tilespmem:s1], [sflag:$0x1] =	stream.indirect.gather [hbm4b:s2+s31], $0x80, s26, s31, $0xb8;
	[tilespmem:$0x1E800] =	vst v63  }
0x2b0: {  	s12 =	rddreg [dreg:$0x19]  }
0x2b1: {  	[tilespmem:s0], [sflag:$0x2] =	stream.indirect.gather [hbm4b:s2+s31], $0x80, s12, s31, $0xb8;
	[tilespmem:$0x1E800] =	vst v63  }
0x2b2: {  	s26 =	rddreg [dreg:$0x1a]  }
0x2b3: {  	[tilespmem:s6], [sflag:$0x3] =	stream.indirect.gather [hbm4b:s2+s31], $0x80, s26, s31, $0xb8;
	[tilespmem:$0x1E800] =	vst v63  }
0x2b4: {  	_ =	swait.ge [sflag:s7], $0x2800  }
0x2b5: {  	[sflag:s7] =	ssyncset.done $0x0  }
0x2b6: {  	s12 =	rddreg [dreg:$0x1b];
	[sflag:s7] =	ssyncadd.s32 $0xFFFFD800  }
0x2b7: {  	[spmem:s3] =	stream.indirect.scatter.add.f32 [tilespmem:s1], [sflag:$0x4], $0x80, s12, s31, $0xb8;
	[tilespmem:$0x1E800] =	vst v63  }
0x2b8: {  	_ =	swait.ge [sflag:s8], $0x2800  }
0x2b9: {  	[sflag:s8] =	ssyncset.done $0x0  }
0x2ba: {  	s26 =	rddreg [dreg:$0x1c];
	[sflag:s8] =	ssyncadd.s32 $0xFFFFD800  }
0x2bb: {  	[tilespmem:s1], [sflag:$0x1] =	stream.indirect.gather [hbm4b:s2+s31], $0x80, s26, s31, $0xb8;
	[tilespmem:$0x1E800] =	vst v63  }
0x2bc: {  	_ =	swait.ge [sflag:s9], $0x2800  }
0x2bd: {  	[sflag:s9] =	ssyncset.done $0x0  }
0x2be: {  	s12 =	rddreg [dreg:$0x1d];
	[sflag:s9] =	ssyncadd.s32 $0xFFFFD800  }
0x2bf: {  	[spmem:s3] =	stream.indirect.scatter.add.f32 [tilespmem:s0], [sflag:$0x5], $0x80, s12, s31, $0xb8;
	[tilespmem:$0x1E800] =	vst v63  }
0x2c0: {  	_ =	swait.ge [sflag:s10], $0x2800  }
0x2c1: {  	[sflag:s10] =	ssyncset.done $0x0  }
0x2c2: {  	s26 =	rddreg [dreg:$0x1e];
	[sflag:s10] =	ssyncadd.s32 $0xFFFFD800  }
0x2c3: {  	[tilespmem:s0], [sflag:$0x2] =	stream.indirect.gather [hbm4b:s2+s31], $0x80, s26, s31, $0xb8;
	[tilespmem:$0x1E800] =	vst v63  }
0x2c4: {  	_ =	swait.ge [sflag:s11], $0x2800  }
0x2c5: {  	[sflag:s11] =	ssyncset.done $0x0  }
0x2c6: {  	s12 =	rddreg [dreg:$0x1f];
	[sflag:s11] =	ssyncadd.s32 $0xFFFFD800  }
0x2c7: {  	[spmem:s3] =	stream.indirect.scatter.add.f32 [tilespmem:s6], [sflag:$0x6], $0x80, s12, s31, $0xb8;
	[tilespmem:$0x1E800] =	vst v63  }
0x2c8: {  	_ =	swait.ge [sflag:s7], $0x2800  }
0x2c9: {  	s26 =	sld [smem:$0x7EB]  }
0x2ca: {  	[sflag:s7] =	ssyncset.done $0x0  }
0x2cb: {  	[sflag:s7] =	ssyncadd.s32 $0xFFFFD800  }
0x2cc: {  	[spmem:s3] =	stream.indirect.scatter.add.f32 [tilespmem:s1], [sflag:$0x4], $0x80, s26, s31, $0xb8;
	[tilespmem:$0x1E800] =	vst v63  }
0x2cd: {  	_ =	swait.ge [sflag:s9], $0x2800  }
0x2ce: {  	s12 =	sld [smem:$0x7ED]  }
0x2cf: {  	[sflag:s9] =	ssyncset.done $0x0  }
0x2d0: {  	[sflag:s9] =	ssyncadd.s32 $0xFFFFD800  }
0x2d1: {  	[spmem:s3] =	stream.indirect.scatter.add.f32 [tilespmem:s0], [sflag:$0x5], $0x80, s12, s31, $0xb8;
	[tilespmem:$0x1E800] =	vst v63  }
0x2d2: {  	_ =	swait.ge [sflag:s8], $0x2800  }
0x2d3: {  	[sflag:s8] =	ssyncset.done $0x0  }
0x2d4: {  	[sflag:s8] =	ssyncadd.s32 $0xFFFFD800  }
0x2d5: {  	_ =	swait.ge [sflag:s10], $0x2800  }
0x2d6: {  	s26 =	sld [smem:$0x7EF]  }
0x2d7: {  	[sflag:s10] =	ssyncset.done $0x0  }
0x2d8: {  	s12 =	sld [smem:$0x7F1];
	[sflag:s10] =	ssyncadd.s32 $0xFFFFD800  }
0x2d9: {  	[tilespmem:s1], [sflag:$0x1] =	stream.indirect.gather [hbm4b:s2+s31], $0x80, s26, s31, $0xb8;
	[tilespmem:$0x1E800] =	vst v63  }
0x2da: {  	s26 =	sld [smem:$0x7F3]  }
0x2db: {  	[tilespmem:s0], [sflag:$0x2] =	stream.indirect.gather [hbm4b:s2+s31], $0x80, s12, s31, $0xb8;
	[tilespmem:$0x1E800] =	vst v63  }
0x2dc: {  	_ = 	snop  }
0x2dd: {  	[tilespmem:s6], [sflag:$0x3] =	stream.indirect.gather [hbm4b:s2+s31], $0x80, s26, s31, $0xb8;
	[tilespmem:$0x1E800] =	vst v63  }
0x2de: {  	_ =	swait.ge [sflag:s7], $0x2800  }
0x2df: {  	s12 =	sld [smem:$0x7F5]  }
0x2e0: {  	[sflag:s7] =	ssyncset.done $0x0  }
0x2e1: {  	[sflag:s7] =	ssyncadd.s32 $0xFFFFD800  }
0x2e2: {  	[spmem:s3] =	stream.indirect.scatter.add.f32 [tilespmem:s1], [sflag:$0x4], $0x80, s12, s31, $0xb8;
	[tilespmem:$0x1E800] =	vst v63  }
0x2e3: {  	_ =	swait.ge [sflag:s8], $0x2800  }
0x2e4: {  	s26 =	sld [smem:$0x7F7]  }
0x2e5: {  	[sflag:s8] =	ssyncset.done $0x0  }
0x2e6: {  	[sflag:s8] =	ssyncadd.s32 $0xFFFFD800  }
0x2e7: {  	[tilespmem:s1], [sflag:$0x1] =	stream.indirect.gather [hbm4b:s2+s31], $0x80, s26, s31, $0xb8;
	[tilespmem:$0x1E800] =	vst v63  }
0x2e8: {  	_ =	swait.ge [sflag:s9], $0x2800  }
0x2e9: {  	s12 =	sld [smem:$0x7F9]  }
0x2ea: {  	[sflag:s9] =	ssyncset.done $0x0  }
0x2eb: {  	[sflag:s9] =	ssyncadd.s32 $0xFFFFD800  }
0x2ec: {  	[spmem:s3] =	stream.indirect.scatter.add.f32 [tilespmem:s0], [sflag:$0x5], $0x80, s12, s31, $0xb8;
	[tilespmem:$0x1E800] =	vst v63  }
0x2ed: {  	_ =	swait.ge [sflag:s10], $0x2800  }
0x2ee: {  	s26 =	sld [smem:$0x7FA]  }
0x2ef: {  	[sflag:s10] =	ssyncset.done $0x0  }
0x2f0: {  	[sflag:s10] =	ssyncadd.s32 $0xFFFFD800  }
0x2f1: {  	[tilespmem:s0], [sflag:$0x2] =	stream.indirect.gather [hbm4b:s2+s31], $0x80, s26, s31, $0xb8;
	[tilespmem:$0x1E800] =	vst v63  }
0x2f2: {  	_ =	swait.ge [sflag:s11], $0x2800  }
0x2f3: {  	[sflag:s11] =	ssyncset.done $0x0  }
0x2f4: {  	[sflag:s11] =	ssyncadd.s32 $0xFFFFD800  }
0x2f5: {  	[spmem:s3] =	stream.indirect.scatter.add.f32 [tilespmem:s6], [sflag:$0x6], $0x80, s13, s31, $0xb8;
	[tilespmem:$0x1E800] =	vst v63  }
0x2f6: {  	_ =	swait.ge [sflag:s7], $0x2800  }
0x2f7: {  	[sflag:s7] =	ssyncset.done $0x0  }
0x2f8: {  	[sflag:s7] =	ssyncadd.s32 $0xFFFFD800  }
0x2f9: {  	[spmem:s3] =	stream.indirect.scatter.add.f32 [tilespmem:s1], [sflag:$0x4], $0x80, s14, s31, $0xb8;
	[tilespmem:$0x1E800] =	vst v63  }
0x2fa: {  	_ =	swait.ge [sflag:s9], $0x2800  }
0x2fb: {  	[sflag:s9] =	ssyncset.done $0x0  }
0x2fc: {  	[sflag:s9] =	ssyncadd.s32 $0xFFFFD800  }
0x2fd: {  	[spmem:s3] =	stream.indirect.scatter.add.f32 [tilespmem:s0], [sflag:$0x5], $0x80, s15, s31, $0xb8;
	[tilespmem:$0x1E800] =	vst v63  }
0x2fe: {  	_ =	swait.ge [sflag:s8], $0x2800  }
0x2ff: {  	[sflag:s8] =	ssyncset.done $0x0  }
0x300: {  	[sflag:s8] =	ssyncadd.s32 $0xFFFFD800  }
0x301: {  	_ =	swait.ge [sflag:s10], $0x2800  }
0x302: {  	[sflag:s10] =	ssyncset.done $0x0  }
0x303: {  	[sflag:s10] =	ssyncadd.s32 $0xFFFFD800  }
0x304: {  	[tilespmem:s1], [sflag:$0x1] =	stream.indirect.gather [hbm4b:s2+s31], $0x80, s16, s31, $0xb8;
	[tilespmem:$0x1E800] =	vst v63  }
0x305: {  	_ = 	snop  }
0x306: {  	[tilespmem:s0], [sflag:$0x2] =	stream.indirect.gather [hbm4b:s2+s31], $0x80, s17, s31, $0xb8;
	[tilespmem:$0x1E800] =	vst v63  }
0x307: {  	_ = 	snop  }
0x308: {  	[tilespmem:s6], [sflag:$0x3] =	stream.indirect.gather [hbm4b:s2+s31], $0x80, s18, s31, $0xb8;
	[tilespmem:$0x1E800] =	vst v63  }
0x309: {  	_ =	swait.ge [sflag:s7], $0x2800  }
0x30a: {  	[sflag:s7] =	ssyncset.done $0x0  }
0x30b: {  	[sflag:s7] =	ssyncadd.s32 $0xFFFFD800  }
0x30c: {  	[spmem:s3] =	stream.indirect.scatter.add.f32 [tilespmem:s1], [sflag:$0x4], $0x80, s19, s31, $0xb8;
	[tilespmem:$0x1E800] =	vst v63  }
0x30d: {  	_ =	swait.ge [sflag:s8], $0x2800  }
0x30e: {  	[sflag:s8] =	ssyncset.done $0x0  }
0x30f: {  	[sflag:s8] =	ssyncadd.s32 $0xFFFFD800  }
0x310: {  	[tilespmem:s1], [sflag:$0x1] =	stream.indirect.gather [hbm4b:s2+s31], $0x80, s20, s31, $0xb8;
	[tilespmem:$0x1E800] =	vst v63  }
0x311: {  	_ =	swait.ge [sflag:s9], $0x2800  }
0x312: {  	[sflag:s9] =	ssyncset.done $0x0  }
0x313: {  	[sflag:s9] =	ssyncadd.s32 $0xFFFFD800  }
0x314: {  	[spmem:s3] =	stream.indirect.scatter.add.f32 [tilespmem:s0], [sflag:$0x5], $0x80, s21, s31, $0xb8;
	[tilespmem:$0x1E800] =	vst v63  }
0x315: {  	_ =	swait.ge [sflag:s10], $0x2800  }
0x316: {  	[sflag:s10] =	ssyncset.done $0x0  }
0x317: {  	[sflag:s10] =	ssyncadd.s32 $0xFFFFD800  }
0x318: {  	[tilespmem:s0], [sflag:$0x2] =	stream.indirect.gather [hbm4b:s2+s31], $0x80, s22, s31, $0xb8;
	[tilespmem:$0x1E800] =	vst v63  }
0x319: {  	_ =	swait.ge [sflag:s11], $0x2800  }
0x31a: {  	[sflag:s11] =	ssyncset.done $0x0  }
0x31b: {  	[sflag:s11] =	ssyncadd.s32 $0xFFFFD800  }
0x31c: {  	[spmem:s3] =	stream.indirect.scatter.add.f32 [tilespmem:s6], [sflag:$0x6], $0x80, s23, s31, $0xb8;
	[tilespmem:$0x1E800] =	vst v63  }
0x31d: {  	_ =	swait.ge [sflag:s7], $0x2800  }
0x31e: {  	[sflag:s7] =	ssyncset.done $0x0  }
0x31f: {  	[sflag:s7] =	ssyncadd.s32 $0xFFFFD800  }
0x320: {  	[spmem:s3] =	stream.indirect.scatter.add.f32 [tilespmem:s1], [sflag:$0x4], $0x80, s24, s31, $0xb8;
	[tilespmem:$0x1E800] =	vst v63  }
0x321: {  	_ =	swait.ge [sflag:s9], $0x2800  }
0x322: {  	[sflag:s9] =	ssyncset.done $0x0  }
0x323: {  	s12 =	simm.s32 $0x1C00;
	[sflag:s9] =	ssyncadd.s32 $0xFFFFD800  }
0x324: {  	[spmem:s3] =	stream.indirect.scatter.add.f32 [tilespmem:s0], [sflag:$0x5], $0x80, s12, s31, $0xb8;
	[tilespmem:$0x1E800] =	vst v63  }
0x325: {  	_ =	swait.ge [sflag:s8], $0x2800  }
0x326: {  	[sflag:s8] =	ssyncset.done $0x0  }
0x327: {  	[sflag:s8] =	ssyncadd.s32 $0xFFFFD800  }
0x328: {  	_ =	swait.ge [sflag:s10], $0x2800  }
0x329: {  	[sflag:s10] =	ssyncset.done $0x0  }
0x32a: {  	[sflag:s10] =	ssyncadd.s32 $0xFFFFD800  }
0x32b: {  	[bflag:$0x0] =	sbarrier.arrive $0xFFFF  }
0x32c: {  	s26 =	sld [smem:$0x7FC];
	_ =	sdelay $0x2  }
0x32d: {  	[tilespmem:s28], [sflag:$0x7] =	stream.linear.gather [spmem:s26], $0x1000, $0x38;
	[tilespmem:$0x1E800] =	vst v63  }
0x32e: {  	_ =	swait.ge [sflag:s29], $0x1000  }
0x32f: {  	[sflag:s29] =	ssyncset.done $0x0  }
0x330: {  	s13 =	sadd.s32 $0x0, s25;
	[sflag:s29] =	ssyncadd.s32 $0xFFFFF000  }
0x331: {  	[hbm4b:s13+s4] =	stream.linear.scatter [tilespmem:s28], [sflag:$0x7], $0x1000, $0x38;
	[tilespmem:$0x1E800] =	vst v63  }
0x332: {  	_ =	swait.ge [sflag:s29], $0x1000  }
0x333: {  	s5 =	simm.s32 $0x200;
	[sflag:s29] =	ssyncset.done $0x0  }
.LBB2_6:
0x334: {  	p0 =	sne.s32 s5, $0x2600;
	[sflag:s29] =	ssyncadd.s32 $0xFFFFF000;
	s26 =	sadd.s32 $0x1000, s26  }
0x335: {  	[tilespmem:s28], [sflag:$0x7] =	stream.linear.gather [spmem:s26], $0x1000, $0x38;
	[tilespmem:$0x1E800] =	vst v63  }
0x336: {  	s12 =	smov.u32 s5;
	s5 =	sadd.s32 $0x200, s5;
	_ =	swait.ge [sflag:s29], $0x1000  }
.Ltmp2:
0x337: {  	[sflag:s29] =	ssyncset.done $0x0;
	(pc) =	sbr.rel @p0 .LBB2_6-.Ltmp2, $4  }
0x338: {  	s12 =	sadd.s32 s12, s25;
	[sflag:s29] =	ssyncadd.s32 $0xFFFFF000  }
0x339: {  	[hbm4b:s12+s4] =	stream.linear.scatter [tilespmem:s28], [sflag:$0x7], $0x1000, $0x38;
	[tilespmem:$0x1E800] =	vst v63  }
0x33a: {  	_ =	swait.ge [sflag:s29], $0x1000  }
0x33b: {  	[sflag:s29] =	ssyncset.done $0x0  }
0x33c: {  	s12 =	sld [smem:$0x7DF]  }
0x33d: {  	s5 =	sld [smem:$0x7E0];
	_ =	sdelay $0x1  }
0x33e: {  	s12 =	sadd.s32 $0x1, s12  }
0x33f: {  	p0 =	sne.s32 s12, s5  }
.Ltmp3:
0x340: {  	_ = 	snop;
	(pc) =	sbr.rel @p0 .LBB2_1-.Ltmp3, $2  }
0x341: {  	_ =	sdelay $0x2  }
0x342: {  	[sflag:s29] =	ssyncadd.s32 $0xFFFFF000  }
0x343: {  	_ =	sfence.sel $0x180000  }
0x344: {  	[bflag:$0x0] =	sbarrier.arrive $0xFFFF  }
0x345: {  	_ =	strace $0x9000004D  }
0x346: {  	s0 =	stileid.u32;
	[bflag:$0x2] =	sbarrier.arrive $0xFFFF  }
0x347: {  	p0 =	sne.s32 s0, $0x0;
	s0 =	rddreg [dreg:$0x3]  }
0x348: {  	s0 =	sadd.s32 @!p0 $0x100000, s0  }
0x349: {  	[sflag:s0] =	ssyncadd.tile.s32 @!p0 $0x1;
	_ =	shalt  }
.Lfunc_end2:
_tile_overlayer_lowered:
.L_overlay_start_2:
0x34a: {  	(tag) =	ssettag $0x2  }
0x34b: {  	s0 =	rddreg [dreg:$0x0];
	s2 =	stileid.u32  }
0x34c: {  	s1 =	rddreg [dreg:$0x1];
	p0 =	sne.s32 s2, $0x0  }
0x34d: {  	s3 =	rddreg [dreg:$0x2];
	[bflag:$0x3] =	sbarrier.arrive $0xFFFF;
	s2 =	simm.s32 @!p0 $0x1C07  }
0x34e: {  	[timem:s3], [sflag:s2] =	dma.local @!p0 [hbm:s0], s1  }
0x34f: {  	s0 =	simm.s32 @!p0 $0x7  }
0x350: {  	_ =	swait.ge @!p0 [sflag:s0], s1  }
0x351: {  	s1 =	ssub.s32 @!p0 $0x0, s1;
	[sflag:s0] =	ssyncset.done @!p0 $0x0  }
0x352: {  	[sflag:s0] =	ssyncadd.s32 @!p0 s1  }
0x353: {  	[bflag:$0x3] =	sbarrier.arrive $0xFFFF  }
0x354: {  	_ =	shalt  }

// kernel: kernel.9.cloned.1.call-start
scs
__scs_entry_jumppad:
0x0: {  	(pc) =	sbr.rel $0x88, $3  }
0x1: {  	(tag) =	ssettag $0x0;
	lr =	simm.s32 $0x1  }
0x2: {  	[smem:$0x3F9C] =	sst lr;
	_ =	strace $0xD0000000  }
0x3: {  	_ = 	snop  }
0x4: {  	_ = 	snop  }
0x5: {  	_ = 	snop  }
0x6: {  	_ = 	snop  }
0x7: {  	_ = 	snop  }
__scs_overlays_trampoline_lowered:
0x8: {  	[smem:$0x3FAB] =	sst s0  }
0x9: {  	[smem:$0x3FAC] =	sst s1  }
0xa: {  	[smem:$0x3FAD] =	sst s2  }
0xb: {  	[smem:$0x3FAE] =	sst s3  }
0xc: {  	[smem:$0x3FAF] =	sst s4  }
0xd: {  	[smem:$0x3FB0] =	sst s5  }
0xe: {  	[smem:$0x3FB1] =	sst s6  }
0xf: {  	[smem:$0x3FB2] =	sst s7  }
0x10: {  	[smem:$0x3FB3] =	sst s8  }
0x11: {  	[smem:$0x3FB4] =	sst s9;
	s0 =	simm.s32 @!p0 $0x0  }
0x12: {  	s1 =	sld [smem:$0x3F9A];
	s0 =	simm.s32 @p0 $0x1  }
0x13: {  	[smem:$0x3FB5] =	sst s0;
	s0 =	simm.s32 @!p1 $0x0  }
0x14: {  	s2 =	sld [smem:$0x3F99];
	s0 =	simm.s32 @p1 $0x1  }
0x15: {  	[smem:$0x3FB6] =	sst s0;
	s0 =	simm.s32 @!p2 $0x0  }
0x16: {  	s3 =	sld [smem:$0x3FDB];
	s0 =	simm.s32 @p2 $0x1  }
0x17: {  	s4 =	simm.s32 $0x1BF5;
	[smem:$0x3FB8] =	sst s0  }
0x18: {  	s0 =	sld [smem:$0x3F9B];
	_ =	swait.ge [sflag:s4], $0x0  }
0x19: {  	s7 =	sld [smem:$0x3F9C]  }
0x1a: {  	s8 =	sadd.s32 $0xFFFFE003, lr  }
0x1b: {  	s9 =	sadd.s32 $0xFFFFFEF7, lr;
	s5 =	simm.s32 $0xFFFFFFFF;
	p2 =	slt.u32 s8, $0xFFFFF086  }
0x1c: {  	p1 =	slt.u32 s9, $0xF7A;
	s5 =	simm.s32 @!p2 $0x0  }
0x1d: {  	s5 =	simm.s32 @p1 $0x1;
	p0 =	seq.s32 s7, s2  }
0x1e: {  	s7 =	smul.u32 @!p0 $0xF7A, s2;
	p2 =	seq.s32 @!p0 s5, $0x0  }
0x1f: {  	s9 =	smul.u32 $0xF7A, s1;
	s8 =	simm.s32 @!p0 $0x1BF5;
	p2 =	por !p2, p0  }
0x20: {  	[sflag:s8] =	ssyncset.s32 @!p0 $0xFFFFF086;
	s6 =	sadd.s32 @!p0 s3, s7;
	s7 =	simm.s32 @!p0 $0x108  }
0x21: {  	s3 =	sadd.s32 s3, s9;
	s6 =	sadd.s32 @!p0 $0x88, s6;
	s7 =	simm.s32 @p2 $0x1082  }
0x22: {  	[simem:s7], [sflag:s8] =	dma.local @!p0 [hbm:s6], $0xF7A  }
0x23: {  	s9 =	sor.u32 $0xD0000000, s2;
	s6 =	simm.s32 $0x108;
	_ =	swait.ge @!p0 [sflag:s8], $0x0  }
0x24: {  	s3 =	sadd.s32 $0x88, s3;
	s6 =	simm.s32 @!p1 $0x1082;
	[sflag:s4] =	ssyncset.s32 $0xFFFFF086  }
0x25: {  	[simem:s6], [sflag:s4] =	dma.local [hbm:s3], $0xF7A  }
0x26: {  	[smem:$0x3F9C] =	sst s1;
	(tag) =	ssettag s2;
	_ =	strace s9  }
0x27: {  	s1 =	sld [smem:$0x3FAC]  }
0x28: {  	s2 =	sld [smem:$0x3FAD]  }
0x29: {  	s4 =	sld [smem:$0x3FAF]  }
0x2a: {  	p0 =	seq.s32 s5, $0x0;
	s5 =	sld [smem:$0x3FB0]  }
0x2b: {  	s6 =	sld [smem:$0x3FB1]  }
0x2c: {  	s7 =	sld [smem:$0x3FB2]  }
0x2d: {  	s3 =	simm.s32 $0x108;
	s8 =	sld [smem:$0x3FB3]  }
0x2e: {  	s3 =	simm.s32 @!p0 $0x1082;
	s9 =	sld [smem:$0x3FB4]  }
0x2f: {  	lr =	sadd.s32 s0, s3;
	s0 =	sld [smem:$0x3FAB]  }
0x30: {  	s3 =	sld [smem:$0x3FAE]  }
0x31: {  	[smem:$0x3FB7] =	sst s10  }
0x32: {  	s10 =	sld [smem:$0x3FB5];
	_ =	sdelay $0x3  }
0x33: {  	p0 =	seq.s32 s10, $0x1;
	s10 =	sld [smem:$0x3FB7];
	_ =	sdelay $0x3  }
0x34: {  	[smem:$0x3FB7] =	sst s10  }
0x35: {  	s10 =	sld [smem:$0x3FB6];
	_ =	sdelay $0x3  }
0x36: {  	p1 =	seq.s32 s10, $0x1;
	s10 =	sld [smem:$0x3FB7];
	_ =	sdelay $0x3  }
0x37: {  	[smem:$0x3FB7] =	sst s10  }
0x38: {  	s10 =	sld [smem:$0x3FB8]  }
0x39: {  	_ = 	snop;
	(pc) =	sbr.ind lr, $3  }
0x3a: {  	_ = 	snop  }
0x3b: {  	_ = 	snop  }
0x3c: {  	p2 =	seq.s32 s10, $0x1;
	s10 =	sld [smem:$0x3FB7]  }
0x3d: {  	_ =	shalt  }
0x3e: {  	_ =	shalt  }
0x3f: {  	_ =	shalt  }
0x40: {  	_ =	shalt  }
0x41: {  	_ =	shalt  }
0x42: {  	_ =	shalt  }
0x43: {  	_ =	shalt  }
0x44: {  	_ =	shalt  }
0x45: {  	_ =	shalt  }
0x46: {  	_ =	shalt  }
0x47: {  	_ =	shalt  }
0x48: {  	_ =	shalt  }
0x49: {  	_ =	shalt  }
0x4a: {  	_ =	shalt  }
0x4b: {  	_ =	shalt  }
0x4c: {  	_ =	shalt  }
0x4d: {  	_ =	shalt  }
0x4e: {  	_ =	shalt  }
0x4f: {  	_ =	shalt  }
0x50: {  	_ =	shalt  }
0x51: {  	_ =	shalt  }
0x52: {  	_ =	shalt  }
0x53: {  	_ =	shalt  }
0x54: {  	_ =	shalt  }
0x55: {  	_ =	shalt  }
0x56: {  	_ =	shalt  }
0x57: {  	_ =	shalt  }
0x58: {  	_ =	shalt  }
0x59: {  	_ =	shalt  }
0x5a: {  	_ =	shalt  }
0x5b: {  	_ =	shalt  }
0x5c: {  	_ =	shalt  }
0x5d: {  	_ =	shalt  }
0x5e: {  	_ =	shalt  }
0x5f: {  	_ =	shalt  }
0x60: {  	_ =	shalt  }
0x61: {  	_ =	shalt  }
0x62: {  	_ =	shalt  }
0x63: {  	_ =	shalt  }
0x64: {  	_ =	shalt  }
0x65: {  	_ =	shalt  }
0x66: {  	_ =	shalt  }
0x67: {  	_ =	shalt  }
0x68: {  	_ =	shalt  }
0x69: {  	_ =	shalt  }
0x6a: {  	_ =	shalt  }
0x6b: {  	_ =	shalt  }
0x6c: {  	_ =	shalt  }
0x6d: {  	_ =	shalt  }
0x6e: {  	_ =	shalt  }
0x6f: {  	_ =	shalt  }
0x70: {  	_ =	shalt  }
0x71: {  	_ =	shalt  }
0x72: {  	_ =	shalt  }
0x73: {  	_ =	shalt  }
0x74: {  	_ =	shalt  }
0x75: {  	_ =	shalt  }
0x76: {  	_ =	shalt  }
0x77: {  	_ =	shalt  }
0x78: {  	_ =	shalt  }
0x79: {  	_ =	shalt  }
0x7a: {  	_ =	shalt  }
0x7b: {  	_ =	shalt  }
0x7c: {  	_ =	shalt  }
0x7d: {  	_ =	shalt  }
0x7e: {  	_ =	shalt  }
0x7f: {  	_ =	shalt  }
0x80: {  	_ =	shalt  }
0x81: {  	_ =	shalt  }
0x82: {  	_ =	shalt  }
0x83: {  	_ =	shalt  }
0x84: {  	_ =	shalt  }
0x85: {  	_ =	shalt  }
0x86: {  	_ =	shalt  }
0x87: {  	_ =	shalt  }
.Lfunc_end0:
.L_simem_size_0:
called_computation_lowered:
.L_overlay_start_0:
0x88: {  	s2 =	sld [smem:$0x3FD9]  }
0x89: {  	s3 =	sld [smem:$0x3FFE];
	_ =	sdelay $0x1  }
0x8a: {  	s1 =	srdreg.scid  }
0x8b: {  	s0 =	sand.u32 $0x1, s1  }
0x8c: {  	s17 =	sshll.u32 s0, $0xA;
	s2 =	sadd.s32 s3, s2  }
0x8d: {  	s2 =	sadd.s32 s2, s17  }
0x8e: {  	[smem:$0x3FC3] =	sst s2  }
0x8f: {  	_ = 	snop  }
0x90: {  	s2 =	sld [smem:$0x3FD0];
	(tm) =	ssettm $0x1  }
0x91: {  	s18 =	sld [smem:$0x3FFB];
	_ =	sdelay $0x3  }
0x92: {  	_ =	strace s18  }
0x93: {  	s3 =	sld [smem:$0x3FFC];
	_ =	sdelay $0x3  }
0x94: {  	_ =	strace s3  }
0x95: {  	s3 =	sld [smem:$0x3FFD];
	_ =	sdelay $0x3  }
0x96: {  	_ =	strace s3  }
0x97: {  	_ =	strace $0x8FFFFFFF  }
0x98: {  	s19 =	sld [smem:$0x3FDB];
	_ =	sdelay $0x1  }
0x99: {  	s4 =	simm.s32 $_scs_section_size  }
0x9a: {  	s5 =	simm.s32 $_size__tile_overlayer_lowered;
	s6 =	simm.s32 $_tile_overlayer_lowered  }
0x9b: {  	s22 =	simm.s32 $0x1BFF;
	s21 =	sshll.u32 s6, $0x1;
	s3 =	sadd.s32 s4, s19  }
0x9c: {  	s7 =	simm.s32 $0x0;
	s20 =	sshll.u32 s5, $0x1;
	s5 =	sadd.s32 s21, s3  }
0x9d: {  	[timem:s7], [sflag:s22] =	dma.local [hbm:s5], s20  }
0x9e: {  	_ =	swait.ge [sflag:s22], s20  }
0x9f: {  	s4 =	ssub.s32 $0x0, s20;
	[sflag:s22] =	ssyncset.done $0x0  }
0xa0: {  	[sflag:s22] =	ssyncadd.s32 s4;
	_ =	sdelay $0x1  }
0xa1: {  	s23 =	simm.s32 $0x1B8B  }
0xa2: {  	_ =	swait.ge [sflag:s23], $0x1  }
0xa3: {  	[sflag:s23] =	ssyncset.done $0x0  }
0xa4: {  	s25 =	simm.s32 $0x1B8E;
	s24 =	sld [smem:$0x3FFE];
	[sflag:s23] =	ssyncadd.s32 $0xFFFFFFFF  }
0xa5: {  	s26 =	simm.s32 $execute0_lowered;
	[smem:$0x3FD2] =	sst s25  }
0xa6: {  	s5 =	sshll.u32 s26, $0x1;
	_ =	strace $0x80000046;
	[dreg:$0x1] =	wrdreg $0xFFFFFFFF  }
0xa7: {  	s28 =	simm.s32 $_size_execute0_lowered;
	s3 =	sadd.s32 s3, s5;
	[dreg:$0x0] =	wrdreg $0x0  }
0xa8: {  	s5 =	sshll.u32 s28, $0x1;
	[dreg:$0x2] =	wrdreg s3  }
0xa9: {  	[dreg:$0x3] =	wrdreg s5  }
0xaa: {  	[dreg:$0x4] =	wrdreg $0xC0  }
0xab: {  	_ =	task [dreg:s7], $0x5FFFF  }
0xac: {  	[dreg:$0x1] =	wrdreg $0xFFFFFFFF  }
0xad: {  	[dreg:$0x0] =	wrdreg $0x60  }
0xae: {  	[dreg:$0x2] =	wrdreg s24  }
0xaf: {  	[dreg:$0x3] =	wrdreg s2  }
0xb0: {  	[dreg:$0x4] =	wrdreg $0xA8000  }
0xb1: {  	[dreg:$0x5] =	wrdreg $0x9  }
0xb2: {  	_ =	task.clear_ibuf [dreg:s7], $0x6FFFF;
	_ =	strace $0x90000046  }
0xb3: {  	s29 =	simm.s32 $0x9;
	_ =	strace $0x80000048  }
0xb4: {  	_ =	swait.ge [sflag:s29], $0x1  }
0xb5: {  	[sflag:s29] =	ssyncadd.s32 $0xFFFFFFFF  }
0xb6: {  	_ =	strace $0x90000048  }
0xb7: {  	_ =	sfence  }
0xb8: {  	s30 =	sld [smem:$0x0];
	_ =	sdelay $0x2  }
0xb9: {  	s31 =	sshll.u32 s1, $0xD;
	s1 =	sshrl.u32 s1, $0x2  }
0xba: {  	s3 =	sand.u32 $0x4000, s31;
	s1 =	sadd.s32 s1, s30  }
0xbb: {  	s0 =	sor.u32 s3, s0;
	s1 =	sshll.u32 s1, $0x11  }
0xbc: {  	s0 =	sor.u32 s1, s0  }
0xbd: {  	s0 =	sadd.s32 $0x8F2B, s0  }
0xbe: {  	[sflag:s0] =	ssyncadd.remote.s32 $0x1  }
0xbf: {  	_ =	sfence.sel $0xFFFF  }
0xc0: {  	[dreg:$0x0] =	wrdreg $0xFFFFFFFF;
	(pc) =	sbr.abs _section_cstart, $3  }
0xc1: {  	[dreg:$0x1] =	wrdreg $0xFFFFFFFF  }
0xc2: {  	_ =	task.clear_ibuf [dreg:s7], $0x2FFFF;
	_ =	strace $0x9FFFFFFF  }
0xc3: {  	(tm) =	ssettm $0x7FFFFFFF  }
tec
execute0_lowered:
.L_overlay_start_1:
0x0: {  	(tag) =	ssettag $0x1  }
0x1: {  	s0 =	srdreg.scid;
	s8 =	stileid.u32  }
0x2: {  	s1 =	sand.u32 $0x1, s0;
	s4 =	smul.u32 $0x5000, s8  }
0x3: {  	s5 =	rddreg [dreg:$0x0];
	s0 =	smul.u32 $0x50000, s1  }
0x4: {  	s2 =	rddreg [dreg:$0x1]  }
0x5: {  	s3 =	rddreg [dreg:$0x2];
	s0 =	sadd.s32 s4, s0;
	s4 =	simm.s32 $0x0  }
0x6: {  	s10 =	simm.s32 $0x80;
	[smem:$0x7FF] =	sst s4  }
0x7: {  	s11 =	simm.s32 $0x100;
	_ =	strace $0x80000047;
	[dreg:$0x6] =	wrdreg s10  }
0x8: {  	s12 =	simm.s32 $0x180;
	[dreg:$0x7] =	wrdreg s11  }
0x9: {  	s13 =	simm.s32 $0x1080;
	[dreg:$0x8] =	wrdreg s12  }
0xa: {  	s14 =	simm.s32 $0x200;
	[dreg:$0x9] =	wrdreg s13  }
0xb: {  	s16 =	simm.s32 $0x1100;
	[dreg:$0xa] =	wrdreg s14  }
0xc: {  	s17 =	simm.s32 $0x1180;
	[dreg:$0xb] =	wrdreg s16  }
0xd: {  	s18 =	simm.s32 $0x1200;
	[dreg:$0xc] =	wrdreg s17  }
0xe: {  	s19 =	simm.s32 $0x280;
	[dreg:$0xd] =	wrdreg s18  }
0xf: {  	s20 =	simm.s32 $0x300;
	s21 =	simm.s32 $0x380;
	[dreg:$0xe] =	wrdreg s19  }
0x10: {  	s22 =	simm.s32 $0x1280;
	s24 =	simm.s32 $0x400;
	[dreg:$0xf] =	wrdreg s20  }
0x11: {  	s26 =	simm.s32 $0x1300;
	s7 =	smul.u32 $0x14000, s8;
	[dreg:$0x10] =	wrdreg s21  }
0x12: {  	s15 =	smul.u32 $0x140000, s1;
	s1 =	ssub.s32 $0x2, s1;
	[dreg:$0x11] =	wrdreg s22  }
0x13: {  	s25 =	smul.u32 $0x50000, s8;
	s23 =	sshrl.u32 s1, $0x1;
	[dreg:$0x12] =	wrdreg s24  }
0x14: {  	s8 =	simm.s32 $0x1380;
	s1 =	ssub.s32 s1, s23;
	[dreg:$0x13] =	wrdreg s26  }
0x15: {  	s1 =	smax.u32 s1, $0x1;
	[dreg:$0x15] =	wrdreg s8  }
0x16: {  	s9 =	simm.s32 $0x1400;
	[smem:$0x7E0] =	sst s1  }
0x17: {  	[dreg:$0x16] =	wrdreg s9;
	s10 =	simm.s32 $0x1480  }
0x18: {  	s12 =	simm.s32 $0x500;
	[dreg:$0x17] =	wrdreg s10  }
0x19: {  	s14 =	simm.s32 $0x580;
	[dreg:$0x18] =	wrdreg s12  }
0x1a: {  	s16 =	simm.s32 $0x600;
	[dreg:$0x19] =	wrdreg s14  }
0x1b: {  	s18 =	simm.s32 $0x1500;
	[dreg:$0x1a] =	wrdreg s16  }
0x1c: {  	s20 =	simm.s32 $0x680;
	[dreg:$0x1b] =	wrdreg s18  }
0x1d: {  	s22 =	simm.s32 $0x1580;
	[dreg:$0x1c] =	wrdreg s20  }
0x1e: {  	s24 =	simm.s32 $0x700;
	[dreg:$0x1d] =	wrdreg s22  }
0x1f: {  	s0 =	sshrl.u32 s0, $0x3;
	s26 =	simm.s32 $0x1600;
	[dreg:$0x1e] =	wrdreg s24  }
0x20: {  	s0 =	sadd.s32 s0, s5;
	s8 =	simm.s32 $0x1680;
	[dreg:$0x1f] =	wrdreg s26  }
0x21: {  	s6 =	sadd.s32 $0x15E00, s0;
	[smem:$0x7EB] =	sst s8  }
0x22: {  	s0 =	sadd.s32 $0x1E00, s0;
	[dreg:$0x4] =	wrdreg s6  }
0x23: {  	s10 =	simm.s32 $0x1700;
	[dreg:$0x5] =	wrdreg s0  }
0x24: {  	s12 =	simm.s32 $0x780;
	[smem:$0x7ED] =	sst s10  }
0x25: {  	s14 =	simm.s32 $0x800;
	[smem:$0x7EF] =	sst s12  }
0x26: {  	s16 =	simm.s32 $0x880;
	[smem:$0x7F1] =	sst s14  }
0x27: {  	s18 =	simm.s32 $0x1780;
	[smem:$0x7F3] =	sst s16  }
0x28: {  	s20 =	simm.s32 $0x900;
	s22 =	simm.s32 $0x1800;
	[smem:$0x7F5] =	sst s18  }
0x29: {  	s24 =	simm.s32 $0x980;
	s6 =	sadd.s32 s7, s15;
	[smem:$0x7F7] =	sst s20  }
0x2a: {  	s7 =	sshrl.u32 s25, $0x2;
	[smem:$0x7F9] =	sst s22;
	s6 =	sshrl.u32 s6, $0x3  }
0x2b: {  	[smem:$0x7FA] =	sst s24;
	s0 =	sadd.s32 s6, s5;
	s6 =	simm.s32 $0x480  }
0x2c: {  	[dreg:$0x14] =	wrdreg s6;
	s6 =	sadd.s32 s7, s3  }
0x2d: {  	s11 =	sadd.s32 $0x1000, s6;
	[smem:$0x7FC] =	sst s6  }
0x2e: {  	s13 =	sadd.s32 $0x2000, s6;
	[smem:$0x7E1] =	sst s11  }
0x2f: {  	s28 =	simm.s32 $0x9800;
	s15 =	sadd.s32 $0x3000, s6;
	[smem:$0x7E2] =	sst s13  }
0x30: {  	s29 =	simm.s32 $0x7;
	s17 =	sadd.s32 $0x4000, s6;
	[smem:$0x7E3] =	sst s15  }
0x31: {  	s30 =	simm.s32 $0x1000;
	s19 =	sadd.s32 $0x5000, s6;
	[smem:$0x7E4] =	sst s17  }
0x32: {  	s31 =	simm.s32 $0x50;
	s21 =	sadd.s32 $0x6000, s6;
	[smem:$0x7E5] =	sst s19  }
0x33: {  	s1 =	simm.s32 $0x2000;
	s23 =	sadd.s32 $0x7000, s6;
	[smem:$0x7E6] =	sst s21  }
0x34: {  	s8 =	simm.s32 $0x4;
	s25 =	sadd.s32 $0x8000, s6;
	[smem:$0x7E7] =	sst s23  }
0x35: {  	s10 =	simm.s32 $0x5;
	s7 =	sadd.s32 $0x9000, s6;
	[smem:$0x7E8] =	sst s25  }
0x36: {  	s12 =	simm.s32 $0x0;
	s9 =	sadd.s32 $0xA000, s6;
	[smem:$0x7E9] =	sst s7  }
0x37: {  	s14 =	simm.s32 $0x1900;
	s26 =	sadd.s32 $0x13000, s6;
	[smem:$0x7EA] =	sst s9  }
0x38: {  	s16 =	simm.s32 $0xA00;
	s11 =	sadd.s32 $0xB000, s6;
	[smem:$0x7FD] =	sst s26  }
0x39: {  	s18 =	simm.s32 $0xB00;
	s13 =	sadd.s32 $0xC000, s6;
	[smem:$0x7EC] =	sst s11  }
0x3a: {  	s20 =	simm.s32 $0xB80;
	s15 =	sadd.s32 $0xD000, s6;
	[smem:$0x7EE] =	sst s13  }
0x3b: {  	s22 =	simm.s32 $0xC00;
	s17 =	sadd.s32 $0xE000, s6;
	[smem:$0x7F0] =	sst s15  }
0x3c: {  	s24 =	simm.s32 $0x1B80;
	s19 =	sadd.s32 $0xF000, s6;
	[smem:$0x7F2] =	sst s17  }
0x3d: {  	s21 =	sadd.s32 $0x10000, s6;
	s23 =	sadd.s32 $0x11000, s6;
	[smem:$0x7F4] =	sst s19  }
0x3e: {  	s25 =	sadd.s32 $0x12000, s6;
	s6 =	simm.s32 $0x7000;
	[smem:$0x7F6] =	sst s21  }
0x3f: {  	s7 =	simm.s32 $0x1;
	s9 =	simm.s32 $0x2;
	[smem:$0x7F8] =	sst s23  }
0x40: {  	[smem:$0x7FB] =	sst s25;
	s25 =	sadd.s32 $0x29E00, s0;
	s0 =	simm.s32 $0x4800  }
0x41: {  	s11 =	simm.s32 $0x3;
	s15 =	simm.s32 $0x1980;
	s17 =	simm.s32 $0xA80  }
0x42: {  	v0 =	vimm.f32 $0.0e+00;
	s19 =	simm.s32 $0x1A00;
	s21 =	simm.s32 $0x1A80;
	s23 =	simm.s32 $0x1B00  }
.LBB2_1:
0x43: {  	s5 =	sand.u32 $0x3E00, s4  }
0x44: {  	[smem:$0x7DF] =	sst s12;
	s13 =	sand.u32 $0x70, s4;
	s26 =	sshrl.u32 s5, $0x2  }
0x45: {  	s5 =	simm.s32 $0x40;
	s12 =	sor.u32 s13, s26;
	s26 =	simm.s32 $0x0  }
.LBB2_2:
0x46: {  	p0 =	sne.s32 s5, $0x3FC0  }
0x47: {  	[tilespmem:s12+$0x9800] =	vst v0;
	s26 =	sadd.s32 $0x10, s26;
	s12 =	smov.u32 s5;
	s5 =	sadd.s32 $0x40, s5  }
.Ltmp0:
0x48: {  	(pc) =	sbr.rel @p0 .LBB2_2-.Ltmp0, $4  }
0x49: {  	_ = 	snop  }
0x4a: {  	s12 =	sand.u32 $0x3E00, s12  }
0x4b: {  	s13 =	sand.u32 $0x70, s26;
	s12 =	sshrl.u32 s12, $0x2  }
0x4c: {  	s12 =	sor.u32 s13, s12  }
0x4d: {  	s5 =	sld [smem:$0x7FC];
	_ =	sdelay $0x1  }
0x4e: {  	[tilespmem:s12+$0x9800] =	vst v0  }
0x4f: {  	[spmem:s5] =	stream.linear.scatter [tilespmem:s28], [sflag:$0x7], $0x1000, $0x38;
	[tilespmem:$0x1E800] =	vst v63  }
0x50: {  	_ =	swait.ge [sflag:s29], $0x1000  }
0x51: {  	s13 =	sld [smem:$0x7E1]  }
0x52: {  	[sflag:s29] =	ssyncset.done $0x0  }
0x53: {  	[sflag:s29] =	ssyncadd.s32 $0xFFFFF000  }
0x54: {  	[spmem:s13] =	stream.linear.scatter [tilespmem:s28], [sflag:$0x7], $0x1000, $0x38;
	[tilespmem:$0x1E800] =	vst v63  }
0x55: {  	_ =	swait.ge [sflag:s29], $0x1000  }
0x56: {  	s26 =	sld [smem:$0x7E2]  }
0x57: {  	[sflag:s29] =	ssyncset.done $0x0  }
0x58: {  	[sflag:s29] =	ssyncadd.s32 $0xFFFFF000  }
0x59: {  	[spmem:s26] =	stream.linear.scatter [tilespmem:s28], [sflag:$0x7], $0x1000, $0x38;
	[tilespmem:$0x1E800] =	vst v63  }
0x5a: {  	_ =	swait.ge [sflag:s29], $0x1000  }
0x5b: {  	s12 =	sld [smem:$0x7E3]  }
0x5c: {  	[sflag:s29] =	ssyncset.done $0x0  }
0x5d: {  	[sflag:s29] =	ssyncadd.s32 $0xFFFFF000  }
0x5e: {  	[spmem:s12] =	stream.linear.scatter [tilespmem:s28], [sflag:$0x7], $0x1000, $0x38;
	[tilespmem:$0x1E800] =	vst v63  }
0x5f: {  	_ =	swait.ge [sflag:s29], $0x1000  }
0x60: {  	s13 =	sld [smem:$0x7E4]  }
0x61: {  	[sflag:s29] =	ssyncset.done $0x0  }
0x62: {  	[sflag:s29] =	ssyncadd.s32 $0xFFFFF000  }
0x63: {  	[spmem:s13] =	stream.linear.scatter [tilespmem:s28], [sflag:$0x7], $0x1000, $0x38;
	[tilespmem:$0x1E800] =	vst v63  }
0x64: {  	_ =	swait.ge [sflag:s29], $0x1000  }
0x65: {  	s26 =	sld [smem:$0x7E5]  }
0x66: {  	[sflag:s29] =	ssyncset.done $0x0  }
0x67: {  	[sflag:s29] =	ssyncadd.s32 $0xFFFFF000  }
0x68: {  	[spmem:s26] =	stream.linear.scatter [tilespmem:s28], [sflag:$0x7], $0x1000, $0x38;
	[tilespmem:$0x1E800] =	vst v63  }
0x69: {  	_ =	swait.ge [sflag:s29], $0x1000  }
0x6a: {  	s12 =	sld [smem:$0x7E6]  }
0x6b: {  	[sflag:s29] =	ssyncset.done $0x0  }
0x6c: {  	[sflag:s29] =	ssyncadd.s32 $0xFFFFF000  }
0x6d: {  	[spmem:s12] =	stream.linear.scatter [tilespmem:s28], [sflag:$0x7], $0x1000, $0x38;
	[tilespmem:$0x1E800] =	vst v63  }
0x6e: {  	_ =	swait.ge [sflag:s29], $0x1000  }
0x6f: {  	s13 =	sld [smem:$0x7E7]  }
0x70: {  	[sflag:s29] =	ssyncset.done $0x0  }
0x71: {  	[sflag:s29] =	ssyncadd.s32 $0xFFFFF000  }
0x72: {  	[spmem:s13] =	stream.linear.scatter [tilespmem:s28], [sflag:$0x7], $0x1000, $0x38;
	[tilespmem:$0x1E800] =	vst v63  }
0x73: {  	_ =	swait.ge [sflag:s29], $0x1000  }
0x74: {  	s26 =	sld [smem:$0x7E8]  }
0x75: {  	[sflag:s29] =	ssyncset.done $0x0  }
0x76: {  	[sflag:s29] =	ssyncadd.s32 $0xFFFFF000  }
0x77: {  	[spmem:s26] =	stream.linear.scatter [tilespmem:s28], [sflag:$0x7], $0x1000, $0x38;
	[tilespmem:$0x1E800] =	vst v63  }
0x78: {  	_ =	swait.ge [sflag:s29], $0x1000  }
0x79: {  	s12 =	sld [smem:$0x7E9]  }
0x7a: {  	[sflag:s29] =	ssyncset.done $0x0  }
0x7b: {  	[sflag:s29] =	ssyncadd.s32 $0xFFFFF000  }
0x7c: {  	[spmem:s12] =	stream.linear.scatter [tilespmem:s28], [sflag:$0x7], $0x1000, $0x38;
	[tilespmem:$0x1E800] =	vst v63  }
0x7d: {  	_ =	swait.ge [sflag:s29], $0x1000  }
0x7e: {  	s13 =	sld [smem:$0x7EA]  }
0x7f: {  	[sflag:s29] =	ssyncset.done $0x0  }
0x80: {  	[sflag:s29] =	ssyncadd.s32 $0xFFFFF000  }
0x81: {  	[spmem:s13] =	stream.linear.scatter [tilespmem:s28], [sflag:$0x7], $0x1000, $0x38;
	[tilespmem:$0x1E800] =	vst v63  }
0x82: {  	_ =	swait.ge [sflag:s29], $0x1000  }
0x83: {  	s26 =	sld [smem:$0x7EC]  }
0x84: {  	[sflag:s29] =	ssyncset.done $0x0  }
0x85: {  	[sflag:s29] =	ssyncadd.s32 $0xFFFFF000  }
0x86: {  	[spmem:s26] =	stream.linear.scatter [tilespmem:s28], [sflag:$0x7], $0x1000, $0x38;
	[tilespmem:$0x1E800] =	vst v63  }
0x87: {  	_ =	swait.ge [sflag:s29], $0x1000  }
0x88: {  	s12 =	sld [smem:$0x7EE]  }
0x89: {  	[sflag:s29] =	ssyncset.done $0x0  }
0x8a: {  	[sflag:s29] =	ssyncadd.s32 $0xFFFFF000  }
0x8b: {  	[spmem:s12] =	stream.linear.scatter [tilespmem:s28], [sflag:$0x7], $0x1000, $0x38;
	[tilespmem:$0x1E800] =	vst v63  }
0x8c: {  	_ =	swait.ge [sflag:s29], $0x1000  }
0x8d: {  	s13 =	sld [smem:$0x7F0]  }
0x8e: {  	[sflag:s29] =	ssyncset.done $0x0  }
0x8f: {  	[sflag:s29] =	ssyncadd.s32 $0xFFFFF000  }
0x90: {  	[spmem:s13] =	stream.linear.scatter [tilespmem:s28], [sflag:$0x7], $0x1000, $0x38;
	[tilespmem:$0x1E800] =	vst v63  }
0x91: {  	_ =	swait.ge [sflag:s29], $0x1000  }
0x92: {  	s26 =	sld [smem:$0x7F2]  }
0x93: {  	[sflag:s29] =	ssyncset.done $0x0  }
0x94: {  	[sflag:s29] =	ssyncadd.s32 $0xFFFFF000  }
0x95: {  	[spmem:s26] =	stream.linear.scatter [tilespmem:s28], [sflag:$0x7], $0x1000, $0x38;
	[tilespmem:$0x1E800] =	vst v63  }
0x96: {  	_ =	swait.ge [sflag:s29], $0x1000  }
0x97: {  	s12 =	sld [smem:$0x7F4]  }
0x98: {  	[sflag:s29] =	ssyncset.done $0x0  }
0x99: {  	[sflag:s29] =	ssyncadd.s32 $0xFFFFF000  }
0x9a: {  	[spmem:s12] =	stream.linear.scatter [tilespmem:s28], [sflag:$0x7], $0x1000, $0x38;
	[tilespmem:$0x1E800] =	vst v63  }
0x9b: {  	_ =	swait.ge [sflag:s29], $0x1000  }
0x9c: {  	s13 =	sld [smem:$0x7F6]  }
0x9d: {  	[sflag:s29] =	ssyncset.done $0x0  }
0x9e: {  	[sflag:s29] =	ssyncadd.s32 $0xFFFFF000  }
0x9f: {  	[spmem:s13] =	stream.linear.scatter [tilespmem:s28], [sflag:$0x7], $0x1000, $0x38;
	[tilespmem:$0x1E800] =	vst v63  }
0xa0: {  	_ =	swait.ge [sflag:s29], $0x1000  }
0xa1: {  	s26 =	sld [smem:$0x7F8]  }
0xa2: {  	[sflag:s29] =	ssyncset.done $0x0  }
0xa3: {  	[sflag:s29] =	ssyncadd.s32 $0xFFFFF000  }
0xa4: {  	[spmem:s26] =	stream.linear.scatter [tilespmem:s28], [sflag:$0x7], $0x1000, $0x38;
	[tilespmem:$0x1E800] =	vst v63  }
0xa5: {  	_ =	swait.ge [sflag:s29], $0x1000  }
0xa6: {  	s12 =	sld [smem:$0x7FB]  }
0xa7: {  	[sflag:s29] =	ssyncset.done $0x0  }
0xa8: {  	[sflag:s29] =	ssyncadd.s32 $0xFFFFF000  }
0xa9: {  	[spmem:s12] =	stream.linear.scatter [tilespmem:s28], [sflag:$0x7], $0x1000, $0x38;
	[tilespmem:$0x1E800] =	vst v63  }
0xaa: {  	_ =	swait.ge [sflag:s29], $0x1000  }
0xab: {  	s13 =	sld [smem:$0x7FD]  }
0xac: {  	[sflag:s29] =	ssyncset.done $0x0  }
0xad: {  	[sflag:s29] =	ssyncadd.s32 $0xFFFFF000  }
0xae: {  	[spmem:s13] =	stream.linear.scatter [tilespmem:s28], [sflag:$0x7], $0x1000, $0x38;
	[tilespmem:$0x1E800] =	vst v63  }
0xaf: {  	_ =	swait.ge [sflag:s29], $0x1000  }
0xb0: {  	[sflag:s29] =	ssyncset.done $0x0  }
0xb1: {  	[sflag:s29] =	ssyncadd.s32 $0xFFFFF000  }
0xb2: {  	[bflag:$0x0] =	sbarrier.arrive $0xFFFF  }
0xb3: {  	s26 =	rddreg [dreg:$0x5]  }
0xb4: {  	s5 =	sadd.s32 $0x0, s26  }
0xb5: {  	[tilespmem:s4], [sflag:$0x7] =	stream.linear.gather [hbm4b:s5+s4], $0xC80, $0x38;
	[tilespmem:$0x1E800] =	vst v63  }
0xb6: {  	_ =	swait.ge [sflag:s29], $0xC80  }
0xb7: {  	s12 =	rddreg [dreg:$0x4];
	[sflag:s29] =	ssyncset.done $0x0  }
0xb8: {  	[sflag:s29] =	ssyncadd.s32 $0xFFFFF380;
	s5 =	sadd.s32 $0x0, s12  }
0xb9: {  	[tilespmem:s30], [sflag:$0x7] =	stream.linear.gather [hbm4b:s5+s4], $0xC80, $0x38;
	[tilespmem:$0x1E800] =	vst v63  }
0xba: {  	_ =	swait.ge [sflag:s29], $0xC80  }
0xbb: {  	[sflag:s29] =	ssyncset.done $0x0  }
0xbc: {  	[sflag:s29] =	ssyncadd.s32 $0xFFFFF380  }
0xbd: {  	[tilespmem:s1], [sflag:$0x1] =	stream.indirect.gather [hbm4b:s2+s31], $0x80, s4, s31, $0xb8;
	[tilespmem:$0x1E800] =	vst v63  }
0xbe: {  	s13 =	rddreg [dreg:$0x6]  }
0xbf: {  	[tilespmem:s0], [sflag:$0x2] =	stream.indirect.gather [hbm4b:s2+s31], $0x80, s13, s31, $0xb8;
	[tilespmem:$0x1E800] =	vst v63  }
0xc0: {  	s26 =	rddreg [dreg:$0x7]  }
0xc1: {  	[tilespmem:s6], [sflag:$0x3] =	stream.indirect.gather [hbm4b:s2+s31], $0x80, s26, s31, $0xb8;
	[tilespmem:$0x1E800] =	vst v63  }
0xc2: {  	_ =	swait.ge [sflag:s7], $0x2800  }
0xc3: {  	[sflag:s7] =	ssyncset.done $0x0  }
0xc4: {  	[sflag:s7] =	ssyncadd.s32 $0xFFFFD800  }
0xc5: {  	[spmem:s3] =	stream.indirect.scatter.add.f32 [tilespmem:s1], [sflag:$0x4], $0x80, s30, s31, $0xb8;
	[tilespmem:$0x1E800] =	vst v63  }
0xc6: {  	_ =	swait.ge [sflag:s8], $0x2800  }
0xc7: {  	[sflag:s8] =	ssyncset.done $0x0  }
0xc8: {  	s12 =	rddreg [dreg:$0x8];
	[sflag:s8] =	ssyncadd.s32 $0xFFFFD800  }
0xc9: {  	[tilespmem:s1], [sflag:$0x1] =	stream.indirect.gather [hbm4b:s2+s31], $0x80, s12, s31, $0xb8;
	[tilespmem:$0x1E800] =	vst v63  }
0xca: {  	_ =	swait.ge [sflag:s9], $0x2800  }
0xcb: {  	[sflag:s9] =	ssyncset.done $0x0  }
0xcc: {  	s13 =	rddreg [dreg:$0x9];
	[sflag:s9] =	ssyncadd.s32 $0xFFFFD800  }
0xcd: {  	[spmem:s3] =	stream.indirect.scatter.add.f32 [tilespmem:s0], [sflag:$0x5], $0x80, s13, s31, $0xb8;
	[tilespmem:$0x1E800] =	vst v63  }
0xce: {  	_ =	swait.ge [sflag:s10], $0x2800  }
0xcf: {  	[sflag:s10] =	ssyncset.done $0x0  }
0xd0: {  	s26 =	rddreg [dreg:$0xa];
	[sflag:s10] =	ssyncadd.s32 $0xFFFFD800  }
0xd1: {  	[tilespmem:s0], [sflag:$0x2] =	stream.indirect.gather [hbm4b:s2+s31], $0x80, s26, s31, $0xb8;
	[tilespmem:$0x1E800] =	vst v63  }
0xd2: {  	_ =	swait.ge [sflag:s11], $0x2800  }
0xd3: {  	[sflag:s11] =	ssyncset.done $0x0  }
0xd4: {  	s12 =	rddreg [dreg:$0xb];
	[sflag:s11] =	ssyncadd.s32 $0xFFFFD800  }
0xd5: {  	[spmem:s3] =	stream.indirect.scatter.add.f32 [tilespmem:s6], [sflag:$0x6], $0x80, s12, s31, $0xb8;
	[tilespmem:$0x1E800] =	vst v63  }
0xd6: {  	_ =	swait.ge [sflag:s7], $0x2800  }
0xd7: {  	[sflag:s7] =	ssyncset.done $0x0  }
0xd8: {  	s13 =	rddreg [dreg:$0xc];
	[sflag:s7] =	ssyncadd.s32 $0xFFFFD800  }
0xd9: {  	[spmem:s3] =	stream.indirect.scatter.add.f32 [tilespmem:s1], [sflag:$0x4], $0x80, s13, s31, $0xb8;
	[tilespmem:$0x1E800] =	vst v63  }
0xda: {  	_ =	swait.ge [sflag:s9], $0x2800  }
0xdb: {  	[sflag:s9] =	ssyncset.done $0x0  }
0xdc: {  	s26 =	rddreg [dreg:$0xd];
	[sflag:s9] =	ssyncadd.s32 $0xFFFFD800  }
0xdd: {  	[spmem:s3] =	stream.indirect.scatter.add.f32 [tilespmem:s0], [sflag:$0x5], $0x80, s26, s31, $0xb8;
	[tilespmem:$0x1E800] =	vst v63  }
0xde: {  	_ =	swait.ge [sflag:s8], $0x2800  }
0xdf: {  	[sflag:s8] =	ssyncset.done $0x0  }
0xe0: {  	[sflag:s8] =	ssyncadd.s32 $0xFFFFD800  }
0xe1: {  	_ =	swait.ge [sflag:s10], $0x2800  }
0xe2: {  	[sflag:s10] =	ssyncset.done $0x0  }
0xe3: {  	s12 =	rddreg [dreg:$0xe];
	[sflag:s10] =	ssyncadd.s32 $0xFFFFD800  }
0xe4: {  	[tilespmem:s1], [sflag:$0x1] =	stream.indirect.gather [hbm4b:s2+s31], $0x80, s12, s31, $0xb8;
	[tilespmem:$0x1E800] =	vst v63  }
0xe5: {  	s13 =	rddreg [dreg:$0xf]  }
0xe6: {  	[tilespmem:s0], [sflag:$0x2] =	stream.indirect.gather [hbm4b:s2+s31], $0x80, s13, s31, $0xb8;
	[tilespmem:$0x1E800] =	vst v63  }
0xe7: {  	s26 =	rddreg [dreg:$0x10]  }
0xe8: {  	[tilespmem:s6], [sflag:$0x3] =	stream.indirect.gather [hbm4b:s2+s31], $0x80, s26, s31, $0xb8;
	[tilespmem:$0x1E800] =	vst v63  }
0xe9: {  	_ =	swait.ge [sflag:s7], $0x2800  }
0xea: {  	[sflag:s7] =	ssyncset.done $0x0  }
0xeb: {  	s12 =	rddreg [dreg:$0x11];
	[sflag:s7] =	ssyncadd.s32 $0xFFFFD800  }
0xec: {  	[spmem:s3] =	stream.indirect.scatter.add.f32 [tilespmem:s1], [sflag:$0x4], $0x80, s12, s31, $0xb8;
	[tilespmem:$0x1E800] =	vst v63  }
0xed: {  	_ =	swait.ge [sflag:s8], $0x2800  }
0xee: {  	[sflag:s8] =	ssyncset.done $0x0  }
0xef: {  	s13 =	rddreg [dreg:$0x12];
	[sflag:s8] =	ssyncadd.s32 $0xFFFFD800  }
0xf0: {  	[tilespmem:s1], [sflag:$0x1] =	stream.indirect.gather [hbm4b:s2+s31], $0x80, s13, s31, $0xb8;
	[tilespmem:$0x1E800] =	vst v63  }
0xf1: {  	_ =	swait.ge [sflag:s9], $0x2800  }
0xf2: {  	[sflag:s9] =	ssyncset.done $0x0  }
0xf3: {  	s26 =	rddreg [dreg:$0x13];
	[sflag:s9] =	ssyncadd.s32 $0xFFFFD800  }
0xf4: {  	[spmem:s3] =	stream.indirect.scatter.add.f32 [tilespmem:s0], [sflag:$0x5], $0x80, s26, s31, $0xb8;
	[tilespmem:$0x1E800] =	vst v63  }
0xf5: {  	_ =	swait.ge [sflag:s10], $0x2800  }
0xf6: {  	[sflag:s10] =	ssyncset.done $0x0  }
0xf7: {  	s12 =	rddreg [dreg:$0x14];
	[sflag:s10] =	ssyncadd.s32 $0xFFFFD800  }
0xf8: {  	[tilespmem:s0], [sflag:$0x2] =	stream.indirect.gather [hbm4b:s2+s31], $0x80, s12, s31, $0xb8;
	[tilespmem:$0x1E800] =	vst v63  }
0xf9: {  	_ =	swait.ge [sflag:s11], $0x2800  }
0xfa: {  	[sflag:s11] =	ssyncset.done $0x0  }
0xfb: {  	s13 =	rddreg [dreg:$0x15];
	[sflag:s11] =	ssyncadd.s32 $0xFFFFD800  }
0xfc: {  	[spmem:s3] =	stream.indirect.scatter.add.f32 [tilespmem:s6], [sflag:$0x6], $0x80, s13, s31, $0xb8;
	[tilespmem:$0x1E800] =	vst v63  }
0xfd: {  	_ =	swait.ge [sflag:s7], $0x2800  }
0xfe: {  	[sflag:s7] =	ssyncset.done $0x0  }
0xff: {  	s26 =	rddreg [dreg:$0x16];
	[sflag:s7] =	ssyncadd.s32 $0xFFFFD800  }
0x100: {  	[spmem:s3] =	stream.indirect.scatter.add.f32 [tilespmem:s1], [sflag:$0x4], $0x80, s26, s31, $0xb8;
	[tilespmem:$0x1E800] =	vst v63  }
0x101: {  	_ =	swait.ge [sflag:s9], $0x2800  }
0x102: {  	[sflag:s9] =	ssyncset.done $0x0  }
0x103: {  	s12 =	rddreg [dreg:$0x17];
	[sflag:s9] =	ssyncadd.s32 $0xFFFFD800  }
0x104: {  	[spmem:s3] =	stream.indirect.scatter.add.f32 [tilespmem:s0], [sflag:$0x5], $0x80, s12, s31, $0xb8;
	[tilespmem:$0x1E800] =	vst v63  }
0x105: {  	_ =	swait.ge [sflag:s8], $0x2800  }
0x106: {  	[sflag:s8] =	ssyncset.done $0x0  }
0x107: {  	[sflag:s8] =	ssyncadd.s32 $0xFFFFD800  }
0x108: {  	_ =	swait.ge [sflag:s10], $0x2800  }
0x109: {  	[sflag:s10] =	ssyncset.done $0x0  }
0x10a: {  	s13 =	rddreg [dreg:$0x18];
	[sflag:s10] =	ssyncadd.s32 $0xFFFFD800  }
0x10b: {  	[tilespmem:s1], [sflag:$0x1] =	stream.indirect.gather [hbm4b:s2+s31], $0x80, s13, s31, $0xb8;
	[tilespmem:$0x1E800] =	vst v63  }
0x10c: {  	s26 =	rddreg [dreg:$0x19]  }
0x10d: {  	[tilespmem:s0], [sflag:$0x2] =	stream.indirect.gather [hbm4b:s2+s31], $0x80, s26, s31, $0xb8;
	[tilespmem:$0x1E800] =	vst v63  }
0x10e: {  	s13 =	rddreg [dreg:$0x1a]  }
0x10f: {  	[tilespmem:s6], [sflag:$0x3] =	stream.indirect.gather [hbm4b:s2+s31], $0x80, s13, s31, $0xb8;
	[tilespmem:$0x1E800] =	vst v63  }
0x110: {  	_ =	swait.ge [sflag:s7], $0x2800  }
0x111: {  	[sflag:s7] =	ssyncset.done $0x0  }
0x112: {  	s26 =	rddreg [dreg:$0x1b];
	[sflag:s7] =	ssyncadd.s32 $0xFFFFD800  }
0x113: {  	[spmem:s3] =	stream.indirect.scatter.add.f32 [tilespmem:s1], [sflag:$0x4], $0x80, s26, s31, $0xb8;
	[tilespmem:$0x1E800] =	vst v63  }
0x114: {  	_ =	swait.ge [sflag:s8], $0x2800  }
0x115: {  	[sflag:s8] =	ssyncset.done $0x0  }
0x116: {  	s12 =	rddreg [dreg:$0x1c];
	[sflag:s8] =	ssyncadd.s32 $0xFFFFD800  }
0x117: {  	[tilespmem:s1], [sflag:$0x1] =	stream.indirect.gather [hbm4b:s2+s31], $0x80, s12, s31, $0xb8;
	[tilespmem:$0x1E800] =	vst v63  }
0x118: {  	_ =	swait.ge [sflag:s9], $0x2800  }
0x119: {  	[sflag:s9] =	ssyncset.done $0x0  }
0x11a: {  	s13 =	rddreg [dreg:$0x1d];
	[sflag:s9] =	ssyncadd.s32 $0xFFFFD800  }
0x11b: {  	[spmem:s3] =	stream.indirect.scatter.add.f32 [tilespmem:s0], [sflag:$0x5], $0x80, s13, s31, $0xb8;
	[tilespmem:$0x1E800] =	vst v63  }
0x11c: {  	_ =	swait.ge [sflag:s10], $0x2800  }
0x11d: {  	[sflag:s10] =	ssyncset.done $0x0  }
0x11e: {  	s26 =	rddreg [dreg:$0x1e];
	[sflag:s10] =	ssyncadd.s32 $0xFFFFD800  }
0x11f: {  	[tilespmem:s0], [sflag:$0x2] =	stream.indirect.gather [hbm4b:s2+s31], $0x80, s26, s31, $0xb8;
	[tilespmem:$0x1E800] =	vst v63  }
0x120: {  	_ =	swait.ge [sflag:s11], $0x2800  }
0x121: {  	[sflag:s11] =	ssyncset.done $0x0  }
0x122: {  	s12 =	rddreg [dreg:$0x1f];
	[sflag:s11] =	ssyncadd.s32 $0xFFFFD800  }
0x123: {  	[spmem:s3] =	stream.indirect.scatter.add.f32 [tilespmem:s6], [sflag:$0x6], $0x80, s12, s31, $0xb8;
	[tilespmem:$0x1E800] =	vst v63  }
0x124: {  	_ =	swait.ge [sflag:s7], $0x2800  }
0x125: {  	s13 =	sld [smem:$0x7EB]  }
0x126: {  	[sflag:s7] =	ssyncset.done $0x0  }
0x127: {  	[sflag:s7] =	ssyncadd.s32 $0xFFFFD800  }
0x128: {  	[spmem:s3] =	stream.indirect.scatter.add.f32 [tilespmem:s1], [sflag:$0x4], $0x80, s13, s31, $0xb8;
	[tilespmem:$0x1E800] =	vst v63  }
0x129: {  	_ =	swait.ge [sflag:s9], $0x2800  }
0x12a: {  	s26 =	sld [smem:$0x7ED]  }
0x12b: {  	[sflag:s9] =	ssyncset.done $0x0  }
0x12c: {  	[sflag:s9] =	ssyncadd.s32 $0xFFFFD800  }
0x12d: {  	[spmem:s3] =	stream.indirect.scatter.add.f32 [tilespmem:s0], [sflag:$0x5], $0x80, s26, s31, $0xb8;
	[tilespmem:$0x1E800] =	vst v63  }
0x12e: {  	_ =	swait.ge [sflag:s8], $0x2800  }
0x12f: {  	[sflag:s8] =	ssyncset.done $0x0  }
0x130: {  	[sflag:s8] =	ssyncadd.s32 $0xFFFFD800  }
0x131: {  	_ =	swait.ge [sflag:s10], $0x2800  }
0x132: {  	s12 =	sld [smem:$0x7EF]  }
0x133: {  	[sflag:s10] =	ssyncset.done $0x0  }
0x134: {  	s13 =	sld [smem:$0x7F1];
	[sflag:s10] =	ssyncadd.s32 $0xFFFFD800  }
0x135: {  	[tilespmem:s1], [sflag:$0x1] =	stream.indirect.gather [hbm4b:s2+s31], $0x80, s12, s31, $0xb8;
	[tilespmem:$0x1E800] =	vst v63  }
0x136: {  	s26 =	sld [smem:$0x7F3]  }
0x137: {  	[tilespmem:s0], [sflag:$0x2] =	stream.indirect.gather [hbm4b:s2+s31], $0x80, s13, s31, $0xb8;
	[tilespmem:$0x1E800] =	vst v63  }
0x138: {  	_ = 	snop  }
0x139: {  	[tilespmem:s6], [sflag:$0x3] =	stream.indirect.gather [hbm4b:s2+s31], $0x80, s26, s31, $0xb8;
	[tilespmem:$0x1E800] =	vst v63  }
0x13a: {  	_ =	swait.ge [sflag:s7], $0x2800  }
0x13b: {  	s12 =	sld [smem:$0x7F5]  }
0x13c: {  	[sflag:s7] =	ssyncset.done $0x0  }
0x13d: {  	[sflag:s7] =	ssyncadd.s32 $0xFFFFD800  }
0x13e: {  	[spmem:s3] =	stream.indirect.scatter.add.f32 [tilespmem:s1], [sflag:$0x4], $0x80, s12, s31, $0xb8;
	[tilespmem:$0x1E800] =	vst v63  }
0x13f: {  	_ =	swait.ge [sflag:s8], $0x2800  }
0x140: {  	s13 =	sld [smem:$0x7F7]  }
0x141: {  	[sflag:s8] =	ssyncset.done $0x0  }
0x142: {  	[sflag:s8] =	ssyncadd.s32 $0xFFFFD800  }
0x143: {  	[tilespmem:s1], [sflag:$0x1] =	stream.indirect.gather [hbm4b:s2+s31], $0x80, s13, s31, $0xb8;
	[tilespmem:$0x1E800] =	vst v63  }
0x144: {  	_ =	swait.ge [sflag:s9], $0x2800  }
0x145: {  	s26 =	sld [smem:$0x7F9]  }
0x146: {  	[sflag:s9] =	ssyncset.done $0x0  }
0x147: {  	[sflag:s9] =	ssyncadd.s32 $0xFFFFD800  }
0x148: {  	[spmem:s3] =	stream.indirect.scatter.add.f32 [tilespmem:s0], [sflag:$0x5], $0x80, s26, s31, $0xb8;
	[tilespmem:$0x1E800] =	vst v63  }
0x149: {  	_ =	swait.ge [sflag:s10], $0x2800  }
0x14a: {  	s12 =	sld [smem:$0x7FA]  }
0x14b: {  	[sflag:s10] =	ssyncset.done $0x0  }
0x14c: {  	[sflag:s10] =	ssyncadd.s32 $0xFFFFD800  }
0x14d: {  	[tilespmem:s0], [sflag:$0x2] =	stream.indirect.gather [hbm4b:s2+s31], $0x80, s12, s31, $0xb8;
	[tilespmem:$0x1E800] =	vst v63  }
0x14e: {  	_ =	swait.ge [sflag:s11], $0x2800  }
0x14f: {  	[sflag:s11] =	ssyncset.done $0x0  }
0x150: {  	s13 =	simm.s32 $0x1880;
	[sflag:s11] =	ssyncadd.s32 $0xFFFFD800  }
0x151: {  	[spmem:s3] =	stream.indirect.scatter.add.f32 [tilespmem:s6], [sflag:$0x6], $0x80, s13, s31, $0xb8;
	[tilespmem:$0x1E800] =	vst v63  }
0x152: {  	_ =	swait.ge [sflag:s7], $0x2800  }
0x153: {  	[sflag:s7] =	ssyncset.done $0x0  }
0x154: {  	[sflag:s7] =	ssyncadd.s32 $0xFFFFD800  }
0x155: {  	[spmem:s3] =	stream.indirect.scatter.add.f32 [tilespmem:s1], [sflag:$0x4], $0x80, s14, s31, $0xb8;
	[tilespmem:$0x1E800] =	vst v63  }
0x156: {  	_ =	swait.ge [sflag:s9], $0x2800  }
0x157: {  	[sflag:s9] =	ssyncset.done $0x0  }
0x158: {  	[sflag:s9] =	ssyncadd.s32 $0xFFFFD800  }
0x159: {  	[spmem:s3] =	stream.indirect.scatter.add.f32 [tilespmem:s0], [sflag:$0x5], $0x80, s15, s31, $0xb8;
	[tilespmem:$0x1E800] =	vst v63  }
0x15a: {  	_ =	swait.ge [sflag:s8], $0x2800  }
0x15b: {  	[sflag:s8] =	ssyncset.done $0x0  }
0x15c: {  	[sflag:s8] =	ssyncadd.s32 $0xFFFFD800  }
0x15d: {  	_ =	swait.ge [sflag:s10], $0x2800  }
0x15e: {  	[sflag:s10] =	ssyncset.done $0x0  }
0x15f: {  	[sflag:s10] =	ssyncadd.s32 $0xFFFFD800  }
0x160: {  	[tilespmem:s1], [sflag:$0x1] =	stream.indirect.gather [hbm4b:s2+s31], $0x80, s16, s31, $0xb8;
	[tilespmem:$0x1E800] =	vst v63  }
0x161: {  	_ = 	snop  }
0x162: {  	[tilespmem:s0], [sflag:$0x2] =	stream.indirect.gather [hbm4b:s2+s31], $0x80, s17, s31, $0xb8;
	[tilespmem:$0x1E800] =	vst v63  }
0x163: {  	_ = 	snop  }
0x164: {  	[tilespmem:s6], [sflag:$0x3] =	stream.indirect.gather [hbm4b:s2+s31], $0x80, s18, s31, $0xb8;
	[tilespmem:$0x1E800] =	vst v63  }
0x165: {  	_ =	swait.ge [sflag:s7], $0x2800  }
0x166: {  	[sflag:s7] =	ssyncset.done $0x0  }
0x167: {  	[sflag:s7] =	ssyncadd.s32 $0xFFFFD800  }
0x168: {  	[spmem:s3] =	stream.indirect.scatter.add.f32 [tilespmem:s1], [sflag:$0x4], $0x80, s19, s31, $0xb8;
	[tilespmem:$0x1E800] =	vst v63  }
0x169: {  	_ =	swait.ge [sflag:s8], $0x2800  }
0x16a: {  	[sflag:s8] =	ssyncset.done $0x0  }
0x16b: {  	[sflag:s8] =	ssyncadd.s32 $0xFFFFD800  }
0x16c: {  	[tilespmem:s1], [sflag:$0x1] =	stream.indirect.gather [hbm4b:s2+s31], $0x80, s20, s31, $0xb8;
	[tilespmem:$0x1E800] =	vst v63  }
0x16d: {  	_ =	swait.ge [sflag:s9], $0x2800  }
0x16e: {  	[sflag:s9] =	ssyncset.done $0x0  }
0x16f: {  	[sflag:s9] =	ssyncadd.s32 $0xFFFFD800  }
0x170: {  	[spmem:s3] =	stream.indirect.scatter.add.f32 [tilespmem:s0], [sflag:$0x5], $0x80, s21, s31, $0xb8;
	[tilespmem:$0x1E800] =	vst v63  }
0x171: {  	_ =	swait.ge [sflag:s10], $0x2800  }
0x172: {  	[sflag:s10] =	ssyncset.done $0x0  }
0x173: {  	[sflag:s10] =	ssyncadd.s32 $0xFFFFD800  }
0x174: {  	[tilespmem:s0], [sflag:$0x2] =	stream.indirect.gather [hbm4b:s2+s31], $0x80, s22, s31, $0xb8;
	[tilespmem:$0x1E800] =	vst v63  }
0x175: {  	_ =	swait.ge [sflag:s11], $0x2800  }
0x176: {  	[sflag:s11] =	ssyncset.done $0x0  }
0x177: {  	[sflag:s11] =	ssyncadd.s32 $0xFFFFD800  }
0x178: {  	[spmem:s3] =	stream.indirect.scatter.add.f32 [tilespmem:s6], [sflag:$0x6], $0x80, s23, s31, $0xb8;
	[tilespmem:$0x1E800] =	vst v63  }
0x179: {  	_ =	swait.ge [sflag:s7], $0x2800  }
0x17a: {  	[sflag:s7] =	ssyncset.done $0x0  }
0x17b: {  	[sflag:s7] =	ssyncadd.s32 $0xFFFFD800  }
0x17c: {  	[spmem:s3] =	stream.indirect.scatter.add.f32 [tilespmem:s1], [sflag:$0x4], $0x80, s24, s31, $0xb8;
	[tilespmem:$0x1E800] =	vst v63  }
0x17d: {  	_ =	swait.ge [sflag:s9], $0x2800  }
0x17e: {  	[sflag:s9] =	ssyncset.done $0x0  }
0x17f: {  	s26 =	simm.s32 $0x1C00;
	[sflag:s9] =	ssyncadd.s32 $0xFFFFD800  }
0x180: {  	[spmem:s3] =	stream.indirect.scatter.add.f32 [tilespmem:s0], [sflag:$0x5], $0x80, s26, s31, $0xb8;
	[tilespmem:$0x1E800] =	vst v63  }
0x181: {  	_ =	swait.ge [sflag:s8], $0x2800  }
0x182: {  	[sflag:s8] =	ssyncset.done $0x0  }
0x183: {  	[sflag:s8] =	ssyncadd.s32 $0xFFFFD800  }
0x184: {  	s5 =	simm.s32 $0x200;
	_ =	swait.ge [sflag:s10], $0x2800  }
0x185: {  	s26 =	simm.s32 $0x400;
	s12 =	rddreg [dreg:$0x5];
	[sflag:s10] =	ssyncset.done $0x0  }
.LBB2_4:
0x186: {  	[sflag:s10] =	ssyncadd.s32 $0xFFFFD800;
	s12 =	sadd.s32 s5, s12  }
0x187: {  	[tilespmem:s4], [sflag:$0x7] =	stream.linear.gather [hbm4b:s12+s4], $0xC80, $0x38;
	[tilespmem:$0x1E800] =	vst v63  }
0x188: {  	_ =	swait.ge [sflag:s29], $0xC80  }
0x189: {  	s12 =	rddreg [dreg:$0x4];
	[sflag:s29] =	ssyncset.done $0x0  }
0x18a: {  	[sflag:s29] =	ssyncadd.s32 $0xFFFFF380;
	s12 =	sadd.s32 s5, s12  }
0x18b: {  	[tilespmem:s30], [sflag:$0x7] =	stream.linear.gather [hbm4b:s12+s4], $0xC80, $0x38;
	[tilespmem:$0x1E800] =	vst v63  }
0x18c: {  	_ =	swait.ge [sflag:s29], $0xC80  }
0x18d: {  	[sflag:s29] =	ssyncset.done $0x0  }
0x18e: {  	[sflag:s29] =	ssyncadd.s32 $0xFFFFF380  }
0x18f: {  	[tilespmem:s1], [sflag:$0x1] =	stream.indirect.gather [hbm4b:s2+s31], $0x80, s4, s31, $0xb8;
	[tilespmem:$0x1E800] =	vst v63  }
0x190: {  	s13 =	smov.u32 s26;
	s12 =	rddreg [dreg:$0x6]  }
0x191: {  	[tilespmem:s0], [sflag:$0x2] =	stream.indirect.gather [hbm4b:s2+s31], $0x80, s12, s31, $0xb8;
	[tilespmem:$0x1E800] =	vst v63  }
0x192: {  	s5 =	smov.u32 s13;
	s13 =	rddreg [dreg:$0x7]  }
0x193: {  	[tilespmem:s6], [sflag:$0x3] =	stream.indirect.gather [hbm4b:s2+s31], $0x80, s13, s31, $0xb8;
	[tilespmem:$0x1E800] =	vst v63  }
0x194: {  	_ =	swait.ge [sflag:s7], $0x2800  }
0x195: {  	[sflag:s7] =	ssyncset.done $0x0  }
0x196: {  	[sflag:s7] =	ssyncadd.s32 $0xFFFFD800  }
0x197: {  	[spmem:s3] =	stream.indirect.scatter.add.f32 [tilespmem:s1], [sflag:$0x4], $0x80, s30, s31, $0xb8;
	[tilespmem:$0x1E800] =	vst v63  }
0x198: {  	_ =	swait.ge [sflag:s8], $0x2800  }
0x199: {  	[sflag:s8] =	ssyncset.done $0x0  }
0x19a: {  	s13 =	rddreg [dreg:$0x8];
	[sflag:s8] =	ssyncadd.s32 $0xFFFFD800  }
0x19b: {  	[tilespmem:s1], [sflag:$0x1] =	stream.indirect.gather [hbm4b:s2+s31], $0x80, s13, s31, $0xb8;
	[tilespmem:$0x1E800] =	vst v63  }
0x19c: {  	_ =	swait.ge [sflag:s9], $0x2800  }
0x19d: {  	[sflag:s9] =	ssyncset.done $0x0  }
0x19e: {  	s13 =	rddreg [dreg:$0x9];
	[sflag:s9] =	ssyncadd.s32 $0xFFFFD800  }
0x19f: {  	[spmem:s3] =	stream.indirect.scatter.add.f32 [tilespmem:s0], [sflag:$0x5], $0x80, s13, s31, $0xb8;
	[tilespmem:$0x1E800] =	vst v63  }
0x1a0: {  	_ =	swait.ge [sflag:s10], $0x2800  }
0x1a1: {  	[sflag:s10] =	ssyncset.done $0x0  }
0x1a2: {  	s13 =	rddreg [dreg:$0xa];
	[sflag:s10] =	ssyncadd.s32 $0xFFFFD800  }
0x1a3: {  	[tilespmem:s0], [sflag:$0x2] =	stream.indirect.gather [hbm4b:s2+s31], $0x80, s13, s31, $0xb8;
	[tilespmem:$0x1E800] =	vst v63  }
0x1a4: {  	_ =	swait.ge [sflag:s11], $0x2800  }
0x1a5: {  	[sflag:s11] =	ssyncset.done $0x0  }
0x1a6: {  	s13 =	rddreg [dreg:$0xb];
	[sflag:s11] =	ssyncadd.s32 $0xFFFFD800  }
0x1a7: {  	[spmem:s3] =	stream.indirect.scatter.add.f32 [tilespmem:s6], [sflag:$0x6], $0x80, s13, s31, $0xb8;
	[tilespmem:$0x1E800] =	vst v63  }
0x1a8: {  	_ =	swait.ge [sflag:s7], $0x2800  }
0x1a9: {  	[sflag:s7] =	ssyncset.done $0x0  }
0x1aa: {  	s13 =	rddreg [dreg:$0xc];
	[sflag:s7] =	ssyncadd.s32 $0xFFFFD800  }
0x1ab: {  	[spmem:s3] =	stream.indirect.scatter.add.f32 [tilespmem:s1], [sflag:$0x4], $0x80, s13, s31, $0xb8;
	[tilespmem:$0x1E800] =	vst v63  }
0x1ac: {  	_ =	swait.ge [sflag:s9], $0x2800  }
0x1ad: {  	[sflag:s9] =	ssyncset.done $0x0  }
0x1ae: {  	s13 =	rddreg [dreg:$0xd];
	[sflag:s9] =	ssyncadd.s32 $0xFFFFD800  }
0x1af: {  	[spmem:s3] =	stream.indirect.scatter.add.f32 [tilespmem:s0], [sflag:$0x5], $0x80, s13, s31, $0xb8;
	[tilespmem:$0x1E800] =	vst v63  }
0x1b0: {  	_ =	swait.ge [sflag:s8], $0x2800  }
0x1b1: {  	[sflag:s8] =	ssyncset.done $0x0  }
0x1b2: {  	[sflag:s8] =	ssyncadd.s32 $0xFFFFD800  }
0x1b3: {  	_ =	swait.ge [sflag:s10], $0x2800  }
0x1b4: {  	[sflag:s10] =	ssyncset.done $0x0  }
0x1b5: {  	s12 =	rddreg [dreg:$0xe];
	[sflag:s10] =	ssyncadd.s32 $0xFFFFD800  }
0x1b6: {  	[tilespmem:s1], [sflag:$0x1] =	stream.indirect.gather [hbm4b:s2+s31], $0x80, s12, s31, $0xb8;
	[tilespmem:$0x1E800] =	vst v63  }
0x1b7: {  	s13 =	rddreg [dreg:$0xf]  }
0x1b8: {  	[tilespmem:s0], [sflag:$0x2] =	stream.indirect.gather [hbm4b:s2+s31], $0x80, s13, s31, $0xb8;
	[tilespmem:$0x1E800] =	vst v63  }
0x1b9: {  	s12 =	rddreg [dreg:$0x10]  }
0x1ba: {  	[tilespmem:s6], [sflag:$0x3] =	stream.indirect.gather [hbm4b:s2+s31], $0x80, s12, s31, $0xb8;
	[tilespmem:$0x1E800] =	vst v63  }
0x1bb: {  	_ =	swait.ge [sflag:s7], $0x2800  }
0x1bc: {  	[sflag:s7] =	ssyncset.done $0x0  }
0x1bd: {  	s13 =	rddreg [dreg:$0x11];
	[sflag:s7] =	ssyncadd.s32 $0xFFFFD800  }
0x1be: {  	[spmem:s3] =	stream.indirect.scatter.add.f32 [tilespmem:s1], [sflag:$0x4], $0x80, s13, s31, $0xb8;
	[tilespmem:$0x1E800] =	vst v63  }
0x1bf: {  	_ =	swait.ge [sflag:s8], $0x2800  }
0x1c0: {  	[sflag:s8] =	ssyncset.done $0x0  }
0x1c1: {  	s13 =	rddreg [dreg:$0x12];
	[sflag:s8] =	ssyncadd.s32 $0xFFFFD800  }
0x1c2: {  	[tilespmem:s1], [sflag:$0x1] =	stream.indirect.gather [hbm4b:s2+s31], $0x80, s13, s31, $0xb8;
	[tilespmem:$0x1E800] =	vst v63  }
0x1c3: {  	_ =	swait.ge [sflag:s9], $0x2800  }
0x1c4: {  	[sflag:s9] =	ssyncset.done $0x0  }
0x1c5: {  	s13 =	rddreg [dreg:$0x13];
	[sflag:s9] =	ssyncadd.s32 $0xFFFFD800  }
0x1c6: {  	[spmem:s3] =	stream.indirect.scatter.add.f32 [tilespmem:s0], [sflag:$0x5], $0x80, s13, s31, $0xb8;
	[tilespmem:$0x1E800] =	vst v63  }
0x1c7: {  	_ =	swait.ge [sflag:s10], $0x2800  }
0x1c8: {  	[sflag:s10] =	ssyncset.done $0x0  }
0x1c9: {  	s13 =	rddreg [dreg:$0x14];
	[sflag:s10] =	ssyncadd.s32 $0xFFFFD800  }
0x1ca: {  	[tilespmem:s0], [sflag:$0x2] =	stream.indirect.gather [hbm4b:s2+s31], $0x80, s13, s31, $0xb8;
	[tilespmem:$0x1E800] =	vst v63  }
0x1cb: {  	_ =	swait.ge [sflag:s11], $0x2800  }
0x1cc: {  	[sflag:s11] =	ssyncset.done $0x0  }
0x1cd: {  	s13 =	rddreg [dreg:$0x15];
	[sflag:s11] =	ssyncadd.s32 $0xFFFFD800  }
0x1ce: {  	[spmem:s3] =	stream.indirect.scatter.add.f32 [tilespmem:s6], [sflag:$0x6], $0x80, s13, s31, $0xb8;
	[tilespmem:$0x1E800] =	vst v63  }
0x1cf: {  	_ =	swait.ge [sflag:s7], $0x2800  }
0x1d0: {  	[sflag:s7] =	ssyncset.done $0x0  }
0x1d1: {  	s13 =	rddreg [dreg:$0x16];
	[sflag:s7] =	ssyncadd.s32 $0xFFFFD800  }
0x1d2: {  	[spmem:s3] =	stream.indirect.scatter.add.f32 [tilespmem:s1], [sflag:$0x4], $0x80, s13, s31, $0xb8;
	[tilespmem:$0x1E800] =	vst v63  }
0x1d3: {  	_ =	swait.ge [sflag:s9], $0x2800  }
0x1d4: {  	[sflag:s9] =	ssyncset.done $0x0  }
0x1d5: {  	s13 =	rddreg [dreg:$0x17];
	[sflag:s9] =	ssyncadd.s32 $0xFFFFD800  }
0x1d6: {  	[spmem:s3] =	stream.indirect.scatter.add.f32 [tilespmem:s0], [sflag:$0x5], $0x80, s13, s31, $0xb8;
	[tilespmem:$0x1E800] =	vst v63  }
0x1d7: {  	_ =	swait.ge [sflag:s8], $0x2800  }
0x1d8: {  	[sflag:s8] =	ssyncset.done $0x0  }
0x1d9: {  	[sflag:s8] =	ssyncadd.s32 $0xFFFFD800  }
0x1da: {  	_ =	swait.ge [sflag:s10], $0x2800  }
0x1db: {  	[sflag:s10] =	ssyncset.done $0x0  }
0x1dc: {  	s12 =	rddreg [dreg:$0x18];
	[sflag:s10] =	ssyncadd.s32 $0xFFFFD800  }
0x1dd: {  	[tilespmem:s1], [sflag:$0x1] =	stream.indirect.gather [hbm4b:s2+s31], $0x80, s12, s31, $0xb8;
	[tilespmem:$0x1E800] =	vst v63  }
0x1de: {  	s13 =	rddreg [dreg:$0x19]  }
0x1df: {  	[tilespmem:s0], [sflag:$0x2] =	stream.indirect.gather [hbm4b:s2+s31], $0x80, s13, s31, $0xb8;
	[tilespmem:$0x1E800] =	vst v63  }
0x1e0: {  	s12 =	rddreg [dreg:$0x1a]  }
0x1e1: {  	[tilespmem:s6], [sflag:$0x3] =	stream.indirect.gather [hbm4b:s2+s31], $0x80, s12, s31, $0xb8;
	[tilespmem:$0x1E800] =	vst v63  }
0x1e2: {  	_ =	swait.ge [sflag:s7], $0x2800  }
0x1e3: {  	[sflag:s7] =	ssyncset.done $0x0  }
0x1e4: {  	s13 =	rddreg [dreg:$0x1b];
	[sflag:s7] =	ssyncadd.s32 $0xFFFFD800  }
0x1e5: {  	[spmem:s3] =	stream.indirect.scatter.add.f32 [tilespmem:s1], [sflag:$0x4], $0x80, s13, s31, $0xb8;
	[tilespmem:$0x1E800] =	vst v63  }
0x1e6: {  	_ =	swait.ge [sflag:s8], $0x2800  }
0x1e7: {  	[sflag:s8] =	ssyncset.done $0x0  }
0x1e8: {  	s13 =	rddreg [dreg:$0x1c];
	[sflag:s8] =	ssyncadd.s32 $0xFFFFD800  }
0x1e9: {  	[tilespmem:s1], [sflag:$0x1] =	stream.indirect.gather [hbm4b:s2+s31], $0x80, s13, s31, $0xb8;
	[tilespmem:$0x1E800] =	vst v63  }
0x1ea: {  	_ =	swait.ge [sflag:s9], $0x2800  }
0x1eb: {  	[sflag:s9] =	ssyncset.done $0x0  }
0x1ec: {  	s13 =	rddreg [dreg:$0x1d];
	[sflag:s9] =	ssyncadd.s32 $0xFFFFD800  }
0x1ed: {  	[spmem:s3] =	stream.indirect.scatter.add.f32 [tilespmem:s0], [sflag:$0x5], $0x80, s13, s31, $0xb8;
	[tilespmem:$0x1E800] =	vst v63  }
0x1ee: {  	_ =	swait.ge [sflag:s10], $0x2800  }
0x1ef: {  	[sflag:s10] =	ssyncset.done $0x0  }
0x1f0: {  	s13 =	rddreg [dreg:$0x1e];
	[sflag:s10] =	ssyncadd.s32 $0xFFFFD800  }
0x1f1: {  	[tilespmem:s0], [sflag:$0x2] =	stream.indirect.gather [hbm4b:s2+s31], $0x80, s13, s31, $0xb8;
	[tilespmem:$0x1E800] =	vst v63  }
0x1f2: {  	_ =	swait.ge [sflag:s11], $0x2800  }
0x1f3: {  	[sflag:s11] =	ssyncset.done $0x0  }
0x1f4: {  	s13 =	rddreg [dreg:$0x1f];
	[sflag:s11] =	ssyncadd.s32 $0xFFFFD800  }
0x1f5: {  	[spmem:s3] =	stream.indirect.scatter.add.f32 [tilespmem:s6], [sflag:$0x6], $0x80, s13, s31, $0xb8;
	[tilespmem:$0x1E800] =	vst v63  }
0x1f6: {  	_ =	swait.ge [sflag:s7], $0x2800  }
0x1f7: {  	s13 =	sld [smem:$0x7EB]  }
0x1f8: {  	[sflag:s7] =	ssyncset.done $0x0  }
0x1f9: {  	[sflag:s7] =	ssyncadd.s32 $0xFFFFD800  }
0x1fa: {  	[spmem:s3] =	stream.indirect.scatter.add.f32 [tilespmem:s1], [sflag:$0x4], $0x80, s13, s31, $0xb8;
	[tilespmem:$0x1E800] =	vst v63  }
0x1fb: {  	_ =	swait.ge [sflag:s9], $0x2800  }
0x1fc: {  	s13 =	sld [smem:$0x7ED]  }
0x1fd: {  	[sflag:s9] =	ssyncset.done $0x0  }
0x1fe: {  	[sflag:s9] =	ssyncadd.s32 $0xFFFFD800  }
0x1ff: {  	[spmem:s3] =	stream.indirect.scatter.add.f32 [tilespmem:s0], [sflag:$0x5], $0x80, s13, s31, $0xb8;
	[tilespmem:$0x1E800] =	vst v63  }
0x200: {  	_ =	swait.ge [sflag:s8], $0x2800  }
0x201: {  	[sflag:s8] =	ssyncset.done $0x0  }
0x202: {  	[sflag:s8] =	ssyncadd.s32 $0xFFFFD800  }
0x203: {  	_ =	swait.ge [sflag:s10], $0x2800  }
0x204: {  	s12 =	sld [smem:$0x7EF]  }
0x205: {  	[sflag:s10] =	ssyncset.done $0x0  }
0x206: {  	s13 =	sld [smem:$0x7F1];
	[sflag:s10] =	ssyncadd.s32 $0xFFFFD800  }
0x207: {  	[tilespmem:s1], [sflag:$0x1] =	stream.indirect.gather [hbm4b:s2+s31], $0x80, s12, s31, $0xb8;
	[tilespmem:$0x1E800] =	vst v63  }
0x208: {  	s12 =	sld [smem:$0x7F3]  }
0x209: {  	[tilespmem:s0], [sflag:$0x2] =	stream.indirect.gather [hbm4b:s2+s31], $0x80, s13, s31, $0xb8;
	[tilespmem:$0x1E800] =	vst v63  }
0x20a: {  	_ = 	snop  }
0x20b: {  	[tilespmem:s6], [sflag:$0x3] =	stream.indirect.gather [hbm4b:s2+s31], $0x80, s12, s31, $0xb8;
	[tilespmem:$0x1E800] =	vst v63  }
0x20c: {  	_ =	swait.ge [sflag:s7], $0x2800  }
0x20d: {  	s12 =	sld [smem:$0x7F5]  }
0x20e: {  	[sflag:s7] =	ssyncset.done $0x0  }
0x20f: {  	[sflag:s7] =	ssyncadd.s32 $0xFFFFD800  }
0x210: {  	[spmem:s3] =	stream.indirect.scatter.add.f32 [tilespmem:s1], [sflag:$0x4], $0x80, s12, s31, $0xb8;
	[tilespmem:$0x1E800] =	vst v63  }
0x211: {  	_ =	swait.ge [sflag:s8], $0x2800  }
0x212: {  	s12 =	sld [smem:$0x7F7]  }
0x213: {  	[sflag:s8] =	ssyncset.done $0x0  }
0x214: {  	[sflag:s8] =	ssyncadd.s32 $0xFFFFD800  }
0x215: {  	[tilespmem:s1], [sflag:$0x1] =	stream.indirect.gather [hbm4b:s2+s31], $0x80, s12, s31, $0xb8;
	[tilespmem:$0x1E800] =	vst v63  }
0x216: {  	_ =	swait.ge [sflag:s9], $0x2800  }
0x217: {  	s12 =	sld [smem:$0x7F9]  }
0x218: {  	[sflag:s9] =	ssyncset.done $0x0  }
0x219: {  	[sflag:s9] =	ssyncadd.s32 $0xFFFFD800  }
0x21a: {  	[spmem:s3] =	stream.indirect.scatter.add.f32 [tilespmem:s0], [sflag:$0x5], $0x80, s12, s31, $0xb8;
	[tilespmem:$0x1E800] =	vst v63  }
0x21b: {  	_ =	swait.ge [sflag:s10], $0x2800  }
0x21c: {  	s12 =	sld [smem:$0x7FA]  }
0x21d: {  	[sflag:s10] =	ssyncset.done $0x0  }
0x21e: {  	[sflag:s10] =	ssyncadd.s32 $0xFFFFD800  }
0x21f: {  	[tilespmem:s0], [sflag:$0x2] =	stream.indirect.gather [hbm4b:s2+s31], $0x80, s12, s31, $0xb8;
	[tilespmem:$0x1E800] =	vst v63  }
0x220: {  	_ =	swait.ge [sflag:s11], $0x2800  }
0x221: {  	[sflag:s11] =	ssyncset.done $0x0  }
0x222: {  	s13 =	simm.s32 $0x1880;
	[sflag:s11] =	ssyncadd.s32 $0xFFFFD800  }
0x223: {  	[spmem:s3] =	stream.indirect.scatter.add.f32 [tilespmem:s6], [sflag:$0x6], $0x80, s13, s31, $0xb8;
	[tilespmem:$0x1E800] =	vst v63  }
0x224: {  	_ =	swait.ge [sflag:s7], $0x2800  }
0x225: {  	[sflag:s7] =	ssyncset.done $0x0  }
0x226: {  	[sflag:s7] =	ssyncadd.s32 $0xFFFFD800  }
0x227: {  	[spmem:s3] =	stream.indirect.scatter.add.f32 [tilespmem:s1], [sflag:$0x4], $0x80, s14, s31, $0xb8;
	[tilespmem:$0x1E800] =	vst v63  }
0x228: {  	_ =	swait.ge [sflag:s9], $0x2800  }
0x229: {  	[sflag:s9] =	ssyncset.done $0x0  }
0x22a: {  	[sflag:s9] =	ssyncadd.s32 $0xFFFFD800  }
0x22b: {  	[spmem:s3] =	stream.indirect.scatter.add.f32 [tilespmem:s0], [sflag:$0x5], $0x80, s15, s31, $0xb8;
	[tilespmem:$0x1E800] =	vst v63  }
0x22c: {  	_ =	swait.ge [sflag:s8], $0x2800  }
0x22d: {  	[sflag:s8] =	ssyncset.done $0x0  }
0x22e: {  	[sflag:s8] =	ssyncadd.s32 $0xFFFFD800  }
0x22f: {  	_ =	swait.ge [sflag:s10], $0x2800  }
0x230: {  	[sflag:s10] =	ssyncset.done $0x0  }
0x231: {  	[sflag:s10] =	ssyncadd.s32 $0xFFFFD800  }
0x232: {  	[tilespmem:s1], [sflag:$0x1] =	stream.indirect.gather [hbm4b:s2+s31], $0x80, s16, s31, $0xb8;
	[tilespmem:$0x1E800] =	vst v63  }
0x233: {  	_ = 	snop  }
0x234: {  	[tilespmem:s0], [sflag:$0x2] =	stream.indirect.gather [hbm4b:s2+s31], $0x80, s17, s31, $0xb8;
	[tilespmem:$0x1E800] =	vst v63  }
0x235: {  	_ = 	snop  }
0x236: {  	[tilespmem:s6], [sflag:$0x3] =	stream.indirect.gather [hbm4b:s2+s31], $0x80, s18, s31, $0xb8;
	[tilespmem:$0x1E800] =	vst v63  }
0x237: {  	_ =	swait.ge [sflag:s7], $0x2800  }
0x238: {  	[sflag:s7] =	ssyncset.done $0x0  }
0x239: {  	[sflag:s7] =	ssyncadd.s32 $0xFFFFD800  }
0x23a: {  	[spmem:s3] =	stream.indirect.scatter.add.f32 [tilespmem:s1], [sflag:$0x4], $0x80, s19, s31, $0xb8;
	[tilespmem:$0x1E800] =	vst v63  }
0x23b: {  	_ =	swait.ge [sflag:s8], $0x2800  }
0x23c: {  	[sflag:s8] =	ssyncset.done $0x0  }
0x23d: {  	[sflag:s8] =	ssyncadd.s32 $0xFFFFD800  }
0x23e: {  	[tilespmem:s1], [sflag:$0x1] =	stream.indirect.gather [hbm4b:s2+s31], $0x80, s20, s31, $0xb8;
	[tilespmem:$0x1E800] =	vst v63  }
0x23f: {  	_ =	swait.ge [sflag:s9], $0x2800  }
0x240: {  	[sflag:s9] =	ssyncset.done $0x0  }
0x241: {  	[sflag:s9] =	ssyncadd.s32 $0xFFFFD800  }
0x242: {  	[spmem:s3] =	stream.indirect.scatter.add.f32 [tilespmem:s0], [sflag:$0x5], $0x80, s21, s31, $0xb8;
	[tilespmem:$0x1E800] =	vst v63  }
0x243: {  	_ =	swait.ge [sflag:s10], $0x2800  }
0x244: {  	[sflag:s10] =	ssyncset.done $0x0  }
0x245: {  	[sflag:s10] =	ssyncadd.s32 $0xFFFFD800  }
0x246: {  	[tilespmem:s0], [sflag:$0x2] =	stream.indirect.gather [hbm4b:s2+s31], $0x80, s22, s31, $0xb8;
	[tilespmem:$0x1E800] =	vst v63  }
0x247: {  	_ =	swait.ge [sflag:s11], $0x2800  }
0x248: {  	[sflag:s11] =	ssyncset.done $0x0  }
0x249: {  	[sflag:s11] =	ssyncadd.s32 $0xFFFFD800  }
0x24a: {  	[spmem:s3] =	stream.indirect.scatter.add.f32 [tilespmem:s6], [sflag:$0x6], $0x80, s23, s31, $0xb8;
	[tilespmem:$0x1E800] =	vst v63  }
0x24b: {  	_ =	swait.ge [sflag:s7], $0x2800  }
0x24c: {  	[sflag:s7] =	ssyncset.done $0x0  }
0x24d: {  	[sflag:s7] =	ssyncadd.s32 $0xFFFFD800  }
0x24e: {  	[spmem:s3] =	stream.indirect.scatter.add.f32 [tilespmem:s1], [sflag:$0x4], $0x80, s24, s31, $0xb8;
	[tilespmem:$0x1E800] =	vst v63  }
0x24f: {  	_ =	swait.ge [sflag:s9], $0x2800  }
0x250: {  	[sflag:s9] =	ssyncset.done $0x0  }
0x251: {  	p0 =	sne.s32 s26, $0x800;
	s12 =	simm.s32 $0x1C00;
	[sflag:s9] =	ssyncadd.s32 $0xFFFFD800  }
0x252: {  	[spmem:s3] =	stream.indirect.scatter.add.f32 [tilespmem:s0], [sflag:$0x5], $0x80, s12, s31, $0xb8;
	[tilespmem:$0x1E800] =	vst v63  }
.Ltmp1:
0x253: {  	_ =	swait.ge [sflag:s8], $0x2800;
	(pc) =	sbr.rel @p0 .LBB2_4-.Ltmp1, $4  }
0x254: {  	[sflag:s8] =	ssyncset.done $0x0  }
0x255: {  	[sflag:s8] =	ssyncadd.s32 $0xFFFFD800  }
0x256: {  	_ =	swait.ge [sflag:s10], $0x2800  }
0x257: {  	s26 =	sadd.s32 $0x200, s26;
	s12 =	rddreg [dreg:$0x5];
	[sflag:s10] =	ssyncset.done $0x0  }
0x258: {  	[sflag:s10] =	ssyncadd.s32 $0xFFFFD800;
	s12 =	sadd.s32 s5, s12  }
0x259: {  	[tilespmem:s4], [sflag:$0x7] =	stream.linear.gather [hbm4b:s12+s4], $0xC80, $0x38;
	[tilespmem:$0x1E800] =	vst v63  }
0x25a: {  	_ =	swait.ge [sflag:s29], $0xC80  }
0x25b: {  	s26 =	rddreg [dreg:$0x4];
	[sflag:s29] =	ssyncset.done $0x0  }
0x25c: {  	[sflag:s29] =	ssyncadd.s32 $0xFFFFF380;
	s26 =	sadd.s32 s5, s26  }
0x25d: {  	[tilespmem:s30], [sflag:$0x7] =	stream.linear.gather [hbm4b:s26+s4], $0xC80, $0x38;
	[tilespmem:$0x1E800] =	vst v63  }
0x25e: {  	_ =	swait.ge [sflag:s29], $0xC80  }
0x25f: {  	[sflag:s29] =	ssyncset.done $0x0  }
0x260: {  	[sflag:s29] =	ssyncadd.s32 $0xFFFFF380  }
0x261: {  	[tilespmem:s1], [sflag:$0x1] =	stream.indirect.gather [hbm4b:s2+s31], $0x80, s4, s31, $0xb8;
	[tilespmem:$0x1E800] =	vst v63  }
0x262: {  	s12 =	rddreg [dreg:$0x6]  }
0x263: {  	[tilespmem:s0], [sflag:$0x2] =	stream.indirect.gather [hbm4b:s2+s31], $0x80, s12, s31, $0xb8;
	[tilespmem:$0x1E800] =	vst v63  }
0x264: {  	s26 =	rddreg [dreg:$0x7]  }
0x265: {  	[tilespmem:s6], [sflag:$0x3] =	stream.indirect.gather [hbm4b:s2+s31], $0x80, s26, s31, $0xb8;
	[tilespmem:$0x1E800] =	vst v63  }
0x266: {  	_ =	swait.ge [sflag:s7], $0x2800  }
0x267: {  	[sflag:s7] =	ssyncset.done $0x0  }
0x268: {  	[sflag:s7] =	ssyncadd.s32 $0xFFFFD800  }
0x269: {  	[spmem:s3] =	stream.indirect.scatter.add.f32 [tilespmem:s1], [sflag:$0x4], $0x80, s30, s31, $0xb8;
	[tilespmem:$0x1E800] =	vst v63  }
0x26a: {  	_ =	swait.ge [sflag:s8], $0x2800  }
0x26b: {  	[sflag:s8] =	ssyncset.done $0x0  }
0x26c: {  	s26 =	rddreg [dreg:$0x8];
	[sflag:s8] =	ssyncadd.s32 $0xFFFFD800  }
0x26d: {  	[tilespmem:s1], [sflag:$0x1] =	stream.indirect.gather [hbm4b:s2+s31], $0x80, s26, s31, $0xb8;
	[tilespmem:$0x1E800] =	vst v63  }
0x26e: {  	_ =	swait.ge [sflag:s9], $0x2800  }
0x26f: {  	[sflag:s9] =	ssyncset.done $0x0  }
0x270: {  	s12 =	rddreg [dreg:$0x9];
	[sflag:s9] =	ssyncadd.s32 $0xFFFFD800  }
0x271: {  	[spmem:s3] =	stream.indirect.scatter.add.f32 [tilespmem:s0], [sflag:$0x5], $0x80, s12, s31, $0xb8;
	[tilespmem:$0x1E800] =	vst v63  }
0x272: {  	_ =	swait.ge [sflag:s10], $0x2800  }
0x273: {  	[sflag:s10] =	ssyncset.done $0x0  }
0x274: {  	s26 =	rddreg [dreg:$0xa];
	[sflag:s10] =	ssyncadd.s32 $0xFFFFD800  }
0x275: {  	[tilespmem:s0], [sflag:$0x2] =	stream.indirect.gather [hbm4b:s2+s31], $0x80, s26, s31, $0xb8;
	[tilespmem:$0x1E800] =	vst v63  }
0x276: {  	_ =	swait.ge [sflag:s11], $0x2800  }
0x277: {  	[sflag:s11] =	ssyncset.done $0x0  }
0x278: {  	s12 =	rddreg [dreg:$0xb];
	[sflag:s11] =	ssyncadd.s32 $0xFFFFD800  }
0x279: {  	[spmem:s3] =	stream.indirect.scatter.add.f32 [tilespmem:s6], [sflag:$0x6], $0x80, s12, s31, $0xb8;
	[tilespmem:$0x1E800] =	vst v63  }
0x27a: {  	_ =	swait.ge [sflag:s7], $0x2800  }
0x27b: {  	[sflag:s7] =	ssyncset.done $0x0  }
0x27c: {  	s26 =	rddreg [dreg:$0xc];
	[sflag:s7] =	ssyncadd.s32 $0xFFFFD800  }
0x27d: {  	[spmem:s3] =	stream.indirect.scatter.add.f32 [tilespmem:s1], [sflag:$0x4], $0x80, s26, s31, $0xb8;
	[tilespmem:$0x1E800] =	vst v63  }
0x27e: {  	_ =	swait.ge [sflag:s9], $0x2800  }
0x27f: {  	[sflag:s9] =	ssyncset.done $0x0  }
0x280: {  	s12 =	rddreg [dreg:$0xd];
	[sflag:s9] =	ssyncadd.s32 $0xFFFFD800  }
0x281: {  	[spmem:s3] =	stream.indirect.scatter.add.f32 [tilespmem:s0], [sflag:$0x5], $0x80, s12, s31, $0xb8;
	[tilespmem:$0x1E800] =	vst v63  }
0x282: {  	_ =	swait.ge [sflag:s8], $0x2800  }
0x283: {  	[sflag:s8] =	ssyncset.done $0x0  }
0x284: {  	[sflag:s8] =	ssyncadd.s32 $0xFFFFD800  }
0x285: {  	_ =	swait.ge [sflag:s10], $0x2800  }
0x286: {  	[sflag:s10] =	ssyncset.done $0x0  }
0x287: {  	s26 =	rddreg [dreg:$0xe];
	[sflag:s10] =	ssyncadd.s32 $0xFFFFD800  }
0x288: {  	[tilespmem:s1], [sflag:$0x1] =	stream.indirect.gather [hbm4b:s2+s31], $0x80, s26, s31, $0xb8;
	[tilespmem:$0x1E800] =	vst v63  }
0x289: {  	s12 =	rddreg [dreg:$0xf]  }
0x28a: {  	[tilespmem:s0], [sflag:$0x2] =	stream.indirect.gather [hbm4b:s2+s31], $0x80, s12, s31, $0xb8;
	[tilespmem:$0x1E800] =	vst v63  }
0x28b: {  	s26 =	rddreg [dreg:$0x10]  }
0x28c: {  	[tilespmem:s6], [sflag:$0x3] =	stream.indirect.gather [hbm4b:s2+s31], $0x80, s26, s31, $0xb8;
	[tilespmem:$0x1E800] =	vst v63  }
0x28d: {  	_ =	swait.ge [sflag:s7], $0x2800  }
0x28e: {  	[sflag:s7] =	ssyncset.done $0x0  }
0x28f: {  	s12 =	rddreg [dreg:$0x11];
	[sflag:s7] =	ssyncadd.s32 $0xFFFFD800  }
0x290: {  	[spmem:s3] =	stream.indirect.scatter.add.f32 [tilespmem:s1], [sflag:$0x4], $0x80, s12, s31, $0xb8;
	[tilespmem:$0x1E800] =	vst v63  }
0x291: {  	_ =	swait.ge [sflag:s8], $0x2800  }
0x292: {  	[sflag:s8] =	ssyncset.done $0x0  }
0x293: {  	s26 =	rddreg [dreg:$0x12];
	[sflag:s8] =	ssyncadd.s32 $0xFFFFD800  }
0x294: {  	[tilespmem:s1], [sflag:$0x1] =	stream.indirect.gather [hbm4b:s2+s31], $0x80, s26, s31, $0xb8;
	[tilespmem:$0x1E800] =	vst v63  }
0x295: {  	_ =	swait.ge [sflag:s9], $0x2800  }
0x296: {  	[sflag:s9] =	ssyncset.done $0x0  }
0x297: {  	s12 =	rddreg [dreg:$0x13];
	[sflag:s9] =	ssyncadd.s32 $0xFFFFD800  }
0x298: {  	[spmem:s3] =	stream.indirect.scatter.add.f32 [tilespmem:s0], [sflag:$0x5], $0x80, s12, s31, $0xb8;
	[tilespmem:$0x1E800] =	vst v63  }
0x299: {  	_ =	swait.ge [sflag:s10], $0x2800  }
0x29a: {  	[sflag:s10] =	ssyncset.done $0x0  }
0x29b: {  	s26 =	rddreg [dreg:$0x14];
	[sflag:s10] =	ssyncadd.s32 $0xFFFFD800  }
0x29c: {  	[tilespmem:s0], [sflag:$0x2] =	stream.indirect.gather [hbm4b:s2+s31], $0x80, s26, s31, $0xb8;
	[tilespmem:$0x1E800] =	vst v63  }
0x29d: {  	_ =	swait.ge [sflag:s11], $0x2800  }
0x29e: {  	[sflag:s11] =	ssyncset.done $0x0  }
0x29f: {  	s12 =	rddreg [dreg:$0x15];
	[sflag:s11] =	ssyncadd.s32 $0xFFFFD800  }
0x2a0: {  	[spmem:s3] =	stream.indirect.scatter.add.f32 [tilespmem:s6], [sflag:$0x6], $0x80, s12, s31, $0xb8;
	[tilespmem:$0x1E800] =	vst v63  }
0x2a1: {  	_ =	swait.ge [sflag:s7], $0x2800  }
0x2a2: {  	[sflag:s7] =	ssyncset.done $0x0  }
0x2a3: {  	s26 =	rddreg [dreg:$0x16];
	[sflag:s7] =	ssyncadd.s32 $0xFFFFD800  }
0x2a4: {  	[spmem:s3] =	stream.indirect.scatter.add.f32 [tilespmem:s1], [sflag:$0x4], $0x80, s26, s31, $0xb8;
	[tilespmem:$0x1E800] =	vst v63  }
0x2a5: {  	_ =	swait.ge [sflag:s9], $0x2800  }
0x2a6: {  	[sflag:s9] =	ssyncset.done $0x0  }
0x2a7: {  	s12 =	rddreg [dreg:$0x17];
	[sflag:s9] =	ssyncadd.s32 $0xFFFFD800  }
0x2a8: {  	[spmem:s3] =	stream.indirect.scatter.add.f32 [tilespmem:s0], [sflag:$0x5], $0x80, s12, s31, $0xb8;
	[tilespmem:$0x1E800] =	vst v63  }
0x2a9: {  	_ =	swait.ge [sflag:s8], $0x2800  }
0x2aa: {  	[sflag:s8] =	ssyncset.done $0x0  }
0x2ab: {  	[sflag:s8] =	ssyncadd.s32 $0xFFFFD800  }
0x2ac: {  	_ =	swait.ge [sflag:s10], $0x2800  }
0x2ad: {  	[sflag:s10] =	ssyncset.done $0x0  }
0x2ae: {  	s26 =	rddreg [dreg:$0x18];
	[sflag:s10] =	ssyncadd.s32 $0xFFFFD800  }
0x2af: {  	[tilespmem:s1], [sflag:$0x1] =	stream.indirect.gather [hbm4b:s2+s31], $0x80, s26, s31, $0xb8;
	[tilespmem:$0x1E800] =	vst v63  }
0x2b0: {  	s12 =	rddreg [dreg:$0x19]  }
0x2b1: {  	[tilespmem:s0], [sflag:$0x2] =	stream.indirect.gather [hbm4b:s2+s31], $0x80, s12, s31, $0xb8;
	[tilespmem:$0x1E800] =	vst v63  }
0x2b2: {  	s26 =	rddreg [dreg:$0x1a]  }
0x2b3: {  	[tilespmem:s6], [sflag:$0x3] =	stream.indirect.gather [hbm4b:s2+s31], $0x80, s26, s31, $0xb8;
	[tilespmem:$0x1E800] =	vst v63  }
0x2b4: {  	_ =	swait.ge [sflag:s7], $0x2800  }
0x2b5: {  	[sflag:s7] =	ssyncset.done $0x0  }
0x2b6: {  	s12 =	rddreg [dreg:$0x1b];
	[sflag:s7] =	ssyncadd.s32 $0xFFFFD800  }
0x2b7: {  	[spmem:s3] =	stream.indirect.scatter.add.f32 [tilespmem:s1], [sflag:$0x4], $0x80, s12, s31, $0xb8;
	[tilespmem:$0x1E800] =	vst v63  }
0x2b8: {  	_ =	swait.ge [sflag:s8], $0x2800  }
0x2b9: {  	[sflag:s8] =	ssyncset.done $0x0  }
0x2ba: {  	s26 =	rddreg [dreg:$0x1c];
	[sflag:s8] =	ssyncadd.s32 $0xFFFFD800  }
0x2bb: {  	[tilespmem:s1], [sflag:$0x1] =	stream.indirect.gather [hbm4b:s2+s31], $0x80, s26, s31, $0xb8;
	[tilespmem:$0x1E800] =	vst v63  }
0x2bc: {  	_ =	swait.ge [sflag:s9], $0x2800  }
0x2bd: {  	[sflag:s9] =	ssyncset.done $0x0  }
0x2be: {  	s12 =	rddreg [dreg:$0x1d];
	[sflag:s9] =	ssyncadd.s32 $0xFFFFD800  }
0x2bf: {  	[spmem:s3] =	stream.indirect.scatter.add.f32 [tilespmem:s0], [sflag:$0x5], $0x80, s12, s31, $0xb8;
	[tilespmem:$0x1E800] =	vst v63  }
0x2c0: {  	_ =	swait.ge [sflag:s10], $0x2800  }
0x2c1: {  	[sflag:s10] =	ssyncset.done $0x0  }
0x2c2: {  	s26 =	rddreg [dreg:$0x1e];
	[sflag:s10] =	ssyncadd.s32 $0xFFFFD800  }
0x2c3: {  	[tilespmem:s0], [sflag:$0x2] =	stream.indirect.gather [hbm4b:s2+s31], $0x80, s26, s31, $0xb8;
	[tilespmem:$0x1E800] =	vst v63  }
0x2c4: {  	_ =	swait.ge [sflag:s11], $0x2800  }
0x2c5: {  	[sflag:s11] =	ssyncset.done $0x0  }
0x2c6: {  	s12 =	rddreg [dreg:$0x1f];
	[sflag:s11] =	ssyncadd.s32 $0xFFFFD800  }
0x2c7: {  	[spmem:s3] =	stream.indirect.scatter.add.f32 [tilespmem:s6], [sflag:$0x6], $0x80, s12, s31, $0xb8;
	[tilespmem:$0x1E800] =	vst v63  }
0x2c8: {  	_ =	swait.ge [sflag:s7], $0x2800  }
0x2c9: {  	s26 =	sld [smem:$0x7EB]  }
0x2ca: {  	[sflag:s7] =	ssyncset.done $0x0  }
0x2cb: {  	[sflag:s7] =	ssyncadd.s32 $0xFFFFD800  }
0x2cc: {  	[spmem:s3] =	stream.indirect.scatter.add.f32 [tilespmem:s1], [sflag:$0x4], $0x80, s26, s31, $0xb8;
	[tilespmem:$0x1E800] =	vst v63  }
0x2cd: {  	_ =	swait.ge [sflag:s9], $0x2800  }
0x2ce: {  	s12 =	sld [smem:$0x7ED]  }
0x2cf: {  	[sflag:s9] =	ssyncset.done $0x0  }
0x2d0: {  	[sflag:s9] =	ssyncadd.s32 $0xFFFFD800  }
0x2d1: {  	[spmem:s3] =	stream.indirect.scatter.add.f32 [tilespmem:s0], [sflag:$0x5], $0x80, s12, s31, $0xb8;
	[tilespmem:$0x1E800] =	vst v63  }
0x2d2: {  	_ =	swait.ge [sflag:s8], $0x2800  }
0x2d3: {  	[sflag:s8] =	ssyncset.done $0x0  }
0x2d4: {  	[sflag:s8] =	ssyncadd.s32 $0xFFFFD800  }
0x2d5: {  	_ =	swait.ge [sflag:s10], $0x2800  }
0x2d6: {  	s26 =	sld [smem:$0x7EF]  }
0x2d7: {  	[sflag:s10] =	ssyncset.done $0x0  }
0x2d8: {  	s12 =	sld [smem:$0x7F1];
	[sflag:s10] =	ssyncadd.s32 $0xFFFFD800  }
0x2d9: {  	[tilespmem:s1], [sflag:$0x1] =	stream.indirect.gather [hbm4b:s2+s31], $0x80, s26, s31, $0xb8;
	[tilespmem:$0x1E800] =	vst v63  }
0x2da: {  	s26 =	sld [smem:$0x7F3]  }
0x2db: {  	[tilespmem:s0], [sflag:$0x2] =	stream.indirect.gather [hbm4b:s2+s31], $0x80, s12, s31, $0xb8;
	[tilespmem:$0x1E800] =	vst v63  }
0x2dc: {  	_ = 	snop  }
0x2dd: {  	[tilespmem:s6], [sflag:$0x3] =	stream.indirect.gather [hbm4b:s2+s31], $0x80, s26, s31, $0xb8;
	[tilespmem:$0x1E800] =	vst v63  }
0x2de: {  	_ =	swait.ge [sflag:s7], $0x2800  }
0x2df: {  	s12 =	sld [smem:$0x7F5]  }
0x2e0: {  	[sflag:s7] =	ssyncset.done $0x0  }
0x2e1: {  	[sflag:s7] =	ssyncadd.s32 $0xFFFFD800  }
0x2e2: {  	[spmem:s3] =	stream.indirect.scatter.add.f32 [tilespmem:s1], [sflag:$0x4], $0x80, s12, s31, $0xb8;
	[tilespmem:$0x1E800] =	vst v63  }
0x2e3: {  	_ =	swait.ge [sflag:s8], $0x2800  }
0x2e4: {  	s26 =	sld [smem:$0x7F7]  }
0x2e5: {  	[sflag:s8] =	ssyncset.done $0x0  }
0x2e6: {  	[sflag:s8] =	ssyncadd.s32 $0xFFFFD800  }
0x2e7: {  	[tilespmem:s1], [sflag:$0x1] =	stream.indirect.gather [hbm4b:s2+s31], $0x80, s26, s31, $0xb8;
	[tilespmem:$0x1E800] =	vst v63  }
0x2e8: {  	_ =	swait.ge [sflag:s9], $0x2800  }
0x2e9: {  	s12 =	sld [smem:$0x7F9]  }
0x2ea: {  	[sflag:s9] =	ssyncset.done $0x0  }
0x2eb: {  	[sflag:s9] =	ssyncadd.s32 $0xFFFFD800  }
0x2ec: {  	[spmem:s3] =	stream.indirect.scatter.add.f32 [tilespmem:s0], [sflag:$0x5], $0x80, s12, s31, $0xb8;
	[tilespmem:$0x1E800] =	vst v63  }
0x2ed: {  	_ =	swait.ge [sflag:s10], $0x2800  }
0x2ee: {  	s26 =	sld [smem:$0x7FA]  }
0x2ef: {  	[sflag:s10] =	ssyncset.done $0x0  }
0x2f0: {  	[sflag:s10] =	ssyncadd.s32 $0xFFFFD800  }
0x2f1: {  	[tilespmem:s0], [sflag:$0x2] =	stream.indirect.gather [hbm4b:s2+s31], $0x80, s26, s31, $0xb8;
	[tilespmem:$0x1E800] =	vst v63  }
0x2f2: {  	_ =	swait.ge [sflag:s11], $0x2800  }
0x2f3: {  	[sflag:s11] =	ssyncset.done $0x0  }
0x2f4: {  	[sflag:s11] =	ssyncadd.s32 $0xFFFFD800  }
0x2f5: {  	[spmem:s3] =	stream.indirect.scatter.add.f32 [tilespmem:s6], [sflag:$0x6], $0x80, s13, s31, $0xb8;
	[tilespmem:$0x1E800] =	vst v63  }
0x2f6: {  	_ =	swait.ge [sflag:s7], $0x2800  }
0x2f7: {  	[sflag:s7] =	ssyncset.done $0x0  }
0x2f8: {  	[sflag:s7] =	ssyncadd.s32 $0xFFFFD800  }
0x2f9: {  	[spmem:s3] =	stream.indirect.scatter.add.f32 [tilespmem:s1], [sflag:$0x4], $0x80, s14, s31, $0xb8;
	[tilespmem:$0x1E800] =	vst v63  }
0x2fa: {  	_ =	swait.ge [sflag:s9], $0x2800  }
0x2fb: {  	[sflag:s9] =	ssyncset.done $0x0  }
0x2fc: {  	[sflag:s9] =	ssyncadd.s32 $0xFFFFD800  }
0x2fd: {  	[spmem:s3] =	stream.indirect.scatter.add.f32 [tilespmem:s0], [sflag:$0x5], $0x80, s15, s31, $0xb8;
	[tilespmem:$0x1E800] =	vst v63  }
0x2fe: {  	_ =	swait.ge [sflag:s8], $0x2800  }
0x2ff: {  	[sflag:s8] =	ssyncset.done $0x0  }
0x300: {  	[sflag:s8] =	ssyncadd.s32 $0xFFFFD800  }
0x301: {  	_ =	swait.ge [sflag:s10], $0x2800  }
0x302: {  	[sflag:s10] =	ssyncset.done $0x0  }
0x303: {  	[sflag:s10] =	ssyncadd.s32 $0xFFFFD800  }
0x304: {  	[tilespmem:s1], [sflag:$0x1] =	stream.indirect.gather [hbm4b:s2+s31], $0x80, s16, s31, $0xb8;
	[tilespmem:$0x1E800] =	vst v63  }
0x305: {  	_ = 	snop  }
0x306: {  	[tilespmem:s0], [sflag:$0x2] =	stream.indirect.gather [hbm4b:s2+s31], $0x80, s17, s31, $0xb8;
	[tilespmem:$0x1E800] =	vst v63  }
0x307: {  	_ = 	snop  }
0x308: {  	[tilespmem:s6], [sflag:$0x3] =	stream.indirect.gather [hbm4b:s2+s31], $0x80, s18, s31, $0xb8;
	[tilespmem:$0x1E800] =	vst v63  }
0x309: {  	_ =	swait.ge [sflag:s7], $0x2800  }
0x30a: {  	[sflag:s7] =	ssyncset.done $0x0  }
0x30b: {  	[sflag:s7] =	ssyncadd.s32 $0xFFFFD800  }
0x30c: {  	[spmem:s3] =	stream.indirect.scatter.add.f32 [tilespmem:s1], [sflag:$0x4], $0x80, s19, s31, $0xb8;
	[tilespmem:$0x1E800] =	vst v63  }
0x30d: {  	_ =	swait.ge [sflag:s8], $0x2800  }
0x30e: {  	[sflag:s8] =	ssyncset.done $0x0  }
0x30f: {  	[sflag:s8] =	ssyncadd.s32 $0xFFFFD800  }
0x310: {  	[tilespmem:s1], [sflag:$0x1] =	stream.indirect.gather [hbm4b:s2+s31], $0x80, s20, s31, $0xb8;
	[tilespmem:$0x1E800] =	vst v63  }
0x311: {  	_ =	swait.ge [sflag:s9], $0x2800  }
0x312: {  	[sflag:s9] =	ssyncset.done $0x0  }
0x313: {  	[sflag:s9] =	ssyncadd.s32 $0xFFFFD800  }
0x314: {  	[spmem:s3] =	stream.indirect.scatter.add.f32 [tilespmem:s0], [sflag:$0x5], $0x80, s21, s31, $0xb8;
	[tilespmem:$0x1E800] =	vst v63  }
0x315: {  	_ =	swait.ge [sflag:s10], $0x2800  }
0x316: {  	[sflag:s10] =	ssyncset.done $0x0  }
0x317: {  	[sflag:s10] =	ssyncadd.s32 $0xFFFFD800  }
0x318: {  	[tilespmem:s0], [sflag:$0x2] =	stream.indirect.gather [hbm4b:s2+s31], $0x80, s22, s31, $0xb8;
	[tilespmem:$0x1E800] =	vst v63  }
0x319: {  	_ =	swait.ge [sflag:s11], $0x2800  }
0x31a: {  	[sflag:s11] =	ssyncset.done $0x0  }
0x31b: {  	[sflag:s11] =	ssyncadd.s32 $0xFFFFD800  }
0x31c: {  	[spmem:s3] =	stream.indirect.scatter.add.f32 [tilespmem:s6], [sflag:$0x6], $0x80, s23, s31, $0xb8;
	[tilespmem:$0x1E800] =	vst v63  }
0x31d: {  	_ =	swait.ge [sflag:s7], $0x2800  }
0x31e: {  	[sflag:s7] =	ssyncset.done $0x0  }
0x31f: {  	[sflag:s7] =	ssyncadd.s32 $0xFFFFD800  }
0x320: {  	[spmem:s3] =	stream.indirect.scatter.add.f32 [tilespmem:s1], [sflag:$0x4], $0x80, s24, s31, $0xb8;
	[tilespmem:$0x1E800] =	vst v63  }
0x321: {  	_ =	swait.ge [sflag:s9], $0x2800  }
0x322: {  	[sflag:s9] =	ssyncset.done $0x0  }
0x323: {  	s12 =	simm.s32 $0x1C00;
	[sflag:s9] =	ssyncadd.s32 $0xFFFFD800  }
0x324: {  	[spmem:s3] =	stream.indirect.scatter.add.f32 [tilespmem:s0], [sflag:$0x5], $0x80, s12, s31, $0xb8;
	[tilespmem:$0x1E800] =	vst v63  }
0x325: {  	_ =	swait.ge [sflag:s8], $0x2800  }
0x326: {  	[sflag:s8] =	ssyncset.done $0x0  }
0x327: {  	[sflag:s8] =	ssyncadd.s32 $0xFFFFD800  }
0x328: {  	_ =	swait.ge [sflag:s10], $0x2800  }
0x329: {  	[sflag:s10] =	ssyncset.done $0x0  }
0x32a: {  	[sflag:s10] =	ssyncadd.s32 $0xFFFFD800  }
0x32b: {  	[bflag:$0x0] =	sbarrier.arrive $0xFFFF  }
0x32c: {  	s26 =	sld [smem:$0x7FC];
	_ =	sdelay $0x2  }
0x32d: {  	[tilespmem:s28], [sflag:$0x7] =	stream.linear.gather [spmem:s26], $0x1000, $0x38;
	[tilespmem:$0x1E800] =	vst v63  }
0x32e: {  	_ =	swait.ge [sflag:s29], $0x1000  }
0x32f: {  	[sflag:s29] =	ssyncset.done $0x0  }
0x330: {  	s13 =	sadd.s32 $0x0, s25;
	[sflag:s29] =	ssyncadd.s32 $0xFFFFF000  }
0x331: {  	[hbm4b:s13+s4] =	stream.linear.scatter [tilespmem:s28], [sflag:$0x7], $0x1000, $0x38;
	[tilespmem:$0x1E800] =	vst v63  }
0x332: {  	_ =	swait.ge [sflag:s29], $0x1000  }
0x333: {  	s5 =	simm.s32 $0x200;
	[sflag:s29] =	ssyncset.done $0x0  }
.LBB2_6:
0x334: {  	p0 =	sne.s32 s5, $0x2600;
	[sflag:s29] =	ssyncadd.s32 $0xFFFFF000;
	s26 =	sadd.s32 $0x1000, s26  }
0x335: {  	[tilespmem:s28], [sflag:$0x7] =	stream.linear.gather [spmem:s26], $0x1000, $0x38;
	[tilespmem:$0x1E800] =	vst v63  }
0x336: {  	s12 =	smov.u32 s5;
	s5 =	sadd.s32 $0x200, s5;
	_ =	swait.ge [sflag:s29], $0x1000  }
.Ltmp2:
0x337: {  	[sflag:s29] =	ssyncset.done $0x0;
	(pc) =	sbr.rel @p0 .LBB2_6-.Ltmp2, $4  }
0x338: {  	s12 =	sadd.s32 s12, s25;
	[sflag:s29] =	ssyncadd.s32 $0xFFFFF000  }
0x339: {  	[hbm4b:s12+s4] =	stream.linear.scatter [tilespmem:s28], [sflag:$0x7], $0x1000, $0x38;
	[tilespmem:$0x1E800] =	vst v63  }
0x33a: {  	_ =	swait.ge [sflag:s29], $0x1000  }
0x33b: {  	[sflag:s29] =	ssyncset.done $0x0  }
0x33c: {  	s12 =	sld [smem:$0x7DF]  }
0x33d: {  	s5 =	sld [smem:$0x7E0];
	_ =	sdelay $0x1  }
0x33e: {  	s12 =	sadd.s32 $0x1, s12  }
0x33f: {  	p0 =	sne.s32 s12, s5  }
.Ltmp3:
0x340: {  	_ = 	snop;
	(pc) =	sbr.rel @p0 .LBB2_1-.Ltmp3, $2  }
0x341: {  	_ =	sdelay $0x2  }
0x342: {  	[sflag:s29] =	ssyncadd.s32 $0xFFFFF000  }
0x343: {  	_ =	sfence.sel $0x180000  }
0x344: {  	[bflag:$0x0] =	sbarrier.arrive $0xFFFF  }
0x345: {  	_ =	strace $0x90000047  }
0x346: {  	s0 =	stileid.u32;
	[bflag:$0x2] =	sbarrier.arrive $0xFFFF  }
0x347: {  	p0 =	sne.s32 s0, $0x0;
	s0 =	rddreg [dreg:$0x3]  }
0x348: {  	s0 =	sadd.s32 @!p0 $0x100000, s0  }
0x349: {  	[sflag:s0] =	ssyncadd.tile.s32 @!p0 $0x1;
	_ =	shalt  }
.Lfunc_end2:
_tile_overlayer_lowered:
.L_overlay_start_2:
0x34a: {  	(tag) =	ssettag $0x2  }
0x34b: {  	s0 =	rddreg [dreg:$0x0];
	s2 =	stileid.u32  }
0x34c: {  	s1 =	rddreg [dreg:$0x1];
	p0 =	sne.s32 s2, $0x0  }
0x34d: {  	s3 =	rddreg [dreg:$0x2];
	[bflag:$0x3] =	sbarrier.arrive $0xFFFF;
	s2 =	simm.s32 @!p0 $0x1C07  }
0x34e: {  	[timem:s3], [sflag:s2] =	dma.local @!p0 [hbm:s0], s1  }
0x34f: {  	s0 =	simm.s32 @!p0 $0x7  }
0x350: {  	_ =	swait.ge @!p0 [sflag:s0], s1  }
0x351: {  	s1 =	ssub.s32 @!p0 $0x0, s1;
	[sflag:s0] =	ssyncset.done @!p0 $0x0  }
0x352: {  	[sflag:s0] =	ssyncadd.s32 @!p0 s1  }
0x353: {  	[bflag:$0x3] =	sbarrier.arrive $0xFFFF  }
0x354: {  	_ =	shalt  }

</sc_bundles>
